<compile_context>
chip_gen: v7x
topology: tpu7x:2x2x1
jax: 0.10.2.dev20260603
libtpu: 0.0.44.dev20260713+nightly
codegen_flags: <defaults>
</compile_context>

<pallas_src>
import functools

import jax
import jax.numpy as jnp
from jax import lax
from jax.experimental import pallas as pl
from jax.experimental.pallas import tpu as pltpu
from jax.experimental.pallas import tpu_sc as plsc

K = 8192
D = 256
B = 16384
COMMIT = 0.25

TB = 1024
NTB = K // TB
_PAIRS = [(i, j) for i in range(NTB) for j in range(i, NTB)]
NT = len(_PAIRS)


def _argmin_body(ii_ref, jj_ref, wall_ref, a_ref, wsum_ref,
                 hn2r_ref, hn2c_ref, rmax_ref, ridx_ref, cmax_ref, cidx_ref,
                 hl_ref):
    t = pl.program_id(0)

    @pl.when(t == 0)
    def _():
        wb0 = wall_ref[...]
        sq = wb0 * wb0
        ones = jnp.ones((1, D), jnp.bfloat16)
        n2r = lax.dot_general(ones, sq, (((1,), (1,)), ((), ())),
                              preferred_element_type=jnp.float32)
        wsum_ref[0, 0] = jnp.sum(n2r)
        hn2r_ref[...] = 0.5 * n2r
        hn2c_ref[...] = jnp.reshape(0.5 * n2r, (K, 1))
        rmax_ref[...] = jnp.full((K, 1), -3e38, jnp.float32)
        cmax_ref[...] = jnp.full((1, K), -3e38, jnp.float32)
        r_io = lax.broadcasted_iota(jnp.int32, (TB, 2), 0)
        c_io = lax.broadcasted_iota(jnp.int32, (TB, 2), 1)
        hl_ref[...] = jnp.where(c_io == 0, r_io // 64, r_io % 64
                                ).astype(jnp.bfloat16)

    @pl.when(t < NT)
    def _():
        bi = ii_ref[t] * TB
        bj = jj_ref[t] * TB
        xi = wall_ref[pl.ds(bi, TB), :]
        xj = wall_ref[pl.ds(bj, TB), :]
        s = lax.dot_general(xi, xj, (((1,), (1,)), ((), ())),
                            preferred_element_type=jnp.float32)
        hl = hl_ref[...]
        sc1 = s - hn2r_ref[0:1, pl.ds(bj, TB)]
        m1 = jnp.max(sc1, axis=1, keepdims=True)
        match1 = (sc1 >= m1).astype(jnp.bfloat16)
        h1 = lax.dot_general(match1, hl, (((1,), (0,)), ((), ())),
                             preferred_element_type=jnp.float32)
        i1 = (h1[:, 0:1] * 64.0 + h1[:, 1:2]).astype(jnp.int32) + bj
        old = rmax_ref[pl.ds(bi, TB), :]
        oldi = ridx_ref[pl.ds(bi, TB), :]
        b1 = m1 > old
        rmax_ref[pl.ds(bi, TB), :] = jnp.where(b1, m1, old)
        ridx_ref[pl.ds(bi, TB), :] = jnp.where(b1, i1, oldi)
        sc2 = s - hn2c_ref[pl.ds(bi, TB), :]
        m0 = jnp.max(sc2, axis=0, keepdims=True)
        match0 = (sc2 >= m0).astype(jnp.bfloat16)
        h0 = lax.dot_general(hl, match0, (((0,), (0,)), ((), ())),
                             preferred_element_type=jnp.float32)
        i0 = (h0[0:1, :] * 64.0 + h0[1:2, :]).astype(jnp.int32) + bi
        oldc = cmax_ref[0:1, pl.ds(bj, TB)]
        oldci = cidx_ref[0:1, pl.ds(bj, TB)]
        b0 = m0 > oldc
        cmax_ref[0:1, pl.ds(bj, TB)] = jnp.where(b0, m0, oldc)
        cidx_ref[0:1, pl.ds(bj, TB)] = jnp.where(b0, i0, oldci)

    @pl.when(t == NT)
    def _():
        cm = jnp.reshape(cmax_ref[...], (K, 1))
        ci = jnp.reshape(cidx_ref[...], (K, 1))
        a_ref[...] = jnp.where(cm > rmax_ref[...], ci, ridx_ref[...])


def _codebook_argmin(wb):
    ii = jnp.asarray([p[0] for p in _PAIRS] + [0], jnp.int32)
    jj = jnp.asarray([p[1] for p in _PAIRS] + [0], jnp.int32)
    return pl.pallas_call(
        _argmin_body,
        grid=(NT + 1,),
        in_specs=[
            pl.BlockSpec(memory_space=pltpu.SMEM),
            pl.BlockSpec(memory_space=pltpu.SMEM),
            pl.BlockSpec((K, D), lambda i: (0, 0)),
        ],
        out_specs=[
            pl.BlockSpec((K, 1), lambda i: (0, 0)),
            pl.BlockSpec(memory_space=pltpu.SMEM),
        ],
        out_shape=[
            jax.ShapeDtypeStruct((K, 1), jnp.int32),
            jax.ShapeDtypeStruct((1, 1), jnp.float32),
        ],
        scratch_shapes=[
            pltpu.VMEM((1, K), jnp.float32),
            pltpu.VMEM((K, 1), jnp.float32),
            pltpu.VMEM((K, 1), jnp.float32),
            pltpu.VMEM((K, 1), jnp.int32),
            pltpu.VMEM((1, K), jnp.float32),
            pltpu.VMEM((1, K), jnp.int32),
            pltpu.VMEM((TB, 2), jnp.bfloat16),
        ],
    )(ii, jj, wb)


_NW = 32
_BPW = B // _NW
_CH = 128
_KPW = K // _NW
_KCH = _KPW // _CH


def _wq_body(a_hbm, w_hbm, wq_hbm, idx_v, rows_v, rows2_v, gs0, gs1, ws0, ws1):
    wid = lax.axis_index("s") * 2 + lax.axis_index("c")
    base = wid * _KPW
    bufs, gsem, wsem = (rows_v, rows2_v), (gs0, gs1), (ws0, ws1)
    pltpu.sync_copy(a_hbm.at[pl.ds(base, _KPW)], idx_v)
    g = [pltpu.async_copy(w_hbm.at[idx_v.at[pl.ds(j * _CH, _CH)]],
                          bufs[j], gsem[j])
         for j in range(_KCH)]
    w = []
    for j in range(_KCH):
        g[j].wait()
        w.append(pltpu.async_copy(
            bufs[j], wq_hbm.at[pl.ds(base + j * _CH, _CH)], wsem[j]))
    for c in w:
        c.wait()


_DCH = 64
_DN = _BPW // _DCH


_NBUF = 3


def _fused_body(x_hbm, w_hbm, wq_hbm, q_hbm, d_hbm, p_hbm,
                xidx_v, e0, e1, e2, q0, q1, q2, acc_v,
                ge0, ge1, ge2, gq0, gq1, gq2, we0, we1, we2, wq0, wq1, wq2):
    wid = lax.axis_index("s") * 2 + lax.axis_index("c")
    base = wid * _BPW
    ebufs, qbufs = (e0, e1, e2), (q0, q1, q2)
    gesem, gqsem = (ge0, ge1, ge2), (gq0, gq1, gq2)
    wesem, wqsem = (we0, we1, we2), (wq0, wq1, wq2)
    pltpu.sync_copy(x_hbm.at[pl.ds(base, _BPW)], xidx_v)
    idx = [xidx_v.at[pl.ds(j * _DCH, _DCH)] for j in range(_DN)]
    ge = [pltpu.async_copy(w_hbm.at[idx[j]], ebufs[j], gesem[j])
          for j in range(_NBUF)]
    gq = [pltpu.async_copy(wq_hbm.at[idx[j]], qbufs[j], gqsem[j])
          for j in range(_NBUF)]
    acc = jnp.zeros((16,), jnp.float32)
    we, wq = [], []
    for j in range(_DN):
        b = j % _NBUF
        ge[j].wait()
        gq[j].wait()
        eb, qb = ebufs[b], qbufs[b]

        def row_body(r, a2, eb=eb, qb=qb):
            for c in range(D // 16):
                ev = eb[r, pl.ds(c * 16, 16)]
                qv = qb[r, pl.ds(c * 16, 16)]
                dv = qv - ev
                eb[r, pl.ds(c * 16, 16)] = dv
                a2 = a2 + dv * dv
            return a2

        acc = lax.fori_loop(0, _DCH, row_body, acc)
        wq.append(pltpu.async_copy(
            qb, q_hbm.at[pl.ds(base + j * _DCH, _DCH)], wqsem[b]))
        we.append(pltpu.async_copy(
            eb, d_hbm.at[pl.ds(base + j * _DCH, _DCH)], wesem[b]))
        if j + _NBUF < _DN:
            we[j].wait()
            wq[j].wait()
            ge.append(pltpu.async_copy(
                w_hbm.at[idx[j + _NBUF]], ebufs[b], gesem[b]))
            gq.append(pltpu.async_copy(
                wq_hbm.at[idx[j + _NBUF]], qbufs[b], gqsem[b]))
    for j in range(_DN - _NBUF, _DN):
        we[j].wait()
        wq[j].wait()
    acc_v[...] = acc
    pltpu.sync_copy(acc_v, p_hbm.at[wid])


@functools.cache
def _wq_gather():
    return pl.kernel(
        _wq_body,
        out_type=jax.ShapeDtypeStruct((K, D), jnp.float32),
        mesh=plsc.VectorSubcoreMesh(core_axis_name="c", subcore_axis_name="s"),
        scratch_types=[
            pltpu.VMEM((_KPW,), jnp.int32),
            pltpu.VMEM((_CH, D), jnp.float32),
            pltpu.VMEM((_CH, D), jnp.float32),
            pltpu.SemaphoreType.DMA,
            pltpu.SemaphoreType.DMA,
            pltpu.SemaphoreType.DMA,
            pltpu.SemaphoreType.DMA,
        ],
    )


@functools.cache
def _fused_gather():
    return pl.kernel(
        _fused_body,
        out_type=[
            jax.ShapeDtypeStruct((B, D), jnp.float32),
            jax.ShapeDtypeStruct((B, D), jnp.float32),
            jax.ShapeDtypeStruct((_NW, 16), jnp.float32),
        ],
        mesh=plsc.VectorSubcoreMesh(core_axis_name="c", subcore_axis_name="s"),
        scratch_types=(
            [pltpu.VMEM((_BPW,), jnp.int32)]
            + [pltpu.VMEM((_DCH, D), jnp.float32)] * 6
            + [pltpu.VMEM((16,), jnp.float32)]
            + [pltpu.SemaphoreType.DMA] * 12
        ),
    )


def _loss_body(wsum_ref, p_ref, loss_ref):
    loss_ref[0, 0] = jnp.sum(p_ref[...]) / B + COMMIT * wsum_ref[0, 0]


def _loss_combine(wsum, parts):
    return pl.pallas_call(
        _loss_body,
        in_specs=[
            pl.BlockSpec(memory_space=pltpu.SMEM),
            pl.BlockSpec((_NW, 16), lambda: (0, 0)),
        ],
        out_specs=pl.BlockSpec(memory_space=pltpu.SMEM),
        out_shape=jax.ShapeDtypeStruct((1, 1), jnp.float32),
    )(wsum, parts)


def kernel(x, W):
    xi = x.astype(jnp.int32)
    wb = W.astype(jnp.bfloat16)
    a, wsum = _codebook_argmin(wb)
    wq = _wq_gather()(a.reshape(K), W)
    q, diff, parts = _fused_gather()(xi, W, wq)
    loss = _loss_combine(wsum, parts)
    return (loss[0, 0], q, diff)

# --- scband reference (transcript-rebuilt; emitter-appended) ---
"""Pipeline reference for scband-vector-quantizer-7129645711678 (READ-ONLY COPY).

The authoritative reference and input builder live on the scoring server;
editing this copy changes nothing except your own understanding.
"""

import jax, jax.numpy as jnp
import numpy as np

NUM_EMBEDDINGS = 8192
EMBEDDING_DIM = 256
BATCH = 16384
COMMITMENT_COST = 0.25
EMBEDDING_SCALE = 0.1


def setup_inputs(seed: int = 0) -> dict:
    key = jax.random.key(seed)
    k1, k2 = jax.random.split(key)
    x = jax.random.randint(k1, (BATCH,), 0, NUM_EMBEDDINGS, dtype=jnp.int64 if jax.config.jax_enable_x64 else jnp.int32)
    W = jax.random.uniform(k2, (NUM_EMBEDDINGS, EMBEDDING_DIM), minval=-EMBEDDING_SCALE, maxval=EMBEDDING_SCALE, dtype=jnp.float32)
    return {"x": x, "W": W}


def reference(x, W):
    # x: int indices [B]; W: embedding table [K, d]
    batch_size = x.shape[0]
    x_emb = jnp.take(W, x, axis=0)                 # embedding lookup [B, d]
    x_emb = x_emb.reshape(batch_size, -1)
    distances = (x_emb ** 2).sum(axis=1, keepdims=True) \
        + (W ** 2).sum(axis=1) \
        - 2.0 * x_emb @ W.T                        # [B, K]
    assignments = jnp.argmin(distances, axis=1)    # [B]
    quantized = W[assignments]                     # gather [B, d]
    diff = quantized - x_emb
    loss = (diff ** 2).sum(axis=1).mean()
    loss = loss + COMMITMENT_COST * (W ** 2).sum()
    return (loss, quantized, diff)

if __name__ == "__main__":
    import jax
    _d = setup_inputs()
    print(jax.jit(kernel)(*tuple(_d.values())))

</pallas_src>

<mosaic_0001>
#map = affine_map<(d0, d1) -> (0)>
#map1 = affine_map<(d0, d1) -> (0, 0)>
module attributes {stable_mosaic.version = 14 : i64} {
  func.func @_fused_body(%arg0: i32, %arg1: i32, %arg2: memref<16384xi32, #tpu.memory_space<hbm>>, %arg3: memref<8192x256xf32, #tpu.memory_space<hbm>>, %arg4: memref<8192x256xf32, #tpu.memory_space<hbm>>, %arg5: memref<16384x256xf32, #tpu.memory_space<hbm>>, %arg6: memref<16384x256xf32, #tpu.memory_space<hbm>>, %arg7: memref<32x16xf32, #tpu.memory_space<hbm>>, %arg8: memref<512xi32, #tpu.memory_space<vmem>>, %arg9: memref<64x256xf32, #tpu.memory_space<vmem>>, %arg10: memref<64x256xf32, #tpu.memory_space<vmem>>, %arg11: memref<64x256xf32, #tpu.memory_space<vmem>>, %arg12: memref<64x256xf32, #tpu.memory_space<vmem>>, %arg13: memref<64x256xf32, #tpu.memory_space<vmem>>, %arg14: memref<64x256xf32, #tpu.memory_space<vmem>>, %arg15: memref<16xf32, #tpu.memory_space<vmem>>, %arg16: memref<!tpu.dma_semaphore, #tpu.memory_space<semaphore_mem>>, %arg17: memref<!tpu.dma_semaphore, #tpu.memory_space<semaphore_mem>>, %arg18: memref<!tpu.dma_semaphore, #tpu.memory_space<semaphore_mem>>, %arg19: memref<!tpu.dma_semaphore, #tpu.memory_space<semaphore_mem>>, %arg20: memref<!tpu.dma_semaphore, #tpu.memory_space<semaphore_mem>>, %arg21: memref<!tpu.dma_semaphore, #tpu.memory_space<semaphore_mem>>, %arg22: memref<!tpu.dma_semaphore, #tpu.memory_space<semaphore_mem>>, %arg23: memref<!tpu.dma_semaphore, #tpu.memory_space<semaphore_mem>>, %arg24: memref<!tpu.dma_semaphore, #tpu.memory_space<semaphore_mem>>, %arg25: memref<!tpu.dma_semaphore, #tpu.memory_space<semaphore_mem>>, %arg26: memref<!tpu.dma_semaphore, #tpu.memory_space<semaphore_mem>>, %arg27: memref<!tpu.dma_semaphore, #tpu.memory_space<semaphore_mem>>) attributes {dimension_semantics = [#tpu.dimension_semantics<core_parallel>, #tpu.dimension_semantics<subcore_parallel>], iteration_bounds = array<i64: 2, 16>, scalar_prefetch = 0 : i64, scratch_operands = 20 : i64, tpu.core_type = #tpu.core_type<sc_vector_subcore>, window_params = [{transform_indices = #map}, {transform_indices = #map1}, {transform_indices = #map1}, {transform_indices = #map1}, {transform_indices = #map1}, {transform_indices = #map1}]} {
    %mul3A = arith.constant 2 : i32
    %mul3A_0 = arith.muli %arg1, %mul3A : i32
    %add3A = arith.addi %mul3A_0, %arg0 : i32
    %mul3A_1 = arith.constant 512 : i32
    %mul3A_2 = arith.muli %add3A, %mul3A_1 : i32
    "tpu.region"() ({
      %run_scoped3A = tpu.sem_alloc : memref<!tpu.dma_semaphore, #tpu.memory_space<semaphore_mem>>
      %dma_start3A_372 = tpu.memref_slice %arg2[%mul3A_2] : memref<16384xi32, #tpu.memory_space<hbm>> -> memref<512xi32, #tpu.memory_space<hbm>>
      %dma_start3A_373 = tpu.memref_slice %arg2[%mul3A_2] : memref<16384xi32, #tpu.memory_space<hbm>> -> memref<512xi32, #tpu.memory_space<hbm>>
      tpu.enqueue_dma source(%dma_start3A_373 : memref<512xi32, #tpu.memory_space<hbm>>) target(%arg8 : memref<512xi32, #tpu.memory_space<vmem>>) target_semaphore(%run_scoped3A : memref<!tpu.dma_semaphore, #tpu.memory_space<semaphore_mem>>)
      %dma_wait3A_374 = tpu.memref_slice %arg2[%mul3A_2] : memref<16384xi32, #tpu.memory_space<hbm>> -> memref<512xi32, #tpu.memory_space<hbm>>
      %dma_wait3A_375 = tpu.memref_slice %arg2[%mul3A_2] : memref<16384xi32, #tpu.memory_space<hbm>> -> memref<512xi32, #tpu.memory_space<hbm>>
      tpu.wait_dma2 semaphore(%run_scoped3A : memref<!tpu.dma_semaphore, #tpu.memory_space<semaphore_mem>>) src(%dma_wait3A_375 : memref<512xi32, #tpu.memory_space<hbm>>) dst(%arg8 : memref<512xi32, #tpu.memory_space<vmem>>)
      tpu.yield
    }) : () -> ()
    %dma_start3A = arith.constant 0 : i32
    %dma_start3A_3 = tpu.memref_slice %arg8[%dma_start3A] : memref<512xi32, #tpu.memory_space<vmem>> -> memref<64xi32, #tpu.memory_space<vmem>>
    %dma_start3A_4 = arith.constant 0 : i32
    %dma_start3A_5 = arith.constant 0 : i32
    %dma_start3A_6 = tpu.memref_slice %arg3[%dma_start3A_4, %dma_start3A_5] : memref<8192x256xf32, #tpu.memory_space<hbm>> -> memref<8192x256xf32, #tpu.memory_space<hbm>>
    tpu.enqueue_indirect_dma source(%dma_start3A_6 : memref<8192x256xf32, #tpu.memory_space<hbm>>) target(%arg9 : memref<64x256xf32, #tpu.memory_space<vmem>>) offsets(%dma_start3A_3 : memref<64xi32, #tpu.memory_space<vmem>>) semaphore(%arg16 : memref<!tpu.dma_semaphore, #tpu.memory_space<semaphore_mem>>)
    %dma_start3A_7 = arith.constant 64 : i32
    %dma_start3A_8 = tpu.memref_slice %arg8[%dma_start3A_7] : memref<512xi32, #tpu.memory_space<vmem>> -> memref<64xi32, #tpu.memory_space<vmem>>
    %dma_start3A_9 = arith.constant 0 : i32
    %dma_start3A_10 = arith.constant 0 : i32
    %dma_start3A_11 = tpu.memref_slice %arg3[%dma_start3A_9, %dma_start3A_10] : memref<8192x256xf32, #tpu.memory_space<hbm>> -> memref<8192x256xf32, #tpu.memory_space<hbm>>
    tpu.enqueue_indirect_dma source(%dma_start3A_11 : memref<8192x256xf32, #tpu.memory_space<hbm>>) target(%arg10 : memref<64x256xf32, #tpu.memory_space<vmem>>) offsets(%dma_start3A_8 : memref<64xi32, #tpu.memory_space<vmem>>) semaphore(%arg17 : memref<!tpu.dma_semaphore, #tpu.memory_space<semaphore_mem>>)
    %dma_start3A_12 = arith.constant 128 : i32
    %dma_start3A_13 = tpu.memref_slice %arg8[%dma_start3A_12] : memref<512xi32, #tpu.memory_space<vmem>> -> memref<64xi32, #tpu.memory_space<vmem>>
    %dma_start3A_14 = arith.constant 0 : i32
    %dma_start3A_15 = arith.constant 0 : i32
    %dma_start3A_16 = tpu.memref_slice %arg3[%dma_start3A_14, %dma_start3A_15] : memref<8192x256xf32, #tpu.memory_space<hbm>> -> memref<8192x256xf32, #tpu.memory_space<hbm>>
    tpu.enqueue_indirect_dma source(%dma_start3A_16 : memref<8192x256xf32, #tpu.memory_space<hbm>>) target(%arg11 : memref<64x256xf32, #tpu.memory_space<vmem>>) offsets(%dma_start3A_13 : memref<64xi32, #tpu.memory_space<vmem>>) semaphore(%arg18 : memref<!tpu.dma_semaphore, #tpu.memory_space<semaphore_mem>>)
    %dma_start3A_17 = arith.constant 0 : i32
    %dma_start3A_18 = tpu.memref_slice %arg8[%dma_start3A_17] : memref<512xi32, #tpu.memory_space<vmem>> -> memref<64xi32, #tpu.memory_space<vmem>>
    %dma_start3A_19 = arith.constant 0 : i32
    %dma_start3A_20 = arith.constant 0 : i32
    %dma_start3A_21 = tpu.memref_slice %arg4[%dma_start3A_19, %dma_start3A_20] : memref<8192x256xf32, #tpu.memory_space<hbm>> -> memref<8192x256xf32, #tpu.memory_space<hbm>>
    tpu.enqueue_indirect_dma source(%dma_start3A_21 : memref<8192x256xf32, #tpu.memory_space<hbm>>) target(%arg12 : memref<64x256xf32, #tpu.memory_space<vmem>>) offsets(%dma_start3A_18 : memref<64xi32, #tpu.memory_space<vmem>>) semaphore(%arg19 : memref<!tpu.dma_semaphore, #tpu.memory_space<semaphore_mem>>)
    %dma_start3A_22 = arith.constant 64 : i32
    %dma_start3A_23 = tpu.memref_slice %arg8[%dma_start3A_22] : memref<512xi32, #tpu.memory_space<vmem>> -> memref<64xi32, #tpu.memory_space<vmem>>
    %dma_start3A_24 = arith.constant 0 : i32
    %dma_start3A_25 = arith.constant 0 : i32
    %dma_start3A_26 = tpu.memref_slice %arg4[%dma_start3A_24, %dma_start3A_25] : memref<8192x256xf32, #tpu.memory_space<hbm>> -> memref<8192x256xf32, #tpu.memory_space<hbm>>
    tpu.enqueue_indirect_dma source(%dma_start3A_26 : memref<8192x256xf32, #tpu.memory_space<hbm>>) target(%arg13 : memref<64x256xf32, #tpu.memory_space<vmem>>) offsets(%dma_start3A_23 : memref<64xi32, #tpu.memory_space<vmem>>) semaphore(%arg20 : memref<!tpu.dma_semaphore, #tpu.memory_space<semaphore_mem>>)
    %dma_start3A_27 = arith.constant 128 : i32
    %dma_start3A_28 = tpu.memref_slice %arg8[%dma_start3A_27] : memref<512xi32, #tpu.memory_space<vmem>> -> memref<64xi32, #tpu.memory_space<vmem>>
    %dma_start3A_29 = arith.constant 0 : i32
    %dma_start3A_30 = arith.constant 0 : i32
    %dma_start3A_31 = tpu.memref_slice %arg4[%dma_start3A_29, %dma_start3A_30] : memref<8192x256xf32, #tpu.memory_space<hbm>> -> memref<8192x256xf32, #tpu.memory_space<hbm>>
    tpu.enqueue_indirect_dma source(%dma_start3A_31 : memref<8192x256xf32, #tpu.memory_space<hbm>>) target(%arg14 : memref<64x256xf32, #tpu.memory_space<vmem>>) offsets(%dma_start3A_28 : memref<64xi32, #tpu.memory_space<vmem>>) semaphore(%arg21 : memref<!tpu.dma_semaphore, #tpu.memory_space<semaphore_mem>>)
    %broadcast_in_dim3A = arith.constant 0.000000e+00 : f32
    %broadcast_in_dim3A_32 = vector.broadcast %broadcast_in_dim3A : f32 to vector<16xf32>
    %dma_wait3A = arith.constant 0 : i32
    %dma_wait3A_33 = tpu.memref_slice %arg8[%dma_wait3A] : memref<512xi32, #tpu.memory_space<vmem>> -> memref<64xi32, #tpu.memory_space<vmem>>
    %dma_wait3A_34 = arith.constant 0 : i32
    %dma_wait3A_35 = arith.constant 0 : i32
    %dma_wait3A_36 = tpu.memref_slice %arg3[%dma_wait3A_34, %dma_wait3A_35] : memref<8192x256xf32, #tpu.memory_space<hbm>> -> memref<8192x256xf32, #tpu.memory_space<hbm>>
    tpu.wait_indirect_dma semaphore(%arg16 : memref<!tpu.dma_semaphore, #tpu.memory_space<semaphore_mem>>) src(%dma_wait3A_36 : memref<8192x256xf32, #tpu.memory_space<hbm>>) dst(%arg9 : memref<64x256xf32, #tpu.memory_space<vmem>>)
    %dma_wait3A_37 = arith.constant 0 : i32
    %dma_wait3A_38 = tpu.memref_slice %arg8[%dma_wait3A_37] : memref<512xi32, #tpu.memory_space<vmem>> -> memref<64xi32, #tpu.memory_space<vmem>>
    %dma_wait3A_39 = arith.constant 0 : i32
    %dma_wait3A_40 = arith.constant 0 : i32
    %dma_wait3A_41 = tpu.memref_slice %arg4[%dma_wait3A_39, %dma_wait3A_40] : memref<8192x256xf32, #tpu.memory_space<hbm>> -> memref<8192x256xf32, #tpu.memory_space<hbm>>
    tpu.wait_indirect_dma semaphore(%arg19 : memref<!tpu.dma_semaphore, #tpu.memory_space<semaphore_mem>>) src(%dma_wait3A_41 : memref<8192x256xf32, #tpu.memory_space<hbm>>) dst(%arg12 : memref<64x256xf32, #tpu.memory_space<vmem>>)
    %scan3A = arith.constant 0 : i32
    %scan3A_42 = arith.constant 64 : i32
    %scan3A_43 = arith.addi %scan3A, %scan3A_42 : i32
    %scan3A_44 = arith.constant 1 : i32
    %scan3A_45 = scf.for %scan3A_372 = %scan3A to %scan3A_43 step %scan3A_44 iter_args(%scan3A_373 = %broadcast_in_dim3A_32) -> (vector<16xf32>)  : i32 {
      %get3A = arith.index_cast %scan3A_372 : i32 to index
      %get3A_374 = arith.constant 0 : index
      %get3A_375 = tpu.vector_load %arg9[%get3A, %get3A_374] {strides = array<i32>} : memref<64x256xf32, #tpu.memory_space<vmem>>, vector<1x16xf32>,
      %get3A_376 = vector.shape_cast %get3A_375 : vector<1x16xf32> to vector<16xf32>
      %get3A_377 = arith.index_cast %scan3A_372 : i32 to index
      %get3A_378 = arith.constant 0 : index
      %get3A_379 = tpu.vector_load %arg12[%get3A_377, %get3A_378] {strides = array<i32>} : memref<64x256xf32, #tpu.memory_space<vmem>>, vector<1x16xf32>,
      %get3A_380 = vector.shape_cast %get3A_379 : vector<1x16xf32> to vector<16xf32>
      %sub3A = arith.subf %get3A_380, %get3A_376 : vector<16xf32>
      %swap3A_381 = arith.index_cast %scan3A_372 : i32 to index
      %swap3A_382 = arith.constant 0 : index
      %swap3A_383 = tpu.vector_load %arg9[%swap3A_381, %swap3A_382] {strides = array<i32>} : memref<64x256xf32, #tpu.memory_space<vmem>>, vector<1x16xf32>,
      %swap3A_384 = vector.shape_cast %swap3A_383 : vector<1x16xf32> to vector<16xf32>
      %swap3A_385 = vector.shape_cast %sub3A : vector<16xf32> to vector<1x16xf32>
      tpu.vector_store %arg9[%swap3A_381, %swap3A_382], %swap3A_385 {strides = array<i32>} : memref<64x256xf32, #tpu.memory_space<vmem>>, vector<1x16xf32>,
      %mul3A_386 = arith.mulf %sub3A, %sub3A : vector<16xf32>
      %add3A_387 = arith.addf %scan3A_373, %mul3A_386 : vector<16xf32>
      %get3A_388 = arith.index_cast %scan3A_372 : i32 to index
      %get3A_389 = arith.constant 16 : index
      %get3A_390 = tpu.vector_load %arg9[%get3A_388, %get3A_389] {strides = array<i32>} : memref<64x256xf32, #tpu.memory_space<vmem>>, vector<1x16xf32>,
      %get3A_391 = vector.shape_cast %get3A_390 : vector<1x16xf32> to vector<16xf32>
      %get3A_392 = arith.index_cast %scan3A_372 : i32 to index
      %get3A_393 = arith.constant 16 : index
      %get3A_394 = tpu.vector_load %arg12[%get3A_392, %get3A_393] {strides = array<i32>} : memref<64x256xf32, #tpu.memory_space<vmem>>, vector<1x16xf32>,
      %get3A_395 = vector.shape_cast %get3A_394 : vector<1x16xf32> to vector<16xf32>
      %sub3A_396 = arith.subf %get3A_395, %get3A_391 : vector<16xf32>
      %swap3A_397 = arith.index_cast %scan3A_372 : i32 to index
      %swap3A_398 = arith.constant 16 : index
      %swap3A_399 = tpu.vector_load %arg9[%swap3A_397, %swap3A_398] {strides = array<i32>} : memref<64x256xf32, #tpu.memory_space<vmem>>, vector<1x16xf32>,
      %swap3A_400 = vector.shape_cast %swap3A_399 : vector<1x16xf32> to vector<16xf32>
      %swap3A_401 = vector.shape_cast %sub3A_396 : vector<16xf32> to vector<1x16xf32>
      tpu.vector_store %arg9[%swap3A_397, %swap3A_398], %swap3A_401 {strides = array<i32>} : memref<64x256xf32, #tpu.memory_space<vmem>>, vector<1x16xf32>,
      %mul3A_402 = arith.mulf %sub3A_396, %sub3A_396 : vector<16xf32>
      %add3A_403 = arith.addf %add3A_387, %mul3A_402 : vector<16xf32>
      %get3A_404 = arith.index_cast %scan3A_372 : i32 to index
      %get3A_405 = arith.constant 32 : index
      %get3A_406 = tpu.vector_load %arg9[%get3A_404, %get3A_405] {strides = array<i32>} : memref<64x256xf32, #tpu.memory_space<vmem>>, vector<1x16xf32>,
      %get3A_407 = vector.shape_cast %get3A_406 : vector<1x16xf32> to vector<16xf32>
      %get3A_408 = arith.index_cast %scan3A_372 : i32 to index
      %get3A_409 = arith.constant 32 : index
      %get3A_410 = tpu.vector_load %arg12[%get3A_408, %get3A_409] {strides = array<i32>} : memref<64x256xf32, #tpu.memory_space<vmem>>, vector<1x16xf32>,
      %get3A_411 = vector.shape_cast %get3A_410 : vector<1x16xf32> to vector<16xf32>
      %sub3A_412 = arith.subf %get3A_411, %get3A_407 : vector<16xf32>
      %swap3A_413 = arith.index_cast %scan3A_372 : i32 to index
      %swap3A_414 = arith.constant 32 : index
      %swap3A_415 = tpu.vector_load %arg9[%swap3A_413, %swap3A_414] {strides = array<i32>} : memref<64x256xf32, #tpu.memory_space<vmem>>, vector<1x16xf32>,
      %swap3A_416 = vector.shape_cast %swap3A_415 : vector<1x16xf32> to vector<16xf32>
      %swap3A_417 = vector.shape_cast %sub3A_412 : vector<16xf32> to vector<1x16xf32>
      tpu.vector_store %arg9[%swap3A_413, %swap3A_414], %swap3A_417 {strides = array<i32>} : memref<64x256xf32, #tpu.memory_space<vmem>>, vector<1x16xf32>,
      %mul3A_418 = arith.mulf %sub3A_412, %sub3A_412 : vector<16xf32>
      %add3A_419 = arith.addf %add3A_403, %mul3A_418 : vector<16xf32>
      %get3A_420 = arith.index_cast %scan3A_372 : i32 to index
      %get3A_421 = arith.constant 48 : index
      %get3A_422 = tpu.vector_load %arg9[%get3A_420, %get3A_421] {strides = array<i32>} : memref<64x256xf32, #tpu.memory_space<vmem>>, vector<1x16xf32>,
      %get3A_423 = vector.shape_cast %get3A_422 : vector<1x16xf32> to vector<16xf32>
      %get3A_424 = arith.index_cast %scan3A_372 : i32 to index
      %get3A_425 = arith.constant 48 : index
      %get3A_426 = tpu.vector_load %arg12[%get3A_424, %get3A_425] {strides = array<i32>} : memref<64x256xf32, #tpu.memory_space<vmem>>, vector<1x16xf32>,
      %get3A_427 = vector.shape_cast %get3A_426 : vector<1x16xf32> to vector<16xf32>
      %sub3A_428 = arith.subf %get3A_427, %get3A_423 : vector<16xf32>
      %swap3A_429 = arith.index_cast %scan3A_372 : i32 to index
      %swap3A_430 = arith.constant 48 : index
      %swap3A_431 = tpu.vector_load %arg9[%swap3A_429, %swap3A_430] {strides = array<i32>} : memref<64x256xf32, #tpu.memory_space<vmem>>, vector<1x16xf32>,
      %swap3A_432 = vector.shape_cast %swap3A_431 : vector<1x16xf32> to vector<16xf32>
      %swap3A_433 = vector.shape_cast %sub3A_428 : vector<16xf32> to vector<1x16xf32>
      tpu.vector_store %arg9[%swap3A_429, %swap3A_430], %swap3A_433 {strides = array<i32>} : memref<64x256xf32, #tpu.memory_space<vmem>>, vector<1x16xf32>,
      %mul3A_434 = arith.mulf %sub3A_428, %sub3A_428 : vector<16xf32>
      %add3A_435 = arith.addf %add3A_419, %mul3A_434 : vector<16xf32>
      %get3A_436 = arith.index_cast %scan3A_372 : i32 to index
      %get3A_437 = arith.constant 64 : index
      %get3A_438 = tpu.vector_load %arg9[%get3A_436, %get3A_437] {strides = array<i32>} : memref<64x256xf32, #tpu.memory_space<vmem>>, vector<1x16xf32>,
      %get3A_439 = vector.shape_cast %get3A_438 : vector<1x16xf32> to vector<16xf32>
      %get3A_440 = arith.index_cast %scan3A_372 : i32 to index
      %get3A_441 = arith.constant 64 : index
      %get3A_442 = tpu.vector_load %arg12[%get3A_440, %get3A_441] {strides = array<i32>} : memref<64x256xf32, #tpu.memory_space<vmem>>, vector<1x16xf32>,
      %get3A_443 = vector.shape_cast %get3A_442 : vector<1x16xf32> to vector<16xf32>
      %sub3A_444 = arith.subf %get3A_443, %get3A_439 : vector<16xf32>
      %swap3A_445 = arith.index_cast %scan3A_372 : i32 to index
      %swap3A_446 = arith.constant 64 : index
      %swap3A_447 = tpu.vector_load %arg9[%swap3A_445, %swap3A_446] {strides = array<i32>} : memref<64x256xf32, #tpu.memory_space<vmem>>, vector<1x16xf32>,
      %swap3A_448 = vector.shape_cast %swap3A_447 : vector<1x16xf32> to vector<16xf32>
      %swap3A_449 = vector.shape_cast %sub3A_444 : vector<16xf32> to vector<1x16xf32>
      tpu.vector_store %arg9[%swap3A_445, %swap3A_446], %swap3A_449 {strides = array<i32>} : memref<64x256xf32, #tpu.memory_space<vmem>>, vector<1x16xf32>,
      %mul3A_450 = arith.mulf %sub3A_444, %sub3A_444 : vector<16xf32>
      %add3A_451 = arith.addf %add3A_435, %mul3A_450 : vector<16xf32>
      %get3A_452 = arith.index_cast %scan3A_372 : i32 to index
      %get3A_453 = arith.constant 80 : index
      %get3A_454 = tpu.vector_load %arg9[%get3A_452, %get3A_453] {strides = array<i32>} : memref<64x256xf32, #tpu.memory_space<vmem>>, vector<1x16xf32>,
      %get3A_455 = vector.shape_cast %get3A_454 : vector<1x16xf32> to vector<16xf32>
      %get3A_456 = arith.index_cast %scan3A_372 : i32 to index
      %get3A_457 = arith.constant 80 : index
      %get3A_458 = tpu.vector_load %arg12[%get3A_456, %get3A_457] {strides = array<i32>} : memref<64x256xf32, #tpu.memory_space<vmem>>, vector<1x16xf32>,
      %get3A_459 = vector.shape_cast %get3A_458 : vector<1x16xf32> to vector<16xf32>
      %sub3A_460 = arith.subf %get3A_459, %get3A_455 : vector<16xf32>
      %swap3A_461 = arith.index_cast %scan3A_372 : i32 to index
      %swap3A_462 = arith.constant 80 : index
      %swap3A_463 = tpu.vector_load %arg9[%swap3A_461, %swap3A_462] {strides = array<i32>} : memref<64x256xf32, #tpu.memory_space<vmem>>, vector<1x16xf32>,
      %swap3A_464 = vector.shape_cast %swap3A_463 : vector<1x16xf32> to vector<16xf32>
      %swap3A_465 = vector.shape_cast %sub3A_460 : vector<16xf32> to vector<1x16xf32>
      tpu.vector_store %arg9[%swap3A_461, %swap3A_462], %swap3A_465 {strides = array<i32>} : memref<64x256xf32, #tpu.memory_space<vmem>>, vector<1x16xf32>,
      %mul3A_466 = arith.mulf %sub3A_460, %sub3A_460 : vector<16xf32>
      %add3A_467 = arith.addf %add3A_451, %mul3A_466 : vector<16xf32>
      %get3A_468 = arith.index_cast %scan3A_372 : i32 to index
      %get3A_469 = arith.constant 96 : index
      %get3A_470 = tpu.vector_load %arg9[%get3A_468, %get3A_469] {strides = array<i32>} : memref<64x256xf32, #tpu.memory_space<vmem>>, vector<1x16xf32>,
      %get3A_471 = vector.shape_cast %get3A_470 : vector<1x16xf32> to vector<16xf32>
      %get3A_472 = arith.index_cast %scan3A_372 : i32 to index
      %get3A_473 = arith.constant 96 : index
      %get3A_474 = tpu.vector_load %arg12[%get3A_472, %get3A_473] {strides = array<i32>} : memref<64x256xf32, #tpu.memory_space<vmem>>, vector<1x16xf32>,
      %get3A_475 = vector.shape_cast %get3A_474 : vector<1x16xf32> to vector<16xf32>
      %sub3A_476 = arith.subf %get3A_475, %get3A_471 : vector<16xf32>
      %swap3A_477 = arith.index_cast %scan3A_372 : i32 to index
      %swap3A_478 = arith.constant 96 : index
      %swap3A_479 = tpu.vector_load %arg9[%swap3A_477, %swap3A_478] {strides = array<i32>} : memref<64x256xf32, #tpu.memory_space<vmem>>, vector<1x16xf32>,
      %swap3A_480 = vector.shape_cast %swap3A_479 : vector<1x16xf32> to vector<16xf32>
      %swap3A_481 = vector.shape_cast %sub3A_476 : vector<16xf32> to vector<1x16xf32>
      tpu.vector_store %arg9[%swap3A_477, %swap3A_478], %swap3A_481 {strides = array<i32>} : memref<64x256xf32, #tpu.memory_space<vmem>>, vector<1x16xf32>,
      %mul3A_482 = arith.mulf %sub3A_476, %sub3A_476 : vector<16xf32>
      %add3A_483 = arith.addf %add3A_467, %mul3A_482 : vector<16xf32>
      %get3A_484 = arith.index_cast %scan3A_372 : i32 to index
      %get3A_485 = arith.constant 112 : index
      %get3A_486 = tpu.vector_load %arg9[%get3A_484, %get3A_485] {strides = array<i32>} : memref<64x256xf32, #tpu.memory_space<vmem>>, vector<1x16xf32>,
      %get3A_487 = vector.shape_cast %get3A_486 : vector<1x16xf32> to vector<16xf32>
      %get3A_488 = arith.index_cast %scan3A_372 : i32 to index
      %get3A_489 = arith.constant 112 : index
      %get3A_490 = tpu.vector_load %arg12[%get3A_488, %get3A_489] {strides = array<i32>} : memref<64x256xf32, #tpu.memory_space<vmem>>, vector<1x16xf32>,
      %get3A_491 = vector.shape_cast %get3A_490 : vector<1x16xf32> to vector<16xf32>
      %sub3A_492 = arith.subf %get3A_491, %get3A_487 : vector<16xf32>
      %swap3A_493 = arith.index_cast %scan3A_372 : i32 to index
      %swap3A_494 = arith.constant 112 : index
      %swap3A_495 = tpu.vector_load %arg9[%swap3A_493, %swap3A_494] {strides = array<i32>} : memref<64x256xf32, #tpu.memory_space<vmem>>, vector<1x16xf32>,
      %swap3A_496 = vector.shape_cast %swap3A_495 : vector<1x16xf32> to vector<16xf32>
      %swap3A_497 = vector.shape_cast %sub3A_492 : vector<16xf32> to vector<1x16xf32>
      tpu.vector_store %arg9[%swap3A_493, %swap3A_494], %swap3A_497 {strides = array<i32>} : memref<64x256xf32, #tpu.memory_space<vmem>>, vector<1x16xf32>,
      %mul3A_498 = arith.mulf %sub3A_492, %sub3A_492 : vector<16xf32>
      %add3A_499 = arith.addf %add3A_483, %mul3A_498 : vector<16xf32>
      %get3A_500 = arith.index_cast %scan3A_372 : i32 to index
      %get3A_501 = arith.constant 128 : index
      %get3A_502 = tpu.vector_load %arg9[%get3A_500, %get3A_501] {strides = array<i32>} : memref<64x256xf32, #tpu.memory_space<vmem>>, vector<1x16xf32>,
      %get3A_503 = vector.shape_cast %get3A_502 : vector<1x16xf32> to vector<16xf32>
      %get3A_504 = arith.index_cast %scan3A_372 : i32 to index
      %get3A_505 = arith.constant 128 : index
      %get3A_506 = tpu.vector_load %arg12[%get3A_504, %get3A_505] {strides = array<i32>} : memref<64x256xf32, #tpu.memory_space<vmem>>, vector<1x16xf32>,
      %get3A_507 = vector.shape_cast %get3A_506 : vector<1x16xf32> to vector<16xf32>
      %sub3A_508 = arith.subf %get3A_507, %get3A_503 : vector<16xf32>
      %swap3A_509 = arith.index_cast %scan3A_372 : i32 to index
      %swap3A_510 = arith.constant 128 : index
      %swap3A_511 = tpu.vector_load %arg9[%swap3A_509, %swap3A_510] {strides = array<i32>} : memref<64x256xf32, #tpu.memory_space<vmem>>, vector<1x16xf32>,
      %swap3A_512 = vector.shape_cast %swap3A_511 : vector<1x16xf32> to vector<16xf32>
      %swap3A_513 = vector.shape_cast %sub3A_508 : vector<16xf32> to vector<1x16xf32>
      tpu.vector_store %arg9[%swap3A_509, %swap3A_510], %swap3A_513 {strides = array<i32>} : memref<64x256xf32, #tpu.memory_space<vmem>>, vector<1x16xf32>,
      %mul3A_514 = arith.mulf %sub3A_508, %sub3A_508 : vector<16xf32>
      %add3A_515 = arith.addf %add3A_499, %mul3A_514 : vector<16xf32>
      %get3A_516 = arith.index_cast %scan3A_372 : i32 to index
      %get3A_517 = arith.constant 144 : index
      %get3A_518 = tpu.vector_load %arg9[%get3A_516, %get3A_517] {strides = array<i32>} : memref<64x256xf32, #tpu.memory_space<vmem>>, vector<1x16xf32>,
      %get3A_519 = vector.shape_cast %get3A_518 : vector<1x16xf32> to vector<16xf32>
      %get3A_520 = arith.index_cast %scan3A_372 : i32 to index
      %get3A_521 = arith.constant 144 : index
      %get3A_522 = tpu.vector_load %arg12[%get3A_520, %get3A_521] {strides = array<i32>} : memref<64x256xf32, #tpu.memory_space<vmem>>, vector<1x16xf32>,
      %get3A_523 = vector.shape_cast %get3A_522 : vector<1x16xf32> to vector<16xf32>
      %sub3A_524 = arith.subf %get3A_523, %get3A_519 : vector<16xf32>
      %swap3A_525 = arith.index_cast %scan3A_372 : i32 to index
      %swap3A_526 = arith.constant 144 : index
      %swap3A_527 = tpu.vector_load %arg9[%swap3A_525, %swap3A_526] {strides = array<i32>} : memref<64x256xf32, #tpu.memory_space<vmem>>, vector<1x16xf32>,
      %swap3A_528 = vector.shape_cast %swap3A_527 : vector<1x16xf32> to vector<16xf32>
      %swap3A_529 = vector.shape_cast %sub3A_524 : vector<16xf32> to vector<1x16xf32>
      tpu.vector_store %arg9[%swap3A_525, %swap3A_526], %swap3A_529 {strides = array<i32>} : memref<64x256xf32, #tpu.memory_space<vmem>>, vector<1x16xf32>,
      %mul3A_530 = arith.mulf %sub3A_524, %sub3A_524 : vector<16xf32>
      %add3A_531 = arith.addf %add3A_515, %mul3A_530 : vector<16xf32>
      %get3A_532 = arith.index_cast %scan3A_372 : i32 to index
      %get3A_533 = arith.constant 160 : index
      %get3A_534 = tpu.vector_load %arg9[%get3A_532, %get3A_533] {strides = array<i32>} : memref<64x256xf32, #tpu.memory_space<vmem>>, vector<1x16xf32>,
      %get3A_535 = vector.shape_cast %get3A_534 : vector<1x16xf32> to vector<16xf32>
      %get3A_536 = arith.index_cast %scan3A_372 : i32 to index
      %get3A_537 = arith.constant 160 : index
      %get3A_538 = tpu.vector_load %arg12[%get3A_536, %get3A_537] {strides = array<i32>} : memref<64x256xf32, #tpu.memory_space<vmem>>, vector<1x16xf32>,
      %get3A_539 = vector.shape_cast %get3A_538 : vector<1x16xf32> to vector<16xf32>
      %sub3A_540 = arith.subf %get3A_539, %get3A_535 : vector<16xf32>
      %swap3A_541 = arith.index_cast %scan3A_372 : i32 to index
      %swap3A_542 = arith.constant 160 : index
      %swap3A_543 = tpu.vector_load %arg9[%swap3A_541, %swap3A_542] {strides = array<i32>} : memref<64x256xf32, #tpu.memory_space<vmem>>, vector<1x16xf32>,
      %swap3A_544 = vector.shape_cast %swap3A_543 : vector<1x16xf32> to vector<16xf32>
      %swap3A_545 = vector.shape_cast %sub3A_540 : vector<16xf32> to vector<1x16xf32>
      tpu.vector_store %arg9[%swap3A_541, %swap3A_542], %swap3A_545 {strides = array<i32>} : memref<64x256xf32, #tpu.memory_space<vmem>>, vector<1x16xf32>,
      %mul3A_546 = arith.mulf %sub3A_540, %sub3A_540 : vector<16xf32>
      %add3A_547 = arith.addf %add3A_531, %mul3A_546 : vector<16xf32>
      %get3A_548 = arith.index_cast %scan3A_372 : i32 to index
      %get3A_549 = arith.constant 176 : index
      %get3A_550 = tpu.vector_load %arg9[%get3A_548, %get3A_549] {strides = array<i32>} : memref<64x256xf32, #tpu.memory_space<vmem>>, vector<1x16xf32>,
      %get3A_551 = vector.shape_cast %get3A_550 : vector<1x16xf32> to vector<16xf32>
      %get3A_552 = arith.index_cast %scan3A_372 : i32 to index
      %get3A_553 = arith.constant 176 : index
      %get3A_554 = tpu.vector_load %arg12[%get3A_552, %get3A_553] {strides = array<i32>} : memref<64x256xf32, #tpu.memory_space<vmem>>, vector<1x16xf32>,
      %get3A_555 = vector.shape_cast %get3A_554 : vector<1x16xf32> to vector<16xf32>
      %sub3A_556 = arith.subf %get3A_555, %get3A_551 : vector<16xf32>
      %swap3A_557 = arith.index_cast %scan3A_372 : i32 to index
      %swap3A_558 = arith.constant 176 : index
      %swap3A_559 = tpu.vector_load %arg9[%swap3A_557, %swap3A_558] {strides = array<i32>} : memref<64x256xf32, #tpu.memory_space<vmem>>, vector<1x16xf32>,
      %swap3A_560 = vector.shape_cast %swap3A_559 : vector<1x16xf32> to vector<16xf32>
      %swap3A_561 = vector.shape_cast %sub3A_556 : vector<16xf32> to vector<1x16xf32>
      tpu.vector_store %arg9[%swap3A_557, %swap3A_558], %swap3A_561 {strides = array<i32>} : memref<64x256xf32, #tpu.memory_space<vmem>>, vector<1x16xf32>,
      %mul3A_562 = arith.mulf %sub3A_556, %sub3A_556 : vector<16xf32>
      %add3A_563 = arith.addf %add3A_547, %mul3A_562 : vector<16xf32>
      %get3A_564 = arith.index_cast %scan3A_372 : i32 to index
      %get3A_565 = arith.constant 192 : index
      %get3A_566 = tpu.vector_load %arg9[%get3A_564, %get3A_565] {strides = array<i32>} : memref<64x256xf32, #tpu.memory_space<vmem>>, vector<1x16xf32>,
      %get3A_567 = vector.shape_cast %get3A_566 : vector<1x16xf32> to vector<16xf32>
      %get3A_568 = arith.index_cast %scan3A_372 : i32 to index
      %get3A_569 = arith.constant 192 : index
      %get3A_570 = tpu.vector_load %arg12[%get3A_568, %get3A_569] {strides = array<i32>} : memref<64x256xf32, #tpu.memory_space<vmem>>, vector<1x16xf32>,
      %get3A_571 = vector.shape_cast %get3A_570 : vector<1x16xf32> to vector<16xf32>
      %sub3A_572 = arith.subf %get3A_571, %get3A_567 : vector<16xf32>
      %swap3A_573 = arith.index_cast %scan3A_372 : i32 to index
      %swap3A_574 = arith.constant 192 : index
      %swap3A_575 = tpu.vector_load %arg9[%swap3A_573, %swap3A_574] {strides = array<i32>} : memref<64x256xf32, #tpu.memory_space<vmem>>, vector<1x16xf32>,
      %swap3A_576 = vector.shape_cast %swap3A_575 : vector<1x16xf32> to vector<16xf32>
      %swap3A_577 = vector.shape_cast %sub3A_572 : vector<16xf32> to vector<1x16xf32>
      tpu.vector_store %arg9[%swap3A_573, %swap3A_574], %swap3A_577 {strides = array<i32>} : memref<64x256xf32, #tpu.memory_space<vmem>>, vector<1x16xf32>,
      %mul3A_578 = arith.mulf %sub3A_572, %sub3A_572 : vector<16xf32>
      %add3A_579 = arith.addf %add3A_563, %mul3A_578 : vector<16xf32>
      %get3A_580 = arith.index_cast %scan3A_372 : i32 to index
      %get3A_581 = arith.constant 208 : index
      %get3A_582 = tpu.vector_load %arg9[%get3A_580, %get3A_581] {strides = array<i32>} : memref<64x256xf32, #tpu.memory_space<vmem>>, vector<1x16xf32>,
      %get3A_583 = vector.shape_cast %get3A_582 : vector<1x16xf32> to vector<16xf32>
      %get3A_584 = arith.index_cast %scan3A_372 : i32 to index
      %get3A_585 = arith.constant 208 : index
      %get3A_586 = tpu.vector_load %arg12[%get3A_584, %get3A_585] {strides = array<i32>} : memref<64x256xf32, #tpu.memory_space<vmem>>, vector<1x16xf32>,
      %get3A_587 = vector.shape_cast %get3A_586 : vector<1x16xf32> to vector<16xf32>
      %sub3A_588 = arith.subf %get3A_587, %get3A_583 : vector<16xf32>
      %swap3A_589 = arith.index_cast %scan3A_372 : i32 to index
      %swap3A_590 = arith.constant 208 : index
      %swap3A_591 = tpu.vector_load %arg9[%swap3A_589, %swap3A_590] {strides = array<i32>} : memref<64x256xf32, #tpu.memory_space<vmem>>, vector<1x16xf32>,
      %swap3A_592 = vector.shape_cast %swap3A_591 : vector<1x16xf32> to vector<16xf32>
      %swap3A_593 = vector.shape_cast %sub3A_588 : vector<16xf32> to vector<1x16xf32>
      tpu.vector_store %arg9[%swap3A_589, %swap3A_590], %swap3A_593 {strides = array<i32>} : memref<64x256xf32, #tpu.memory_space<vmem>>, vector<1x16xf32>,
      %mul3A_594 = arith.mulf %sub3A_588, %sub3A_588 : vector<16xf32>
      %add3A_595 = arith.addf %add3A_579, %mul3A_594 : vector<16xf32>
      %get3A_596 = arith.index_cast %scan3A_372 : i32 to index
      %get3A_597 = arith.constant 224 : index
      %get3A_598 = tpu.vector_load %arg9[%get3A_596, %get3A_597] {strides = array<i32>} : memref<64x256xf32, #tpu.memory_space<vmem>>, vector<1x16xf32>,
      %get3A_599 = vector.shape_cast %get3A_598 : vector<1x16xf32> to vector<16xf32>
      %get3A_600 = arith.index_cast %scan3A_372 : i32 to index
      %get3A_601 = arith.constant 224 : index
      %get3A_602 = tpu.vector_load %arg12[%get3A_600, %get3A_601] {strides = array<i32>} : memref<64x256xf32, #tpu.memory_space<vmem>>, vector<1x16xf32>,
      %get3A_603 = vector.shape_cast %get3A_602 : vector<1x16xf32> to vector<16xf32>
      %sub3A_604 = arith.subf %get3A_603, %get3A_599 : vector<16xf32>
      %swap3A_605 = arith.index_cast %scan3A_372 : i32 to index
      %swap3A_606 = arith.constant 224 : index
      %swap3A_607 = tpu.vector_load %arg9[%swap3A_605, %swap3A_606] {strides = array<i32>} : memref<64x256xf32, #tpu.memory_space<vmem>>, vector<1x16xf32>,
      %swap3A_608 = vector.shape_cast %swap3A_607 : vector<1x16xf32> to vector<16xf32>
      %swap3A_609 = vector.shape_cast %sub3A_604 : vector<16xf32> to vector<1x16xf32>
      tpu.vector_store %arg9[%swap3A_605, %swap3A_606], %swap3A_609 {strides = array<i32>} : memref<64x256xf32, #tpu.memory_space<vmem>>, vector<1x16xf32>,
      %mul3A_610 = arith.mulf %sub3A_604, %sub3A_604 : vector<16xf32>
      %add3A_611 = arith.addf %add3A_595, %mul3A_610 : vector<16xf32>
      %get3A_612 = arith.index_cast %scan3A_372 : i32 to index
      %get3A_613 = arith.constant 240 : index
      %get3A_614 = tpu.vector_load %arg9[%get3A_612, %get3A_613] {strides = array<i32>} : memref<64x256xf32, #tpu.memory_space<vmem>>, vector<1x16xf32>,
      %get3A_615 = vector.shape_cast %get3A_614 : vector<1x16xf32> to vector<16xf32>
      %get3A_616 = arith.index_cast %scan3A_372 : i32 to index
      %get3A_617 = arith.constant 240 : index
      %get3A_618 = tpu.vector_load %arg12[%get3A_616, %get3A_617] {strides = array<i32>} : memref<64x256xf32, #tpu.memory_space<vmem>>, vector<1x16xf32>,
      %get3A_619 = vector.shape_cast %get3A_618 : vector<1x16xf32> to vector<16xf32>
      %sub3A_620 = arith.subf %get3A_619, %get3A_615 : vector<16xf32>
      %swap3A_621 = arith.index_cast %scan3A_372 : i32 to index
      %swap3A_622 = arith.constant 240 : index
      %swap3A_623 = tpu.vector_load %arg9[%swap3A_621, %swap3A_622] {strides = array<i32>} : memref<64x256xf32, #tpu.memory_space<vmem>>, vector<1x16xf32>,
      %swap3A_624 = vector.shape_cast %swap3A_623 : vector<1x16xf32> to vector<16xf32>
      %swap3A_625 = vector.shape_cast %sub3A_620 : vector<16xf32> to vector<1x16xf32>
      tpu.vector_store %arg9[%swap3A_621, %swap3A_622], %swap3A_625 {strides = array<i32>} : memref<64x256xf32, #tpu.memory_space<vmem>>, vector<1x16xf32>,
      %mul3A_626 = arith.mulf %sub3A_620, %sub3A_620 : vector<16xf32>
      %add3A_627 = arith.addf %add3A_611, %mul3A_626 : vector<16xf32>
      scf.yield %add3A_627 : vector<16xf32>
    }
    %scan3A_46 = arith.constant 64 : i32
    %add3A_47 = arith.constant 0 : i32
    %add3A_48 = arith.addi %mul3A_2, %add3A_47 : i32
    %dma_start3A_49 = arith.constant 0 : i32
    %dma_start3A_50 = tpu.memref_slice %arg5[%add3A_48, %dma_start3A_49] : memref<16384x256xf32, #tpu.memory_space<hbm>> -> memref<64x256xf32, #tpu.memory_space<hbm>>
    %dma_start3A_51 = arith.constant 0 : i32
    %dma_start3A_52 = tpu.memref_slice %arg5[%add3A_48, %dma_start3A_51] : memref<16384x256xf32, #tpu.memory_space<hbm>> -> memref<64x256xf32, #tpu.memory_space<hbm>>
    tpu.enqueue_dma source(%arg12 : memref<64x256xf32, #tpu.memory_space<vmem>>) target(%dma_start3A_52 : memref<64x256xf32, #tpu.memory_space<hbm>>) target_semaphore(%arg25 : memref<!tpu.dma_semaphore, #tpu.memory_space<semaphore_mem>>)
    %add3A_53 = arith.constant 0 : i32
    %add3A_54 = arith.addi %mul3A_2, %add3A_53 : i32
    %dma_start3A_55 = arith.constant 0 : i32
    %dma_start3A_56 = tpu.memref_slice %arg6[%add3A_54, %dma_start3A_55] : memref<16384x256xf32, #tpu.memory_space<hbm>> -> memref<64x256xf32, #tpu.memory_space<hbm>>
    %dma_start3A_57 = arith.constant 0 : i32
    %dma_start3A_58 = tpu.memref_slice %arg6[%add3A_54, %dma_start3A_57] : memref<16384x256xf32, #tpu.memory_space<hbm>> -> memref<64x256xf32, #tpu.memory_space<hbm>>
    tpu.enqueue_dma source(%arg9 : memref<64x256xf32, #tpu.memory_space<vmem>>) target(%dma_start3A_58 : memref<64x256xf32, #tpu.memory_space<hbm>>) target_semaphore(%arg22 : memref<!tpu.dma_semaphore, #tpu.memory_space<semaphore_mem>>)
    %dma_wait3A_59 = arith.constant 0 : i32
    %dma_wait3A_60 = tpu.memref_slice %arg6[%add3A_54, %dma_wait3A_59] : memref<16384x256xf32, #tpu.memory_space<hbm>> -> memref<64x256xf32, #tpu.memory_space<hbm>>
    %dma_wait3A_61 = arith.constant 0 : i32
    %dma_wait3A_62 = tpu.memref_slice %arg6[%add3A_54, %dma_wait3A_61] : memref<16384x256xf32, #tpu.memory_space<hbm>> -> memref<64x256xf32, #tpu.memory_space<hbm>>
    tpu.wait_dma2 semaphore(%arg22 : memref<!tpu.dma_semaphore, #tpu.memory_space<semaphore_mem>>) src(%arg9 : memref<64x256xf32, #tpu.memory_space<vmem>>) dst(%dma_wait3A_62 : memref<64x256xf32, #tpu.memory_space<hbm>>)
    %dma_wait3A_63 = arith.constant 0 : i32
    %dma_wait3A_64 = tpu.memref_slice %arg5[%add3A_48, %dma_wait3A_63] : memref<16384x256xf32, #tpu.memory_space<hbm>> -> memref<64x256xf32, #tpu.memory_space<hbm>>
    %dma_wait3A_65 = arith.constant 0 : i32
    %dma_wait3A_66 = tpu.memref_slice %arg5[%add3A_48, %dma_wait3A_65] : memref<16384x256xf32, #tpu.memory_space<hbm>> -> memref<64x256xf32, #tpu.memory_space<hbm>>
    tpu.wait_dma2 semaphore(%arg25 : memref<!tpu.dma_semaphore, #tpu.memory_space<semaphore_mem>>) src(%arg12 : memref<64x256xf32, #tpu.memory_space<vmem>>) dst(%dma_wait3A_66 : memref<64x256xf32, #tpu.memory_space<hbm>>)
    %dma_start3A_67 = arith.constant 192 : i32
    %dma_start3A_68 = tpu.memref_slice %arg8[%dma_start3A_67] : memref<512xi32, #tpu.memory_space<vmem>> -> memref<64xi32, #tpu.memory_space<vmem>>
    %dma_start3A_69 = arith.constant 0 : i32
    %dma_start3A_70 = arith.constant 0 : i32
    %dma_start3A_71 = tpu.memref_slice %arg3[%dma_start3A_69, %dma_start3A_70] : memref<8192x256xf32, #tpu.memory_space<hbm>> -> memref<8192x256xf32, #tpu.memory_space<hbm>>
    tpu.enqueue_indirect_dma source(%dma_start3A_71 : memref<8192x256xf32, #tpu.memory_space<hbm>>) target(%arg9 : memref<64x256xf32, #tpu.memory_space<vmem>>) offsets(%dma_start3A_68 : memref<64xi32, #tpu.memory_space<vmem>>) semaphore(%arg16 : memref<!tpu.dma_semaphore, #tpu.memory_space<semaphore_mem>>)
    %dma_start3A_72 = arith.constant 192 : i32
    %dma_start3A_73 = tpu.memref_slice %arg8[%dma_start3A_72] : memref<512xi32, #tpu.memory_space<vmem>> -> memref<64xi32, #tpu.memory_space<vmem>>
    %dma_start3A_74 = arith.constant 0 : i32
    %dma_start3A_75 = arith.constant 0 : i32
    %dma_start3A_76 = tpu.memref_slice %arg4[%dma_start3A_74, %dma_start3A_75] : memref<8192x256xf32, #tpu.memory_space<hbm>> -> memref<8192x256xf32, #tpu.memory_space<hbm>>
    tpu.enqueue_indirect_dma source(%dma_start3A_76 : memref<8192x256xf32, #tpu.memory_space<hbm>>) target(%arg12 : memref<64x256xf32, #tpu.memory_space<vmem>>) offsets(%dma_start3A_73 : memref<64xi32, #tpu.memory_space<vmem>>) semaphore(%arg19 : memref<!tpu.dma_semaphore, #tpu.memory_space<semaphore_mem>>)
    %dma_wait3A_77 = arith.constant 64 : i32
    %dma_wait3A_78 = tpu.memref_slice %arg8[%dma_wait3A_77] : memref<512xi32, #tpu.memory_space<vmem>> -> memref<64xi32, #tpu.memory_space<vmem>>
    %dma_wait3A_79 = arith.constant 0 : i32
    %dma_wait3A_80 = arith.constant 0 : i32
    %dma_wait3A_81 = tpu.memref_slice %arg3[%dma_wait3A_79, %dma_wait3A_80] : memref<8192x256xf32, #tpu.memory_space<hbm>> -> memref<8192x256xf32, #tpu.memory_space<hbm>>
    tpu.wait_indirect_dma semaphore(%arg17 : memref<!tpu.dma_semaphore, #tpu.memory_space<semaphore_mem>>) src(%dma_wait3A_81 : memref<8192x256xf32, #tpu.memory_space<hbm>>) dst(%arg10 : memref<64x256xf32, #tpu.memory_space<vmem>>)
    %dma_wait3A_82 = arith.constant 64 : i32
    %dma_wait3A_83 = tpu.memref_slice %arg8[%dma_wait3A_82] : memref<512xi32, #tpu.memory_space<vmem>> -> memref<64xi32, #tpu.memory_space<vmem>>
    %dma_wait3A_84 = arith.constant 0 : i32
    %dma_wait3A_85 = arith.constant 0 : i32
    %dma_wait3A_86 = tpu.memref_slice %arg4[%dma_wait3A_84, %dma_wait3A_85] : memref<8192x256xf32, #tpu.memory_space<hbm>> -> memref<8192x256xf32, #tpu.memory_space<hbm>>
    tpu.wait_indirect_dma semaphore(%arg20 : memref<!tpu.dma_semaphore, #tpu.memory_space<semaphore_mem>>) src(%dma_wait3A_86 : memref<8192x256xf32, #tpu.memory_space<hbm>>) dst(%arg13 : memref<64x256xf32, #tpu.memory_space<vmem>>)
    %scan3A_87 = arith.constant 0 : i32
    %scan3A_88 = arith.constant 64 : i32
    %scan3A_89 = arith.addi %scan3A_87, %scan3A_88 : i32
    %scan3A_90 = arith.constant 1 : i32
    %scan3A_91 = scf.for %scan3A_372 = %scan3A_87 to %scan3A_89 step %scan3A_90 iter_args(%scan3A_373 = %scan3A_45) -> (vector<16xf32>)  : i32 {
      %get3A = arith.index_cast %scan3A_372 : i32 to index
      %get3A_374 = arith.constant 0 : index
      %get3A_375 = tpu.vector_load %arg10[%get3A, %get3A_374] {strides = array<i32>} : memref<64x256xf32, #tpu.memory_space<vmem>>, vector<1x16xf32>,
      %get3A_376 = vector.shape_cast %get3A_375 : vector<1x16xf32> to vector<16xf32>
      %get3A_377 = arith.index_cast %scan3A_372 : i32 to index
      %get3A_378 = arith.constant 0 : index
      %get3A_379 = tpu.vector_load %arg13[%get3A_377, %get3A_378] {strides = array<i32>} : memref<64x256xf32, #tpu.memory_space<vmem>>, vector<1x16xf32>,
      %get3A_380 = vector.shape_cast %get3A_379 : vector<1x16xf32> to vector<16xf32>
      %sub3A = arith.subf %get3A_380, %get3A_376 : vector<16xf32>
      %swap3A_381 = arith.index_cast %scan3A_372 : i32 to index
      %swap3A_382 = arith.constant 0 : index
      %swap3A_383 = tpu.vector_load %arg10[%swap3A_381, %swap3A_382] {strides = array<i32>} : memref<64x256xf32, #tpu.memory_space<vmem>>, vector<1x16xf32>,
      %swap3A_384 = vector.shape_cast %swap3A_383 : vector<1x16xf32> to vector<16xf32>
      %swap3A_385 = vector.shape_cast %sub3A : vector<16xf32> to vector<1x16xf32>
      tpu.vector_store %arg10[%swap3A_381, %swap3A_382], %swap3A_385 {strides = array<i32>} : memref<64x256xf32, #tpu.memory_space<vmem>>, vector<1x16xf32>,
      %mul3A_386 = arith.mulf %sub3A, %sub3A : vector<16xf32>
      %add3A_387 = arith.addf %scan3A_373, %mul3A_386 : vector<16xf32>
      %get3A_388 = arith.index_cast %scan3A_372 : i32 to index
      %get3A_389 = arith.constant 16 : index
      %get3A_390 = tpu.vector_load %arg10[%get3A_388, %get3A_389] {strides = array<i32>} : memref<64x256xf32, #tpu.memory_space<vmem>>, vector<1x16xf32>,
      %get3A_391 = vector.shape_cast %get3A_390 : vector<1x16xf32> to vector<16xf32>
      %get3A_392 = arith.index_cast %scan3A_372 : i32 to index
      %get3A_393 = arith.constant 16 : index
      %get3A_394 = tpu.vector_load %arg13[%get3A_392, %get3A_393] {strides = array<i32>} : memref<64x256xf32, #tpu.memory_space<vmem>>, vector<1x16xf32>,
      %get3A_395 = vector.shape_cast %get3A_394 : vector<1x16xf32> to vector<16xf32>
      %sub3A_396 = arith.subf %get3A_395, %get3A_391 : vector<16xf32>
      %swap3A_397 = arith.index_cast %scan3A_372 : i32 to index
      %swap3A_398 = arith.constant 16 : index
      %swap3A_399 = tpu.vector_load %arg10[%swap3A_397, %swap3A_398] {strides = array<i32>} : memref<64x256xf32, #tpu.memory_space<vmem>>, vector<1x16xf32>,
      %swap3A_400 = vector.shape_cast %swap3A_399 : vector<1x16xf32> to vector<16xf32>
      %swap3A_401 = vector.shape_cast %sub3A_396 : vector<16xf32> to vector<1x16xf32>
      tpu.vector_store %arg10[%swap3A_397, %swap3A_398], %swap3A_401 {strides = array<i32>} : memref<64x256xf32, #tpu.memory_space<vmem>>, vector<1x16xf32>,
      %mul3A_402 = arith.mulf %sub3A_396, %sub3A_396 : vector<16xf32>
      %add3A_403 = arith.addf %add3A_387, %mul3A_402 : vector<16xf32>
      %get3A_404 = arith.index_cast %scan3A_372 : i32 to index
      %get3A_405 = arith.constant 32 : index
      %get3A_406 = tpu.vector_load %arg10[%get3A_404, %get3A_405] {strides = array<i32>} : memref<64x256xf32, #tpu.memory_space<vmem>>, vector<1x16xf32>,
      %get3A_407 = vector.shape_cast %get3A_406 : vector<1x16xf32> to vector<16xf32>
      %get3A_408 = arith.index_cast %scan3A_372 : i32 to index
      %get3A_409 = arith.constant 32 : index
      %get3A_410 = tpu.vector_load %arg13[%get3A_408, %get3A_409] {strides = array<i32>} : memref<64x256xf32, #tpu.memory_space<vmem>>, vector<1x16xf32>,
      %get3A_411 = vector.shape_cast %get3A_410 : vector<1x16xf32> to vector<16xf32>
      %sub3A_412 = arith.subf %get3A_411, %get3A_407 : vector<16xf32>
      %swap3A_413 = arith.index_cast %scan3A_372 : i32 to index
      %swap3A_414 = arith.constant 32 : index
      %swap3A_415 = tpu.vector_load %arg10[%swap3A_413, %swap3A_414] {strides = array<i32>} : memref<64x256xf32, #tpu.memory_space<vmem>>, vector<1x16xf32>,
      %swap3A_416 = vector.shape_cast %swap3A_415 : vector<1x16xf32> to vector<16xf32>
      %swap3A_417 = vector.shape_cast %sub3A_412 : vector<16xf32> to vector<1x16xf32>
      tpu.vector_store %arg10[%swap3A_413, %swap3A_414], %swap3A_417 {strides = array<i32>} : memref<64x256xf32, #tpu.memory_space<vmem>>, vector<1x16xf32>,
      %mul3A_418 = arith.mulf %sub3A_412, %sub3A_412 : vector<16xf32>
      %add3A_419 = arith.addf %add3A_403, %mul3A_418 : vector<16xf32>
      %get3A_420 = arith.index_cast %scan3A_372 : i32 to index
      %get3A_421 = arith.constant 48 : index
      %get3A_422 = tpu.vector_load %arg10[%get3A_420, %get3A_421] {strides = array<i32>} : memref<64x256xf32, #tpu.memory_space<vmem>>, vector<1x16xf32>,
      %get3A_423 = vector.shape_cast %get3A_422 : vector<1x16xf32> to vector<16xf32>
      %get3A_424 = arith.index_cast %scan3A_372 : i32 to index
      %get3A_425 = arith.constant 48 : index
      %get3A_426 = tpu.vector_load %arg13[%get3A_424, %get3A_425] {strides = array<i32>} : memref<64x256xf32, #tpu.memory_space<vmem>>, vector<1x16xf32>,
      %get3A_427 = vector.shape_cast %get3A_426 : vector<1x16xf32> to vector<16xf32>
      %sub3A_428 = arith.subf %get3A_427, %get3A_423 : vector<16xf32>
      %swap3A_429 = arith.index_cast %scan3A_372 : i32 to index
      %swap3A_430 = arith.constant 48 : index
      %swap3A_431 = tpu.vector_load %arg10[%swap3A_429, %swap3A_430] {strides = array<i32>} : memref<64x256xf32, #tpu.memory_space<vmem>>, vector<1x16xf32>,
      %swap3A_432 = vector.shape_cast %swap3A_431 : vector<1x16xf32> to vector<16xf32>
      %swap3A_433 = vector.shape_cast %sub3A_428 : vector<16xf32> to vector<1x16xf32>
      tpu.vector_store %arg10[%swap3A_429, %swap3A_430], %swap3A_433 {strides = array<i32>} : memref<64x256xf32, #tpu.memory_space<vmem>>, vector<1x16xf32>,
      %mul3A_434 = arith.mulf %sub3A_428, %sub3A_428 : vector<16xf32>
      %add3A_435 = arith.addf %add3A_419, %mul3A_434 : vector<16xf32>
      %get3A_436 = arith.index_cast %scan3A_372 : i32 to index
      %get3A_437 = arith.constant 64 : index
      %get3A_438 = tpu.vector_load %arg10[%get3A_436, %get3A_437] {strides = array<i32>} : memref<64x256xf32, #tpu.memory_space<vmem>>, vector<1x16xf32>,
      %get3A_439 = vector.shape_cast %get3A_438 : vector<1x16xf32> to vector<16xf32>
      %get3A_440 = arith.index_cast %scan3A_372 : i32 to index
      %get3A_441 = arith.constant 64 : index
      %get3A_442 = tpu.vector_load %arg13[%get3A_440, %get3A_441] {strides = array<i32>} : memref<64x256xf32, #tpu.memory_space<vmem>>, vector<1x16xf32>,
      %get3A_443 = vector.shape_cast %get3A_442 : vector<1x16xf32> to vector<16xf32>
      %sub3A_444 = arith.subf %get3A_443, %get3A_439 : vector<16xf32>
      %swap3A_445 = arith.index_cast %scan3A_372 : i32 to index
      %swap3A_446 = arith.constant 64 : index
      %swap3A_447 = tpu.vector_load %arg10[%swap3A_445, %swap3A_446] {strides = array<i32>} : memref<64x256xf32, #tpu.memory_space<vmem>>, vector<1x16xf32>,
      %swap3A_448 = vector.shape_cast %swap3A_447 : vector<1x16xf32> to vector<16xf32>
      %swap3A_449 = vector.shape_cast %sub3A_444 : vector<16xf32> to vector<1x16xf32>
      tpu.vector_store %arg10[%swap3A_445, %swap3A_446], %swap3A_449 {strides = array<i32>} : memref<64x256xf32, #tpu.memory_space<vmem>>, vector<1x16xf32>,
      %mul3A_450 = arith.mulf %sub3A_444, %sub3A_444 : vector<16xf32>
      %add3A_451 = arith.addf %add3A_435, %mul3A_450 : vector<16xf32>
      %get3A_452 = arith.index_cast %scan3A_372 : i32 to index
      %get3A_453 = arith.constant 80 : index
      %get3A_454 = tpu.vector_load %arg10[%get3A_452, %get3A_453] {strides = array<i32>} : memref<64x256xf32, #tpu.memory_space<vmem>>, vector<1x16xf32>,
      %get3A_455 = vector.shape_cast %get3A_454 : vector<1x16xf32> to vector<16xf32>
      %get3A_456 = arith.index_cast %scan3A_372 : i32 to index
      %get3A_457 = arith.constant 80 : index
      %get3A_458 = tpu.vector_load %arg13[%get3A_456, %get3A_457] {strides = array<i32>} : memref<64x256xf32, #tpu.memory_space<vmem>>, vector<1x16xf32>,
      %get3A_459 = vector.shape_cast %get3A_458 : vector<1x16xf32> to vector<16xf32>
      %sub3A_460 = arith.subf %get3A_459, %get3A_455 : vector<16xf32>
      %swap3A_461 = arith.index_cast %scan3A_372 : i32 to index
      %swap3A_462 = arith.constant 80 : index
      %swap3A_463 = tpu.vector_load %arg10[%swap3A_461, %swap3A_462] {strides = array<i32>} : memref<64x256xf32, #tpu.memory_space<vmem>>, vector<1x16xf32>,
      %swap3A_464 = vector.shape_cast %swap3A_463 : vector<1x16xf32> to vector<16xf32>
      %swap3A_465 = vector.shape_cast %sub3A_460 : vector<16xf32> to vector<1x16xf32>
      tpu.vector_store %arg10[%swap3A_461, %swap3A_462], %swap3A_465 {strides = array<i32>} : memref<64x256xf32, #tpu.memory_space<vmem>>, vector<1x16xf32>,
      %mul3A_466 = arith.mulf %sub3A_460, %sub3A_460 : vector<16xf32>
      %add3A_467 = arith.addf %add3A_451, %mul3A_466 : vector<16xf32>
      %get3A_468 = arith.index_cast %scan3A_372 : i32 to index
      %get3A_469 = arith.constant 96 : index
      %get3A_470 = tpu.vector_load %arg10[%get3A_468, %get3A_469] {strides = array<i32>} : memref<64x256xf32, #tpu.memory_space<vmem>>, vector<1x16xf32>,
      %get3A_471 = vector.shape_cast %get3A_470 : vector<1x16xf32> to vector<16xf32>
      %get3A_472 = arith.index_cast %scan3A_372 : i32 to index
      %get3A_473 = arith.constant 96 : index
      %get3A_474 = tpu.vector_load %arg13[%get3A_472, %get3A_473] {strides = array<i32>} : memref<64x256xf32, #tpu.memory_space<vmem>>, vector<1x16xf32>,
      %get3A_475 = vector.shape_cast %get3A_474 : vector<1x16xf32> to vector<16xf32>
      %sub3A_476 = arith.subf %get3A_475, %get3A_471 : vector<16xf32>
      %swap3A_477 = arith.index_cast %scan3A_372 : i32 to index
      %swap3A_478 = arith.constant 96 : index
      %swap3A_479 = tpu.vector_load %arg10[%swap3A_477, %swap3A_478] {strides = array<i32>} : memref<64x256xf32, #tpu.memory_space<vmem>>, vector<1x16xf32>,
      %swap3A_480 = vector.shape_cast %swap3A_479 : vector<1x16xf32> to vector<16xf32>
      %swap3A_481 = vector.shape_cast %sub3A_476 : vector<16xf32> to vector<1x16xf32>
      tpu.vector_store %arg10[%swap3A_477, %swap3A_478], %swap3A_481 {strides = array<i32>} : memref<64x256xf32, #tpu.memory_space<vmem>>, vector<1x16xf32>,
      %mul3A_482 = arith.mulf %sub3A_476, %sub3A_476 : vector<16xf32>
      %add3A_483 = arith.addf %add3A_467, %mul3A_482 : vector<16xf32>
      %get3A_484 = arith.index_cast %scan3A_372 : i32 to index
      %get3A_485 = arith.constant 112 : index
      %get3A_486 = tpu.vector_load %arg10[%get3A_484, %get3A_485] {strides = array<i32>} : memref<64x256xf32, #tpu.memory_space<vmem>>, vector<1x16xf32>,
      %get3A_487 = vector.shape_cast %get3A_486 : vector<1x16xf32> to vector<16xf32>
      %get3A_488 = arith.index_cast %scan3A_372 : i32 to index
      %get3A_489 = arith.constant 112 : index
      %get3A_490 = tpu.vector_load %arg13[%get3A_488, %get3A_489] {strides = array<i32>} : memref<64x256xf32, #tpu.memory_space<vmem>>, vector<1x16xf32>,
      %get3A_491 = vector.shape_cast %get3A_490 : vector<1x16xf32> to vector<16xf32>
      %sub3A_492 = arith.subf %get3A_491, %get3A_487 : vector<16xf32>
      %swap3A_493 = arith.index_cast %scan3A_372 : i32 to index
      %swap3A_494 = arith.constant 112 : index
      %swap3A_495 = tpu.vector_load %arg10[%swap3A_493, %swap3A_494] {strides = array<i32>} : memref<64x256xf32, #tpu.memory_space<vmem>>, vector<1x16xf32>,
      %swap3A_496 = vector.shape_cast %swap3A_495 : vector<1x16xf32> to vector<16xf32>
      %swap3A_497 = vector.shape_cast %sub3A_492 : vector<16xf32> to vector<1x16xf32>
      tpu.vector_store %arg10[%swap3A_493, %swap3A_494], %swap3A_497 {strides = array<i32>} : memref<64x256xf32, #tpu.memory_space<vmem>>, vector<1x16xf32>,
      %mul3A_498 = arith.mulf %sub3A_492, %sub3A_492 : vector<16xf32>
      %add3A_499 = arith.addf %add3A_483, %mul3A_498 : vector<16xf32>
      %get3A_500 = arith.index_cast %scan3A_372 : i32 to index
      %get3A_501 = arith.constant 128 : index
      %get3A_502 = tpu.vector_load %arg10[%get3A_500, %get3A_501] {strides = array<i32>} : memref<64x256xf32, #tpu.memory_space<vmem>>, vector<1x16xf32>,
      %get3A_503 = vector.shape_cast %get3A_502 : vector<1x16xf32> to vector<16xf32>
      %get3A_504 = arith.index_cast %scan3A_372 : i32 to index
      %get3A_505 = arith.constant 128 : index
      %get3A_506 = tpu.vector_load %arg13[%get3A_504, %get3A_505] {strides = array<i32>} : memref<64x256xf32, #tpu.memory_space<vmem>>, vector<1x16xf32>,
      %get3A_507 = vector.shape_cast %get3A_506 : vector<1x16xf32> to vector<16xf32>
      %sub3A_508 = arith.subf %get3A_507, %get3A_503 : vector<16xf32>
      %swap3A_509 = arith.index_cast %scan3A_372 : i32 to index
      %swap3A_510 = arith.constant 128 : index
      %swap3A_511 = tpu.vector_load %arg10[%swap3A_509, %swap3A_510] {strides = array<i32>} : memref<64x256xf32, #tpu.memory_space<vmem>>, vector<1x16xf32>,
      %swap3A_512 = vector.shape_cast %swap3A_511 : vector<1x16xf32> to vector<16xf32>
      %swap3A_513 = vector.shape_cast %sub3A_508 : vector<16xf32> to vector<1x16xf32>
      tpu.vector_store %arg10[%swap3A_509, %swap3A_510], %swap3A_513 {strides = array<i32>} : memref<64x256xf32, #tpu.memory_space<vmem>>, vector<1x16xf32>,
      %mul3A_514 = arith.mulf %sub3A_508, %sub3A_508 : vector<16xf32>
      %add3A_515 = arith.addf %add3A_499, %mul3A_514 : vector<16xf32>
      %get3A_516 = arith.index_cast %scan3A_372 : i32 to index
      %get3A_517 = arith.constant 144 : index
      %get3A_518 = tpu.vector_load %arg10[%get3A_516, %get3A_517] {strides = array<i32>} : memref<64x256xf32, #tpu.memory_space<vmem>>, vector<1x16xf32>,
      %get3A_519 = vector.shape_cast %get3A_518 : vector<1x16xf32> to vector<16xf32>
      %get3A_520 = arith.index_cast %scan3A_372 : i32 to index
      %get3A_521 = arith.constant 144 : index
      %get3A_522 = tpu.vector_load %arg13[%get3A_520, %get3A_521] {strides = array<i32>} : memref<64x256xf32, #tpu.memory_space<vmem>>, vector<1x16xf32>,
      %get3A_523 = vector.shape_cast %get3A_522 : vector<1x16xf32> to vector<16xf32>
      %sub3A_524 = arith.subf %get3A_523, %get3A_519 : vector<16xf32>
      %swap3A_525 = arith.index_cast %scan3A_372 : i32 to index
      %swap3A_526 = arith.constant 144 : index
      %swap3A_527 = tpu.vector_load %arg10[%swap3A_525, %swap3A_526] {strides = array<i32>} : memref<64x256xf32, #tpu.memory_space<vmem>>, vector<1x16xf32>,
      %swap3A_528 = vector.shape_cast %swap3A_527 : vector<1x16xf32> to vector<16xf32>
      %swap3A_529 = vector.shape_cast %sub3A_524 : vector<16xf32> to vector<1x16xf32>
      tpu.vector_store %arg10[%swap3A_525, %swap3A_526], %swap3A_529 {strides = array<i32>} : memref<64x256xf32, #tpu.memory_space<vmem>>, vector<1x16xf32>,
      %mul3A_530 = arith.mulf %sub3A_524, %sub3A_524 : vector<16xf32>
      %add3A_531 = arith.addf %add3A_515, %mul3A_530 : vector<16xf32>
      %get3A_532 = arith.index_cast %scan3A_372 : i32 to index
      %get3A_533 = arith.constant 160 : index
      %get3A_534 = tpu.vector_load %arg10[%get3A_532, %get3A_533] {strides = array<i32>} : memref<64x256xf32, #tpu.memory_space<vmem>>, vector<1x16xf32>,
      %get3A_535 = vector.shape_cast %get3A_534 : vector<1x16xf32> to vector<16xf32>
      %get3A_536 = arith.index_cast %scan3A_372 : i32 to index
      %get3A_537 = arith.constant 160 : index
      %get3A_538 = tpu.vector_load %arg13[%get3A_536, %get3A_537] {strides = array<i32>} : memref<64x256xf32, #tpu.memory_space<vmem>>, vector<1x16xf32>,
      %get3A_539 = vector.shape_cast %get3A_538 : vector<1x16xf32> to vector<16xf32>
      %sub3A_540 = arith.subf %get3A_539, %get3A_535 : vector<16xf32>
      %swap3A_541 = arith.index_cast %scan3A_372 : i32 to index
      %swap3A_542 = arith.constant 160 : index
      %swap3A_543 = tpu.vector_load %arg10[%swap3A_541, %swap3A_542] {strides = array<i32>} : memref<64x256xf32, #tpu.memory_space<vmem>>, vector<1x16xf32>,
      %swap3A_544 = vector.shape_cast %swap3A_543 : vector<1x16xf32> to vector<16xf32>
      %swap3A_545 = vector.shape_cast %sub3A_540 : vector<16xf32> to vector<1x16xf32>
      tpu.vector_store %arg10[%swap3A_541, %swap3A_542], %swap3A_545 {strides = array<i32>} : memref<64x256xf32, #tpu.memory_space<vmem>>, vector<1x16xf32>,
      %mul3A_546 = arith.mulf %sub3A_540, %sub3A_540 : vector<16xf32>
      %add3A_547 = arith.addf %add3A_531, %mul3A_546 : vector<16xf32>
      %get3A_548 = arith.index_cast %scan3A_372 : i32 to index
      %get3A_549 = arith.constant 176 : index
      %get3A_550 = tpu.vector_load %arg10[%get3A_548, %get3A_549] {strides = array<i32>} : memref<64x256xf32, #tpu.memory_space<vmem>>, vector<1x16xf32>,
      %get3A_551 = vector.shape_cast %get3A_550 : vector<1x16xf32> to vector<16xf32>
      %get3A_552 = arith.index_cast %scan3A_372 : i32 to index
      %get3A_553 = arith.constant 176 : index
      %get3A_554 = tpu.vector_load %arg13[%get3A_552, %get3A_553] {strides = array<i32>} : memref<64x256xf32, #tpu.memory_space<vmem>>, vector<1x16xf32>,
      %get3A_555 = vector.shape_cast %get3A_554 : vector<1x16xf32> to vector<16xf32>
      %sub3A_556 = arith.subf %get3A_555, %get3A_551 : vector<16xf32>
      %swap3A_557 = arith.index_cast %scan3A_372 : i32 to index
      %swap3A_558 = arith.constant 176 : index
      %swap3A_559 = tpu.vector_load %arg10[%swap3A_557, %swap3A_558] {strides = array<i32>} : memref<64x256xf32, #tpu.memory_space<vmem>>, vector<1x16xf32>,
      %swap3A_560 = vector.shape_cast %swap3A_559 : vector<1x16xf32> to vector<16xf32>
      %swap3A_561 = vector.shape_cast %sub3A_556 : vector<16xf32> to vector<1x16xf32>
      tpu.vector_store %arg10[%swap3A_557, %swap3A_558], %swap3A_561 {strides = array<i32>} : memref<64x256xf32, #tpu.memory_space<vmem>>, vector<1x16xf32>,
      %mul3A_562 = arith.mulf %sub3A_556, %sub3A_556 : vector<16xf32>
      %add3A_563 = arith.addf %add3A_547, %mul3A_562 : vector<16xf32>
      %get3A_564 = arith.index_cast %scan3A_372 : i32 to index
      %get3A_565 = arith.constant 192 : index
      %get3A_566 = tpu.vector_load %arg10[%get3A_564, %get3A_565] {strides = array<i32>} : memref<64x256xf32, #tpu.memory_space<vmem>>, vector<1x16xf32>,
      %get3A_567 = vector.shape_cast %get3A_566 : vector<1x16xf32> to vector<16xf32>
      %get3A_568 = arith.index_cast %scan3A_372 : i32 to index
      %get3A_569 = arith.constant 192 : index
      %get3A_570 = tpu.vector_load %arg13[%get3A_568, %get3A_569] {strides = array<i32>} : memref<64x256xf32, #tpu.memory_space<vmem>>, vector<1x16xf32>,
      %get3A_571 = vector.shape_cast %get3A_570 : vector<1x16xf32> to vector<16xf32>
      %sub3A_572 = arith.subf %get3A_571, %get3A_567 : vector<16xf32>
      %swap3A_573 = arith.index_cast %scan3A_372 : i32 to index
      %swap3A_574 = arith.constant 192 : index
      %swap3A_575 = tpu.vector_load %arg10[%swap3A_573, %swap3A_574] {strides = array<i32>} : memref<64x256xf32, #tpu.memory_space<vmem>>, vector<1x16xf32>,
      %swap3A_576 = vector.shape_cast %swap3A_575 : vector<1x16xf32> to vector<16xf32>
      %swap3A_577 = vector.shape_cast %sub3A_572 : vector<16xf32> to vector<1x16xf32>
      tpu.vector_store %arg10[%swap3A_573, %swap3A_574], %swap3A_577 {strides = array<i32>} : memref<64x256xf32, #tpu.memory_space<vmem>>, vector<1x16xf32>,
      %mul3A_578 = arith.mulf %sub3A_572, %sub3A_572 : vector<16xf32>
      %add3A_579 = arith.addf %add3A_563, %mul3A_578 : vector<16xf32>
      %get3A_580 = arith.index_cast %scan3A_372 : i32 to index
      %get3A_581 = arith.constant 208 : index
      %get3A_582 = tpu.vector_load %arg10[%get3A_580, %get3A_581] {strides = array<i32>} : memref<64x256xf32, #tpu.memory_space<vmem>>, vector<1x16xf32>,
      %get3A_583 = vector.shape_cast %get3A_582 : vector<1x16xf32> to vector<16xf32>
      %get3A_584 = arith.index_cast %scan3A_372 : i32 to index
      %get3A_585 = arith.constant 208 : index
      %get3A_586 = tpu.vector_load %arg13[%get3A_584, %get3A_585] {strides = array<i32>} : memref<64x256xf32, #tpu.memory_space<vmem>>, vector<1x16xf32>,
      %get3A_587 = vector.shape_cast %get3A_586 : vector<1x16xf32> to vector<16xf32>
      %sub3A_588 = arith.subf %get3A_587, %get3A_583 : vector<16xf32>
      %swap3A_589 = arith.index_cast %scan3A_372 : i32 to index
      %swap3A_590 = arith.constant 208 : index
      %swap3A_591 = tpu.vector_load %arg10[%swap3A_589, %swap3A_590] {strides = array<i32>} : memref<64x256xf32, #tpu.memory_space<vmem>>, vector<1x16xf32>,
      %swap3A_592 = vector.shape_cast %swap3A_591 : vector<1x16xf32> to vector<16xf32>
      %swap3A_593 = vector.shape_cast %sub3A_588 : vector<16xf32> to vector<1x16xf32>
      tpu.vector_store %arg10[%swap3A_589, %swap3A_590], %swap3A_593 {strides = array<i32>} : memref<64x256xf32, #tpu.memory_space<vmem>>, vector<1x16xf32>,
      %mul3A_594 = arith.mulf %sub3A_588, %sub3A_588 : vector<16xf32>
      %add3A_595 = arith.addf %add3A_579, %mul3A_594 : vector<16xf32>
      %get3A_596 = arith.index_cast %scan3A_372 : i32 to index
      %get3A_597 = arith.constant 224 : index
      %get3A_598 = tpu.vector_load %arg10[%get3A_596, %get3A_597] {strides = array<i32>} : memref<64x256xf32, #tpu.memory_space<vmem>>, vector<1x16xf32>,
      %get3A_599 = vector.shape_cast %get3A_598 : vector<1x16xf32> to vector<16xf32>
      %get3A_600 = arith.index_cast %scan3A_372 : i32 to index
      %get3A_601 = arith.constant 224 : index
      %get3A_602 = tpu.vector_load %arg13[%get3A_600, %get3A_601] {strides = array<i32>} : memref<64x256xf32, #tpu.memory_space<vmem>>, vector<1x16xf32>,
      %get3A_603 = vector.shape_cast %get3A_602 : vector<1x16xf32> to vector<16xf32>
      %sub3A_604 = arith.subf %get3A_603, %get3A_599 : vector<16xf32>
      %swap3A_605 = arith.index_cast %scan3A_372 : i32 to index
      %swap3A_606 = arith.constant 224 : index
      %swap3A_607 = tpu.vector_load %arg10[%swap3A_605, %swap3A_606] {strides = array<i32>} : memref<64x256xf32, #tpu.memory_space<vmem>>, vector<1x16xf32>,
      %swap3A_608 = vector.shape_cast %swap3A_607 : vector<1x16xf32> to vector<16xf32>
      %swap3A_609 = vector.shape_cast %sub3A_604 : vector<16xf32> to vector<1x16xf32>
      tpu.vector_store %arg10[%swap3A_605, %swap3A_606], %swap3A_609 {strides = array<i32>} : memref<64x256xf32, #tpu.memory_space<vmem>>, vector<1x16xf32>,
      %mul3A_610 = arith.mulf %sub3A_604, %sub3A_604 : vector<16xf32>
      %add3A_611 = arith.addf %add3A_595, %mul3A_610 : vector<16xf32>
      %get3A_612 = arith.index_cast %scan3A_372 : i32 to index
      %get3A_613 = arith.constant 240 : index
      %get3A_614 = tpu.vector_load %arg10[%get3A_612, %get3A_613] {strides = array<i32>} : memref<64x256xf32, #tpu.memory_space<vmem>>, vector<1x16xf32>,
      %get3A_615 = vector.shape_cast %get3A_614 : vector<1x16xf32> to vector<16xf32>
      %get3A_616 = arith.index_cast %scan3A_372 : i32 to index
      %get3A_617 = arith.constant 240 : index
      %get3A_618 = tpu.vector_load %arg13[%get3A_616, %get3A_617] {strides = array<i32>} : memref<64x256xf32, #tpu.memory_space<vmem>>, vector<1x16xf32>,
      %get3A_619 = vector.shape_cast %get3A_618 : vector<1x16xf32> to vector<16xf32>
      %sub3A_620 = arith.subf %get3A_619, %get3A_615 : vector<16xf32>
      %swap3A_621 = arith.index_cast %scan3A_372 : i32 to index
      %swap3A_622 = arith.constant 240 : index
      %swap3A_623 = tpu.vector_load %arg10[%swap3A_621, %swap3A_622] {strides = array<i32>} : memref<64x256xf32, #tpu.memory_space<vmem>>, vector<1x16xf32>,
      %swap3A_624 = vector.shape_cast %swap3A_623 : vector<1x16xf32> to vector<16xf32>
      %swap3A_625 = vector.shape_cast %sub3A_620 : vector<16xf32> to vector<1x16xf32>
      tpu.vector_store %arg10[%swap3A_621, %swap3A_622], %swap3A_625 {strides = array<i32>} : memref<64x256xf32, #tpu.memory_space<vmem>>, vector<1x16xf32>,
      %mul3A_626 = arith.mulf %sub3A_620, %sub3A_620 : vector<16xf32>
      %add3A_627 = arith.addf %add3A_611, %mul3A_626 : vector<16xf32>
      scf.yield %add3A_627 : vector<16xf32>
    }
    %scan3A_92 = arith.constant 64 : i32
    %add3A_93 = arith.constant 64 : i32
    %add3A_94 = arith.addi %mul3A_2, %add3A_93 : i32
    %dma_start3A_95 = arith.constant 0 : i32
    %dma_start3A_96 = tpu.memref_slice %arg5[%add3A_94, %dma_start3A_95] : memref<16384x256xf32, #tpu.memory_space<hbm>> -> memref<64x256xf32, #tpu.memory_space<hbm>>
    %dma_start3A_97 = arith.constant 0 : i32
    %dma_start3A_98 = tpu.memref_slice %arg5[%add3A_94, %dma_start3A_97] : memref<16384x256xf32, #tpu.memory_space<hbm>> -> memref<64x256xf32, #tpu.memory_space<hbm>>
    tpu.enqueue_dma source(%arg13 : memref<64x256xf32, #tpu.memory_space<vmem>>) target(%dma_start3A_98 : memref<64x256xf32, #tpu.memory_space<hbm>>) target_semaphore(%arg26 : memref<!tpu.dma_semaphore, #tpu.memory_space<semaphore_mem>>)
    %add3A_99 = arith.constant 64 : i32
    %add3A_100 = arith.addi %mul3A_2, %add3A_99 : i32
    %dma_start3A_101 = arith.constant 0 : i32
    %dma_start3A_102 = tpu.memref_slice %arg6[%add3A_100, %dma_start3A_101] : memref<16384x256xf32, #tpu.memory_space<hbm>> -> memref<64x256xf32, #tpu.memory_space<hbm>>
    %dma_start3A_103 = arith.constant 0 : i32
    %dma_start3A_104 = tpu.memref_slice %arg6[%add3A_100, %dma_start3A_103] : memref<16384x256xf32, #tpu.memory_space<hbm>> -> memref<64x256xf32, #tpu.memory_space<hbm>>
    tpu.enqueue_dma source(%arg10 : memref<64x256xf32, #tpu.memory_space<vmem>>) target(%dma_start3A_104 : memref<64x256xf32, #tpu.memory_space<hbm>>) target_semaphore(%arg23 : memref<!tpu.dma_semaphore, #tpu.memory_space<semaphore_mem>>)
    %dma_wait3A_105 = arith.constant 0 : i32
    %dma_wait3A_106 = tpu.memref_slice %arg6[%add3A_100, %dma_wait3A_105] : memref<16384x256xf32, #tpu.memory_space<hbm>> -> memref<64x256xf32, #tpu.memory_space<hbm>>
    %dma_wait3A_107 = arith.constant 0 : i32
    %dma_wait3A_108 = tpu.memref_slice %arg6[%add3A_100, %dma_wait3A_107] : memref<16384x256xf32, #tpu.memory_space<hbm>> -> memref<64x256xf32, #tpu.memory_space<hbm>>
    tpu.wait_dma2 semaphore(%arg23 : memref<!tpu.dma_semaphore, #tpu.memory_space<semaphore_mem>>) src(%arg10 : memref<64x256xf32, #tpu.memory_space<vmem>>) dst(%dma_wait3A_108 : memref<64x256xf32, #tpu.memory_space<hbm>>)
    %dma_wait3A_109 = arith.constant 0 : i32
    %dma_wait3A_110 = tpu.memref_slice %arg5[%add3A_94, %dma_wait3A_109] : memref<16384x256xf32, #tpu.memory_space<hbm>> -> memref<64x256xf32, #tpu.memory_space<hbm>>
    %dma_wait3A_111 = arith.constant 0 : i32
    %dma_wait3A_112 = tpu.memref_slice %arg5[%add3A_94, %dma_wait3A_111] : memref<16384x256xf32, #tpu.memory_space<hbm>> -> memref<64x256xf32, #tpu.memory_space<hbm>>
    tpu.wait_dma2 semaphore(%arg26 : memref<!tpu.dma_semaphore, #tpu.memory_space<semaphore_mem>>) src(%arg13 : memref<64x256xf32, #tpu.memory_space<vmem>>) dst(%dma_wait3A_112 : memref<64x256xf32, #tpu.memory_space<hbm>>)
    %dma_start3A_113 = arith.constant 256 : i32
    %dma_start3A_114 = tpu.memref_slice %arg8[%dma_start3A_113] : memref<512xi32, #tpu.memory_space<vmem>> -> memref<64xi32, #tpu.memory_space<vmem>>
    %dma_start3A_115 = arith.constant 0 : i32
    %dma_start3A_116 = arith.constant 0 : i32
    %dma_start3A_117 = tpu.memref_slice %arg3[%dma_start3A_115, %dma_start3A_116] : memref<8192x256xf32, #tpu.memory_space<hbm>> -> memref<8192x256xf32, #tpu.memory_space<hbm>>
    tpu.enqueue_indirect_dma source(%dma_start3A_117 : memref<8192x256xf32, #tpu.memory_space<hbm>>) target(%arg10 : memref<64x256xf32, #tpu.memory_space<vmem>>) offsets(%dma_start3A_114 : memref<64xi32, #tpu.memory_space<vmem>>) semaphore(%arg17 : memref<!tpu.dma_semaphore, #tpu.memory_space<semaphore_mem>>)
    %dma_start3A_118 = arith.constant 256 : i32
    %dma_start3A_119 = tpu.memref_slice %arg8[%dma_start3A_118] : memref<512xi32, #tpu.memory_space<vmem>> -> memref<64xi32, #tpu.memory_space<vmem>>
    %dma_start3A_120 = arith.constant 0 : i32
    %dma_start3A_121 = arith.constant 0 : i32
    %dma_start3A_122 = tpu.memref_slice %arg4[%dma_start3A_120, %dma_start3A_121] : memref<8192x256xf32, #tpu.memory_space<hbm>> -> memref<8192x256xf32, #tpu.memory_space<hbm>>
    tpu.enqueue_indirect_dma source(%dma_start3A_122 : memref<8192x256xf32, #tpu.memory_space<hbm>>) target(%arg13 : memref<64x256xf32, #tpu.memory_space<vmem>>) offsets(%dma_start3A_119 : memref<64xi32, #tpu.memory_space<vmem>>) semaphore(%arg20 : memref<!tpu.dma_semaphore, #tpu.memory_space<semaphore_mem>>)
    %dma_wait3A_123 = arith.constant 128 : i32
    %dma_wait3A_124 = tpu.memref_slice %arg8[%dma_wait3A_123] : memref<512xi32, #tpu.memory_space<vmem>> -> memref<64xi32, #tpu.memory_space<vmem>>
    %dma_wait3A_125 = arith.constant 0 : i32
    %dma_wait3A_126 = arith.constant 0 : i32
    %dma_wait3A_127 = tpu.memref_slice %arg3[%dma_wait3A_125, %dma_wait3A_126] : memref<8192x256xf32, #tpu.memory_space<hbm>> -> memref<8192x256xf32, #tpu.memory_space<hbm>>
    tpu.wait_indirect_dma semaphore(%arg18 : memref<!tpu.dma_semaphore, #tpu.memory_space<semaphore_mem>>) src(%dma_wait3A_127 : memref<8192x256xf32, #tpu.memory_space<hbm>>) dst(%arg11 : memref<64x256xf32, #tpu.memory_space<vmem>>)
    %dma_wait3A_128 = arith.constant 128 : i32
    %dma_wait3A_129 = tpu.memref_slice %arg8[%dma_wait3A_128] : memref<512xi32, #tpu.memory_space<vmem>> -> memref<64xi32, #tpu.memory_space<vmem>>
    %dma_wait3A_130 = arith.constant 0 : i32
    %dma_wait3A_131 = arith.constant 0 : i32
    %dma_wait3A_132 = tpu.memref_slice %arg4[%dma_wait3A_130, %dma_wait3A_131] : memref<8192x256xf32, #tpu.memory_space<hbm>> -> memref<8192x256xf32, #tpu.memory_space<hbm>>
    tpu.wait_indirect_dma semaphore(%arg21 : memref<!tpu.dma_semaphore, #tpu.memory_space<semaphore_mem>>) src(%dma_wait3A_132 : memref<8192x256xf32, #tpu.memory_space<hbm>>) dst(%arg14 : memref<64x256xf32, #tpu.memory_space<vmem>>)
    %scan3A_133 = arith.constant 0 : i32
    %scan3A_134 = arith.constant 64 : i32
    %scan3A_135 = arith.addi %scan3A_133, %scan3A_134 : i32
    %scan3A_136 = arith.constant 1 : i32
    %scan3A_137 = scf.for %scan3A_372 = %scan3A_133 to %scan3A_135 step %scan3A_136 iter_args(%scan3A_373 = %scan3A_91) -> (vector<16xf32>)  : i32 {
      %get3A = arith.index_cast %scan3A_372 : i32 to index
      %get3A_374 = arith.constant 0 : index
      %get3A_375 = tpu.vector_load %arg11[%get3A, %get3A_374] {strides = array<i32>} : memref<64x256xf32, #tpu.memory_space<vmem>>, vector<1x16xf32>,
      %get3A_376 = vector.shape_cast %get3A_375 : vector<1x16xf32> to vector<16xf32>
      %get3A_377 = arith.index_cast %scan3A_372 : i32 to index
      %get3A_378 = arith.constant 0 : index
      %get3A_379 = tpu.vector_load %arg14[%get3A_377, %get3A_378] {strides = array<i32>} : memref<64x256xf32, #tpu.memory_space<vmem>>, vector<1x16xf32>,
      %get3A_380 = vector.shape_cast %get3A_379 : vector<1x16xf32> to vector<16xf32>
      %sub3A = arith.subf %get3A_380, %get3A_376 : vector<16xf32>
      %swap3A_381 = arith.index_cast %scan3A_372 : i32 to index
      %swap3A_382 = arith.constant 0 : index
      %swap3A_383 = tpu.vector_load %arg11[%swap3A_381, %swap3A_382] {strides = array<i32>} : memref<64x256xf32, #tpu.memory_space<vmem>>, vector<1x16xf32>,
      %swap3A_384 = vector.shape_cast %swap3A_383 : vector<1x16xf32> to vector<16xf32>
      %swap3A_385 = vector.shape_cast %sub3A : vector<16xf32> to vector<1x16xf32>
      tpu.vector_store %arg11[%swap3A_381, %swap3A_382], %swap3A_385 {strides = array<i32>} : memref<64x256xf32, #tpu.memory_space<vmem>>, vector<1x16xf32>,
      %mul3A_386 = arith.mulf %sub3A, %sub3A : vector<16xf32>
      %add3A_387 = arith.addf %scan3A_373, %mul3A_386 : vector<16xf32>
      %get3A_388 = arith.index_cast %scan3A_372 : i32 to index
      %get3A_389 = arith.constant 16 : index
      %get3A_390 = tpu.vector_load %arg11[%get3A_388, %get3A_389] {strides = array<i32>} : memref<64x256xf32, #tpu.memory_space<vmem>>, vector<1x16xf32>,
      %get3A_391 = vector.shape_cast %get3A_390 : vector<1x16xf32> to vector<16xf32>
      %get3A_392 = arith.index_cast %scan3A_372 : i32 to index
      %get3A_393 = arith.constant 16 : index
      %get3A_394 = tpu.vector_load %arg14[%get3A_392, %get3A_393] {strides = array<i32>} : memref<64x256xf32, #tpu.memory_space<vmem>>, vector<1x16xf32>,
      %get3A_395 = vector.shape_cast %get3A_394 : vector<1x16xf32> to vector<16xf32>
      %sub3A_396 = arith.subf %get3A_395, %get3A_391 : vector<16xf32>
      %swap3A_397 = arith.index_cast %scan3A_372 : i32 to index
      %swap3A_398 = arith.constant 16 : index
      %swap3A_399 = tpu.vector_load %arg11[%swap3A_397, %swap3A_398] {strides = array<i32>} : memref<64x256xf32, #tpu.memory_space<vmem>>, vector<1x16xf32>,
      %swap3A_400 = vector.shape_cast %swap3A_399 : vector<1x16xf32> to vector<16xf32>
      %swap3A_401 = vector.shape_cast %sub3A_396 : vector<16xf32> to vector<1x16xf32>
      tpu.vector_store %arg11[%swap3A_397, %swap3A_398], %swap3A_401 {strides = array<i32>} : memref<64x256xf32, #tpu.memory_space<vmem>>, vector<1x16xf32>,
      %mul3A_402 = arith.mulf %sub3A_396, %sub3A_396 : vector<16xf32>
      %add3A_403 = arith.addf %add3A_387, %mul3A_402 : vector<16xf32>
      %get3A_404 = arith.index_cast %scan3A_372 : i32 to index
      %get3A_405 = arith.constant 32 : index
      %get3A_406 = tpu.vector_load %arg11[%get3A_404, %get3A_405] {strides = array<i32>} : memref<64x256xf32, #tpu.memory_space<vmem>>, vector<1x16xf32>,
      %get3A_407 = vector.shape_cast %get3A_406 : vector<1x16xf32> to vector<16xf32>
      %get3A_408 = arith.index_cast %scan3A_372 : i32 to index
      %get3A_409 = arith.constant 32 : index
      %get3A_410 = tpu.vector_load %arg14[%get3A_408, %get3A_409] {strides = array<i32>} : memref<64x256xf32, #tpu.memory_space<vmem>>, vector<1x16xf32>,
      %get3A_411 = vector.shape_cast %get3A_410 : vector<1x16xf32> to vector<16xf32>
      %sub3A_412 = arith.subf %get3A_411, %get3A_407 : vector<16xf32>
      %swap3A_413 = arith.index_cast %scan3A_372 : i32 to index
      %swap3A_414 = arith.constant 32 : index
      %swap3A_415 = tpu.vector_load %arg11[%swap3A_413, %swap3A_414] {strides = array<i32>} : memref<64x256xf32, #tpu.memory_space<vmem>>, vector<1x16xf32>,
      %swap3A_416 = vector.shape_cast %swap3A_415 : vector<1x16xf32> to vector<16xf32>
      %swap3A_417 = vector.shape_cast %sub3A_412 : vector<16xf32> to vector<1x16xf32>
      tpu.vector_store %arg11[%swap3A_413, %swap3A_414], %swap3A_417 {strides = array<i32>} : memref<64x256xf32, #tpu.memory_space<vmem>>, vector<1x16xf32>,
      %mul3A_418 = arith.mulf %sub3A_412, %sub3A_412 : vector<16xf32>
      %add3A_419 = arith.addf %add3A_403, %mul3A_418 : vector<16xf32>
      %get3A_420 = arith.index_cast %scan3A_372 : i32 to index
      %get3A_421 = arith.constant 48 : index
      %get3A_422 = tpu.vector_load %arg11[%get3A_420, %get3A_421] {strides = array<i32>} : memref<64x256xf32, #tpu.memory_space<vmem>>, vector<1x16xf32>,
      %get3A_423 = vector.shape_cast %get3A_422 : vector<1x16xf32> to vector<16xf32>
      %get3A_424 = arith.index_cast %scan3A_372 : i32 to index
      %get3A_425 = arith.constant 48 : index
      %get3A_426 = tpu.vector_load %arg14[%get3A_424, %get3A_425] {strides = array<i32>} : memref<64x256xf32, #tpu.memory_space<vmem>>, vector<1x16xf32>,
      %get3A_427 = vector.shape_cast %get3A_426 : vector<1x16xf32> to vector<16xf32>
      %sub3A_428 = arith.subf %get3A_427, %get3A_423 : vector<16xf32>
      %swap3A_429 = arith.index_cast %scan3A_372 : i32 to index
      %swap3A_430 = arith.constant 48 : index
      %swap3A_431 = tpu.vector_load %arg11[%swap3A_429, %swap3A_430] {strides = array<i32>} : memref<64x256xf32, #tpu.memory_space<vmem>>, vector<1x16xf32>,
      %swap3A_432 = vector.shape_cast %swap3A_431 : vector<1x16xf32> to vector<16xf32>
      %swap3A_433 = vector.shape_cast %sub3A_428 : vector<16xf32> to vector<1x16xf32>
      tpu.vector_store %arg11[%swap3A_429, %swap3A_430], %swap3A_433 {strides = array<i32>} : memref<64x256xf32, #tpu.memory_space<vmem>>, vector<1x16xf32>,
      %mul3A_434 = arith.mulf %sub3A_428, %sub3A_428 : vector<16xf32>
      %add3A_435 = arith.addf %add3A_419, %mul3A_434 : vector<16xf32>
      %get3A_436 = arith.index_cast %scan3A_372 : i32 to index
      %get3A_437 = arith.constant 64 : index
      %get3A_438 = tpu.vector_load %arg11[%get3A_436, %get3A_437] {strides = array<i32>} : memref<64x256xf32, #tpu.memory_space<vmem>>, vector<1x16xf32>,
      %get3A_439 = vector.shape_cast %get3A_438 : vector<1x16xf32> to vector<16xf32>
      %get3A_440 = arith.index_cast %scan3A_372 : i32 to index
      %get3A_441 = arith.constant 64 : index
      %get3A_442 = tpu.vector_load %arg14[%get3A_440, %get3A_441] {strides = array<i32>} : memref<64x256xf32, #tpu.memory_space<vmem>>, vector<1x16xf32>,
      %get3A_443 = vector.shape_cast %get3A_442 : vector<1x16xf32> to vector<16xf32>
      %sub3A_444 = arith.subf %get3A_443, %get3A_439 : vector<16xf32>
      %swap3A_445 = arith.index_cast %scan3A_372 : i32 to index
      %swap3A_446 = arith.constant 64 : index
      %swap3A_447 = tpu.vector_load %arg11[%swap3A_445, %swap3A_446] {strides = array<i32>} : memref<64x256xf32, #tpu.memory_space<vmem>>, vector<1x16xf32>,
      %swap3A_448 = vector.shape_cast %swap3A_447 : vector<1x16xf32> to vector<16xf32>
      %swap3A_449 = vector.shape_cast %sub3A_444 : vector<16xf32> to vector<1x16xf32>
      tpu.vector_store %arg11[%swap3A_445, %swap3A_446], %swap3A_449 {strides = array<i32>} : memref<64x256xf32, #tpu.memory_space<vmem>>, vector<1x16xf32>,
      %mul3A_450 = arith.mulf %sub3A_444, %sub3A_444 : vector<16xf32>
      %add3A_451 = arith.addf %add3A_435, %mul3A_450 : vector<16xf32>
      %get3A_452 = arith.index_cast %scan3A_372 : i32 to index
      %get3A_453 = arith.constant 80 : index
      %get3A_454 = tpu.vector_load %arg11[%get3A_452, %get3A_453] {strides = array<i32>} : memref<64x256xf32, #tpu.memory_space<vmem>>, vector<1x16xf32>,
      %get3A_455 = vector.shape_cast %get3A_454 : vector<1x16xf32> to vector<16xf32>
      %get3A_456 = arith.index_cast %scan3A_372 : i32 to index
      %get3A_457 = arith.constant 80 : index
      %get3A_458 = tpu.vector_load %arg14[%get3A_456, %get3A_457] {strides = array<i32>} : memref<64x256xf32, #tpu.memory_space<vmem>>, vector<1x16xf32>,
      %get3A_459 = vector.shape_cast %get3A_458 : vector<1x16xf32> to vector<16xf32>
      %sub3A_460 = arith.subf %get3A_459, %get3A_455 : vector<16xf32>
      %swap3A_461 = arith.index_cast %scan3A_372 : i32 to index
      %swap3A_462 = arith.constant 80 : index
      %swap3A_463 = tpu.vector_load %arg11[%swap3A_461, %swap3A_462] {strides = array<i32>} : memref<64x256xf32, #tpu.memory_space<vmem>>, vector<1x16xf32>,
      %swap3A_464 = vector.shape_cast %swap3A_463 : vector<1x16xf32> to vector<16xf32>
      %swap3A_465 = vector.shape_cast %sub3A_460 : vector<16xf32> to vector<1x16xf32>
      tpu.vector_store %arg11[%swap3A_461, %swap3A_462], %swap3A_465 {strides = array<i32>} : memref<64x256xf32, #tpu.memory_space<vmem>>, vector<1x16xf32>,
      %mul3A_466 = arith.mulf %sub3A_460, %sub3A_460 : vector<16xf32>
      %add3A_467 = arith.addf %add3A_451, %mul3A_466 : vector<16xf32>
      %get3A_468 = arith.index_cast %scan3A_372 : i32 to index
      %get3A_469 = arith.constant 96 : index
      %get3A_470 = tpu.vector_load %arg11[%get3A_468, %get3A_469] {strides = array<i32>} : memref<64x256xf32, #tpu.memory_space<vmem>>, vector<1x16xf32>,
      %get3A_471 = vector.shape_cast %get3A_470 : vector<1x16xf32> to vector<16xf32>
      %get3A_472 = arith.index_cast %scan3A_372 : i32 to index
      %get3A_473 = arith.constant 96 : index
      %get3A_474 = tpu.vector_load %arg14[%get3A_472, %get3A_473] {strides = array<i32>} : memref<64x256xf32, #tpu.memory_space<vmem>>, vector<1x16xf32>,
      %get3A_475 = vector.shape_cast %get3A_474 : vector<1x16xf32> to vector<16xf32>
      %sub3A_476 = arith.subf %get3A_475, %get3A_471 : vector<16xf32>
      %swap3A_477 = arith.index_cast %scan3A_372 : i32 to index
      %swap3A_478 = arith.constant 96 : index
      %swap3A_479 = tpu.vector_load %arg11[%swap3A_477, %swap3A_478] {strides = array<i32>} : memref<64x256xf32, #tpu.memory_space<vmem>>, vector<1x16xf32>,
      %swap3A_480 = vector.shape_cast %swap3A_479 : vector<1x16xf32> to vector<16xf32>
      %swap3A_481 = vector.shape_cast %sub3A_476 : vector<16xf32> to vector<1x16xf32>
      tpu.vector_store %arg11[%swap3A_477, %swap3A_478], %swap3A_481 {strides = array<i32>} : memref<64x256xf32, #tpu.memory_space<vmem>>, vector<1x16xf32>,
      %mul3A_482 = arith.mulf %sub3A_476, %sub3A_476 : vector<16xf32>
      %add3A_483 = arith.addf %add3A_467, %mul3A_482 : vector<16xf32>
      %get3A_484 = arith.index_cast %scan3A_372 : i32 to index
      %get3A_485 = arith.constant 112 : index
      %get3A_486 = tpu.vector_load %arg11[%get3A_484, %get3A_485] {strides = array<i32>} : memref<64x256xf32, #tpu.memory_space<vmem>>, vector<1x16xf32>,
      %get3A_487 = vector.shape_cast %get3A_486 : vector<1x16xf32> to vector<16xf32>
      %get3A_488 = arith.index_cast %scan3A_372 : i32 to index
      %get3A_489 = arith.constant 112 : index
      %get3A_490 = tpu.vector_load %arg14[%get3A_488, %get3A_489] {strides = array<i32>} : memref<64x256xf32, #tpu.memory_space<vmem>>, vector<1x16xf32>,
      %get3A_491 = vector.shape_cast %get3A_490 : vector<1x16xf32> to vector<16xf32>
      %sub3A_492 = arith.subf %get3A_491, %get3A_487 : vector<16xf32>
      %swap3A_493 = arith.index_cast %scan3A_372 : i32 to index
      %swap3A_494 = arith.constant 112 : index
      %swap3A_495 = tpu.vector_load %arg11[%swap3A_493, %swap3A_494] {strides = array<i32>} : memref<64x256xf32, #tpu.memory_space<vmem>>, vector<1x16xf32>,
      %swap3A_496 = vector.shape_cast %swap3A_495 : vector<1x16xf32> to vector<16xf32>
      %swap3A_497 = vector.shape_cast %sub3A_492 : vector<16xf32> to vector<1x16xf32>
      tpu.vector_store %arg11[%swap3A_493, %swap3A_494], %swap3A_497 {strides = array<i32>} : memref<64x256xf32, #tpu.memory_space<vmem>>, vector<1x16xf32>,
      %mul3A_498 = arith.mulf %sub3A_492, %sub3A_492 : vector<16xf32>
      %add3A_499 = arith.addf %add3A_483, %mul3A_498 : vector<16xf32>
      %get3A_500 = arith.index_cast %scan3A_372 : i32 to index
      %get3A_501 = arith.constant 128 : index
      %get3A_502 = tpu.vector_load %arg11[%get3A_500, %get3A_501] {strides = array<i32>} : memref<64x256xf32, #tpu.memory_space<vmem>>, vector<1x16xf32>,
      %get3A_503 = vector.shape_cast %get3A_502 : vector<1x16xf32> to vector<16xf32>
      %get3A_504 = arith.index_cast %scan3A_372 : i32 to index
      %get3A_505 = arith.constant 128 : index
      %get3A_506 = tpu.vector_load %arg14[%get3A_504, %get3A_505] {strides = array<i32>} : memref<64x256xf32, #tpu.memory_space<vmem>>, vector<1x16xf32>,
      %get3A_507 = vector.shape_cast %get3A_506 : vector<1x16xf32> to vector<16xf32>
      %sub3A_508 = arith.subf %get3A_507, %get3A_503 : vector<16xf32>
      %swap3A_509 = arith.index_cast %scan3A_372 : i32 to index
      %swap3A_510 = arith.constant 128 : index
      %swap3A_511 = tpu.vector_load %arg11[%swap3A_509, %swap3A_510] {strides = array<i32>} : memref<64x256xf32, #tpu.memory_space<vmem>>, vector<1x16xf32>,
      %swap3A_512 = vector.shape_cast %swap3A_511 : vector<1x16xf32> to vector<16xf32>
      %swap3A_513 = vector.shape_cast %sub3A_508 : vector<16xf32> to vector<1x16xf32>
      tpu.vector_store %arg11[%swap3A_509, %swap3A_510], %swap3A_513 {strides = array<i32>} : memref<64x256xf32, #tpu.memory_space<vmem>>, vector<1x16xf32>,
      %mul3A_514 = arith.mulf %sub3A_508, %sub3A_508 : vector<16xf32>
      %add3A_515 = arith.addf %add3A_499, %mul3A_514 : vector<16xf32>
      %get3A_516 = arith.index_cast %scan3A_372 : i32 to index
      %get3A_517 = arith.constant 144 : index
      %get3A_518 = tpu.vector_load %arg11[%get3A_516, %get3A_517] {strides = array<i32>} : memref<64x256xf32, #tpu.memory_space<vmem>>, vector<1x16xf32>,
      %get3A_519 = vector.shape_cast %get3A_518 : vector<1x16xf32> to vector<16xf32>
      %get3A_520 = arith.index_cast %scan3A_372 : i32 to index
      %get3A_521 = arith.constant 144 : index
      %get3A_522 = tpu.vector_load %arg14[%get3A_520, %get3A_521] {strides = array<i32>} : memref<64x256xf32, #tpu.memory_space<vmem>>, vector<1x16xf32>,
      %get3A_523 = vector.shape_cast %get3A_522 : vector<1x16xf32> to vector<16xf32>
      %sub3A_524 = arith.subf %get3A_523, %get3A_519 : vector<16xf32>
      %swap3A_525 = arith.index_cast %scan3A_372 : i32 to index
      %swap3A_526 = arith.constant 144 : index
      %swap3A_527 = tpu.vector_load %arg11[%swap3A_525, %swap3A_526] {strides = array<i32>} : memref<64x256xf32, #tpu.memory_space<vmem>>, vector<1x16xf32>,
      %swap3A_528 = vector.shape_cast %swap3A_527 : vector<1x16xf32> to vector<16xf32>
      %swap3A_529 = vector.shape_cast %sub3A_524 : vector<16xf32> to vector<1x16xf32>
      tpu.vector_store %arg11[%swap3A_525, %swap3A_526], %swap3A_529 {strides = array<i32>} : memref<64x256xf32, #tpu.memory_space<vmem>>, vector<1x16xf32>,
      %mul3A_530 = arith.mulf %sub3A_524, %sub3A_524 : vector<16xf32>
      %add3A_531 = arith.addf %add3A_515, %mul3A_530 : vector<16xf32>
      %get3A_532 = arith.index_cast %scan3A_372 : i32 to index
      %get3A_533 = arith.constant 160 : index
      %get3A_534 = tpu.vector_load %arg11[%get3A_532, %get3A_533] {strides = array<i32>} : memref<64x256xf32, #tpu.memory_space<vmem>>, vector<1x16xf32>,
      %get3A_535 = vector.shape_cast %get3A_534 : vector<1x16xf32> to vector<16xf32>
      %get3A_536 = arith.index_cast %scan3A_372 : i32 to index
      %get3A_537 = arith.constant 160 : index
      %get3A_538 = tpu.vector_load %arg14[%get3A_536, %get3A_537] {strides = array<i32>} : memref<64x256xf32, #tpu.memory_space<vmem>>, vector<1x16xf32>,
      %get3A_539 = vector.shape_cast %get3A_538 : vector<1x16xf32> to vector<16xf32>
      %sub3A_540 = arith.subf %get3A_539, %get3A_535 : vector<16xf32>
      %swap3A_541 = arith.index_cast %scan3A_372 : i32 to index
      %swap3A_542 = arith.constant 160 : index
      %swap3A_543 = tpu.vector_load %arg11[%swap3A_541, %swap3A_542] {strides = array<i32>} : memref<64x256xf32, #tpu.memory_space<vmem>>, vector<1x16xf32>,
      %swap3A_544 = vector.shape_cast %swap3A_543 : vector<1x16xf32> to vector<16xf32>
      %swap3A_545 = vector.shape_cast %sub3A_540 : vector<16xf32> to vector<1x16xf32>
      tpu.vector_store %arg11[%swap3A_541, %swap3A_542], %swap3A_545 {strides = array<i32>} : memref<64x256xf32, #tpu.memory_space<vmem>>, vector<1x16xf32>,
      %mul3A_546 = arith.mulf %sub3A_540, %sub3A_540 : vector<16xf32>
      %add3A_547 = arith.addf %add3A_531, %mul3A_546 : vector<16xf32>
      %get3A_548 = arith.index_cast %scan3A_372 : i32 to index
      %get3A_549 = arith.constant 176 : index
      %get3A_550 = tpu.vector_load %arg11[%get3A_548, %get3A_549] {strides = array<i32>} : memref<64x256xf32, #tpu.memory_space<vmem>>, vector<1x16xf32>,
      %get3A_551 = vector.shape_cast %get3A_550 : vector<1x16xf32> to vector<16xf32>
      %get3A_552 = arith.index_cast %scan3A_372 : i32 to index
      %get3A_553 = arith.constant 176 : index
      %get3A_554 = tpu.vector_load %arg14[%get3A_552, %get3A_553] {strides = array<i32>} : memref<64x256xf32, #tpu.memory_space<vmem>>, vector<1x16xf32>,
      %get3A_555 = vector.shape_cast %get3A_554 : vector<1x16xf32> to vector<16xf32>
      %sub3A_556 = arith.subf %get3A_555, %get3A_551 : vector<16xf32>
      %swap3A_557 = arith.index_cast %scan3A_372 : i32 to index
      %swap3A_558 = arith.constant 176 : index
      %swap3A_559 = tpu.vector_load %arg11[%swap3A_557, %swap3A_558] {strides = array<i32>} : memref<64x256xf32, #tpu.memory_space<vmem>>, vector<1x16xf32>,
      %swap3A_560 = vector.shape_cast %swap3A_559 : vector<1x16xf32> to vector<16xf32>
      %swap3A_561 = vector.shape_cast %sub3A_556 : vector<16xf32> to vector<1x16xf32>
      tpu.vector_store %arg11[%swap3A_557, %swap3A_558], %swap3A_561 {strides = array<i32>} : memref<64x256xf32, #tpu.memory_space<vmem>>, vector<1x16xf32>,
      %mul3A_562 = arith.mulf %sub3A_556, %sub3A_556 : vector<16xf32>
      %add3A_563 = arith.addf %add3A_547, %mul3A_562 : vector<16xf32>
      %get3A_564 = arith.index_cast %scan3A_372 : i32 to index
      %get3A_565 = arith.constant 192 : index
      %get3A_566 = tpu.vector_load %arg11[%get3A_564, %get3A_565] {strides = array<i32>} : memref<64x256xf32, #tpu.memory_space<vmem>>, vector<1x16xf32>,
      %get3A_567 = vector.shape_cast %get3A_566 : vector<1x16xf32> to vector<16xf32>
      %get3A_568 = arith.index_cast %scan3A_372 : i32 to index
      %get3A_569 = arith.constant 192 : index
      %get3A_570 = tpu.vector_load %arg14[%get3A_568, %get3A_569] {strides = array<i32>} : memref<64x256xf32, #tpu.memory_space<vmem>>, vector<1x16xf32>,
      %get3A_571 = vector.shape_cast %get3A_570 : vector<1x16xf32> to vector<16xf32>
      %sub3A_572 = arith.subf %get3A_571, %get3A_567 : vector<16xf32>
      %swap3A_573 = arith.index_cast %scan3A_372 : i32 to index
      %swap3A_574 = arith.constant 192 : index
      %swap3A_575 = tpu.vector_load %arg11[%swap3A_573, %swap3A_574] {strides = array<i32>} : memref<64x256xf32, #tpu.memory_space<vmem>>, vector<1x16xf32>,
      %swap3A_576 = vector.shape_cast %swap3A_575 : vector<1x16xf32> to vector<16xf32>
      %swap3A_577 = vector.shape_cast %sub3A_572 : vector<16xf32> to vector<1x16xf32>
      tpu.vector_store %arg11[%swap3A_573, %swap3A_574], %swap3A_577 {strides = array<i32>} : memref<64x256xf32, #tpu.memory_space<vmem>>, vector<1x16xf32>,
      %mul3A_578 = arith.mulf %sub3A_572, %sub3A_572 : vector<16xf32>
      %add3A_579 = arith.addf %add3A_563, %mul3A_578 : vector<16xf32>
      %get3A_580 = arith.index_cast %scan3A_372 : i32 to index
      %get3A_581 = arith.constant 208 : index
      %get3A_582 = tpu.vector_load %arg11[%get3A_580, %get3A_581] {strides = array<i32>} : memref<64x256xf32, #tpu.memory_space<vmem>>, vector<1x16xf32>,
      %get3A_583 = vector.shape_cast %get3A_582 : vector<1x16xf32> to vector<16xf32>
      %get3A_584 = arith.index_cast %scan3A_372 : i32 to index
      %get3A_585 = arith.constant 208 : index
      %get3A_586 = tpu.vector_load %arg14[%get3A_584, %get3A_585] {strides = array<i32>} : memref<64x256xf32, #tpu.memory_space<vmem>>, vector<1x16xf32>,
      %get3A_587 = vector.shape_cast %get3A_586 : vector<1x16xf32> to vector<16xf32>
      %sub3A_588 = arith.subf %get3A_587, %get3A_583 : vector<16xf32>
      %swap3A_589 = arith.index_cast %scan3A_372 : i32 to index
      %swap3A_590 = arith.constant 208 : index
      %swap3A_591 = tpu.vector_load %arg11[%swap3A_589, %swap3A_590] {strides = array<i32>} : memref<64x256xf32, #tpu.memory_space<vmem>>, vector<1x16xf32>,
      %swap3A_592 = vector.shape_cast %swap3A_591 : vector<1x16xf32> to vector<16xf32>
      %swap3A_593 = vector.shape_cast %sub3A_588 : vector<16xf32> to vector<1x16xf32>
      tpu.vector_store %arg11[%swap3A_589, %swap3A_590], %swap3A_593 {strides = array<i32>} : memref<64x256xf32, #tpu.memory_space<vmem>>, vector<1x16xf32>,
      %mul3A_594 = arith.mulf %sub3A_588, %sub3A_588 : vector<16xf32>
      %add3A_595 = arith.addf %add3A_579, %mul3A_594 : vector<16xf32>
      %get3A_596 = arith.index_cast %scan3A_372 : i32 to index
      %get3A_597 = arith.constant 224 : index
      %get3A_598 = tpu.vector_load %arg11[%get3A_596, %get3A_597] {strides = array<i32>} : memref<64x256xf32, #tpu.memory_space<vmem>>, vector<1x16xf32>,
      %get3A_599 = vector.shape_cast %get3A_598 : vector<1x16xf32> to vector<16xf32>
      %get3A_600 = arith.index_cast %scan3A_372 : i32 to index
      %get3A_601 = arith.constant 224 : index
      %get3A_602 = tpu.vector_load %arg14[%get3A_600, %get3A_601] {strides = array<i32>} : memref<64x256xf32, #tpu.memory_space<vmem>>, vector<1x16xf32>,
      %get3A_603 = vector.shape_cast %get3A_602 : vector<1x16xf32> to vector<16xf32>
      %sub3A_604 = arith.subf %get3A_603, %get3A_599 : vector<16xf32>
      %swap3A_605 = arith.index_cast %scan3A_372 : i32 to index
      %swap3A_606 = arith.constant 224 : index
      %swap3A_607 = tpu.vector_load %arg11[%swap3A_605, %swap3A_606] {strides = array<i32>} : memref<64x256xf32, #tpu.memory_space<vmem>>, vector<1x16xf32>,
      %swap3A_608 = vector.shape_cast %swap3A_607 : vector<1x16xf32> to vector<16xf32>
      %swap3A_609 = vector.shape_cast %sub3A_604 : vector<16xf32> to vector<1x16xf32>
      tpu.vector_store %arg11[%swap3A_605, %swap3A_606], %swap3A_609 {strides = array<i32>} : memref<64x256xf32, #tpu.memory_space<vmem>>, vector<1x16xf32>,
      %mul3A_610 = arith.mulf %sub3A_604, %sub3A_604 : vector<16xf32>
      %add3A_611 = arith.addf %add3A_595, %mul3A_610 : vector<16xf32>
      %get3A_612 = arith.index_cast %scan3A_372 : i32 to index
      %get3A_613 = arith.constant 240 : index
      %get3A_614 = tpu.vector_load %arg11[%get3A_612, %get3A_613] {strides = array<i32>} : memref<64x256xf32, #tpu.memory_space<vmem>>, vector<1x16xf32>,
      %get3A_615 = vector.shape_cast %get3A_614 : vector<1x16xf32> to vector<16xf32>
      %get3A_616 = arith.index_cast %scan3A_372 : i32 to index
      %get3A_617 = arith.constant 240 : index
      %get3A_618 = tpu.vector_load %arg14[%get3A_616, %get3A_617] {strides = array<i32>} : memref<64x256xf32, #tpu.memory_space<vmem>>, vector<1x16xf32>,
      %get3A_619 = vector.shape_cast %get3A_618 : vector<1x16xf32> to vector<16xf32>
      %sub3A_620 = arith.subf %get3A_619, %get3A_615 : vector<16xf32>
      %swap3A_621 = arith.index_cast %scan3A_372 : i32 to index
      %swap3A_622 = arith.constant 240 : index
      %swap3A_623 = tpu.vector_load %arg11[%swap3A_621, %swap3A_622] {strides = array<i32>} : memref<64x256xf32, #tpu.memory_space<vmem>>, vector<1x16xf32>,
      %swap3A_624 = vector.shape_cast %swap3A_623 : vector<1x16xf32> to vector<16xf32>
      %swap3A_625 = vector.shape_cast %sub3A_620 : vector<16xf32> to vector<1x16xf32>
      tpu.vector_store %arg11[%swap3A_621, %swap3A_622], %swap3A_625 {strides = array<i32>} : memref<64x256xf32, #tpu.memory_space<vmem>>, vector<1x16xf32>,
      %mul3A_626 = arith.mulf %sub3A_620, %sub3A_620 : vector<16xf32>
      %add3A_627 = arith.addf %add3A_611, %mul3A_626 : vector<16xf32>
      scf.yield %add3A_627 : vector<16xf32>
    }
    %scan3A_138 = arith.constant 64 : i32
    %add3A_139 = arith.constant 128 : i32
    %add3A_140 = arith.addi %mul3A_2, %add3A_139 : i32
    %dma_start3A_141 = arith.constant 0 : i32
    %dma_start3A_142 = tpu.memref_slice %arg5[%add3A_140, %dma_start3A_141] : memref<16384x256xf32, #tpu.memory_space<hbm>> -> memref<64x256xf32, #tpu.memory_space<hbm>>
    %dma_start3A_143 = arith.constant 0 : i32
    %dma_start3A_144 = tpu.memref_slice %arg5[%add3A_140, %dma_start3A_143] : memref<16384x256xf32, #tpu.memory_space<hbm>> -> memref<64x256xf32, #tpu.memory_space<hbm>>
    tpu.enqueue_dma source(%arg14 : memref<64x256xf32, #tpu.memory_space<vmem>>) target(%dma_start3A_144 : memref<64x256xf32, #tpu.memory_space<hbm>>) target_semaphore(%arg27 : memref<!tpu.dma_semaphore, #tpu.memory_space<semaphore_mem>>)
    %add3A_145 = arith.constant 128 : i32
    %add3A_146 = arith.addi %mul3A_2, %add3A_145 : i32
    %dma_start3A_147 = arith.constant 0 : i32
    %dma_start3A_148 = tpu.memref_slice %arg6[%add3A_146, %dma_start3A_147] : memref<16384x256xf32, #tpu.memory_space<hbm>> -> memref<64x256xf32, #tpu.memory_space<hbm>>
    %dma_start3A_149 = arith.constant 0 : i32
    %dma_start3A_150 = tpu.memref_slice %arg6[%add3A_146, %dma_start3A_149] : memref<16384x256xf32, #tpu.memory_space<hbm>> -> memref<64x256xf32, #tpu.memory_space<hbm>>
    tpu.enqueue_dma source(%arg11 : memref<64x256xf32, #tpu.memory_space<vmem>>) target(%dma_start3A_150 : memref<64x256xf32, #tpu.memory_space<hbm>>) target_semaphore(%arg24 : memref<!tpu.dma_semaphore, #tpu.memory_space<semaphore_mem>>)
    %dma_wait3A_151 = arith.constant 0 : i32
    %dma_wait3A_152 = tpu.memref_slice %arg6[%add3A_146, %dma_wait3A_151] : memref<16384x256xf32, #tpu.memory_space<hbm>> -> memref<64x256xf32, #tpu.memory_space<hbm>>
    %dma_wait3A_153 = arith.constant 0 : i32
    %dma_wait3A_154 = tpu.memref_slice %arg6[%add3A_146, %dma_wait3A_153] : memref<16384x256xf32, #tpu.memory_space<hbm>> -> memref<64x256xf32, #tpu.memory_space<hbm>>
    tpu.wait_dma2 semaphore(%arg24 : memref<!tpu.dma_semaphore, #tpu.memory_space<semaphore_mem>>) src(%arg11 : memref<64x256xf32, #tpu.memory_space<vmem>>) dst(%dma_wait3A_154 : memref<64x256xf32, #tpu.memory_space<hbm>>)
    %dma_wait3A_155 = arith.constant 0 : i32
    %dma_wait3A_156 = tpu.memref_slice %arg5[%add3A_140, %dma_wait3A_155] : memref<16384x256xf32, #tpu.memory_space<hbm>> -> memref<64x256xf32, #tpu.memory_space<hbm>>
    %dma_wait3A_157 = arith.constant 0 : i32
    %dma_wait3A_158 = tpu.memref_slice %arg5[%add3A_140, %dma_wait3A_157] : memref<16384x256xf32, #tpu.memory_space<hbm>> -> memref<64x256xf32, #tpu.memory_space<hbm>>
    tpu.wait_dma2 semaphore(%arg27 : memref<!tpu.dma_semaphore, #tpu.memory_space<semaphore_mem>>) src(%arg14 : memref<64x256xf32, #tpu.memory_space<vmem>>) dst(%dma_wait3A_158 : memref<64x256xf32, #tpu.memory_space<hbm>>)
    %dma_start3A_159 = arith.constant 320 : i32
    %dma_start3A_160 = tpu.memref_slice %arg8[%dma_start3A_159] : memref<512xi32, #tpu.memory_space<vmem>> -> memref<64xi32, #tpu.memory_space<vmem>>
    %dma_start3A_161 = arith.constant 0 : i32
    %dma_start3A_162 = arith.constant 0 : i32
    %dma_start3A_163 = tpu.memref_slice %arg3[%dma_start3A_161, %dma_start3A_162] : memref<8192x256xf32, #tpu.memory_space<hbm>> -> memref<8192x256xf32, #tpu.memory_space<hbm>>
    tpu.enqueue_indirect_dma source(%dma_start3A_163 : memref<8192x256xf32, #tpu.memory_space<hbm>>) target(%arg11 : memref<64x256xf32, #tpu.memory_space<vmem>>) offsets(%dma_start3A_160 : memref<64xi32, #tpu.memory_space<vmem>>) semaphore(%arg18 : memref<!tpu.dma_semaphore, #tpu.memory_space<semaphore_mem>>)
    %dma_start3A_164 = arith.constant 320 : i32
    %dma_start3A_165 = tpu.memref_slice %arg8[%dma_start3A_164] : memref<512xi32, #tpu.memory_space<vmem>> -> memref<64xi32, #tpu.memory_space<vmem>>
    %dma_start3A_166 = arith.constant 0 : i32
    %dma_start3A_167 = arith.constant 0 : i32
    %dma_start3A_168 = tpu.memref_slice %arg4[%dma_start3A_166, %dma_start3A_167] : memref<8192x256xf32, #tpu.memory_space<hbm>> -> memref<8192x256xf32, #tpu.memory_space<hbm>>
    tpu.enqueue_indirect_dma source(%dma_start3A_168 : memref<8192x256xf32, #tpu.memory_space<hbm>>) target(%arg14 : memref<64x256xf32, #tpu.memory_space<vmem>>) offsets(%dma_start3A_165 : memref<64xi32, #tpu.memory_space<vmem>>) semaphore(%arg21 : memref<!tpu.dma_semaphore, #tpu.memory_space<semaphore_mem>>)
    %dma_wait3A_169 = arith.constant 192 : i32
    %dma_wait3A_170 = tpu.memref_slice %arg8[%dma_wait3A_169] : memref<512xi32, #tpu.memory_space<vmem>> -> memref<64xi32, #tpu.memory_space<vmem>>
    %dma_wait3A_171 = arith.constant 0 : i32
    %dma_wait3A_172 = arith.constant 0 : i32
    %dma_wait3A_173 = tpu.memref_slice %arg3[%dma_wait3A_171, %dma_wait3A_172] : memref<8192x256xf32, #tpu.memory_space<hbm>> -> memref<8192x256xf32, #tpu.memory_space<hbm>>
    tpu.wait_indirect_dma semaphore(%arg16 : memref<!tpu.dma_semaphore, #tpu.memory_space<semaphore_mem>>) src(%dma_wait3A_173 : memref<8192x256xf32, #tpu.memory_space<hbm>>) dst(%arg9 : memref<64x256xf32, #tpu.memory_space<vmem>>)
    %dma_wait3A_174 = arith.constant 192 : i32
    %dma_wait3A_175 = tpu.memref_slice %arg8[%dma_wait3A_174] : memref<512xi32, #tpu.memory_space<vmem>> -> memref<64xi32, #tpu.memory_space<vmem>>
    %dma_wait3A_176 = arith.constant 0 : i32
    %dma_wait3A_177 = arith.constant 0 : i32
    %dma_wait3A_178 = tpu.memref_slice %arg4[%dma_wait3A_176, %dma_wait3A_177] : memref<8192x256xf32, #tpu.memory_space<hbm>> -> memref<8192x256xf32, #tpu.memory_space<hbm>>
    tpu.wait_indirect_dma semaphore(%arg19 : memref<!tpu.dma_semaphore, #tpu.memory_space<semaphore_mem>>) src(%dma_wait3A_178 : memref<8192x256xf32, #tpu.memory_space<hbm>>) dst(%arg12 : memref<64x256xf32, #tpu.memory_space<vmem>>)
    %scan3A_179 = arith.constant 0 : i32
    %scan3A_180 = arith.constant 64 : i32
    %scan3A_181 = arith.addi %scan3A_179, %scan3A_180 : i32
    %scan3A_182 = arith.constant 1 : i32
    %scan3A_183 = scf.for %scan3A_372 = %scan3A_179 to %scan3A_181 step %scan3A_182 iter_args(%scan3A_373 = %scan3A_137) -> (vector<16xf32>)  : i32 {
      %get3A = arith.index_cast %scan3A_372 : i32 to index
      %get3A_374 = arith.constant 0 : index
      %get3A_375 = tpu.vector_load %arg9[%get3A, %get3A_374] {strides = array<i32>} : memref<64x256xf32, #tpu.memory_space<vmem>>, vector<1x16xf32>,
      %get3A_376 = vector.shape_cast %get3A_375 : vector<1x16xf32> to vector<16xf32>
      %get3A_377 = arith.index_cast %scan3A_372 : i32 to index
      %get3A_378 = arith.constant 0 : index
      %get3A_379 = tpu.vector_load %arg12[%get3A_377, %get3A_378] {strides = array<i32>} : memref<64x256xf32, #tpu.memory_space<vmem>>, vector<1x16xf32>,
      %get3A_380 = vector.shape_cast %get3A_379 : vector<1x16xf32> to vector<16xf32>
      %sub3A = arith.subf %get3A_380, %get3A_376 : vector<16xf32>
      %swap3A_381 = arith.index_cast %scan3A_372 : i32 to index
      %swap3A_382 = arith.constant 0 : index
      %swap3A_383 = tpu.vector_load %arg9[%swap3A_381, %swap3A_382] {strides = array<i32>} : memref<64x256xf32, #tpu.memory_space<vmem>>, vector<1x16xf32>,
      %swap3A_384 = vector.shape_cast %swap3A_383 : vector<1x16xf32> to vector<16xf32>
      %swap3A_385 = vector.shape_cast %sub3A : vector<16xf32> to vector<1x16xf32>
      tpu.vector_store %arg9[%swap3A_381, %swap3A_382], %swap3A_385 {strides = array<i32>} : memref<64x256xf32, #tpu.memory_space<vmem>>, vector<1x16xf32>,
      %mul3A_386 = arith.mulf %sub3A, %sub3A : vector<16xf32>
      %add3A_387 = arith.addf %scan3A_373, %mul3A_386 : vector<16xf32>
      %get3A_388 = arith.index_cast %scan3A_372 : i32 to index
      %get3A_389 = arith.constant 16 : index
      %get3A_390 = tpu.vector_load %arg9[%get3A_388, %get3A_389] {strides = array<i32>} : memref<64x256xf32, #tpu.memory_space<vmem>>, vector<1x16xf32>,
      %get3A_391 = vector.shape_cast %get3A_390 : vector<1x16xf32> to vector<16xf32>
      %get3A_392 = arith.index_cast %scan3A_372 : i32 to index
      %get3A_393 = arith.constant 16 : index
      %get3A_394 = tpu.vector_load %arg12[%get3A_392, %get3A_393] {strides = array<i32>} : memref<64x256xf32, #tpu.memory_space<vmem>>, vector<1x16xf32>,
      %get3A_395 = vector.shape_cast %get3A_394 : vector<1x16xf32> to vector<16xf32>
      %sub3A_396 = arith.subf %get3A_395, %get3A_391 : vector<16xf32>
      %swap3A_397 = arith.index_cast %scan3A_372 : i32 to index
      %swap3A_398 = arith.constant 16 : index
      %swap3A_399 = tpu.vector_load %arg9[%swap3A_397, %swap3A_398] {strides = array<i32>} : memref<64x256xf32, #tpu.memory_space<vmem>>, vector<1x16xf32>,
      %swap3A_400 = vector.shape_cast %swap3A_399 : vector<1x16xf32> to vector<16xf32>
      %swap3A_401 = vector.shape_cast %sub3A_396 : vector<16xf32> to vector<1x16xf32>
      tpu.vector_store %arg9[%swap3A_397, %swap3A_398], %swap3A_401 {strides = array<i32>} : memref<64x256xf32, #tpu.memory_space<vmem>>, vector<1x16xf32>,
      %mul3A_402 = arith.mulf %sub3A_396, %sub3A_396 : vector<16xf32>
      %add3A_403 = arith.addf %add3A_387, %mul3A_402 : vector<16xf32>
      %get3A_404 = arith.index_cast %scan3A_372 : i32 to index
      %get3A_405 = arith.constant 32 : index
      %get3A_406 = tpu.vector_load %arg9[%get3A_404, %get3A_405] {strides = array<i32>} : memref<64x256xf32, #tpu.memory_space<vmem>>, vector<1x16xf32>,
      %get3A_407 = vector.shape_cast %get3A_406 : vector<1x16xf32> to vector<16xf32>
      %get3A_408 = arith.index_cast %scan3A_372 : i32 to index
      %get3A_409 = arith.constant 32 : index
      %get3A_410 = tpu.vector_load %arg12[%get3A_408, %get3A_409] {strides = array<i32>} : memref<64x256xf32, #tpu.memory_space<vmem>>, vector<1x16xf32>,
      %get3A_411 = vector.shape_cast %get3A_410 : vector<1x16xf32> to vector<16xf32>
      %sub3A_412 = arith.subf %get3A_411, %get3A_407 : vector<16xf32>
      %swap3A_413 = arith.index_cast %scan3A_372 : i32 to index
      %swap3A_414 = arith.constant 32 : index
      %swap3A_415 = tpu.vector_load %arg9[%swap3A_413, %swap3A_414] {strides = array<i32>} : memref<64x256xf32, #tpu.memory_space<vmem>>, vector<1x16xf32>,
      %swap3A_416 = vector.shape_cast %swap3A_415 : vector<1x16xf32> to vector<16xf32>
      %swap3A_417 = vector.shape_cast %sub3A_412 : vector<16xf32> to vector<1x16xf32>
      tpu.vector_store %arg9[%swap3A_413, %swap3A_414], %swap3A_417 {strides = array<i32>} : memref<64x256xf32, #tpu.memory_space<vmem>>, vector<1x16xf32>,
      %mul3A_418 = arith.mulf %sub3A_412, %sub3A_412 : vector<16xf32>
      %add3A_419 = arith.addf %add3A_403, %mul3A_418 : vector<16xf32>
      %get3A_420 = arith.index_cast %scan3A_372 : i32 to index
      %get3A_421 = arith.constant 48 : index
      %get3A_422 = tpu.vector_load %arg9[%get3A_420, %get3A_421] {strides = array<i32>} : memref<64x256xf32, #tpu.memory_space<vmem>>, vector<1x16xf32>,
      %get3A_423 = vector.shape_cast %get3A_422 : vector<1x16xf32> to vector<16xf32>
      %get3A_424 = arith.index_cast %scan3A_372 : i32 to index
      %get3A_425 = arith.constant 48 : index
      %get3A_426 = tpu.vector_load %arg12[%get3A_424, %get3A_425] {strides = array<i32>} : memref<64x256xf32, #tpu.memory_space<vmem>>, vector<1x16xf32>,
      %get3A_427 = vector.shape_cast %get3A_426 : vector<1x16xf32> to vector<16xf32>
      %sub3A_428 = arith.subf %get3A_427, %get3A_423 : vector<16xf32>
      %swap3A_429 = arith.index_cast %scan3A_372 : i32 to index
      %swap3A_430 = arith.constant 48 : index
      %swap3A_431 = tpu.vector_load %arg9[%swap3A_429, %swap3A_430] {strides = array<i32>} : memref<64x256xf32, #tpu.memory_space<vmem>>, vector<1x16xf32>,
      %swap3A_432 = vector.shape_cast %swap3A_431 : vector<1x16xf32> to vector<16xf32>
      %swap3A_433 = vector.shape_cast %sub3A_428 : vector<16xf32> to vector<1x16xf32>
      tpu.vector_store %arg9[%swap3A_429, %swap3A_430], %swap3A_433 {strides = array<i32>} : memref<64x256xf32, #tpu.memory_space<vmem>>, vector<1x16xf32>,
      %mul3A_434 = arith.mulf %sub3A_428, %sub3A_428 : vector<16xf32>
      %add3A_435 = arith.addf %add3A_419, %mul3A_434 : vector<16xf32>
      %get3A_436 = arith.index_cast %scan3A_372 : i32 to index
      %get3A_437 = arith.constant 64 : index
      %get3A_438 = tpu.vector_load %arg9[%get3A_436, %get3A_437] {strides = array<i32>} : memref<64x256xf32, #tpu.memory_space<vmem>>, vector<1x16xf32>,
      %get3A_439 = vector.shape_cast %get3A_438 : vector<1x16xf32> to vector<16xf32>
      %get3A_440 = arith.index_cast %scan3A_372 : i32 to index
      %get3A_441 = arith.constant 64 : index
      %get3A_442 = tpu.vector_load %arg12[%get3A_440, %get3A_441] {strides = array<i32>} : memref<64x256xf32, #tpu.memory_space<vmem>>, vector<1x16xf32>,
      %get3A_443 = vector.shape_cast %get3A_442 : vector<1x16xf32> to vector<16xf32>
      %sub3A_444 = arith.subf %get3A_443, %get3A_439 : vector<16xf32>
      %swap3A_445 = arith.index_cast %scan3A_372 : i32 to index
      %swap3A_446 = arith.constant 64 : index
      %swap3A_447 = tpu.vector_load %arg9[%swap3A_445, %swap3A_446] {strides = array<i32>} : memref<64x256xf32, #tpu.memory_space<vmem>>, vector<1x16xf32>,
      %swap3A_448 = vector.shape_cast %swap3A_447 : vector<1x16xf32> to vector<16xf32>
      %swap3A_449 = vector.shape_cast %sub3A_444 : vector<16xf32> to vector<1x16xf32>
      tpu.vector_store %arg9[%swap3A_445, %swap3A_446], %swap3A_449 {strides = array<i32>} : memref<64x256xf32, #tpu.memory_space<vmem>>, vector<1x16xf32>,
      %mul3A_450 = arith.mulf %sub3A_444, %sub3A_444 : vector<16xf32>
      %add3A_451 = arith.addf %add3A_435, %mul3A_450 : vector<16xf32>
      %get3A_452 = arith.index_cast %scan3A_372 : i32 to index
      %get3A_453 = arith.constant 80 : index
      %get3A_454 = tpu.vector_load %arg9[%get3A_452, %get3A_453] {strides = array<i32>} : memref<64x256xf32, #tpu.memory_space<vmem>>, vector<1x16xf32>,
      %get3A_455 = vector.shape_cast %get3A_454 : vector<1x16xf32> to vector<16xf32>
      %get3A_456 = arith.index_cast %scan3A_372 : i32 to index
      %get3A_457 = arith.constant 80 : index
      %get3A_458 = tpu.vector_load %arg12[%get3A_456, %get3A_457] {strides = array<i32>} : memref<64x256xf32, #tpu.memory_space<vmem>>, vector<1x16xf32>,
      %get3A_459 = vector.shape_cast %get3A_458 : vector<1x16xf32> to vector<16xf32>
      %sub3A_460 = arith.subf %get3A_459, %get3A_455 : vector<16xf32>
      %swap3A_461 = arith.index_cast %scan3A_372 : i32 to index
      %swap3A_462 = arith.constant 80 : index
      %swap3A_463 = tpu.vector_load %arg9[%swap3A_461, %swap3A_462] {strides = array<i32>} : memref<64x256xf32, #tpu.memory_space<vmem>>, vector<1x16xf32>,
      %swap3A_464 = vector.shape_cast %swap3A_463 : vector<1x16xf32> to vector<16xf32>
      %swap3A_465 = vector.shape_cast %sub3A_460 : vector<16xf32> to vector<1x16xf32>
      tpu.vector_store %arg9[%swap3A_461, %swap3A_462], %swap3A_465 {strides = array<i32>} : memref<64x256xf32, #tpu.memory_space<vmem>>, vector<1x16xf32>,
      %mul3A_466 = arith.mulf %sub3A_460, %sub3A_460 : vector<16xf32>
      %add3A_467 = arith.addf %add3A_451, %mul3A_466 : vector<16xf32>
      %get3A_468 = arith.index_cast %scan3A_372 : i32 to index
      %get3A_469 = arith.constant 96 : index
      %get3A_470 = tpu.vector_load %arg9[%get3A_468, %get3A_469] {strides = array<i32>} : memref<64x256xf32, #tpu.memory_space<vmem>>, vector<1x16xf32>,
      %get3A_471 = vector.shape_cast %get3A_470 : vector<1x16xf32> to vector<16xf32>
      %get3A_472 = arith.index_cast %scan3A_372 : i32 to index
      %get3A_473 = arith.constant 96 : index
      %get3A_474 = tpu.vector_load %arg12[%get3A_472, %get3A_473] {strides = array<i32>} : memref<64x256xf32, #tpu.memory_space<vmem>>, vector<1x16xf32>,
      %get3A_475 = vector.shape_cast %get3A_474 : vector<1x16xf32> to vector<16xf32>
      %sub3A_476 = arith.subf %get3A_475, %get3A_471 : vector<16xf32>
      %swap3A_477 = arith.index_cast %scan3A_372 : i32 to index
      %swap3A_478 = arith.constant 96 : index
      %swap3A_479 = tpu.vector_load %arg9[%swap3A_477, %swap3A_478] {strides = array<i32>} : memref<64x256xf32, #tpu.memory_space<vmem>>, vector<1x16xf32>,
      %swap3A_480 = vector.shape_cast %swap3A_479 : vector<1x16xf32> to vector<16xf32>
      %swap3A_481 = vector.shape_cast %sub3A_476 : vector<16xf32> to vector<1x16xf32>
      tpu.vector_store %arg9[%swap3A_477, %swap3A_478], %swap3A_481 {strides = array<i32>} : memref<64x256xf32, #tpu.memory_space<vmem>>, vector<1x16xf32>,
      %mul3A_482 = arith.mulf %sub3A_476, %sub3A_476 : vector<16xf32>
      %add3A_483 = arith.addf %add3A_467, %mul3A_482 : vector<16xf32>
      %get3A_484 = arith.index_cast %scan3A_372 : i32 to index
      %get3A_485 = arith.constant 112 : index
      %get3A_486 = tpu.vector_load %arg9[%get3A_484, %get3A_485] {strides = array<i32>} : memref<64x256xf32, #tpu.memory_space<vmem>>, vector<1x16xf32>,
      %get3A_487 = vector.shape_cast %get3A_486 : vector<1x16xf32> to vector<16xf32>
      %get3A_488 = arith.index_cast %scan3A_372 : i32 to index
      %get3A_489 = arith.constant 112 : index
      %get3A_490 = tpu.vector_load %arg12[%get3A_488, %get3A_489] {strides = array<i32>} : memref<64x256xf32, #tpu.memory_space<vmem>>, vector<1x16xf32>,
      %get3A_491 = vector.shape_cast %get3A_490 : vector<1x16xf32> to vector<16xf32>
      %sub3A_492 = arith.subf %get3A_491, %get3A_487 : vector<16xf32>
      %swap3A_493 = arith.index_cast %scan3A_372 : i32 to index
      %swap3A_494 = arith.constant 112 : index
      %swap3A_495 = tpu.vector_load %arg9[%swap3A_493, %swap3A_494] {strides = array<i32>} : memref<64x256xf32, #tpu.memory_space<vmem>>, vector<1x16xf32>,
      %swap3A_496 = vector.shape_cast %swap3A_495 : vector<1x16xf32> to vector<16xf32>
      %swap3A_497 = vector.shape_cast %sub3A_492 : vector<16xf32> to vector<1x16xf32>
      tpu.vector_store %arg9[%swap3A_493, %swap3A_494], %swap3A_497 {strides = array<i32>} : memref<64x256xf32, #tpu.memory_space<vmem>>, vector<1x16xf32>,
      %mul3A_498 = arith.mulf %sub3A_492, %sub3A_492 : vector<16xf32>
      %add3A_499 = arith.addf %add3A_483, %mul3A_498 : vector<16xf32>
      %get3A_500 = arith.index_cast %scan3A_372 : i32 to index
      %get3A_501 = arith.constant 128 : index
      %get3A_502 = tpu.vector_load %arg9[%get3A_500, %get3A_501] {strides = array<i32>} : memref<64x256xf32, #tpu.memory_space<vmem>>, vector<1x16xf32>,
      %get3A_503 = vector.shape_cast %get3A_502 : vector<1x16xf32> to vector<16xf32>
      %get3A_504 = arith.index_cast %scan3A_372 : i32 to index
      %get3A_505 = arith.constant 128 : index
      %get3A_506 = tpu.vector_load %arg12[%get3A_504, %get3A_505] {strides = array<i32>} : memref<64x256xf32, #tpu.memory_space<vmem>>, vector<1x16xf32>,
      %get3A_507 = vector.shape_cast %get3A_506 : vector<1x16xf32> to vector<16xf32>
      %sub3A_508 = arith.subf %get3A_507, %get3A_503 : vector<16xf32>
      %swap3A_509 = arith.index_cast %scan3A_372 : i32 to index
      %swap3A_510 = arith.constant 128 : index
      %swap3A_511 = tpu.vector_load %arg9[%swap3A_509, %swap3A_510] {strides = array<i32>} : memref<64x256xf32, #tpu.memory_space<vmem>>, vector<1x16xf32>,
      %swap3A_512 = vector.shape_cast %swap3A_511 : vector<1x16xf32> to vector<16xf32>
      %swap3A_513 = vector.shape_cast %sub3A_508 : vector<16xf32> to vector<1x16xf32>
      tpu.vector_store %arg9[%swap3A_509, %swap3A_510], %swap3A_513 {strides = array<i32>} : memref<64x256xf32, #tpu.memory_space<vmem>>, vector<1x16xf32>,
      %mul3A_514 = arith.mulf %sub3A_508, %sub3A_508 : vector<16xf32>
      %add3A_515 = arith.addf %add3A_499, %mul3A_514 : vector<16xf32>
      %get3A_516 = arith.index_cast %scan3A_372 : i32 to index
      %get3A_517 = arith.constant 144 : index
      %get3A_518 = tpu.vector_load %arg9[%get3A_516, %get3A_517] {strides = array<i32>} : memref<64x256xf32, #tpu.memory_space<vmem>>, vector<1x16xf32>,
      %get3A_519 = vector.shape_cast %get3A_518 : vector<1x16xf32> to vector<16xf32>
      %get3A_520 = arith.index_cast %scan3A_372 : i32 to index
      %get3A_521 = arith.constant 144 : index
      %get3A_522 = tpu.vector_load %arg12[%get3A_520, %get3A_521] {strides = array<i32>} : memref<64x256xf32, #tpu.memory_space<vmem>>, vector<1x16xf32>,
      %get3A_523 = vector.shape_cast %get3A_522 : vector<1x16xf32> to vector<16xf32>
      %sub3A_524 = arith.subf %get3A_523, %get3A_519 : vector<16xf32>
      %swap3A_525 = arith.index_cast %scan3A_372 : i32 to index
      %swap3A_526 = arith.constant 144 : index
      %swap3A_527 = tpu.vector_load %arg9[%swap3A_525, %swap3A_526] {strides = array<i32>} : memref<64x256xf32, #tpu.memory_space<vmem>>, vector<1x16xf32>,
      %swap3A_528 = vector.shape_cast %swap3A_527 : vector<1x16xf32> to vector<16xf32>
      %swap3A_529 = vector.shape_cast %sub3A_524 : vector<16xf32> to vector<1x16xf32>
      tpu.vector_store %arg9[%swap3A_525, %swap3A_526], %swap3A_529 {strides = array<i32>} : memref<64x256xf32, #tpu.memory_space<vmem>>, vector<1x16xf32>,
      %mul3A_530 = arith.mulf %sub3A_524, %sub3A_524 : vector<16xf32>
      %add3A_531 = arith.addf %add3A_515, %mul3A_530 : vector<16xf32>
      %get3A_532 = arith.index_cast %scan3A_372 : i32 to index
      %get3A_533 = arith.constant 160 : index
      %get3A_534 = tpu.vector_load %arg9[%get3A_532, %get3A_533] {strides = array<i32>} : memref<64x256xf32, #tpu.memory_space<vmem>>, vector<1x16xf32>,
      %get3A_535 = vector.shape_cast %get3A_534 : vector<1x16xf32> to vector<16xf32>
      %get3A_536 = arith.index_cast %scan3A_372 : i32 to index
      %get3A_537 = arith.constant 160 : index
      %get3A_538 = tpu.vector_load %arg12[%get3A_536, %get3A_537] {strides = array<i32>} : memref<64x256xf32, #tpu.memory_space<vmem>>, vector<1x16xf32>,
      %get3A_539 = vector.shape_cast %get3A_538 : vector<1x16xf32> to vector<16xf32>
      %sub3A_540 = arith.subf %get3A_539, %get3A_535 : vector<16xf32>
      %swap3A_541 = arith.index_cast %scan3A_372 : i32 to index
      %swap3A_542 = arith.constant 160 : index
      %swap3A_543 = tpu.vector_load %arg9[%swap3A_541, %swap3A_542] {strides = array<i32>} : memref<64x256xf32, #tpu.memory_space<vmem>>, vector<1x16xf32>,
      %swap3A_544 = vector.shape_cast %swap3A_543 : vector<1x16xf32> to vector<16xf32>
      %swap3A_545 = vector.shape_cast %sub3A_540 : vector<16xf32> to vector<1x16xf32>
      tpu.vector_store %arg9[%swap3A_541, %swap3A_542], %swap3A_545 {strides = array<i32>} : memref<64x256xf32, #tpu.memory_space<vmem>>, vector<1x16xf32>,
      %mul3A_546 = arith.mulf %sub3A_540, %sub3A_540 : vector<16xf32>
      %add3A_547 = arith.addf %add3A_531, %mul3A_546 : vector<16xf32>
      %get3A_548 = arith.index_cast %scan3A_372 : i32 to index
      %get3A_549 = arith.constant 176 : index
      %get3A_550 = tpu.vector_load %arg9[%get3A_548, %get3A_549] {strides = array<i32>} : memref<64x256xf32, #tpu.memory_space<vmem>>, vector<1x16xf32>,
      %get3A_551 = vector.shape_cast %get3A_550 : vector<1x16xf32> to vector<16xf32>
      %get3A_552 = arith.index_cast %scan3A_372 : i32 to index
      %get3A_553 = arith.constant 176 : index
      %get3A_554 = tpu.vector_load %arg12[%get3A_552, %get3A_553] {strides = array<i32>} : memref<64x256xf32, #tpu.memory_space<vmem>>, vector<1x16xf32>,
      %get3A_555 = vector.shape_cast %get3A_554 : vector<1x16xf32> to vector<16xf32>
      %sub3A_556 = arith.subf %get3A_555, %get3A_551 : vector<16xf32>
      %swap3A_557 = arith.index_cast %scan3A_372 : i32 to index
      %swap3A_558 = arith.constant 176 : index
      %swap3A_559 = tpu.vector_load %arg9[%swap3A_557, %swap3A_558] {strides = array<i32>} : memref<64x256xf32, #tpu.memory_space<vmem>>, vector<1x16xf32>,
      %swap3A_560 = vector.shape_cast %swap3A_559 : vector<1x16xf32> to vector<16xf32>
      %swap3A_561 = vector.shape_cast %sub3A_556 : vector<16xf32> to vector<1x16xf32>
      tpu.vector_store %arg9[%swap3A_557, %swap3A_558], %swap3A_561 {strides = array<i32>} : memref<64x256xf32, #tpu.memory_space<vmem>>, vector<1x16xf32>,
      %mul3A_562 = arith.mulf %sub3A_556, %sub3A_556 : vector<16xf32>
      %add3A_563 = arith.addf %add3A_547, %mul3A_562 : vector<16xf32>
      %get3A_564 = arith.index_cast %scan3A_372 : i32 to index
      %get3A_565 = arith.constant 192 : index
      %get3A_566 = tpu.vector_load %arg9[%get3A_564, %get3A_565] {strides = array<i32>} : memref<64x256xf32, #tpu.memory_space<vmem>>, vector<1x16xf32>,
      %get3A_567 = vector.shape_cast %get3A_566 : vector<1x16xf32> to vector<16xf32>
      %get3A_568 = arith.index_cast %scan3A_372 : i32 to index
      %get3A_569 = arith.constant 192 : index
      %get3A_570 = tpu.vector_load %arg12[%get3A_568, %get3A_569] {strides = array<i32>} : memref<64x256xf32, #tpu.memory_space<vmem>>, vector<1x16xf32>,
      %get3A_571 = vector.shape_cast %get3A_570 : vector<1x16xf32> to vector<16xf32>
      %sub3A_572 = arith.subf %get3A_571, %get3A_567 : vector<16xf32>
      %swap3A_573 = arith.index_cast %scan3A_372 : i32 to index
      %swap3A_574 = arith.constant 192 : index
      %swap3A_575 = tpu.vector_load %arg9[%swap3A_573, %swap3A_574] {strides = array<i32>} : memref<64x256xf32, #tpu.memory_space<vmem>>, vector<1x16xf32>,
      %swap3A_576 = vector.shape_cast %swap3A_575 : vector<1x16xf32> to vector<16xf32>
      %swap3A_577 = vector.shape_cast %sub3A_572 : vector<16xf32> to vector<1x16xf32>
      tpu.vector_store %arg9[%swap3A_573, %swap3A_574], %swap3A_577 {strides = array<i32>} : memref<64x256xf32, #tpu.memory_space<vmem>>, vector<1x16xf32>,
      %mul3A_578 = arith.mulf %sub3A_572, %sub3A_572 : vector<16xf32>
      %add3A_579 = arith.addf %add3A_563, %mul3A_578 : vector<16xf32>
      %get3A_580 = arith.index_cast %scan3A_372 : i32 to index
      %get3A_581 = arith.constant 208 : index
      %get3A_582 = tpu.vector_load %arg9[%get3A_580, %get3A_581] {strides = array<i32>} : memref<64x256xf32, #tpu.memory_space<vmem>>, vector<1x16xf32>,
      %get3A_583 = vector.shape_cast %get3A_582 : vector<1x16xf32> to vector<16xf32>
      %get3A_584 = arith.index_cast %scan3A_372 : i32 to index
      %get3A_585 = arith.constant 208 : index
      %get3A_586 = tpu.vector_load %arg12[%get3A_584, %get3A_585] {strides = array<i32>} : memref<64x256xf32, #tpu.memory_space<vmem>>, vector<1x16xf32>,
      %get3A_587 = vector.shape_cast %get3A_586 : vector<1x16xf32> to vector<16xf32>
      %sub3A_588 = arith.subf %get3A_587, %get3A_583 : vector<16xf32>
      %swap3A_589 = arith.index_cast %scan3A_372 : i32 to index
      %swap3A_590 = arith.constant 208 : index
      %swap3A_591 = tpu.vector_load %arg9[%swap3A_589, %swap3A_590] {strides = array<i32>} : memref<64x256xf32, #tpu.memory_space<vmem>>, vector<1x16xf32>,
      %swap3A_592 = vector.shape_cast %swap3A_591 : vector<1x16xf32> to vector<16xf32>
      %swap3A_593 = vector.shape_cast %sub3A_588 : vector<16xf32> to vector<1x16xf32>
      tpu.vector_store %arg9[%swap3A_589, %swap3A_590], %swap3A_593 {strides = array<i32>} : memref<64x256xf32, #tpu.memory_space<vmem>>, vector<1x16xf32>,
      %mul3A_594 = arith.mulf %sub3A_588, %sub3A_588 : vector<16xf32>
      %add3A_595 = arith.addf %add3A_579, %mul3A_594 : vector<16xf32>
      %get3A_596 = arith.index_cast %scan3A_372 : i32 to index
      %get3A_597 = arith.constant 224 : index
      %get3A_598 = tpu.vector_load %arg9[%get3A_596, %get3A_597] {strides = array<i32>} : memref<64x256xf32, #tpu.memory_space<vmem>>, vector<1x16xf32>,
      %get3A_599 = vector.shape_cast %get3A_598 : vector<1x16xf32> to vector<16xf32>
      %get3A_600 = arith.index_cast %scan3A_372 : i32 to index
      %get3A_601 = arith.constant 224 : index
      %get3A_602 = tpu.vector_load %arg12[%get3A_600, %get3A_601] {strides = array<i32>} : memref<64x256xf32, #tpu.memory_space<vmem>>, vector<1x16xf32>,
      %get3A_603 = vector.shape_cast %get3A_602 : vector<1x16xf32> to vector<16xf32>
      %sub3A_604 = arith.subf %get3A_603, %get3A_599 : vector<16xf32>
      %swap3A_605 = arith.index_cast %scan3A_372 : i32 to index
      %swap3A_606 = arith.constant 224 : index
      %swap3A_607 = tpu.vector_load %arg9[%swap3A_605, %swap3A_606] {strides = array<i32>} : memref<64x256xf32, #tpu.memory_space<vmem>>, vector<1x16xf32>,
      %swap3A_608 = vector.shape_cast %swap3A_607 : vector<1x16xf32> to vector<16xf32>
      %swap3A_609 = vector.shape_cast %sub3A_604 : vector<16xf32> to vector<1x16xf32>
      tpu.vector_store %arg9[%swap3A_605, %swap3A_606], %swap3A_609 {strides = array<i32>} : memref<64x256xf32, #tpu.memory_space<vmem>>, vector<1x16xf32>,
      %mul3A_610 = arith.mulf %sub3A_604, %sub3A_604 : vector<16xf32>
      %add3A_611 = arith.addf %add3A_595, %mul3A_610 : vector<16xf32>
      %get3A_612 = arith.index_cast %scan3A_372 : i32 to index
      %get3A_613 = arith.constant 240 : index
      %get3A_614 = tpu.vector_load %arg9[%get3A_612, %get3A_613] {strides = array<i32>} : memref<64x256xf32, #tpu.memory_space<vmem>>, vector<1x16xf32>,
      %get3A_615 = vector.shape_cast %get3A_614 : vector<1x16xf32> to vector<16xf32>
      %get3A_616 = arith.index_cast %scan3A_372 : i32 to index
      %get3A_617 = arith.constant 240 : index
      %get3A_618 = tpu.vector_load %arg12[%get3A_616, %get3A_617] {strides = array<i32>} : memref<64x256xf32, #tpu.memory_space<vmem>>, vector<1x16xf32>,
      %get3A_619 = vector.shape_cast %get3A_618 : vector<1x16xf32> to vector<16xf32>
      %sub3A_620 = arith.subf %get3A_619, %get3A_615 : vector<16xf32>
      %swap3A_621 = arith.index_cast %scan3A_372 : i32 to index
      %swap3A_622 = arith.constant 240 : index
      %swap3A_623 = tpu.vector_load %arg9[%swap3A_621, %swap3A_622] {strides = array<i32>} : memref<64x256xf32, #tpu.memory_space<vmem>>, vector<1x16xf32>,
      %swap3A_624 = vector.shape_cast %swap3A_623 : vector<1x16xf32> to vector<16xf32>
      %swap3A_625 = vector.shape_cast %sub3A_620 : vector<16xf32> to vector<1x16xf32>
      tpu.vector_store %arg9[%swap3A_621, %swap3A_622], %swap3A_625 {strides = array<i32>} : memref<64x256xf32, #tpu.memory_space<vmem>>, vector<1x16xf32>,
      %mul3A_626 = arith.mulf %sub3A_620, %sub3A_620 : vector<16xf32>
      %add3A_627 = arith.addf %add3A_611, %mul3A_626 : vector<16xf32>
      scf.yield %add3A_627 : vector<16xf32>
    }
    %scan3A_184 = arith.constant 64 : i32
    %add3A_185 = arith.constant 192 : i32
    %add3A_186 = arith.addi %mul3A_2, %add3A_185 : i32
    %dma_start3A_187 = arith.constant 0 : i32
    %dma_start3A_188 = tpu.memref_slice %arg5[%add3A_186, %dma_start3A_187] : memref<16384x256xf32, #tpu.memory_space<hbm>> -> memref<64x256xf32, #tpu.memory_space<hbm>>
    %dma_start3A_189 = arith.constant 0 : i32
    %dma_start3A_190 = tpu.memref_slice %arg5[%add3A_186, %dma_start3A_189] : memref<16384x256xf32, #tpu.memory_space<hbm>> -> memref<64x256xf32, #tpu.memory_space<hbm>>
    tpu.enqueue_dma source(%arg12 : memref<64x256xf32, #tpu.memory_space<vmem>>) target(%dma_start3A_190 : memref<64x256xf32, #tpu.memory_space<hbm>>) target_semaphore(%arg25 : memref<!tpu.dma_semaphore, #tpu.memory_space<semaphore_mem>>)
    %add3A_191 = arith.constant 192 : i32
    %add3A_192 = arith.addi %mul3A_2, %add3A_191 : i32
    %dma_start3A_193 = arith.constant 0 : i32
    %dma_start3A_194 = tpu.memref_slice %arg6[%add3A_192, %dma_start3A_193] : memref<16384x256xf32, #tpu.memory_space<hbm>> -> memref<64x256xf32, #tpu.memory_space<hbm>>
    %dma_start3A_195 = arith.constant 0 : i32
    %dma_start3A_196 = tpu.memref_slice %arg6[%add3A_192, %dma_start3A_195] : memref<16384x256xf32, #tpu.memory_space<hbm>> -> memref<64x256xf32, #tpu.memory_space<hbm>>
    tpu.enqueue_dma source(%arg9 : memref<64x256xf32, #tpu.memory_space<vmem>>) target(%dma_start3A_196 : memref<64x256xf32, #tpu.memory_space<hbm>>) target_semaphore(%arg22 : memref<!tpu.dma_semaphore, #tpu.memory_space<semaphore_mem>>)
    %dma_wait3A_197 = arith.constant 0 : i32
    %dma_wait3A_198 = tpu.memref_slice %arg6[%add3A_192, %dma_wait3A_197] : memref<16384x256xf32, #tpu.memory_space<hbm>> -> memref<64x256xf32, #tpu.memory_space<hbm>>
    %dma_wait3A_199 = arith.constant 0 : i32
    %dma_wait3A_200 = tpu.memref_slice %arg6[%add3A_192, %dma_wait3A_199] : memref<16384x256xf32, #tpu.memory_space<hbm>> -> memref<64x256xf32, #tpu.memory_space<hbm>>
    tpu.wait_dma2 semaphore(%arg22 : memref<!tpu.dma_semaphore, #tpu.memory_space<semaphore_mem>>) src(%arg9 : memref<64x256xf32, #tpu.memory_space<vmem>>) dst(%dma_wait3A_200 : memref<64x256xf32, #tpu.memory_space<hbm>>)
    %dma_wait3A_201 = arith.constant 0 : i32
    %dma_wait3A_202 = tpu.memref_slice %arg5[%add3A_186, %dma_wait3A_201] : memref<16384x256xf32, #tpu.memory_space<hbm>> -> memref<64x256xf32, #tpu.memory_space<hbm>>
    %dma_wait3A_203 = arith.constant 0 : i32
    %dma_wait3A_204 = tpu.memref_slice %arg5[%add3A_186, %dma_wait3A_203] : memref<16384x256xf32, #tpu.memory_space<hbm>> -> memref<64x256xf32, #tpu.memory_space<hbm>>
    tpu.wait_dma2 semaphore(%arg25 : memref<!tpu.dma_semaphore, #tpu.memory_space<semaphore_mem>>) src(%arg12 : memref<64x256xf32, #tpu.memory_space<vmem>>) dst(%dma_wait3A_204 : memref<64x256xf32, #tpu.memory_space<hbm>>)
    %dma_start3A_205 = arith.constant 384 : i32
    %dma_start3A_206 = tpu.memref_slice %arg8[%dma_start3A_205] : memref<512xi32, #tpu.memory_space<vmem>> -> memref<64xi32, #tpu.memory_space<vmem>>
    %dma_start3A_207 = arith.constant 0 : i32
    %dma_start3A_208 = arith.constant 0 : i32
    %dma_start3A_209 = tpu.memref_slice %arg3[%dma_start3A_207, %dma_start3A_208] : memref<8192x256xf32, #tpu.memory_space<hbm>> -> memref<8192x256xf32, #tpu.memory_space<hbm>>
    tpu.enqueue_indirect_dma source(%dma_start3A_209 : memref<8192x256xf32, #tpu.memory_space<hbm>>) target(%arg9 : memref<64x256xf32, #tpu.memory_space<vmem>>) offsets(%dma_start3A_206 : memref<64xi32, #tpu.memory_space<vmem>>) semaphore(%arg16 : memref<!tpu.dma_semaphore, #tpu.memory_space<semaphore_mem>>)
    %dma_start3A_210 = arith.constant 384 : i32
    %dma_start3A_211 = tpu.memref_slice %arg8[%dma_start3A_210] : memref<512xi32, #tpu.memory_space<vmem>> -> memref<64xi32, #tpu.memory_space<vmem>>
    %dma_start3A_212 = arith.constant 0 : i32
    %dma_start3A_213 = arith.constant 0 : i32
    %dma_start3A_214 = tpu.memref_slice %arg4[%dma_start3A_212, %dma_start3A_213] : memref<8192x256xf32, #tpu.memory_space<hbm>> -> memref<8192x256xf32, #tpu.memory_space<hbm>>
    tpu.enqueue_indirect_dma source(%dma_start3A_214 : memref<8192x256xf32, #tpu.memory_space<hbm>>) target(%arg12 : memref<64x256xf32, #tpu.memory_space<vmem>>) offsets(%dma_start3A_211 : memref<64xi32, #tpu.memory_space<vmem>>) semaphore(%arg19 : memref<!tpu.dma_semaphore, #tpu.memory_space<semaphore_mem>>)
    %dma_wait3A_215 = arith.constant 256 : i32
    %dma_wait3A_216 = tpu.memref_slice %arg8[%dma_wait3A_215] : memref<512xi32, #tpu.memory_space<vmem>> -> memref<64xi32, #tpu.memory_space<vmem>>
    %dma_wait3A_217 = arith.constant 0 : i32
    %dma_wait3A_218 = arith.constant 0 : i32
    %dma_wait3A_219 = tpu.memref_slice %arg3[%dma_wait3A_217, %dma_wait3A_218] : memref<8192x256xf32, #tpu.memory_space<hbm>> -> memref<8192x256xf32, #tpu.memory_space<hbm>>
    tpu.wait_indirect_dma semaphore(%arg17 : memref<!tpu.dma_semaphore, #tpu.memory_space<semaphore_mem>>) src(%dma_wait3A_219 : memref<8192x256xf32, #tpu.memory_space<hbm>>) dst(%arg10 : memref<64x256xf32, #tpu.memory_space<vmem>>)
    %dma_wait3A_220 = arith.constant 256 : i32
    %dma_wait3A_221 = tpu.memref_slice %arg8[%dma_wait3A_220] : memref<512xi32, #tpu.memory_space<vmem>> -> memref<64xi32, #tpu.memory_space<vmem>>
    %dma_wait3A_222 = arith.constant 0 : i32
    %dma_wait3A_223 = arith.constant 0 : i32
    %dma_wait3A_224 = tpu.memref_slice %arg4[%dma_wait3A_222, %dma_wait3A_223] : memref<8192x256xf32, #tpu.memory_space<hbm>> -> memref<8192x256xf32, #tpu.memory_space<hbm>>
    tpu.wait_indirect_dma semaphore(%arg20 : memref<!tpu.dma_semaphore, #tpu.memory_space<semaphore_mem>>) src(%dma_wait3A_224 : memref<8192x256xf32, #tpu.memory_space<hbm>>) dst(%arg13 : memref<64x256xf32, #tpu.memory_space<vmem>>)
    %scan3A_225 = arith.constant 0 : i32
    %scan3A_226 = arith.constant 64 : i32
    %scan3A_227 = arith.addi %scan3A_225, %scan3A_226 : i32
    %scan3A_228 = arith.constant 1 : i32
    %scan3A_229 = scf.for %scan3A_372 = %scan3A_225 to %scan3A_227 step %scan3A_228 iter_args(%scan3A_373 = %scan3A_183) -> (vector<16xf32>)  : i32 {
      %get3A = arith.index_cast %scan3A_372 : i32 to index
      %get3A_374 = arith.constant 0 : index
      %get3A_375 = tpu.vector_load %arg10[%get3A, %get3A_374] {strides = array<i32>} : memref<64x256xf32, #tpu.memory_space<vmem>>, vector<1x16xf32>,
      %get3A_376 = vector.shape_cast %get3A_375 : vector<1x16xf32> to vector<16xf32>
      %get3A_377 = arith.index_cast %scan3A_372 : i32 to index
      %get3A_378 = arith.constant 0 : index
      %get3A_379 = tpu.vector_load %arg13[%get3A_377, %get3A_378] {strides = array<i32>} : memref<64x256xf32, #tpu.memory_space<vmem>>, vector<1x16xf32>,
      %get3A_380 = vector.shape_cast %get3A_379 : vector<1x16xf32> to vector<16xf32>
      %sub3A = arith.subf %get3A_380, %get3A_376 : vector<16xf32>
      %swap3A_381 = arith.index_cast %scan3A_372 : i32 to index
      %swap3A_382 = arith.constant 0 : index
      %swap3A_383 = tpu.vector_load %arg10[%swap3A_381, %swap3A_382] {strides = array<i32>} : memref<64x256xf32, #tpu.memory_space<vmem>>, vector<1x16xf32>,
      %swap3A_384 = vector.shape_cast %swap3A_383 : vector<1x16xf32> to vector<16xf32>
      %swap3A_385 = vector.shape_cast %sub3A : vector<16xf32> to vector<1x16xf32>
      tpu.vector_store %arg10[%swap3A_381, %swap3A_382], %swap3A_385 {strides = array<i32>} : memref<64x256xf32, #tpu.memory_space<vmem>>, vector<1x16xf32>,
      %mul3A_386 = arith.mulf %sub3A, %sub3A : vector<16xf32>
      %add3A_387 = arith.addf %scan3A_373, %mul3A_386 : vector<16xf32>
      %get3A_388 = arith.index_cast %scan3A_372 : i32 to index
      %get3A_389 = arith.constant 16 : index
      %get3A_390 = tpu.vector_load %arg10[%get3A_388, %get3A_389] {strides = array<i32>} : memref<64x256xf32, #tpu.memory_space<vmem>>, vector<1x16xf32>,
      %get3A_391 = vector.shape_cast %get3A_390 : vector<1x16xf32> to vector<16xf32>
      %get3A_392 = arith.index_cast %scan3A_372 : i32 to index
      %get3A_393 = arith.constant 16 : index
      %get3A_394 = tpu.vector_load %arg13[%get3A_392, %get3A_393] {strides = array<i32>} : memref<64x256xf32, #tpu.memory_space<vmem>>, vector<1x16xf32>,
      %get3A_395 = vector.shape_cast %get3A_394 : vector<1x16xf32> to vector<16xf32>
      %sub3A_396 = arith.subf %get3A_395, %get3A_391 : vector<16xf32>
      %swap3A_397 = arith.index_cast %scan3A_372 : i32 to index
      %swap3A_398 = arith.constant 16 : index
      %swap3A_399 = tpu.vector_load %arg10[%swap3A_397, %swap3A_398] {strides = array<i32>} : memref<64x256xf32, #tpu.memory_space<vmem>>, vector<1x16xf32>,
      %swap3A_400 = vector.shape_cast %swap3A_399 : vector<1x16xf32> to vector<16xf32>
      %swap3A_401 = vector.shape_cast %sub3A_396 : vector<16xf32> to vector<1x16xf32>
      tpu.vector_store %arg10[%swap3A_397, %swap3A_398], %swap3A_401 {strides = array<i32>} : memref<64x256xf32, #tpu.memory_space<vmem>>, vector<1x16xf32>,
      %mul3A_402 = arith.mulf %sub3A_396, %sub3A_396 : vector<16xf32>
      %add3A_403 = arith.addf %add3A_387, %mul3A_402 : vector<16xf32>
      %get3A_404 = arith.index_cast %scan3A_372 : i32 to index
      %get3A_405 = arith.constant 32 : index
      %get3A_406 = tpu.vector_load %arg10[%get3A_404, %get3A_405] {strides = array<i32>} : memref<64x256xf32, #tpu.memory_space<vmem>>, vector<1x16xf32>,
      %get3A_407 = vector.shape_cast %get3A_406 : vector<1x16xf32> to vector<16xf32>
      %get3A_408 = arith.index_cast %scan3A_372 : i32 to index
      %get3A_409 = arith.constant 32 : index
      %get3A_410 = tpu.vector_load %arg13[%get3A_408, %get3A_409] {strides = array<i32>} : memref<64x256xf32, #tpu.memory_space<vmem>>, vector<1x16xf32>,
      %get3A_411 = vector.shape_cast %get3A_410 : vector<1x16xf32> to vector<16xf32>
      %sub3A_412 = arith.subf %get3A_411, %get3A_407 : vector<16xf32>
      %swap3A_413 = arith.index_cast %scan3A_372 : i32 to index
      %swap3A_414 = arith.constant 32 : index
      %swap3A_415 = tpu.vector_load %arg10[%swap3A_413, %swap3A_414] {strides = array<i32>} : memref<64x256xf32, #tpu.memory_space<vmem>>, vector<1x16xf32>,
      %swap3A_416 = vector.shape_cast %swap3A_415 : vector<1x16xf32> to vector<16xf32>
      %swap3A_417 = vector.shape_cast %sub3A_412 : vector<16xf32> to vector<1x16xf32>
      tpu.vector_store %arg10[%swap3A_413, %swap3A_414], %swap3A_417 {strides = array<i32>} : memref<64x256xf32, #tpu.memory_space<vmem>>, vector<1x16xf32>,
      %mul3A_418 = arith.mulf %sub3A_412, %sub3A_412 : vector<16xf32>
      %add3A_419 = arith.addf %add3A_403, %mul3A_418 : vector<16xf32>
      %get3A_420 = arith.index_cast %scan3A_372 : i32 to index
      %get3A_421 = arith.constant 48 : index
      %get3A_422 = tpu.vector_load %arg10[%get3A_420, %get3A_421] {strides = array<i32>} : memref<64x256xf32, #tpu.memory_space<vmem>>, vector<1x16xf32>,
      %get3A_423 = vector.shape_cast %get3A_422 : vector<1x16xf32> to vector<16xf32>
      %get3A_424 = arith.index_cast %scan3A_372 : i32 to index
      %get3A_425 = arith.constant 48 : index
      %get3A_426 = tpu.vector_load %arg13[%get3A_424, %get3A_425] {strides = array<i32>} : memref<64x256xf32, #tpu.memory_space<vmem>>, vector<1x16xf32>,
      %get3A_427 = vector.shape_cast %get3A_426 : vector<1x16xf32> to vector<16xf32>
      %sub3A_428 = arith.subf %get3A_427, %get3A_423 : vector<16xf32>
      %swap3A_429 = arith.index_cast %scan3A_372 : i32 to index
      %swap3A_430 = arith.constant 48 : index
      %swap3A_431 = tpu.vector_load %arg10[%swap3A_429, %swap3A_430] {strides = array<i32>} : memref<64x256xf32, #tpu.memory_space<vmem>>, vector<1x16xf32>,
      %swap3A_432 = vector.shape_cast %swap3A_431 : vector<1x16xf32> to vector<16xf32>
      %swap3A_433 = vector.shape_cast %sub3A_428 : vector<16xf32> to vector<1x16xf32>
      tpu.vector_store %arg10[%swap3A_429, %swap3A_430], %swap3A_433 {strides = array<i32>} : memref<64x256xf32, #tpu.memory_space<vmem>>, vector<1x16xf32>,
      %mul3A_434 = arith.mulf %sub3A_428, %sub3A_428 : vector<16xf32>
      %add3A_435 = arith.addf %add3A_419, %mul3A_434 : vector<16xf32>
      %get3A_436 = arith.index_cast %scan3A_372 : i32 to index
      %get3A_437 = arith.constant 64 : index
      %get3A_438 = tpu.vector_load %arg10[%get3A_436, %get3A_437] {strides = array<i32>} : memref<64x256xf32, #tpu.memory_space<vmem>>, vector<1x16xf32>,
      %get3A_439 = vector.shape_cast %get3A_438 : vector<1x16xf32> to vector<16xf32>
      %get3A_440 = arith.index_cast %scan3A_372 : i32 to index
      %get3A_441 = arith.constant 64 : index
      %get3A_442 = tpu.vector_load %arg13[%get3A_440, %get3A_441] {strides = array<i32>} : memref<64x256xf32, #tpu.memory_space<vmem>>, vector<1x16xf32>,
      %get3A_443 = vector.shape_cast %get3A_442 : vector<1x16xf32> to vector<16xf32>
      %sub3A_444 = arith.subf %get3A_443, %get3A_439 : vector<16xf32>
      %swap3A_445 = arith.index_cast %scan3A_372 : i32 to index
      %swap3A_446 = arith.constant 64 : index
      %swap3A_447 = tpu.vector_load %arg10[%swap3A_445, %swap3A_446] {strides = array<i32>} : memref<64x256xf32, #tpu.memory_space<vmem>>, vector<1x16xf32>,
      %swap3A_448 = vector.shape_cast %swap3A_447 : vector<1x16xf32> to vector<16xf32>
      %swap3A_449 = vector.shape_cast %sub3A_444 : vector<16xf32> to vector<1x16xf32>
      tpu.vector_store %arg10[%swap3A_445, %swap3A_446], %swap3A_449 {strides = array<i32>} : memref<64x256xf32, #tpu.memory_space<vmem>>, vector<1x16xf32>,
      %mul3A_450 = arith.mulf %sub3A_444, %sub3A_444 : vector<16xf32>
      %add3A_451 = arith.addf %add3A_435, %mul3A_450 : vector<16xf32>
      %get3A_452 = arith.index_cast %scan3A_372 : i32 to index
      %get3A_453 = arith.constant 80 : index
      %get3A_454 = tpu.vector_load %arg10[%get3A_452, %get3A_453] {strides = array<i32>} : memref<64x256xf32, #tpu.memory_space<vmem>>, vector<1x16xf32>,
      %get3A_455 = vector.shape_cast %get3A_454 : vector<1x16xf32> to vector<16xf32>
      %get3A_456 = arith.index_cast %scan3A_372 : i32 to index
      %get3A_457 = arith.constant 80 : index
      %get3A_458 = tpu.vector_load %arg13[%get3A_456, %get3A_457] {strides = array<i32>} : memref<64x256xf32, #tpu.memory_space<vmem>>, vector<1x16xf32>,
      %get3A_459 = vector.shape_cast %get3A_458 : vector<1x16xf32> to vector<16xf32>
      %sub3A_460 = arith.subf %get3A_459, %get3A_455 : vector<16xf32>
      %swap3A_461 = arith.index_cast %scan3A_372 : i32 to index
      %swap3A_462 = arith.constant 80 : index
      %swap3A_463 = tpu.vector_load %arg10[%swap3A_461, %swap3A_462] {strides = array<i32>} : memref<64x256xf32, #tpu.memory_space<vmem>>, vector<1x16xf32>,
      %swap3A_464 = vector.shape_cast %swap3A_463 : vector<1x16xf32> to vector<16xf32>
      %swap3A_465 = vector.shape_cast %sub3A_460 : vector<16xf32> to vector<1x16xf32>
      tpu.vector_store %arg10[%swap3A_461, %swap3A_462], %swap3A_465 {strides = array<i32>} : memref<64x256xf32, #tpu.memory_space<vmem>>, vector<1x16xf32>,
      %mul3A_466 = arith.mulf %sub3A_460, %sub3A_460 : vector<16xf32>
      %add3A_467 = arith.addf %add3A_451, %mul3A_466 : vector<16xf32>
      %get3A_468 = arith.index_cast %scan3A_372 : i32 to index
      %get3A_469 = arith.constant 96 : index
      %get3A_470 = tpu.vector_load %arg10[%get3A_468, %get3A_469] {strides = array<i32>} : memref<64x256xf32, #tpu.memory_space<vmem>>, vector<1x16xf32>,
      %get3A_471 = vector.shape_cast %get3A_470 : vector<1x16xf32> to vector<16xf32>
      %get3A_472 = arith.index_cast %scan3A_372 : i32 to index
      %get3A_473 = arith.constant 96 : index
      %get3A_474 = tpu.vector_load %arg13[%get3A_472, %get3A_473] {strides = array<i32>} : memref<64x256xf32, #tpu.memory_space<vmem>>, vector<1x16xf32>,
      %get3A_475 = vector.shape_cast %get3A_474 : vector<1x16xf32> to vector<16xf32>
      %sub3A_476 = arith.subf %get3A_475, %get3A_471 : vector<16xf32>
      %swap3A_477 = arith.index_cast %scan3A_372 : i32 to index
      %swap3A_478 = arith.constant 96 : index
      %swap3A_479 = tpu.vector_load %arg10[%swap3A_477, %swap3A_478] {strides = array<i32>} : memref<64x256xf32, #tpu.memory_space<vmem>>, vector<1x16xf32>,
      %swap3A_480 = vector.shape_cast %swap3A_479 : vector<1x16xf32> to vector<16xf32>
      %swap3A_481 = vector.shape_cast %sub3A_476 : vector<16xf32> to vector<1x16xf32>
      tpu.vector_store %arg10[%swap3A_477, %swap3A_478], %swap3A_481 {strides = array<i32>} : memref<64x256xf32, #tpu.memory_space<vmem>>, vector<1x16xf32>,
      %mul3A_482 = arith.mulf %sub3A_476, %sub3A_476 : vector<16xf32>
      %add3A_483 = arith.addf %add3A_467, %mul3A_482 : vector<16xf32>
      %get3A_484 = arith.index_cast %scan3A_372 : i32 to index
      %get3A_485 = arith.constant 112 : index
      %get3A_486 = tpu.vector_load %arg10[%get3A_484, %get3A_485] {strides = array<i32>} : memref<64x256xf32, #tpu.memory_space<vmem>>, vector<1x16xf32>,
      %get3A_487 = vector.shape_cast %get3A_486 : vector<1x16xf32> to vector<16xf32>
      %get3A_488 = arith.index_cast %scan3A_372 : i32 to index
      %get3A_489 = arith.constant 112 : index
      %get3A_490 = tpu.vector_load %arg13[%get3A_488, %get3A_489] {strides = array<i32>} : memref<64x256xf32, #tpu.memory_space<vmem>>, vector<1x16xf32>,
      %get3A_491 = vector.shape_cast %get3A_490 : vector<1x16xf32> to vector<16xf32>
      %sub3A_492 = arith.subf %get3A_491, %get3A_487 : vector<16xf32>
      %swap3A_493 = arith.index_cast %scan3A_372 : i32 to index
      %swap3A_494 = arith.constant 112 : index
      %swap3A_495 = tpu.vector_load %arg10[%swap3A_493, %swap3A_494] {strides = array<i32>} : memref<64x256xf32, #tpu.memory_space<vmem>>, vector<1x16xf32>,
      %swap3A_496 = vector.shape_cast %swap3A_495 : vector<1x16xf32> to vector<16xf32>
      %swap3A_497 = vector.shape_cast %sub3A_492 : vector<16xf32> to vector<1x16xf32>
      tpu.vector_store %arg10[%swap3A_493, %swap3A_494], %swap3A_497 {strides = array<i32>} : memref<64x256xf32, #tpu.memory_space<vmem>>, vector<1x16xf32>,
      %mul3A_498 = arith.mulf %sub3A_492, %sub3A_492 : vector<16xf32>
      %add3A_499 = arith.addf %add3A_483, %mul3A_498 : vector<16xf32>
      %get3A_500 = arith.index_cast %scan3A_372 : i32 to index
      %get3A_501 = arith.constant 128 : index
      %get3A_502 = tpu.vector_load %arg10[%get3A_500, %get3A_501] {strides = array<i32>} : memref<64x256xf32, #tpu.memory_space<vmem>>, vector<1x16xf32>,
      %get3A_503 = vector.shape_cast %get3A_502 : vector<1x16xf32> to vector<16xf32>
      %get3A_504 = arith.index_cast %scan3A_372 : i32 to index
      %get3A_505 = arith.constant 128 : index
      %get3A_506 = tpu.vector_load %arg13[%get3A_504, %get3A_505] {strides = array<i32>} : memref<64x256xf32, #tpu.memory_space<vmem>>, vector<1x16xf32>,
      %get3A_507 = vector.shape_cast %get3A_506 : vector<1x16xf32> to vector<16xf32>
      %sub3A_508 = arith.subf %get3A_507, %get3A_503 : vector<16xf32>
      %swap3A_509 = arith.index_cast %scan3A_372 : i32 to index
      %swap3A_510 = arith.constant 128 : index
      %swap3A_511 = tpu.vector_load %arg10[%swap3A_509, %swap3A_510] {strides = array<i32>} : memref<64x256xf32, #tpu.memory_space<vmem>>, vector<1x16xf32>,
      %swap3A_512 = vector.shape_cast %swap3A_511 : vector<1x16xf32> to vector<16xf32>
      %swap3A_513 = vector.shape_cast %sub3A_508 : vector<16xf32> to vector<1x16xf32>
      tpu.vector_store %arg10[%swap3A_509, %swap3A_510], %swap3A_513 {strides = array<i32>} : memref<64x256xf32, #tpu.memory_space<vmem>>, vector<1x16xf32>,
      %mul3A_514 = arith.mulf %sub3A_508, %sub3A_508 : vector<16xf32>
      %add3A_515 = arith.addf %add3A_499, %mul3A_514 : vector<16xf32>
      %get3A_516 = arith.index_cast %scan3A_372 : i32 to index
      %get3A_517 = arith.constant 144 : index
      %get3A_518 = tpu.vector_load %arg10[%get3A_516, %get3A_517] {strides = array<i32>} : memref<64x256xf32, #tpu.memory_space<vmem>>, vector<1x16xf32>,
      %get3A_519 = vector.shape_cast %get3A_518 : vector<1x16xf32> to vector<16xf32>
      %get3A_520 = arith.index_cast %scan3A_372 : i32 to index
      %get3A_521 = arith.constant 144 : index
      %get3A_522 = tpu.vector_load %arg13[%get3A_520, %get3A_521] {strides = array<i32>} : memref<64x256xf32, #tpu.memory_space<vmem>>, vector<1x16xf32>,
      %get3A_523 = vector.shape_cast %get3A_522 : vector<1x16xf32> to vector<16xf32>
      %sub3A_524 = arith.subf %get3A_523, %get3A_519 : vector<16xf32>
      %swap3A_525 = arith.index_cast %scan3A_372 : i32 to index
      %swap3A_526 = arith.constant 144 : index
      %swap3A_527 = tpu.vector_load %arg10[%swap3A_525, %swap3A_526] {strides = array<i32>} : memref<64x256xf32, #tpu.memory_space<vmem>>, vector<1x16xf32>,
      %swap3A_528 = vector.shape_cast %swap3A_527 : vector<1x16xf32> to vector<16xf32>
      %swap3A_529 = vector.shape_cast %sub3A_524 : vector<16xf32> to vector<1x16xf32>
      tpu.vector_store %arg10[%swap3A_525, %swap3A_526], %swap3A_529 {strides = array<i32>} : memref<64x256xf32, #tpu.memory_space<vmem>>, vector<1x16xf32>,
      %mul3A_530 = arith.mulf %sub3A_524, %sub3A_524 : vector<16xf32>
      %add3A_531 = arith.addf %add3A_515, %mul3A_530 : vector<16xf32>
      %get3A_532 = arith.index_cast %scan3A_372 : i32 to index
      %get3A_533 = arith.constant 160 : index
      %get3A_534 = tpu.vector_load %arg10[%get3A_532, %get3A_533] {strides = array<i32>} : memref<64x256xf32, #tpu.memory_space<vmem>>, vector<1x16xf32>,
      %get3A_535 = vector.shape_cast %get3A_534 : vector<1x16xf32> to vector<16xf32>
      %get3A_536 = arith.index_cast %scan3A_372 : i32 to index
      %get3A_537 = arith.constant 160 : index
      %get3A_538 = tpu.vector_load %arg13[%get3A_536, %get3A_537] {strides = array<i32>} : memref<64x256xf32, #tpu.memory_space<vmem>>, vector<1x16xf32>,
      %get3A_539 = vector.shape_cast %get3A_538 : vector<1x16xf32> to vector<16xf32>
      %sub3A_540 = arith.subf %get3A_539, %get3A_535 : vector<16xf32>
      %swap3A_541 = arith.index_cast %scan3A_372 : i32 to index
      %swap3A_542 = arith.constant 160 : index
      %swap3A_543 = tpu.vector_load %arg10[%swap3A_541, %swap3A_542] {strides = array<i32>} : memref<64x256xf32, #tpu.memory_space<vmem>>, vector<1x16xf32>,
      %swap3A_544 = vector.shape_cast %swap3A_543 : vector<1x16xf32> to vector<16xf32>
      %swap3A_545 = vector.shape_cast %sub3A_540 : vector<16xf32> to vector<1x16xf32>
      tpu.vector_store %arg10[%swap3A_541, %swap3A_542], %swap3A_545 {strides = array<i32>} : memref<64x256xf32, #tpu.memory_space<vmem>>, vector<1x16xf32>,
      %mul3A_546 = arith.mulf %sub3A_540, %sub3A_540 : vector<16xf32>
      %add3A_547 = arith.addf %add3A_531, %mul3A_546 : vector<16xf32>
      %get3A_548 = arith.index_cast %scan3A_372 : i32 to index
      %get3A_549 = arith.constant 176 : index
      %get3A_550 = tpu.vector_load %arg10[%get3A_548, %get3A_549] {strides = array<i32>} : memref<64x256xf32, #tpu.memory_space<vmem>>, vector<1x16xf32>,
      %get3A_551 = vector.shape_cast %get3A_550 : vector<1x16xf32> to vector<16xf32>
      %get3A_552 = arith.index_cast %scan3A_372 : i32 to index
      %get3A_553 = arith.constant 176 : index
      %get3A_554 = tpu.vector_load %arg13[%get3A_552, %get3A_553] {strides = array<i32>} : memref<64x256xf32, #tpu.memory_space<vmem>>, vector<1x16xf32>,
      %get3A_555 = vector.shape_cast %get3A_554 : vector<1x16xf32> to vector<16xf32>
      %sub3A_556 = arith.subf %get3A_555, %get3A_551 : vector<16xf32>
      %swap3A_557 = arith.index_cast %scan3A_372 : i32 to index
      %swap3A_558 = arith.constant 176 : index
      %swap3A_559 = tpu.vector_load %arg10[%swap3A_557, %swap3A_558] {strides = array<i32>} : memref<64x256xf32, #tpu.memory_space<vmem>>, vector<1x16xf32>,
      %swap3A_560 = vector.shape_cast %swap3A_559 : vector<1x16xf32> to vector<16xf32>
      %swap3A_561 = vector.shape_cast %sub3A_556 : vector<16xf32> to vector<1x16xf32>
      tpu.vector_store %arg10[%swap3A_557, %swap3A_558], %swap3A_561 {strides = array<i32>} : memref<64x256xf32, #tpu.memory_space<vmem>>, vector<1x16xf32>,
      %mul3A_562 = arith.mulf %sub3A_556, %sub3A_556 : vector<16xf32>
      %add3A_563 = arith.addf %add3A_547, %mul3A_562 : vector<16xf32>
      %get3A_564 = arith.index_cast %scan3A_372 : i32 to index
      %get3A_565 = arith.constant 192 : index
      %get3A_566 = tpu.vector_load %arg10[%get3A_564, %get3A_565] {strides = array<i32>} : memref<64x256xf32, #tpu.memory_space<vmem>>, vector<1x16xf32>,
      %get3A_567 = vector.shape_cast %get3A_566 : vector<1x16xf32> to vector<16xf32>
      %get3A_568 = arith.index_cast %scan3A_372 : i32 to index
      %get3A_569 = arith.constant 192 : index
      %get3A_570 = tpu.vector_load %arg13[%get3A_568, %get3A_569] {strides = array<i32>} : memref<64x256xf32, #tpu.memory_space<vmem>>, vector<1x16xf32>,
      %get3A_571 = vector.shape_cast %get3A_570 : vector<1x16xf32> to vector<16xf32>
      %sub3A_572 = arith.subf %get3A_571, %get3A_567 : vector<16xf32>
      %swap3A_573 = arith.index_cast %scan3A_372 : i32 to index
      %swap3A_574 = arith.constant 192 : index
      %swap3A_575 = tpu.vector_load %arg10[%swap3A_573, %swap3A_574] {strides = array<i32>} : memref<64x256xf32, #tpu.memory_space<vmem>>, vector<1x16xf32>,
      %swap3A_576 = vector.shape_cast %swap3A_575 : vector<1x16xf32> to vector<16xf32>
      %swap3A_577 = vector.shape_cast %sub3A_572 : vector<16xf32> to vector<1x16xf32>
      tpu.vector_store %arg10[%swap3A_573, %swap3A_574], %swap3A_577 {strides = array<i32>} : memref<64x256xf32, #tpu.memory_space<vmem>>, vector<1x16xf32>,
      %mul3A_578 = arith.mulf %sub3A_572, %sub3A_572 : vector<16xf32>
      %add3A_579 = arith.addf %add3A_563, %mul3A_578 : vector<16xf32>
      %get3A_580 = arith.index_cast %scan3A_372 : i32 to index
      %get3A_581 = arith.constant 208 : index
      %get3A_582 = tpu.vector_load %arg10[%get3A_580, %get3A_581] {strides = array<i32>} : memref<64x256xf32, #tpu.memory_space<vmem>>, vector<1x16xf32>,
      %get3A_583 = vector.shape_cast %get3A_582 : vector<1x16xf32> to vector<16xf32>
      %get3A_584 = arith.index_cast %scan3A_372 : i32 to index
      %get3A_585 = arith.constant 208 : index
      %get3A_586 = tpu.vector_load %arg13[%get3A_584, %get3A_585] {strides = array<i32>} : memref<64x256xf32, #tpu.memory_space<vmem>>, vector<1x16xf32>,
      %get3A_587 = vector.shape_cast %get3A_586 : vector<1x16xf32> to vector<16xf32>
      %sub3A_588 = arith.subf %get3A_587, %get3A_583 : vector<16xf32>
      %swap3A_589 = arith.index_cast %scan3A_372 : i32 to index
      %swap3A_590 = arith.constant 208 : index
      %swap3A_591 = tpu.vector_load %arg10[%swap3A_589, %swap3A_590] {strides = array<i32>} : memref<64x256xf32, #tpu.memory_space<vmem>>, vector<1x16xf32>,
      %swap3A_592 = vector.shape_cast %swap3A_591 : vector<1x16xf32> to vector<16xf32>
      %swap3A_593 = vector.shape_cast %sub3A_588 : vector<16xf32> to vector<1x16xf32>
      tpu.vector_store %arg10[%swap3A_589, %swap3A_590], %swap3A_593 {strides = array<i32>} : memref<64x256xf32, #tpu.memory_space<vmem>>, vector<1x16xf32>,
      %mul3A_594 = arith.mulf %sub3A_588, %sub3A_588 : vector<16xf32>
      %add3A_595 = arith.addf %add3A_579, %mul3A_594 : vector<16xf32>
      %get3A_596 = arith.index_cast %scan3A_372 : i32 to index
      %get3A_597 = arith.constant 224 : index
      %get3A_598 = tpu.vector_load %arg10[%get3A_596, %get3A_597] {strides = array<i32>} : memref<64x256xf32, #tpu.memory_space<vmem>>, vector<1x16xf32>,
      %get3A_599 = vector.shape_cast %get3A_598 : vector<1x16xf32> to vector<16xf32>
      %get3A_600 = arith.index_cast %scan3A_372 : i32 to index
      %get3A_601 = arith.constant 224 : index
      %get3A_602 = tpu.vector_load %arg13[%get3A_600, %get3A_601] {strides = array<i32>} : memref<64x256xf32, #tpu.memory_space<vmem>>, vector<1x16xf32>,
      %get3A_603 = vector.shape_cast %get3A_602 : vector<1x16xf32> to vector<16xf32>
      %sub3A_604 = arith.subf %get3A_603, %get3A_599 : vector<16xf32>
      %swap3A_605 = arith.index_cast %scan3A_372 : i32 to index
      %swap3A_606 = arith.constant 224 : index
      %swap3A_607 = tpu.vector_load %arg10[%swap3A_605, %swap3A_606] {strides = array<i32>} : memref<64x256xf32, #tpu.memory_space<vmem>>, vector<1x16xf32>,
      %swap3A_608 = vector.shape_cast %swap3A_607 : vector<1x16xf32> to vector<16xf32>
      %swap3A_609 = vector.shape_cast %sub3A_604 : vector<16xf32> to vector<1x16xf32>
      tpu.vector_store %arg10[%swap3A_605, %swap3A_606], %swap3A_609 {strides = array<i32>} : memref<64x256xf32, #tpu.memory_space<vmem>>, vector<1x16xf32>,
      %mul3A_610 = arith.mulf %sub3A_604, %sub3A_604 : vector<16xf32>
      %add3A_611 = arith.addf %add3A_595, %mul3A_610 : vector<16xf32>
      %get3A_612 = arith.index_cast %scan3A_372 : i32 to index
      %get3A_613 = arith.constant 240 : index
      %get3A_614 = tpu.vector_load %arg10[%get3A_612, %get3A_613] {strides = array<i32>} : memref<64x256xf32, #tpu.memory_space<vmem>>, vector<1x16xf32>,
      %get3A_615 = vector.shape_cast %get3A_614 : vector<1x16xf32> to vector<16xf32>
      %get3A_616 = arith.index_cast %scan3A_372 : i32 to index
      %get3A_617 = arith.constant 240 : index
      %get3A_618 = tpu.vector_load %arg13[%get3A_616, %get3A_617] {strides = array<i32>} : memref<64x256xf32, #tpu.memory_space<vmem>>, vector<1x16xf32>,
      %get3A_619 = vector.shape_cast %get3A_618 : vector<1x16xf32> to vector<16xf32>
      %sub3A_620 = arith.subf %get3A_619, %get3A_615 : vector<16xf32>
      %swap3A_621 = arith.index_cast %scan3A_372 : i32 to index
      %swap3A_622 = arith.constant 240 : index
      %swap3A_623 = tpu.vector_load %arg10[%swap3A_621, %swap3A_622] {strides = array<i32>} : memref<64x256xf32, #tpu.memory_space<vmem>>, vector<1x16xf32>,
      %swap3A_624 = vector.shape_cast %swap3A_623 : vector<1x16xf32> to vector<16xf32>
      %swap3A_625 = vector.shape_cast %sub3A_620 : vector<16xf32> to vector<1x16xf32>
      tpu.vector_store %arg10[%swap3A_621, %swap3A_622], %swap3A_625 {strides = array<i32>} : memref<64x256xf32, #tpu.memory_space<vmem>>, vector<1x16xf32>,
      %mul3A_626 = arith.mulf %sub3A_620, %sub3A_620 : vector<16xf32>
      %add3A_627 = arith.addf %add3A_611, %mul3A_626 : vector<16xf32>
      scf.yield %add3A_627 : vector<16xf32>
    }
    %scan3A_230 = arith.constant 64 : i32
    %add3A_231 = arith.constant 256 : i32
    %add3A_232 = arith.addi %mul3A_2, %add3A_231 : i32
    %dma_start3A_233 = arith.constant 0 : i32
    %dma_start3A_234 = tpu.memref_slice %arg5[%add3A_232, %dma_start3A_233] : memref<16384x256xf32, #tpu.memory_space<hbm>> -> memref<64x256xf32, #tpu.memory_space<hbm>>
    %dma_start3A_235 = arith.constant 0 : i32
    %dma_start3A_236 = tpu.memref_slice %arg5[%add3A_232, %dma_start3A_235] : memref<16384x256xf32, #tpu.memory_space<hbm>> -> memref<64x256xf32, #tpu.memory_space<hbm>>
    tpu.enqueue_dma source(%arg13 : memref<64x256xf32, #tpu.memory_space<vmem>>) target(%dma_start3A_236 : memref<64x256xf32, #tpu.memory_space<hbm>>) target_semaphore(%arg26 : memref<!tpu.dma_semaphore, #tpu.memory_space<semaphore_mem>>)
    %add3A_237 = arith.constant 256 : i32
    %add3A_238 = arith.addi %mul3A_2, %add3A_237 : i32
    %dma_start3A_239 = arith.constant 0 : i32
    %dma_start3A_240 = tpu.memref_slice %arg6[%add3A_238, %dma_start3A_239] : memref<16384x256xf32, #tpu.memory_space<hbm>> -> memref<64x256xf32, #tpu.memory_space<hbm>>
    %dma_start3A_241 = arith.constant 0 : i32
    %dma_start3A_242 = tpu.memref_slice %arg6[%add3A_238, %dma_start3A_241] : memref<16384x256xf32, #tpu.memory_space<hbm>> -> memref<64x256xf32, #tpu.memory_space<hbm>>
    tpu.enqueue_dma source(%arg10 : memref<64x256xf32, #tpu.memory_space<vmem>>) target(%dma_start3A_242 : memref<64x256xf32, #tpu.memory_space<hbm>>) target_semaphore(%arg23 : memref<!tpu.dma_semaphore, #tpu.memory_space<semaphore_mem>>)
    %dma_wait3A_243 = arith.constant 0 : i32
    %dma_wait3A_244 = tpu.memref_slice %arg6[%add3A_238, %dma_wait3A_243] : memref<16384x256xf32, #tpu.memory_space<hbm>> -> memref<64x256xf32, #tpu.memory_space<hbm>>
    %dma_wait3A_245 = arith.constant 0 : i32
    %dma_wait3A_246 = tpu.memref_slice %arg6[%add3A_238, %dma_wait3A_245] : memref<16384x256xf32, #tpu.memory_space<hbm>> -> memref<64x256xf32, #tpu.memory_space<hbm>>
    tpu.wait_dma2 semaphore(%arg23 : memref<!tpu.dma_semaphore, #tpu.memory_space<semaphore_mem>>) src(%arg10 : memref<64x256xf32, #tpu.memory_space<vmem>>) dst(%dma_wait3A_246 : memref<64x256xf32, #tpu.memory_space<hbm>>)
    %dma_wait3A_247 = arith.constant 0 : i32
    %dma_wait3A_248 = tpu.memref_slice %arg5[%add3A_232, %dma_wait3A_247] : memref<16384x256xf32, #tpu.memory_space<hbm>> -> memref<64x256xf32, #tpu.memory_space<hbm>>
    %dma_wait3A_249 = arith.constant 0 : i32
    %dma_wait3A_250 = tpu.memref_slice %arg5[%add3A_232, %dma_wait3A_249] : memref<16384x256xf32, #tpu.memory_space<hbm>> -> memref<64x256xf32, #tpu.memory_space<hbm>>
    tpu.wait_dma2 semaphore(%arg26 : memref<!tpu.dma_semaphore, #tpu.memory_space<semaphore_mem>>) src(%arg13 : memref<64x256xf32, #tpu.memory_space<vmem>>) dst(%dma_wait3A_250 : memref<64x256xf32, #tpu.memory_space<hbm>>)
    %dma_start3A_251 = arith.constant 448 : i32
    %dma_start3A_252 = tpu.memref_slice %arg8[%dma_start3A_251] : memref<512xi32, #tpu.memory_space<vmem>> -> memref<64xi32, #tpu.memory_space<vmem>>
    %dma_start3A_253 = arith.constant 0 : i32
    %dma_start3A_254 = arith.constant 0 : i32
    %dma_start3A_255 = tpu.memref_slice %arg3[%dma_start3A_253, %dma_start3A_254] : memref<8192x256xf32, #tpu.memory_space<hbm>> -> memref<8192x256xf32, #tpu.memory_space<hbm>>
    tpu.enqueue_indirect_dma source(%dma_start3A_255 : memref<8192x256xf32, #tpu.memory_space<hbm>>) target(%arg10 : memref<64x256xf32, #tpu.memory_space<vmem>>) offsets(%dma_start3A_252 : memref<64xi32, #tpu.memory_space<vmem>>) semaphore(%arg17 : memref<!tpu.dma_semaphore, #tpu.memory_space<semaphore_mem>>)
    %dma_start3A_256 = arith.constant 448 : i32
    %dma_start3A_257 = tpu.memref_slice %arg8[%dma_start3A_256] : memref<512xi32, #tpu.memory_space<vmem>> -> memref<64xi32, #tpu.memory_space<vmem>>
    %dma_start3A_258 = arith.constant 0 : i32
    %dma_start3A_259 = arith.constant 0 : i32
    %dma_start3A_260 = tpu.memref_slice %arg4[%dma_start3A_258, %dma_start3A_259] : memref<8192x256xf32, #tpu.memory_space<hbm>> -> memref<8192x256xf32, #tpu.memory_space<hbm>>
    tpu.enqueue_indirect_dma source(%dma_start3A_260 : memref<8192x256xf32, #tpu.memory_space<hbm>>) target(%arg13 : memref<64x256xf32, #tpu.memory_space<vmem>>) offsets(%dma_start3A_257 : memref<64xi32, #tpu.memory_space<vmem>>) semaphore(%arg20 : memref<!tpu.dma_semaphore, #tpu.memory_space<semaphore_mem>>)
    %dma_wait3A_261 = arith.constant 320 : i32
    %dma_wait3A_262 = tpu.memref_slice %arg8[%dma_wait3A_261] : memref<512xi32, #tpu.memory_space<vmem>> -> memref<64xi32, #tpu.memory_space<vmem>>
    %dma_wait3A_263 = arith.constant 0 : i32
    %dma_wait3A_264 = arith.constant 0 : i32
    %dma_wait3A_265 = tpu.memref_slice %arg3[%dma_wait3A_263, %dma_wait3A_264] : memref<8192x256xf32, #tpu.memory_space<hbm>> -> memref<8192x256xf32, #tpu.memory_space<hbm>>
    tpu.wait_indirect_dma semaphore(%arg18 : memref<!tpu.dma_semaphore, #tpu.memory_space<semaphore_mem>>) src(%dma_wait3A_265 : memref<8192x256xf32, #tpu.memory_space<hbm>>) dst(%arg11 : memref<64x256xf32, #tpu.memory_space<vmem>>)
    %dma_wait3A_266 = arith.constant 320 : i32
    %dma_wait3A_267 = tpu.memref_slice %arg8[%dma_wait3A_266] : memref<512xi32, #tpu.memory_space<vmem>> -> memref<64xi32, #tpu.memory_space<vmem>>
    %dma_wait3A_268 = arith.constant 0 : i32
    %dma_wait3A_269 = arith.constant 0 : i32
    %dma_wait3A_270 = tpu.memref_slice %arg4[%dma_wait3A_268, %dma_wait3A_269] : memref<8192x256xf32, #tpu.memory_space<hbm>> -> memref<8192x256xf32, #tpu.memory_space<hbm>>
    tpu.wait_indirect_dma semaphore(%arg21 : memref<!tpu.dma_semaphore, #tpu.memory_space<semaphore_mem>>) src(%dma_wait3A_270 : memref<8192x256xf32, #tpu.memory_space<hbm>>) dst(%arg14 : memref<64x256xf32, #tpu.memory_space<vmem>>)
    %scan3A_271 = arith.constant 0 : i32
    %scan3A_272 = arith.constant 64 : i32
    %scan3A_273 = arith.addi %scan3A_271, %scan3A_272 : i32
    %scan3A_274 = arith.constant 1 : i32
    %scan3A_275 = scf.for %scan3A_372 = %scan3A_271 to %scan3A_273 step %scan3A_274 iter_args(%scan3A_373 = %scan3A_229) -> (vector<16xf32>)  : i32 {
      %get3A = arith.index_cast %scan3A_372 : i32 to index
      %get3A_374 = arith.constant 0 : index
      %get3A_375 = tpu.vector_load %arg11[%get3A, %get3A_374] {strides = array<i32>} : memref<64x256xf32, #tpu.memory_space<vmem>>, vector<1x16xf32>,
      %get3A_376 = vector.shape_cast %get3A_375 : vector<1x16xf32> to vector<16xf32>
      %get3A_377 = arith.index_cast %scan3A_372 : i32 to index
      %get3A_378 = arith.constant 0 : index
      %get3A_379 = tpu.vector_load %arg14[%get3A_377, %get3A_378] {strides = array<i32>} : memref<64x256xf32, #tpu.memory_space<vmem>>, vector<1x16xf32>,
      %get3A_380 = vector.shape_cast %get3A_379 : vector<1x16xf32> to vector<16xf32>
      %sub3A = arith.subf %get3A_380, %get3A_376 : vector<16xf32>
      %swap3A_381 = arith.index_cast %scan3A_372 : i32 to index
      %swap3A_382 = arith.constant 0 : index
      %swap3A_383 = tpu.vector_load %arg11[%swap3A_381, %swap3A_382] {strides = array<i32>} : memref<64x256xf32, #tpu.memory_space<vmem>>, vector<1x16xf32>,
      %swap3A_384 = vector.shape_cast %swap3A_383 : vector<1x16xf32> to vector<16xf32>
      %swap3A_385 = vector.shape_cast %sub3A : vector<16xf32> to vector<1x16xf32>
      tpu.vector_store %arg11[%swap3A_381, %swap3A_382], %swap3A_385 {strides = array<i32>} : memref<64x256xf32, #tpu.memory_space<vmem>>, vector<1x16xf32>,
      %mul3A_386 = arith.mulf %sub3A, %sub3A : vector<16xf32>
      %add3A_387 = arith.addf %scan3A_373, %mul3A_386 : vector<16xf32>
      %get3A_388 = arith.index_cast %scan3A_372 : i32 to index
      %get3A_389 = arith.constant 16 : index
      %get3A_390 = tpu.vector_load %arg11[%get3A_388, %get3A_389] {strides = array<i32>} : memref<64x256xf32, #tpu.memory_space<vmem>>, vector<1x16xf32>,
      %get3A_391 = vector.shape_cast %get3A_390 : vector<1x16xf32> to vector<16xf32>
      %get3A_392 = arith.index_cast %scan3A_372 : i32 to index
      %get3A_393 = arith.constant 16 : index
      %get3A_394 = tpu.vector_load %arg14[%get3A_392, %get3A_393] {strides = array<i32>} : memref<64x256xf32, #tpu.memory_space<vmem>>, vector<1x16xf32>,
      %get3A_395 = vector.shape_cast %get3A_394 : vector<1x16xf32> to vector<16xf32>
      %sub3A_396 = arith.subf %get3A_395, %get3A_391 : vector<16xf32>
      %swap3A_397 = arith.index_cast %scan3A_372 : i32 to index
      %swap3A_398 = arith.constant 16 : index
      %swap3A_399 = tpu.vector_load %arg11[%swap3A_397, %swap3A_398] {strides = array<i32>} : memref<64x256xf32, #tpu.memory_space<vmem>>, vector<1x16xf32>,
      %swap3A_400 = vector.shape_cast %swap3A_399 : vector<1x16xf32> to vector<16xf32>
      %swap3A_401 = vector.shape_cast %sub3A_396 : vector<16xf32> to vector<1x16xf32>
      tpu.vector_store %arg11[%swap3A_397, %swap3A_398], %swap3A_401 {strides = array<i32>} : memref<64x256xf32, #tpu.memory_space<vmem>>, vector<1x16xf32>,
      %mul3A_402 = arith.mulf %sub3A_396, %sub3A_396 : vector<16xf32>
      %add3A_403 = arith.addf %add3A_387, %mul3A_402 : vector<16xf32>
      %get3A_404 = arith.index_cast %scan3A_372 : i32 to index
      %get3A_405 = arith.constant 32 : index
      %get3A_406 = tpu.vector_load %arg11[%get3A_404, %get3A_405] {strides = array<i32>} : memref<64x256xf32, #tpu.memory_space<vmem>>, vector<1x16xf32>,
      %get3A_407 = vector.shape_cast %get3A_406 : vector<1x16xf32> to vector<16xf32>
      %get3A_408 = arith.index_cast %scan3A_372 : i32 to index
      %get3A_409 = arith.constant 32 : index
      %get3A_410 = tpu.vector_load %arg14[%get3A_408, %get3A_409] {strides = array<i32>} : memref<64x256xf32, #tpu.memory_space<vmem>>, vector<1x16xf32>,
      %get3A_411 = vector.shape_cast %get3A_410 : vector<1x16xf32> to vector<16xf32>
      %sub3A_412 = arith.subf %get3A_411, %get3A_407 : vector<16xf32>
      %swap3A_413 = arith.index_cast %scan3A_372 : i32 to index
      %swap3A_414 = arith.constant 32 : index
      %swap3A_415 = tpu.vector_load %arg11[%swap3A_413, %swap3A_414] {strides = array<i32>} : memref<64x256xf32, #tpu.memory_space<vmem>>, vector<1x16xf32>,
      %swap3A_416 = vector.shape_cast %swap3A_415 : vector<1x16xf32> to vector<16xf32>
      %swap3A_417 = vector.shape_cast %sub3A_412 : vector<16xf32> to vector<1x16xf32>
      tpu.vector_store %arg11[%swap3A_413, %swap3A_414], %swap3A_417 {strides = array<i32>} : memref<64x256xf32, #tpu.memory_space<vmem>>, vector<1x16xf32>,
      %mul3A_418 = arith.mulf %sub3A_412, %sub3A_412 : vector<16xf32>
      %add3A_419 = arith.addf %add3A_403, %mul3A_418 : vector<16xf32>
      %get3A_420 = arith.index_cast %scan3A_372 : i32 to index
      %get3A_421 = arith.constant 48 : index
      %get3A_422 = tpu.vector_load %arg11[%get3A_420, %get3A_421] {strides = array<i32>} : memref<64x256xf32, #tpu.memory_space<vmem>>, vector<1x16xf32>,
      %get3A_423 = vector.shape_cast %get3A_422 : vector<1x16xf32> to vector<16xf32>
      %get3A_424 = arith.index_cast %scan3A_372 : i32 to index
      %get3A_425 = arith.constant 48 : index
      %get3A_426 = tpu.vector_load %arg14[%get3A_424, %get3A_425] {strides = array<i32>} : memref<64x256xf32, #tpu.memory_space<vmem>>, vector<1x16xf32>,
      %get3A_427 = vector.shape_cast %get3A_426 : vector<1x16xf32> to vector<16xf32>
      %sub3A_428 = arith.subf %get3A_427, %get3A_423 : vector<16xf32>
      %swap3A_429 = arith.index_cast %scan3A_372 : i32 to index
      %swap3A_430 = arith.constant 48 : index
      %swap3A_431 = tpu.vector_load %arg11[%swap3A_429, %swap3A_430] {strides = array<i32>} : memref<64x256xf32, #tpu.memory_space<vmem>>, vector<1x16xf32>,
      %swap3A_432 = vector.shape_cast %swap3A_431 : vector<1x16xf32> to vector<16xf32>
      %swap3A_433 = vector.shape_cast %sub3A_428 : vector<16xf32> to vector<1x16xf32>
      tpu.vector_store %arg11[%swap3A_429, %swap3A_430], %swap3A_433 {strides = array<i32>} : memref<64x256xf32, #tpu.memory_space<vmem>>, vector<1x16xf32>,
      %mul3A_434 = arith.mulf %sub3A_428, %sub3A_428 : vector<16xf32>
      %add3A_435 = arith.addf %add3A_419, %mul3A_434 : vector<16xf32>
      %get3A_436 = arith.index_cast %scan3A_372 : i32 to index
      %get3A_437 = arith.constant 64 : index
      %get3A_438 = tpu.vector_load %arg11[%get3A_436, %get3A_437] {strides = array<i32>} : memref<64x256xf32, #tpu.memory_space<vmem>>, vector<1x16xf32>,
      %get3A_439 = vector.shape_cast %get3A_438 : vector<1x16xf32> to vector<16xf32>
      %get3A_440 = arith.index_cast %scan3A_372 : i32 to index
      %get3A_441 = arith.constant 64 : index
      %get3A_442 = tpu.vector_load %arg14[%get3A_440, %get3A_441] {strides = array<i32>} : memref<64x256xf32, #tpu.memory_space<vmem>>, vector<1x16xf32>,
      %get3A_443 = vector.shape_cast %get3A_442 : vector<1x16xf32> to vector<16xf32>
      %sub3A_444 = arith.subf %get3A_443, %get3A_439 : vector<16xf32>
      %swap3A_445 = arith.index_cast %scan3A_372 : i32 to index
      %swap3A_446 = arith.constant 64 : index
      %swap3A_447 = tpu.vector_load %arg11[%swap3A_445, %swap3A_446] {strides = array<i32>} : memref<64x256xf32, #tpu.memory_space<vmem>>, vector<1x16xf32>,
      %swap3A_448 = vector.shape_cast %swap3A_447 : vector<1x16xf32> to vector<16xf32>
      %swap3A_449 = vector.shape_cast %sub3A_444 : vector<16xf32> to vector<1x16xf32>
      tpu.vector_store %arg11[%swap3A_445, %swap3A_446], %swap3A_449 {strides = array<i32>} : memref<64x256xf32, #tpu.memory_space<vmem>>, vector<1x16xf32>,
      %mul3A_450 = arith.mulf %sub3A_444, %sub3A_444 : vector<16xf32>
      %add3A_451 = arith.addf %add3A_435, %mul3A_450 : vector<16xf32>
      %get3A_452 = arith.index_cast %scan3A_372 : i32 to index
      %get3A_453 = arith.constant 80 : index
      %get3A_454 = tpu.vector_load %arg11[%get3A_452, %get3A_453] {strides = array<i32>} : memref<64x256xf32, #tpu.memory_space<vmem>>, vector<1x16xf32>,
      %get3A_455 = vector.shape_cast %get3A_454 : vector<1x16xf32> to vector<16xf32>
      %get3A_456 = arith.index_cast %scan3A_372 : i32 to index
      %get3A_457 = arith.constant 80 : index
      %get3A_458 = tpu.vector_load %arg14[%get3A_456, %get3A_457] {strides = array<i32>} : memref<64x256xf32, #tpu.memory_space<vmem>>, vector<1x16xf32>,
      %get3A_459 = vector.shape_cast %get3A_458 : vector<1x16xf32> to vector<16xf32>
      %sub3A_460 = arith.subf %get3A_459, %get3A_455 : vector<16xf32>
      %swap3A_461 = arith.index_cast %scan3A_372 : i32 to index
      %swap3A_462 = arith.constant 80 : index
      %swap3A_463 = tpu.vector_load %arg11[%swap3A_461, %swap3A_462] {strides = array<i32>} : memref<64x256xf32, #tpu.memory_space<vmem>>, vector<1x16xf32>,
      %swap3A_464 = vector.shape_cast %swap3A_463 : vector<1x16xf32> to vector<16xf32>
      %swap3A_465 = vector.shape_cast %sub3A_460 : vector<16xf32> to vector<1x16xf32>
      tpu.vector_store %arg11[%swap3A_461, %swap3A_462], %swap3A_465 {strides = array<i32>} : memref<64x256xf32, #tpu.memory_space<vmem>>, vector<1x16xf32>,
      %mul3A_466 = arith.mulf %sub3A_460, %sub3A_460 : vector<16xf32>
      %add3A_467 = arith.addf %add3A_451, %mul3A_466 : vector<16xf32>
      %get3A_468 = arith.index_cast %scan3A_372 : i32 to index
      %get3A_469 = arith.constant 96 : index
      %get3A_470 = tpu.vector_load %arg11[%get3A_468, %get3A_469] {strides = array<i32>} : memref<64x256xf32, #tpu.memory_space<vmem>>, vector<1x16xf32>,
      %get3A_471 = vector.shape_cast %get3A_470 : vector<1x16xf32> to vector<16xf32>
      %get3A_472 = arith.index_cast %scan3A_372 : i32 to index
      %get3A_473 = arith.constant 96 : index
      %get3A_474 = tpu.vector_load %arg14[%get3A_472, %get3A_473] {strides = array<i32>} : memref<64x256xf32, #tpu.memory_space<vmem>>, vector<1x16xf32>,
      %get3A_475 = vector.shape_cast %get3A_474 : vector<1x16xf32> to vector<16xf32>
      %sub3A_476 = arith.subf %get3A_475, %get3A_471 : vector<16xf32>
      %swap3A_477 = arith.index_cast %scan3A_372 : i32 to index
      %swap3A_478 = arith.constant 96 : index
      %swap3A_479 = tpu.vector_load %arg11[%swap3A_477, %swap3A_478] {strides = array<i32>} : memref<64x256xf32, #tpu.memory_space<vmem>>, vector<1x16xf32>,
      %swap3A_480 = vector.shape_cast %swap3A_479 : vector<1x16xf32> to vector<16xf32>
      %swap3A_481 = vector.shape_cast %sub3A_476 : vector<16xf32> to vector<1x16xf32>
      tpu.vector_store %arg11[%swap3A_477, %swap3A_478], %swap3A_481 {strides = array<i32>} : memref<64x256xf32, #tpu.memory_space<vmem>>, vector<1x16xf32>,
      %mul3A_482 = arith.mulf %sub3A_476, %sub3A_476 : vector<16xf32>
      %add3A_483 = arith.addf %add3A_467, %mul3A_482 : vector<16xf32>
      %get3A_484 = arith.index_cast %scan3A_372 : i32 to index
      %get3A_485 = arith.constant 112 : index
      %get3A_486 = tpu.vector_load %arg11[%get3A_484, %get3A_485] {strides = array<i32>} : memref<64x256xf32, #tpu.memory_space<vmem>>, vector<1x16xf32>,
      %get3A_487 = vector.shape_cast %get3A_486 : vector<1x16xf32> to vector<16xf32>
      %get3A_488 = arith.index_cast %scan3A_372 : i32 to index
      %get3A_489 = arith.constant 112 : index
      %get3A_490 = tpu.vector_load %arg14[%get3A_488, %get3A_489] {strides = array<i32>} : memref<64x256xf32, #tpu.memory_space<vmem>>, vector<1x16xf32>,
      %get3A_491 = vector.shape_cast %get3A_490 : vector<1x16xf32> to vector<16xf32>
      %sub3A_492 = arith.subf %get3A_491, %get3A_487 : vector<16xf32>
      %swap3A_493 = arith.index_cast %scan3A_372 : i32 to index
      %swap3A_494 = arith.constant 112 : index
      %swap3A_495 = tpu.vector_load %arg11[%swap3A_493, %swap3A_494] {strides = array<i32>} : memref<64x256xf32, #tpu.memory_space<vmem>>, vector<1x16xf32>,
      %swap3A_496 = vector.shape_cast %swap3A_495 : vector<1x16xf32> to vector<16xf32>
      %swap3A_497 = vector.shape_cast %sub3A_492 : vector<16xf32> to vector<1x16xf32>
      tpu.vector_store %arg11[%swap3A_493, %swap3A_494], %swap3A_497 {strides = array<i32>} : memref<64x256xf32, #tpu.memory_space<vmem>>, vector<1x16xf32>,
      %mul3A_498 = arith.mulf %sub3A_492, %sub3A_492 : vector<16xf32>
      %add3A_499 = arith.addf %add3A_483, %mul3A_498 : vector<16xf32>
      %get3A_500 = arith.index_cast %scan3A_372 : i32 to index
      %get3A_501 = arith.constant 128 : index
      %get3A_502 = tpu.vector_load %arg11[%get3A_500, %get3A_501] {strides = array<i32>} : memref<64x256xf32, #tpu.memory_space<vmem>>, vector<1x16xf32>,
      %get3A_503 = vector.shape_cast %get3A_502 : vector<1x16xf32> to vector<16xf32>
      %get3A_504 = arith.index_cast %scan3A_372 : i32 to index
      %get3A_505 = arith.constant 128 : index
      %get3A_506 = tpu.vector_load %arg14[%get3A_504, %get3A_505] {strides = array<i32>} : memref<64x256xf32, #tpu.memory_space<vmem>>, vector<1x16xf32>,
      %get3A_507 = vector.shape_cast %get3A_506 : vector<1x16xf32> to vector<16xf32>
      %sub3A_508 = arith.subf %get3A_507, %get3A_503 : vector<16xf32>
      %swap3A_509 = arith.index_cast %scan3A_372 : i32 to index
      %swap3A_510 = arith.constant 128 : index
      %swap3A_511 = tpu.vector_load %arg11[%swap3A_509, %swap3A_510] {strides = array<i32>} : memref<64x256xf32, #tpu.memory_space<vmem>>, vector<1x16xf32>,
      %swap3A_512 = vector.shape_cast %swap3A_511 : vector<1x16xf32> to vector<16xf32>
      %swap3A_513 = vector.shape_cast %sub3A_508 : vector<16xf32> to vector<1x16xf32>
      tpu.vector_store %arg11[%swap3A_509, %swap3A_510], %swap3A_513 {strides = array<i32>} : memref<64x256xf32, #tpu.memory_space<vmem>>, vector<1x16xf32>,
      %mul3A_514 = arith.mulf %sub3A_508, %sub3A_508 : vector<16xf32>
      %add3A_515 = arith.addf %add3A_499, %mul3A_514 : vector<16xf32>
      %get3A_516 = arith.index_cast %scan3A_372 : i32 to index
      %get3A_517 = arith.constant 144 : index
      %get3A_518 = tpu.vector_load %arg11[%get3A_516, %get3A_517] {strides = array<i32>} : memref<64x256xf32, #tpu.memory_space<vmem>>, vector<1x16xf32>,
      %get3A_519 = vector.shape_cast %get3A_518 : vector<1x16xf32> to vector<16xf32>
      %get3A_520 = arith.index_cast %scan3A_372 : i32 to index
      %get3A_521 = arith.constant 144 : index
      %get3A_522 = tpu.vector_load %arg14[%get3A_520, %get3A_521] {strides = array<i32>} : memref<64x256xf32, #tpu.memory_space<vmem>>, vector<1x16xf32>,
      %get3A_523 = vector.shape_cast %get3A_522 : vector<1x16xf32> to vector<16xf32>
      %sub3A_524 = arith.subf %get3A_523, %get3A_519 : vector<16xf32>
      %swap3A_525 = arith.index_cast %scan3A_372 : i32 to index
      %swap3A_526 = arith.constant 144 : index
      %swap3A_527 = tpu.vector_load %arg11[%swap3A_525, %swap3A_526] {strides = array<i32>} : memref<64x256xf32, #tpu.memory_space<vmem>>, vector<1x16xf32>,
      %swap3A_528 = vector.shape_cast %swap3A_527 : vector<1x16xf32> to vector<16xf32>
      %swap3A_529 = vector.shape_cast %sub3A_524 : vector<16xf32> to vector<1x16xf32>
      tpu.vector_store %arg11[%swap3A_525, %swap3A_526], %swap3A_529 {strides = array<i32>} : memref<64x256xf32, #tpu.memory_space<vmem>>, vector<1x16xf32>,
      %mul3A_530 = arith.mulf %sub3A_524, %sub3A_524 : vector<16xf32>
      %add3A_531 = arith.addf %add3A_515, %mul3A_530 : vector<16xf32>
      %get3A_532 = arith.index_cast %scan3A_372 : i32 to index
      %get3A_533 = arith.constant 160 : index
      %get3A_534 = tpu.vector_load %arg11[%get3A_532, %get3A_533] {strides = array<i32>} : memref<64x256xf32, #tpu.memory_space<vmem>>, vector<1x16xf32>,
      %get3A_535 = vector.shape_cast %get3A_534 : vector<1x16xf32> to vector<16xf32>
      %get3A_536 = arith.index_cast %scan3A_372 : i32 to index
      %get3A_537 = arith.constant 160 : index
      %get3A_538 = tpu.vector_load %arg14[%get3A_536, %get3A_537] {strides = array<i32>} : memref<64x256xf32, #tpu.memory_space<vmem>>, vector<1x16xf32>,
      %get3A_539 = vector.shape_cast %get3A_538 : vector<1x16xf32> to vector<16xf32>
      %sub3A_540 = arith.subf %get3A_539, %get3A_535 : vector<16xf32>
      %swap3A_541 = arith.index_cast %scan3A_372 : i32 to index
      %swap3A_542 = arith.constant 160 : index
      %swap3A_543 = tpu.vector_load %arg11[%swap3A_541, %swap3A_542] {strides = array<i32>} : memref<64x256xf32, #tpu.memory_space<vmem>>, vector<1x16xf32>,
      %swap3A_544 = vector.shape_cast %swap3A_543 : vector<1x16xf32> to vector<16xf32>
      %swap3A_545 = vector.shape_cast %sub3A_540 : vector<16xf32> to vector<1x16xf32>
      tpu.vector_store %arg11[%swap3A_541, %swap3A_542], %swap3A_545 {strides = array<i32>} : memref<64x256xf32, #tpu.memory_space<vmem>>, vector<1x16xf32>,
      %mul3A_546 = arith.mulf %sub3A_540, %sub3A_540 : vector<16xf32>
      %add3A_547 = arith.addf %add3A_531, %mul3A_546 : vector<16xf32>
      %get3A_548 = arith.index_cast %scan3A_372 : i32 to index
      %get3A_549 = arith.constant 176 : index
      %get3A_550 = tpu.vector_load %arg11[%get3A_548, %get3A_549] {strides = array<i32>} : memref<64x256xf32, #tpu.memory_space<vmem>>, vector<1x16xf32>,
      %get3A_551 = vector.shape_cast %get3A_550 : vector<1x16xf32> to vector<16xf32>
      %get3A_552 = arith.index_cast %scan3A_372 : i32 to index
      %get3A_553 = arith.constant 176 : index
      %get3A_554 = tpu.vector_load %arg14[%get3A_552, %get3A_553] {strides = array<i32>} : memref<64x256xf32, #tpu.memory_space<vmem>>, vector<1x16xf32>,
      %get3A_555 = vector.shape_cast %get3A_554 : vector<1x16xf32> to vector<16xf32>
      %sub3A_556 = arith.subf %get3A_555, %get3A_551 : vector<16xf32>
      %swap3A_557 = arith.index_cast %scan3A_372 : i32 to index
      %swap3A_558 = arith.constant 176 : index
      %swap3A_559 = tpu.vector_load %arg11[%swap3A_557, %swap3A_558] {strides = array<i32>} : memref<64x256xf32, #tpu.memory_space<vmem>>, vector<1x16xf32>,
      %swap3A_560 = vector.shape_cast %swap3A_559 : vector<1x16xf32> to vector<16xf32>
      %swap3A_561 = vector.shape_cast %sub3A_556 : vector<16xf32> to vector<1x16xf32>
      tpu.vector_store %arg11[%swap3A_557, %swap3A_558], %swap3A_561 {strides = array<i32>} : memref<64x256xf32, #tpu.memory_space<vmem>>, vector<1x16xf32>,
      %mul3A_562 = arith.mulf %sub3A_556, %sub3A_556 : vector<16xf32>
      %add3A_563 = arith.addf %add3A_547, %mul3A_562 : vector<16xf32>
      %get3A_564 = arith.index_cast %scan3A_372 : i32 to index
      %get3A_565 = arith.constant 192 : index
      %get3A_566 = tpu.vector_load %arg11[%get3A_564, %get3A_565] {strides = array<i32>} : memref<64x256xf32, #tpu.memory_space<vmem>>, vector<1x16xf32>,
      %get3A_567 = vector.shape_cast %get3A_566 : vector<1x16xf32> to vector<16xf32>
      %get3A_568 = arith.index_cast %scan3A_372 : i32 to index
      %get3A_569 = arith.constant 192 : index
      %get3A_570 = tpu.vector_load %arg14[%get3A_568, %get3A_569] {strides = array<i32>} : memref<64x256xf32, #tpu.memory_space<vmem>>, vector<1x16xf32>,
      %get3A_571 = vector.shape_cast %get3A_570 : vector<1x16xf32> to vector<16xf32>
      %sub3A_572 = arith.subf %get3A_571, %get3A_567 : vector<16xf32>
      %swap3A_573 = arith.index_cast %scan3A_372 : i32 to index
      %swap3A_574 = arith.constant 192 : index
      %swap3A_575 = tpu.vector_load %arg11[%swap3A_573, %swap3A_574] {strides = array<i32>} : memref<64x256xf32, #tpu.memory_space<vmem>>, vector<1x16xf32>,
      %swap3A_576 = vector.shape_cast %swap3A_575 : vector<1x16xf32> to vector<16xf32>
      %swap3A_577 = vector.shape_cast %sub3A_572 : vector<16xf32> to vector<1x16xf32>
      tpu.vector_store %arg11[%swap3A_573, %swap3A_574], %swap3A_577 {strides = array<i32>} : memref<64x256xf32, #tpu.memory_space<vmem>>, vector<1x16xf32>,
      %mul3A_578 = arith.mulf %sub3A_572, %sub3A_572 : vector<16xf32>
      %add3A_579 = arith.addf %add3A_563, %mul3A_578 : vector<16xf32>
      %get3A_580 = arith.index_cast %scan3A_372 : i32 to index
      %get3A_581 = arith.constant 208 : index
      %get3A_582 = tpu.vector_load %arg11[%get3A_580, %get3A_581] {strides = array<i32>} : memref<64x256xf32, #tpu.memory_space<vmem>>, vector<1x16xf32>,
      %get3A_583 = vector.shape_cast %get3A_582 : vector<1x16xf32> to vector<16xf32>
      %get3A_584 = arith.index_cast %scan3A_372 : i32 to index
      %get3A_585 = arith.constant 208 : index
      %get3A_586 = tpu.vector_load %arg14[%get3A_584, %get3A_585] {strides = array<i32>} : memref<64x256xf32, #tpu.memory_space<vmem>>, vector<1x16xf32>,
      %get3A_587 = vector.shape_cast %get3A_586 : vector<1x16xf32> to vector<16xf32>
      %sub3A_588 = arith.subf %get3A_587, %get3A_583 : vector<16xf32>
      %swap3A_589 = arith.index_cast %scan3A_372 : i32 to index
      %swap3A_590 = arith.constant 208 : index
      %swap3A_591 = tpu.vector_load %arg11[%swap3A_589, %swap3A_590] {strides = array<i32>} : memref<64x256xf32, #tpu.memory_space<vmem>>, vector<1x16xf32>,
      %swap3A_592 = vector.shape_cast %swap3A_591 : vector<1x16xf32> to vector<16xf32>
      %swap3A_593 = vector.shape_cast %sub3A_588 : vector<16xf32> to vector<1x16xf32>
      tpu.vector_store %arg11[%swap3A_589, %swap3A_590], %swap3A_593 {strides = array<i32>} : memref<64x256xf32, #tpu.memory_space<vmem>>, vector<1x16xf32>,
      %mul3A_594 = arith.mulf %sub3A_588, %sub3A_588 : vector<16xf32>
      %add3A_595 = arith.addf %add3A_579, %mul3A_594 : vector<16xf32>
      %get3A_596 = arith.index_cast %scan3A_372 : i32 to index
      %get3A_597 = arith.constant 224 : index
      %get3A_598 = tpu.vector_load %arg11[%get3A_596, %get3A_597] {strides = array<i32>} : memref<64x256xf32, #tpu.memory_space<vmem>>, vector<1x16xf32>,
      %get3A_599 = vector.shape_cast %get3A_598 : vector<1x16xf32> to vector<16xf32>
      %get3A_600 = arith.index_cast %scan3A_372 : i32 to index
      %get3A_601 = arith.constant 224 : index
      %get3A_602 = tpu.vector_load %arg14[%get3A_600, %get3A_601] {strides = array<i32>} : memref<64x256xf32, #tpu.memory_space<vmem>>, vector<1x16xf32>,
      %get3A_603 = vector.shape_cast %get3A_602 : vector<1x16xf32> to vector<16xf32>
      %sub3A_604 = arith.subf %get3A_603, %get3A_599 : vector<16xf32>
      %swap3A_605 = arith.index_cast %scan3A_372 : i32 to index
      %swap3A_606 = arith.constant 224 : index
      %swap3A_607 = tpu.vector_load %arg11[%swap3A_605, %swap3A_606] {strides = array<i32>} : memref<64x256xf32, #tpu.memory_space<vmem>>, vector<1x16xf32>,
      %swap3A_608 = vector.shape_cast %swap3A_607 : vector<1x16xf32> to vector<16xf32>
      %swap3A_609 = vector.shape_cast %sub3A_604 : vector<16xf32> to vector<1x16xf32>
      tpu.vector_store %arg11[%swap3A_605, %swap3A_606], %swap3A_609 {strides = array<i32>} : memref<64x256xf32, #tpu.memory_space<vmem>>, vector<1x16xf32>,
      %mul3A_610 = arith.mulf %sub3A_604, %sub3A_604 : vector<16xf32>
      %add3A_611 = arith.addf %add3A_595, %mul3A_610 : vector<16xf32>
      %get3A_612 = arith.index_cast %scan3A_372 : i32 to index
      %get3A_613 = arith.constant 240 : index
      %get3A_614 = tpu.vector_load %arg11[%get3A_612, %get3A_613] {strides = array<i32>} : memref<64x256xf32, #tpu.memory_space<vmem>>, vector<1x16xf32>,
      %get3A_615 = vector.shape_cast %get3A_614 : vector<1x16xf32> to vector<16xf32>
      %get3A_616 = arith.index_cast %scan3A_372 : i32 to index
      %get3A_617 = arith.constant 240 : index
      %get3A_618 = tpu.vector_load %arg14[%get3A_616, %get3A_617] {strides = array<i32>} : memref<64x256xf32, #tpu.memory_space<vmem>>, vector<1x16xf32>,
      %get3A_619 = vector.shape_cast %get3A_618 : vector<1x16xf32> to vector<16xf32>
      %sub3A_620 = arith.subf %get3A_619, %get3A_615 : vector<16xf32>
      %swap3A_621 = arith.index_cast %scan3A_372 : i32 to index
      %swap3A_622 = arith.constant 240 : index
      %swap3A_623 = tpu.vector_load %arg11[%swap3A_621, %swap3A_622] {strides = array<i32>} : memref<64x256xf32, #tpu.memory_space<vmem>>, vector<1x16xf32>,
      %swap3A_624 = vector.shape_cast %swap3A_623 : vector<1x16xf32> to vector<16xf32>
      %swap3A_625 = vector.shape_cast %sub3A_620 : vector<16xf32> to vector<1x16xf32>
      tpu.vector_store %arg11[%swap3A_621, %swap3A_622], %swap3A_625 {strides = array<i32>} : memref<64x256xf32, #tpu.memory_space<vmem>>, vector<1x16xf32>,
      %mul3A_626 = arith.mulf %sub3A_620, %sub3A_620 : vector<16xf32>
      %add3A_627 = arith.addf %add3A_611, %mul3A_626 : vector<16xf32>
      scf.yield %add3A_627 : vector<16xf32>
    }
    %scan3A_276 = arith.constant 64 : i32
    %add3A_277 = arith.constant 320 : i32
    %add3A_278 = arith.addi %mul3A_2, %add3A_277 : i32
    %dma_start3A_279 = arith.constant 0 : i32
    %dma_start3A_280 = tpu.memref_slice %arg5[%add3A_278, %dma_start3A_279] : memref<16384x256xf32, #tpu.memory_space<hbm>> -> memref<64x256xf32, #tpu.memory_space<hbm>>
    %dma_start3A_281 = arith.constant 0 : i32
    %dma_start3A_282 = tpu.memref_slice %arg5[%add3A_278, %dma_start3A_281] : memref<16384x256xf32, #tpu.memory_space<hbm>> -> memref<64x256xf32, #tpu.memory_space<hbm>>
    tpu.enqueue_dma source(%arg14 : memref<64x256xf32, #tpu.memory_space<vmem>>) target(%dma_start3A_282 : memref<64x256xf32, #tpu.memory_space<hbm>>) target_semaphore(%arg27 : memref<!tpu.dma_semaphore, #tpu.memory_space<semaphore_mem>>)
    %add3A_283 = arith.constant 320 : i32
    %add3A_284 = arith.addi %mul3A_2, %add3A_283 : i32
    %dma_start3A_285 = arith.constant 0 : i32
    %dma_start3A_286 = tpu.memref_slice %arg6[%add3A_284, %dma_start3A_285] : memref<16384x256xf32, #tpu.memory_space<hbm>> -> memref<64x256xf32, #tpu.memory_space<hbm>>
    %dma_start3A_287 = arith.constant 0 : i32
    %dma_start3A_288 = tpu.memref_slice %arg6[%add3A_284, %dma_start3A_287] : memref<16384x256xf32, #tpu.memory_space<hbm>> -> memref<64x256xf32, #tpu.memory_space<hbm>>
    tpu.enqueue_dma source(%arg11 : memref<64x256xf32, #tpu.memory_space<vmem>>) target(%dma_start3A_288 : memref<64x256xf32, #tpu.memory_space<hbm>>) target_semaphore(%arg24 : memref<!tpu.dma_semaphore, #tpu.memory_space<semaphore_mem>>)
    %dma_wait3A_289 = arith.constant 384 : i32
    %dma_wait3A_290 = tpu.memref_slice %arg8[%dma_wait3A_289] : memref<512xi32, #tpu.memory_space<vmem>> -> memref<64xi32, #tpu.memory_space<vmem>>
    %dma_wait3A_291 = arith.constant 0 : i32
    %dma_wait3A_292 = arith.constant 0 : i32
    %dma_wait3A_293 = tpu.memref_slice %arg3[%dma_wait3A_291, %dma_wait3A_292] : memref<8192x256xf32, #tpu.memory_space<hbm>> -> memref<8192x256xf32, #tpu.memory_space<hbm>>
    tpu.wait_indirect_dma semaphore(%arg16 : memref<!tpu.dma_semaphore, #tpu.memory_space<semaphore_mem>>) src(%dma_wait3A_293 : memref<8192x256xf32, #tpu.memory_space<hbm>>) dst(%arg9 : memref<64x256xf32, #tpu.memory_space<vmem>>)
    %dma_wait3A_294 = arith.constant 384 : i32
    %dma_wait3A_295 = tpu.memref_slice %arg8[%dma_wait3A_294] : memref<512xi32, #tpu.memory_space<vmem>> -> memref<64xi32, #tpu.memory_space<vmem>>
    %dma_wait3A_296 = arith.constant 0 : i32
    %dma_wait3A_297 = arith.constant 0 : i32
    %dma_wait3A_298 = tpu.memref_slice %arg4[%dma_wait3A_296, %dma_wait3A_297] : memref<8192x256xf32, #tpu.memory_space<hbm>> -> memref<8192x256xf32, #tpu.memory_space<hbm>>
    tpu.wait_indirect_dma semaphore(%arg19 : memref<!tpu.dma_semaphore, #tpu.memory_space<semaphore_mem>>) src(%dma_wait3A_298 : memref<8192x256xf32, #tpu.memory_space<hbm>>) dst(%arg12 : memref<64x256xf32, #tpu.memory_space<vmem>>)
    %scan3A_299 = arith.constant 0 : i32
    %scan3A_300 = arith.constant 64 : i32
    %scan3A_301 = arith.addi %scan3A_299, %scan3A_300 : i32
    %scan3A_302 = arith.constant 1 : i32
    %scan3A_303 = scf.for %scan3A_372 = %scan3A_299 to %scan3A_301 step %scan3A_302 iter_args(%scan3A_373 = %scan3A_275) -> (vector<16xf32>)  : i32 {
      %get3A = arith.index_cast %scan3A_372 : i32 to index
      %get3A_374 = arith.constant 0 : index
      %get3A_375 = tpu.vector_load %arg9[%get3A, %get3A_374] {strides = array<i32>} : memref<64x256xf32, #tpu.memory_space<vmem>>, vector<1x16xf32>,
      %get3A_376 = vector.shape_cast %get3A_375 : vector<1x16xf32> to vector<16xf32>
      %get3A_377 = arith.index_cast %scan3A_372 : i32 to index
      %get3A_378 = arith.constant 0 : index
      %get3A_379 = tpu.vector_load %arg12[%get3A_377, %get3A_378] {strides = array<i32>} : memref<64x256xf32, #tpu.memory_space<vmem>>, vector<1x16xf32>,
      %get3A_380 = vector.shape_cast %get3A_379 : vector<1x16xf32> to vector<16xf32>
      %sub3A = arith.subf %get3A_380, %get3A_376 : vector<16xf32>
      %swap3A_381 = arith.index_cast %scan3A_372 : i32 to index
      %swap3A_382 = arith.constant 0 : index
      %swap3A_383 = tpu.vector_load %arg9[%swap3A_381, %swap3A_382] {strides = array<i32>} : memref<64x256xf32, #tpu.memory_space<vmem>>, vector<1x16xf32>,
      %swap3A_384 = vector.shape_cast %swap3A_383 : vector<1x16xf32> to vector<16xf32>
      %swap3A_385 = vector.shape_cast %sub3A : vector<16xf32> to vector<1x16xf32>
      tpu.vector_store %arg9[%swap3A_381, %swap3A_382], %swap3A_385 {strides = array<i32>} : memref<64x256xf32, #tpu.memory_space<vmem>>, vector<1x16xf32>,
      %mul3A_386 = arith.mulf %sub3A, %sub3A : vector<16xf32>
      %add3A_387 = arith.addf %scan3A_373, %mul3A_386 : vector<16xf32>
      %get3A_388 = arith.index_cast %scan3A_372 : i32 to index
      %get3A_389 = arith.constant 16 : index
      %get3A_390 = tpu.vector_load %arg9[%get3A_388, %get3A_389] {strides = array<i32>} : memref<64x256xf32, #tpu.memory_space<vmem>>, vector<1x16xf32>,
      %get3A_391 = vector.shape_cast %get3A_390 : vector<1x16xf32> to vector<16xf32>
      %get3A_392 = arith.index_cast %scan3A_372 : i32 to index
      %get3A_393 = arith.constant 16 : index
      %get3A_394 = tpu.vector_load %arg12[%get3A_392, %get3A_393] {strides = array<i32>} : memref<64x256xf32, #tpu.memory_space<vmem>>, vector<1x16xf32>,
      %get3A_395 = vector.shape_cast %get3A_394 : vector<1x16xf32> to vector<16xf32>
      %sub3A_396 = arith.subf %get3A_395, %get3A_391 : vector<16xf32>
      %swap3A_397 = arith.index_cast %scan3A_372 : i32 to index
      %swap3A_398 = arith.constant 16 : index
      %swap3A_399 = tpu.vector_load %arg9[%swap3A_397, %swap3A_398] {strides = array<i32>} : memref<64x256xf32, #tpu.memory_space<vmem>>, vector<1x16xf32>,
      %swap3A_400 = vector.shape_cast %swap3A_399 : vector<1x16xf32> to vector<16xf32>
      %swap3A_401 = vector.shape_cast %sub3A_396 : vector<16xf32> to vector<1x16xf32>
      tpu.vector_store %arg9[%swap3A_397, %swap3A_398], %swap3A_401 {strides = array<i32>} : memref<64x256xf32, #tpu.memory_space<vmem>>, vector<1x16xf32>,
      %mul3A_402 = arith.mulf %sub3A_396, %sub3A_396 : vector<16xf32>
      %add3A_403 = arith.addf %add3A_387, %mul3A_402 : vector<16xf32>
      %get3A_404 = arith.index_cast %scan3A_372 : i32 to index
      %get3A_405 = arith.constant 32 : index
      %get3A_406 = tpu.vector_load %arg9[%get3A_404, %get3A_405] {strides = array<i32>} : memref<64x256xf32, #tpu.memory_space<vmem>>, vector<1x16xf32>,
      %get3A_407 = vector.shape_cast %get3A_406 : vector<1x16xf32> to vector<16xf32>
      %get3A_408 = arith.index_cast %scan3A_372 : i32 to index
      %get3A_409 = arith.constant 32 : index
      %get3A_410 = tpu.vector_load %arg12[%get3A_408, %get3A_409] {strides = array<i32>} : memref<64x256xf32, #tpu.memory_space<vmem>>, vector<1x16xf32>,
      %get3A_411 = vector.shape_cast %get3A_410 : vector<1x16xf32> to vector<16xf32>
      %sub3A_412 = arith.subf %get3A_411, %get3A_407 : vector<16xf32>
      %swap3A_413 = arith.index_cast %scan3A_372 : i32 to index
      %swap3A_414 = arith.constant 32 : index
      %swap3A_415 = tpu.vector_load %arg9[%swap3A_413, %swap3A_414] {strides = array<i32>} : memref<64x256xf32, #tpu.memory_space<vmem>>, vector<1x16xf32>,
      %swap3A_416 = vector.shape_cast %swap3A_415 : vector<1x16xf32> to vector<16xf32>
      %swap3A_417 = vector.shape_cast %sub3A_412 : vector<16xf32> to vector<1x16xf32>
      tpu.vector_store %arg9[%swap3A_413, %swap3A_414], %swap3A_417 {strides = array<i32>} : memref<64x256xf32, #tpu.memory_space<vmem>>, vector<1x16xf32>,
      %mul3A_418 = arith.mulf %sub3A_412, %sub3A_412 : vector<16xf32>
      %add3A_419 = arith.addf %add3A_403, %mul3A_418 : vector<16xf32>
      %get3A_420 = arith.index_cast %scan3A_372 : i32 to index
      %get3A_421 = arith.constant 48 : index
      %get3A_422 = tpu.vector_load %arg9[%get3A_420, %get3A_421] {strides = array<i32>} : memref<64x256xf32, #tpu.memory_space<vmem>>, vector<1x16xf32>,
      %get3A_423 = vector.shape_cast %get3A_422 : vector<1x16xf32> to vector<16xf32>
      %get3A_424 = arith.index_cast %scan3A_372 : i32 to index
      %get3A_425 = arith.constant 48 : index
      %get3A_426 = tpu.vector_load %arg12[%get3A_424, %get3A_425] {strides = array<i32>} : memref<64x256xf32, #tpu.memory_space<vmem>>, vector<1x16xf32>,
      %get3A_427 = vector.shape_cast %get3A_426 : vector<1x16xf32> to vector<16xf32>
      %sub3A_428 = arith.subf %get3A_427, %get3A_423 : vector<16xf32>
      %swap3A_429 = arith.index_cast %scan3A_372 : i32 to index
      %swap3A_430 = arith.constant 48 : index
      %swap3A_431 = tpu.vector_load %arg9[%swap3A_429, %swap3A_430] {strides = array<i32>} : memref<64x256xf32, #tpu.memory_space<vmem>>, vector<1x16xf32>,
      %swap3A_432 = vector.shape_cast %swap3A_431 : vector<1x16xf32> to vector<16xf32>
      %swap3A_433 = vector.shape_cast %sub3A_428 : vector<16xf32> to vector<1x16xf32>
      tpu.vector_store %arg9[%swap3A_429, %swap3A_430], %swap3A_433 {strides = array<i32>} : memref<64x256xf32, #tpu.memory_space<vmem>>, vector<1x16xf32>,
      %mul3A_434 = arith.mulf %sub3A_428, %sub3A_428 : vector<16xf32>
      %add3A_435 = arith.addf %add3A_419, %mul3A_434 : vector<16xf32>
      %get3A_436 = arith.index_cast %scan3A_372 : i32 to index
      %get3A_437 = arith.constant 64 : index
      %get3A_438 = tpu.vector_load %arg9[%get3A_436, %get3A_437] {strides = array<i32>} : memref<64x256xf32, #tpu.memory_space<vmem>>, vector<1x16xf32>,
      %get3A_439 = vector.shape_cast %get3A_438 : vector<1x16xf32> to vector<16xf32>
      %get3A_440 = arith.index_cast %scan3A_372 : i32 to index
      %get3A_441 = arith.constant 64 : index
      %get3A_442 = tpu.vector_load %arg12[%get3A_440, %get3A_441] {strides = array<i32>} : memref<64x256xf32, #tpu.memory_space<vmem>>, vector<1x16xf32>,
      %get3A_443 = vector.shape_cast %get3A_442 : vector<1x16xf32> to vector<16xf32>
      %sub3A_444 = arith.subf %get3A_443, %get3A_439 : vector<16xf32>
      %swap3A_445 = arith.index_cast %scan3A_372 : i32 to index
      %swap3A_446 = arith.constant 64 : index
      %swap3A_447 = tpu.vector_load %arg9[%swap3A_445, %swap3A_446] {strides = array<i32>} : memref<64x256xf32, #tpu.memory_space<vmem>>, vector<1x16xf32>,
      %swap3A_448 = vector.shape_cast %swap3A_447 : vector<1x16xf32> to vector<16xf32>
      %swap3A_449 = vector.shape_cast %sub3A_444 : vector<16xf32> to vector<1x16xf32>
      tpu.vector_store %arg9[%swap3A_445, %swap3A_446], %swap3A_449 {strides = array<i32>} : memref<64x256xf32, #tpu.memory_space<vmem>>, vector<1x16xf32>,
      %mul3A_450 = arith.mulf %sub3A_444, %sub3A_444 : vector<16xf32>
      %add3A_451 = arith.addf %add3A_435, %mul3A_450 : vector<16xf32>
      %get3A_452 = arith.index_cast %scan3A_372 : i32 to index
      %get3A_453 = arith.constant 80 : index
      %get3A_454 = tpu.vector_load %arg9[%get3A_452, %get3A_453] {strides = array<i32>} : memref<64x256xf32, #tpu.memory_space<vmem>>, vector<1x16xf32>,
      %get3A_455 = vector.shape_cast %get3A_454 : vector<1x16xf32> to vector<16xf32>
      %get3A_456 = arith.index_cast %scan3A_372 : i32 to index
      %get3A_457 = arith.constant 80 : index
      %get3A_458 = tpu.vector_load %arg12[%get3A_456, %get3A_457] {strides = array<i32>} : memref<64x256xf32, #tpu.memory_space<vmem>>, vector<1x16xf32>,
      %get3A_459 = vector.shape_cast %get3A_458 : vector<1x16xf32> to vector<16xf32>
      %sub3A_460 = arith.subf %get3A_459, %get3A_455 : vector<16xf32>
      %swap3A_461 = arith.index_cast %scan3A_372 : i32 to index
      %swap3A_462 = arith.constant 80 : index
      %swap3A_463 = tpu.vector_load %arg9[%swap3A_461, %swap3A_462] {strides = array<i32>} : memref<64x256xf32, #tpu.memory_space<vmem>>, vector<1x16xf32>,
      %swap3A_464 = vector.shape_cast %swap3A_463 : vector<1x16xf32> to vector<16xf32>
      %swap3A_465 = vector.shape_cast %sub3A_460 : vector<16xf32> to vector<1x16xf32>
      tpu.vector_store %arg9[%swap3A_461, %swap3A_462], %swap3A_465 {strides = array<i32>} : memref<64x256xf32, #tpu.memory_space<vmem>>, vector<1x16xf32>,
      %mul3A_466 = arith.mulf %sub3A_460, %sub3A_460 : vector<16xf32>
      %add3A_467 = arith.addf %add3A_451, %mul3A_466 : vector<16xf32>
      %get3A_468 = arith.index_cast %scan3A_372 : i32 to index
      %get3A_469 = arith.constant 96 : index
      %get3A_470 = tpu.vector_load %arg9[%get3A_468, %get3A_469] {strides = array<i32>} : memref<64x256xf32, #tpu.memory_space<vmem>>, vector<1x16xf32>,
      %get3A_471 = vector.shape_cast %get3A_470 : vector<1x16xf32> to vector<16xf32>
      %get3A_472 = arith.index_cast %scan3A_372 : i32 to index
      %get3A_473 = arith.constant 96 : index
      %get3A_474 = tpu.vector_load %arg12[%get3A_472, %get3A_473] {strides = array<i32>} : memref<64x256xf32, #tpu.memory_space<vmem>>, vector<1x16xf32>,
      %get3A_475 = vector.shape_cast %get3A_474 : vector<1x16xf32> to vector<16xf32>
      %sub3A_476 = arith.subf %get3A_475, %get3A_471 : vector<16xf32>
      %swap3A_477 = arith.index_cast %scan3A_372 : i32 to index
      %swap3A_478 = arith.constant 96 : index
      %swap3A_479 = tpu.vector_load %arg9[%swap3A_477, %swap3A_478] {strides = array<i32>} : memref<64x256xf32, #tpu.memory_space<vmem>>, vector<1x16xf32>,
      %swap3A_480 = vector.shape_cast %swap3A_479 : vector<1x16xf32> to vector<16xf32>
      %swap3A_481 = vector.shape_cast %sub3A_476 : vector<16xf32> to vector<1x16xf32>
      tpu.vector_store %arg9[%swap3A_477, %swap3A_478], %swap3A_481 {strides = array<i32>} : memref<64x256xf32, #tpu.memory_space<vmem>>, vector<1x16xf32>,
      %mul3A_482 = arith.mulf %sub3A_476, %sub3A_476 : vector<16xf32>
      %add3A_483 = arith.addf %add3A_467, %mul3A_482 : vector<16xf32>
      %get3A_484 = arith.index_cast %scan3A_372 : i32 to index
      %get3A_485 = arith.constant 112 : index
      %get3A_486 = tpu.vector_load %arg9[%get3A_484, %get3A_485] {strides = array<i32>} : memref<64x256xf32, #tpu.memory_space<vmem>>, vector<1x16xf32>,
      %get3A_487 = vector.shape_cast %get3A_486 : vector<1x16xf32> to vector<16xf32>
      %get3A_488 = arith.index_cast %scan3A_372 : i32 to index
      %get3A_489 = arith.constant 112 : index
      %get3A_490 = tpu.vector_load %arg12[%get3A_488, %get3A_489] {strides = array<i32>} : memref<64x256xf32, #tpu.memory_space<vmem>>, vector<1x16xf32>,
      %get3A_491 = vector.shape_cast %get3A_490 : vector<1x16xf32> to vector<16xf32>
      %sub3A_492 = arith.subf %get3A_491, %get3A_487 : vector<16xf32>
      %swap3A_493 = arith.index_cast %scan3A_372 : i32 to index
      %swap3A_494 = arith.constant 112 : index
      %swap3A_495 = tpu.vector_load %arg9[%swap3A_493, %swap3A_494] {strides = array<i32>} : memref<64x256xf32, #tpu.memory_space<vmem>>, vector<1x16xf32>,
      %swap3A_496 = vector.shape_cast %swap3A_495 : vector<1x16xf32> to vector<16xf32>
      %swap3A_497 = vector.shape_cast %sub3A_492 : vector<16xf32> to vector<1x16xf32>
      tpu.vector_store %arg9[%swap3A_493, %swap3A_494], %swap3A_497 {strides = array<i32>} : memref<64x256xf32, #tpu.memory_space<vmem>>, vector<1x16xf32>,
      %mul3A_498 = arith.mulf %sub3A_492, %sub3A_492 : vector<16xf32>
      %add3A_499 = arith.addf %add3A_483, %mul3A_498 : vector<16xf32>
      %get3A_500 = arith.index_cast %scan3A_372 : i32 to index
      %get3A_501 = arith.constant 128 : index
      %get3A_502 = tpu.vector_load %arg9[%get3A_500, %get3A_501] {strides = array<i32>} : memref<64x256xf32, #tpu.memory_space<vmem>>, vector<1x16xf32>,
      %get3A_503 = vector.shape_cast %get3A_502 : vector<1x16xf32> to vector<16xf32>
      %get3A_504 = arith.index_cast %scan3A_372 : i32 to index
      %get3A_505 = arith.constant 128 : index
      %get3A_506 = tpu.vector_load %arg12[%get3A_504, %get3A_505] {strides = array<i32>} : memref<64x256xf32, #tpu.memory_space<vmem>>, vector<1x16xf32>,
      %get3A_507 = vector.shape_cast %get3A_506 : vector<1x16xf32> to vector<16xf32>
      %sub3A_508 = arith.subf %get3A_507, %get3A_503 : vector<16xf32>
      %swap3A_509 = arith.index_cast %scan3A_372 : i32 to index
      %swap3A_510 = arith.constant 128 : index
      %swap3A_511 = tpu.vector_load %arg9[%swap3A_509, %swap3A_510] {strides = array<i32>} : memref<64x256xf32, #tpu.memory_space<vmem>>, vector<1x16xf32>,
      %swap3A_512 = vector.shape_cast %swap3A_511 : vector<1x16xf32> to vector<16xf32>
      %swap3A_513 = vector.shape_cast %sub3A_508 : vector<16xf32> to vector<1x16xf32>
      tpu.vector_store %arg9[%swap3A_509, %swap3A_510], %swap3A_513 {strides = array<i32>} : memref<64x256xf32, #tpu.memory_space<vmem>>, vector<1x16xf32>,
      %mul3A_514 = arith.mulf %sub3A_508, %sub3A_508 : vector<16xf32>
      %add3A_515 = arith.addf %add3A_499, %mul3A_514 : vector<16xf32>
      %get3A_516 = arith.index_cast %scan3A_372 : i32 to index
      %get3A_517 = arith.constant 144 : index
      %get3A_518 = tpu.vector_load %arg9[%get3A_516, %get3A_517] {strides = array<i32>} : memref<64x256xf32, #tpu.memory_space<vmem>>, vector<1x16xf32>,
      %get3A_519 = vector.shape_cast %get3A_518 : vector<1x16xf32> to vector<16xf32>
      %get3A_520 = arith.index_cast %scan3A_372 : i32 to index
      %get3A_521 = arith.constant 144 : index
      %get3A_522 = tpu.vector_load %arg12[%get3A_520, %get3A_521] {strides = array<i32>} : memref<64x256xf32, #tpu.memory_space<vmem>>, vector<1x16xf32>,
      %get3A_523 = vector.shape_cast %get3A_522 : vector<1x16xf32> to vector<16xf32>
      %sub3A_524 = arith.subf %get3A_523, %get3A_519 : vector<16xf32>
      %swap3A_525 = arith.index_cast %scan3A_372 : i32 to index
      %swap3A_526 = arith.constant 144 : index
      %swap3A_527 = tpu.vector_load %arg9[%swap3A_525, %swap3A_526] {strides = array<i32>} : memref<64x256xf32, #tpu.memory_space<vmem>>, vector<1x16xf32>,
      %swap3A_528 = vector.shape_cast %swap3A_527 : vector<1x16xf32> to vector<16xf32>
      %swap3A_529 = vector.shape_cast %sub3A_524 : vector<16xf32> to vector<1x16xf32>
      tpu.vector_store %arg9[%swap3A_525, %swap3A_526], %swap3A_529 {strides = array<i32>} : memref<64x256xf32, #tpu.memory_space<vmem>>, vector<1x16xf32>,
      %mul3A_530 = arith.mulf %sub3A_524, %sub3A_524 : vector<16xf32>
      %add3A_531 = arith.addf %add3A_515, %mul3A_530 : vector<16xf32>
      %get3A_532 = arith.index_cast %scan3A_372 : i32 to index
      %get3A_533 = arith.constant 160 : index
      %get3A_534 = tpu.vector_load %arg9[%get3A_532, %get3A_533] {strides = array<i32>} : memref<64x256xf32, #tpu.memory_space<vmem>>, vector<1x16xf32>,
      %get3A_535 = vector.shape_cast %get3A_534 : vector<1x16xf32> to vector<16xf32>
      %get3A_536 = arith.index_cast %scan3A_372 : i32 to index
      %get3A_537 = arith.constant 160 : index
      %get3A_538 = tpu.vector_load %arg12[%get3A_536, %get3A_537] {strides = array<i32>} : memref<64x256xf32, #tpu.memory_space<vmem>>, vector<1x16xf32>,
      %get3A_539 = vector.shape_cast %get3A_538 : vector<1x16xf32> to vector<16xf32>
      %sub3A_540 = arith.subf %get3A_539, %get3A_535 : vector<16xf32>
      %swap3A_541 = arith.index_cast %scan3A_372 : i32 to index
      %swap3A_542 = arith.constant 160 : index
      %swap3A_543 = tpu.vector_load %arg9[%swap3A_541, %swap3A_542] {strides = array<i32>} : memref<64x256xf32, #tpu.memory_space<vmem>>, vector<1x16xf32>,
      %swap3A_544 = vector.shape_cast %swap3A_543 : vector<1x16xf32> to vector<16xf32>
      %swap3A_545 = vector.shape_cast %sub3A_540 : vector<16xf32> to vector<1x16xf32>
      tpu.vector_store %arg9[%swap3A_541, %swap3A_542], %swap3A_545 {strides = array<i32>} : memref<64x256xf32, #tpu.memory_space<vmem>>, vector<1x16xf32>,
      %mul3A_546 = arith.mulf %sub3A_540, %sub3A_540 : vector<16xf32>
      %add3A_547 = arith.addf %add3A_531, %mul3A_546 : vector<16xf32>
      %get3A_548 = arith.index_cast %scan3A_372 : i32 to index
      %get3A_549 = arith.constant 176 : index
      %get3A_550 = tpu.vector_load %arg9[%get3A_548, %get3A_549] {strides = array<i32>} : memref<64x256xf32, #tpu.memory_space<vmem>>, vector<1x16xf32>,
      %get3A_551 = vector.shape_cast %get3A_550 : vector<1x16xf32> to vector<16xf32>
      %get3A_552 = arith.index_cast %scan3A_372 : i32 to index
      %get3A_553 = arith.constant 176 : index
      %get3A_554 = tpu.vector_load %arg12[%get3A_552, %get3A_553] {strides = array<i32>} : memref<64x256xf32, #tpu.memory_space<vmem>>, vector<1x16xf32>,
      %get3A_555 = vector.shape_cast %get3A_554 : vector<1x16xf32> to vector<16xf32>
      %sub3A_556 = arith.subf %get3A_555, %get3A_551 : vector<16xf32>
      %swap3A_557 = arith.index_cast %scan3A_372 : i32 to index
      %swap3A_558 = arith.constant 176 : index
      %swap3A_559 = tpu.vector_load %arg9[%swap3A_557, %swap3A_558] {strides = array<i32>} : memref<64x256xf32, #tpu.memory_space<vmem>>, vector<1x16xf32>,
      %swap3A_560 = vector.shape_cast %swap3A_559 : vector<1x16xf32> to vector<16xf32>
      %swap3A_561 = vector.shape_cast %sub3A_556 : vector<16xf32> to vector<1x16xf32>
      tpu.vector_store %arg9[%swap3A_557, %swap3A_558], %swap3A_561 {strides = array<i32>} : memref<64x256xf32, #tpu.memory_space<vmem>>, vector<1x16xf32>,
      %mul3A_562 = arith.mulf %sub3A_556, %sub3A_556 : vector<16xf32>
      %add3A_563 = arith.addf %add3A_547, %mul3A_562 : vector<16xf32>
      %get3A_564 = arith.index_cast %scan3A_372 : i32 to index
      %get3A_565 = arith.constant 192 : index
      %get3A_566 = tpu.vector_load %arg9[%get3A_564, %get3A_565] {strides = array<i32>} : memref<64x256xf32, #tpu.memory_space<vmem>>, vector<1x16xf32>,
      %get3A_567 = vector.shape_cast %get3A_566 : vector<1x16xf32> to vector<16xf32>
      %get3A_568 = arith.index_cast %scan3A_372 : i32 to index
      %get3A_569 = arith.constant 192 : index
      %get3A_570 = tpu.vector_load %arg12[%get3A_568, %get3A_569] {strides = array<i32>} : memref<64x256xf32, #tpu.memory_space<vmem>>, vector<1x16xf32>,
      %get3A_571 = vector.shape_cast %get3A_570 : vector<1x16xf32> to vector<16xf32>
      %sub3A_572 = arith.subf %get3A_571, %get3A_567 : vector<16xf32>
      %swap3A_573 = arith.index_cast %scan3A_372 : i32 to index
      %swap3A_574 = arith.constant 192 : index
      %swap3A_575 = tpu.vector_load %arg9[%swap3A_573, %swap3A_574] {strides = array<i32>} : memref<64x256xf32, #tpu.memory_space<vmem>>, vector<1x16xf32>,
      %swap3A_576 = vector.shape_cast %swap3A_575 : vector<1x16xf32> to vector<16xf32>
      %swap3A_577 = vector.shape_cast %sub3A_572 : vector<16xf32> to vector<1x16xf32>
      tpu.vector_store %arg9[%swap3A_573, %swap3A_574], %swap3A_577 {strides = array<i32>} : memref<64x256xf32, #tpu.memory_space<vmem>>, vector<1x16xf32>,
      %mul3A_578 = arith.mulf %sub3A_572, %sub3A_572 : vector<16xf32>
      %add3A_579 = arith.addf %add3A_563, %mul3A_578 : vector<16xf32>
      %get3A_580 = arith.index_cast %scan3A_372 : i32 to index
      %get3A_581 = arith.constant 208 : index
      %get3A_582 = tpu.vector_load %arg9[%get3A_580, %get3A_581] {strides = array<i32>} : memref<64x256xf32, #tpu.memory_space<vmem>>, vector<1x16xf32>,
      %get3A_583 = vector.shape_cast %get3A_582 : vector<1x16xf32> to vector<16xf32>
      %get3A_584 = arith.index_cast %scan3A_372 : i32 to index
      %get3A_585 = arith.constant 208 : index
      %get3A_586 = tpu.vector_load %arg12[%get3A_584, %get3A_585] {strides = array<i32>} : memref<64x256xf32, #tpu.memory_space<vmem>>, vector<1x16xf32>,
      %get3A_587 = vector.shape_cast %get3A_586 : vector<1x16xf32> to vector<16xf32>
      %sub3A_588 = arith.subf %get3A_587, %get3A_583 : vector<16xf32>
      %swap3A_589 = arith.index_cast %scan3A_372 : i32 to index
      %swap3A_590 = arith.constant 208 : index
      %swap3A_591 = tpu.vector_load %arg9[%swap3A_589, %swap3A_590] {strides = array<i32>} : memref<64x256xf32, #tpu.memory_space<vmem>>, vector<1x16xf32>,
      %swap3A_592 = vector.shape_cast %swap3A_591 : vector<1x16xf32> to vector<16xf32>
      %swap3A_593 = vector.shape_cast %sub3A_588 : vector<16xf32> to vector<1x16xf32>
      tpu.vector_store %arg9[%swap3A_589, %swap3A_590], %swap3A_593 {strides = array<i32>} : memref<64x256xf32, #tpu.memory_space<vmem>>, vector<1x16xf32>,
      %mul3A_594 = arith.mulf %sub3A_588, %sub3A_588 : vector<16xf32>
      %add3A_595 = arith.addf %add3A_579, %mul3A_594 : vector<16xf32>
      %get3A_596 = arith.index_cast %scan3A_372 : i32 to index
      %get3A_597 = arith.constant 224 : index
      %get3A_598 = tpu.vector_load %arg9[%get3A_596, %get3A_597] {strides = array<i32>} : memref<64x256xf32, #tpu.memory_space<vmem>>, vector<1x16xf32>,
      %get3A_599 = vector.shape_cast %get3A_598 : vector<1x16xf32> to vector<16xf32>
      %get3A_600 = arith.index_cast %scan3A_372 : i32 to index
      %get3A_601 = arith.constant 224 : index
      %get3A_602 = tpu.vector_load %arg12[%get3A_600, %get3A_601] {strides = array<i32>} : memref<64x256xf32, #tpu.memory_space<vmem>>, vector<1x16xf32>,
      %get3A_603 = vector.shape_cast %get3A_602 : vector<1x16xf32> to vector<16xf32>
      %sub3A_604 = arith.subf %get3A_603, %get3A_599 : vector<16xf32>
      %swap3A_605 = arith.index_cast %scan3A_372 : i32 to index
      %swap3A_606 = arith.constant 224 : index
      %swap3A_607 = tpu.vector_load %arg9[%swap3A_605, %swap3A_606] {strides = array<i32>} : memref<64x256xf32, #tpu.memory_space<vmem>>, vector<1x16xf32>,
      %swap3A_608 = vector.shape_cast %swap3A_607 : vector<1x16xf32> to vector<16xf32>
      %swap3A_609 = vector.shape_cast %sub3A_604 : vector<16xf32> to vector<1x16xf32>
      tpu.vector_store %arg9[%swap3A_605, %swap3A_606], %swap3A_609 {strides = array<i32>} : memref<64x256xf32, #tpu.memory_space<vmem>>, vector<1x16xf32>,
      %mul3A_610 = arith.mulf %sub3A_604, %sub3A_604 : vector<16xf32>
      %add3A_611 = arith.addf %add3A_595, %mul3A_610 : vector<16xf32>
      %get3A_612 = arith.index_cast %scan3A_372 : i32 to index
      %get3A_613 = arith.constant 240 : index
      %get3A_614 = tpu.vector_load %arg9[%get3A_612, %get3A_613] {strides = array<i32>} : memref<64x256xf32, #tpu.memory_space<vmem>>, vector<1x16xf32>,
      %get3A_615 = vector.shape_cast %get3A_614 : vector<1x16xf32> to vector<16xf32>
      %get3A_616 = arith.index_cast %scan3A_372 : i32 to index
      %get3A_617 = arith.constant 240 : index
      %get3A_618 = tpu.vector_load %arg12[%get3A_616, %get3A_617] {strides = array<i32>} : memref<64x256xf32, #tpu.memory_space<vmem>>, vector<1x16xf32>,
      %get3A_619 = vector.shape_cast %get3A_618 : vector<1x16xf32> to vector<16xf32>
      %sub3A_620 = arith.subf %get3A_619, %get3A_615 : vector<16xf32>
      %swap3A_621 = arith.index_cast %scan3A_372 : i32 to index
      %swap3A_622 = arith.constant 240 : index
      %swap3A_623 = tpu.vector_load %arg9[%swap3A_621, %swap3A_622] {strides = array<i32>} : memref<64x256xf32, #tpu.memory_space<vmem>>, vector<1x16xf32>,
      %swap3A_624 = vector.shape_cast %swap3A_623 : vector<1x16xf32> to vector<16xf32>
      %swap3A_625 = vector.shape_cast %sub3A_620 : vector<16xf32> to vector<1x16xf32>
      tpu.vector_store %arg9[%swap3A_621, %swap3A_622], %swap3A_625 {strides = array<i32>} : memref<64x256xf32, #tpu.memory_space<vmem>>, vector<1x16xf32>,
      %mul3A_626 = arith.mulf %sub3A_620, %sub3A_620 : vector<16xf32>
      %add3A_627 = arith.addf %add3A_611, %mul3A_626 : vector<16xf32>
      scf.yield %add3A_627 : vector<16xf32>
    }
    %scan3A_304 = arith.constant 64 : i32
    %add3A_305 = arith.constant 384 : i32
    %add3A_306 = arith.addi %mul3A_2, %add3A_305 : i32
    %dma_start3A_307 = arith.constant 0 : i32
    %dma_start3A_308 = tpu.memref_slice %arg5[%add3A_306, %dma_start3A_307] : memref<16384x256xf32, #tpu.memory_space<hbm>> -> memref<64x256xf32, #tpu.memory_space<hbm>>
    %dma_start3A_309 = arith.constant 0 : i32
    %dma_start3A_310 = tpu.memref_slice %arg5[%add3A_306, %dma_start3A_309] : memref<16384x256xf32, #tpu.memory_space<hbm>> -> memref<64x256xf32, #tpu.memory_space<hbm>>
    tpu.enqueue_dma source(%arg12 : memref<64x256xf32, #tpu.memory_space<vmem>>) target(%dma_start3A_310 : memref<64x256xf32, #tpu.memory_space<hbm>>) target_semaphore(%arg25 : memref<!tpu.dma_semaphore, #tpu.memory_space<semaphore_mem>>)
    %add3A_311 = arith.constant 384 : i32
    %add3A_312 = arith.addi %mul3A_2, %add3A_311 : i32
    %dma_start3A_313 = arith.constant 0 : i32
    %dma_start3A_314 = tpu.memref_slice %arg6[%add3A_312, %dma_start3A_313] : memref<16384x256xf32, #tpu.memory_space<hbm>> -> memref<64x256xf32, #tpu.memory_space<hbm>>
    %dma_start3A_315 = arith.constant 0 : i32
    %dma_start3A_316 = tpu.memref_slice %arg6[%add3A_312, %dma_start3A_315] : memref<16384x256xf32, #tpu.memory_space<hbm>> -> memref<64x256xf32, #tpu.memory_space<hbm>>
    tpu.enqueue_dma source(%arg9 : memref<64x256xf32, #tpu.memory_space<vmem>>) target(%dma_start3A_316 : memref<64x256xf32, #tpu.memory_space<hbm>>) target_semaphore(%arg22 : memref<!tpu.dma_semaphore, #tpu.memory_space<semaphore_mem>>)
    %dma_wait3A_317 = arith.constant 448 : i32
    %dma_wait3A_318 = tpu.memref_slice %arg8[%dma_wait3A_317] : memref<512xi32, #tpu.memory_space<vmem>> -> memref<64xi32, #tpu.memory_space<vmem>>
    %dma_wait3A_319 = arith.constant 0 : i32
    %dma_wait3A_320 = arith.constant 0 : i32
    %dma_wait3A_321 = tpu.memref_slice %arg3[%dma_wait3A_319, %dma_wait3A_320] : memref<8192x256xf32, #tpu.memory_space<hbm>> -> memref<8192x256xf32, #tpu.memory_space<hbm>>
    tpu.wait_indirect_dma semaphore(%arg17 : memref<!tpu.dma_semaphore, #tpu.memory_space<semaphore_mem>>) src(%dma_wait3A_321 : memref<8192x256xf32, #tpu.memory_space<hbm>>) dst(%arg10 : memref<64x256xf32, #tpu.memory_space<vmem>>)
    %dma_wait3A_322 = arith.constant 448 : i32
    %dma_wait3A_323 = tpu.memref_slice %arg8[%dma_wait3A_322] : memref<512xi32, #tpu.memory_space<vmem>> -> memref<64xi32, #tpu.memory_space<vmem>>
    %dma_wait3A_324 = arith.constant 0 : i32
    %dma_wait3A_325 = arith.constant 0 : i32
    %dma_wait3A_326 = tpu.memref_slice %arg4[%dma_wait3A_324, %dma_wait3A_325] : memref<8192x256xf32, #tpu.memory_space<hbm>> -> memref<8192x256xf32, #tpu.memory_space<hbm>>
    tpu.wait_indirect_dma semaphore(%arg20 : memref<!tpu.dma_semaphore, #tpu.memory_space<semaphore_mem>>) src(%dma_wait3A_326 : memref<8192x256xf32, #tpu.memory_space<hbm>>) dst(%arg13 : memref<64x256xf32, #tpu.memory_space<vmem>>)
    %scan3A_327 = arith.constant 0 : i32
    %scan3A_328 = arith.constant 64 : i32
    %scan3A_329 = arith.addi %scan3A_327, %scan3A_328 : i32
    %scan3A_330 = arith.constant 1 : i32
    %scan3A_331 = scf.for %scan3A_372 = %scan3A_327 to %scan3A_329 step %scan3A_330 iter_args(%scan3A_373 = %scan3A_303) -> (vector<16xf32>)  : i32 {
      %get3A = arith.index_cast %scan3A_372 : i32 to index
      %get3A_374 = arith.constant 0 : index
      %get3A_375 = tpu.vector_load %arg10[%get3A, %get3A_374] {strides = array<i32>} : memref<64x256xf32, #tpu.memory_space<vmem>>, vector<1x16xf32>,
      %get3A_376 = vector.shape_cast %get3A_375 : vector<1x16xf32> to vector<16xf32>
      %get3A_377 = arith.index_cast %scan3A_372 : i32 to index
      %get3A_378 = arith.constant 0 : index
      %get3A_379 = tpu.vector_load %arg13[%get3A_377, %get3A_378] {strides = array<i32>} : memref<64x256xf32, #tpu.memory_space<vmem>>, vector<1x16xf32>,
      %get3A_380 = vector.shape_cast %get3A_379 : vector<1x16xf32> to vector<16xf32>
      %sub3A = arith.subf %get3A_380, %get3A_376 : vector<16xf32>
      %swap3A_381 = arith.index_cast %scan3A_372 : i32 to index
      %swap3A_382 = arith.constant 0 : index
      %swap3A_383 = tpu.vector_load %arg10[%swap3A_381, %swap3A_382] {strides = array<i32>} : memref<64x256xf32, #tpu.memory_space<vmem>>, vector<1x16xf32>,
      %swap3A_384 = vector.shape_cast %swap3A_383 : vector<1x16xf32> to vector<16xf32>
      %swap3A_385 = vector.shape_cast %sub3A : vector<16xf32> to vector<1x16xf32>
      tpu.vector_store %arg10[%swap3A_381, %swap3A_382], %swap3A_385 {strides = array<i32>} : memref<64x256xf32, #tpu.memory_space<vmem>>, vector<1x16xf32>,
      %mul3A_386 = arith.mulf %sub3A, %sub3A : vector<16xf32>
      %add3A_387 = arith.addf %scan3A_373, %mul3A_386 : vector<16xf32>
      %get3A_388 = arith.index_cast %scan3A_372 : i32 to index
      %get3A_389 = arith.constant 16 : index
      %get3A_390 = tpu.vector_load %arg10[%get3A_388, %get3A_389] {strides = array<i32>} : memref<64x256xf32, #tpu.memory_space<vmem>>, vector<1x16xf32>,
      %get3A_391 = vector.shape_cast %get3A_390 : vector<1x16xf32> to vector<16xf32>
      %get3A_392 = arith.index_cast %scan3A_372 : i32 to index
      %get3A_393 = arith.constant 16 : index
      %get3A_394 = tpu.vector_load %arg13[%get3A_392, %get3A_393] {strides = array<i32>} : memref<64x256xf32, #tpu.memory_space<vmem>>, vector<1x16xf32>,
      %get3A_395 = vector.shape_cast %get3A_394 : vector<1x16xf32> to vector<16xf32>
      %sub3A_396 = arith.subf %get3A_395, %get3A_391 : vector<16xf32>
      %swap3A_397 = arith.index_cast %scan3A_372 : i32 to index
      %swap3A_398 = arith.constant 16 : index
      %swap3A_399 = tpu.vector_load %arg10[%swap3A_397, %swap3A_398] {strides = array<i32>} : memref<64x256xf32, #tpu.memory_space<vmem>>, vector<1x16xf32>,
      %swap3A_400 = vector.shape_cast %swap3A_399 : vector<1x16xf32> to vector<16xf32>
      %swap3A_401 = vector.shape_cast %sub3A_396 : vector<16xf32> to vector<1x16xf32>
      tpu.vector_store %arg10[%swap3A_397, %swap3A_398], %swap3A_401 {strides = array<i32>} : memref<64x256xf32, #tpu.memory_space<vmem>>, vector<1x16xf32>,
      %mul3A_402 = arith.mulf %sub3A_396, %sub3A_396 : vector<16xf32>
      %add3A_403 = arith.addf %add3A_387, %mul3A_402 : vector<16xf32>
      %get3A_404 = arith.index_cast %scan3A_372 : i32 to index
      %get3A_405 = arith.constant 32 : index
      %get3A_406 = tpu.vector_load %arg10[%get3A_404, %get3A_405] {strides = array<i32>} : memref<64x256xf32, #tpu.memory_space<vmem>>, vector<1x16xf32>,
      %get3A_407 = vector.shape_cast %get3A_406 : vector<1x16xf32> to vector<16xf32>
      %get3A_408 = arith.index_cast %scan3A_372 : i32 to index
      %get3A_409 = arith.constant 32 : index
      %get3A_410 = tpu.vector_load %arg13[%get3A_408, %get3A_409] {strides = array<i32>} : memref<64x256xf32, #tpu.memory_space<vmem>>, vector<1x16xf32>,
      %get3A_411 = vector.shape_cast %get3A_410 : vector<1x16xf32> to vector<16xf32>
      %sub3A_412 = arith.subf %get3A_411, %get3A_407 : vector<16xf32>
      %swap3A_413 = arith.index_cast %scan3A_372 : i32 to index
      %swap3A_414 = arith.constant 32 : index
      %swap3A_415 = tpu.vector_load %arg10[%swap3A_413, %swap3A_414] {strides = array<i32>} : memref<64x256xf32, #tpu.memory_space<vmem>>, vector<1x16xf32>,
      %swap3A_416 = vector.shape_cast %swap3A_415 : vector<1x16xf32> to vector<16xf32>
      %swap3A_417 = vector.shape_cast %sub3A_412 : vector<16xf32> to vector<1x16xf32>
      tpu.vector_store %arg10[%swap3A_413, %swap3A_414], %swap3A_417 {strides = array<i32>} : memref<64x256xf32, #tpu.memory_space<vmem>>, vector<1x16xf32>,
      %mul3A_418 = arith.mulf %sub3A_412, %sub3A_412 : vector<16xf32>
      %add3A_419 = arith.addf %add3A_403, %mul3A_418 : vector<16xf32>
      %get3A_420 = arith.index_cast %scan3A_372 : i32 to index
      %get3A_421 = arith.constant 48 : index
      %get3A_422 = tpu.vector_load %arg10[%get3A_420, %get3A_421] {strides = array<i32>} : memref<64x256xf32, #tpu.memory_space<vmem>>, vector<1x16xf32>,
      %get3A_423 = vector.shape_cast %get3A_422 : vector<1x16xf32> to vector<16xf32>
      %get3A_424 = arith.index_cast %scan3A_372 : i32 to index
      %get3A_425 = arith.constant 48 : index
      %get3A_426 = tpu.vector_load %arg13[%get3A_424, %get3A_425] {strides = array<i32>} : memref<64x256xf32, #tpu.memory_space<vmem>>, vector<1x16xf32>,
      %get3A_427 = vector.shape_cast %get3A_426 : vector<1x16xf32> to vector<16xf32>
      %sub3A_428 = arith.subf %get3A_427, %get3A_423 : vector<16xf32>
      %swap3A_429 = arith.index_cast %scan3A_372 : i32 to index
      %swap3A_430 = arith.constant 48 : index
      %swap3A_431 = tpu.vector_load %arg10[%swap3A_429, %swap3A_430] {strides = array<i32>} : memref<64x256xf32, #tpu.memory_space<vmem>>, vector<1x16xf32>,
      %swap3A_432 = vector.shape_cast %swap3A_431 : vector<1x16xf32> to vector<16xf32>
      %swap3A_433 = vector.shape_cast %sub3A_428 : vector<16xf32> to vector<1x16xf32>
      tpu.vector_store %arg10[%swap3A_429, %swap3A_430], %swap3A_433 {strides = array<i32>} : memref<64x256xf32, #tpu.memory_space<vmem>>, vector<1x16xf32>,
      %mul3A_434 = arith.mulf %sub3A_428, %sub3A_428 : vector<16xf32>
      %add3A_435 = arith.addf %add3A_419, %mul3A_434 : vector<16xf32>
      %get3A_436 = arith.index_cast %scan3A_372 : i32 to index
      %get3A_437 = arith.constant 64 : index
      %get3A_438 = tpu.vector_load %arg10[%get3A_436, %get3A_437] {strides = array<i32>} : memref<64x256xf32, #tpu.memory_space<vmem>>, vector<1x16xf32>,
      %get3A_439 = vector.shape_cast %get3A_438 : vector<1x16xf32> to vector<16xf32>
      %get3A_440 = arith.index_cast %scan3A_372 : i32 to index
      %get3A_441 = arith.constant 64 : index
      %get3A_442 = tpu.vector_load %arg13[%get3A_440, %get3A_441] {strides = array<i32>} : memref<64x256xf32, #tpu.memory_space<vmem>>, vector<1x16xf32>,
      %get3A_443 = vector.shape_cast %get3A_442 : vector<1x16xf32> to vector<16xf32>
      %sub3A_444 = arith.subf %get3A_443, %get3A_439 : vector<16xf32>
      %swap3A_445 = arith.index_cast %scan3A_372 : i32 to index
      %swap3A_446 = arith.constant 64 : index
      %swap3A_447 = tpu.vector_load %arg10[%swap3A_445, %swap3A_446] {strides = array<i32>} : memref<64x256xf32, #tpu.memory_space<vmem>>, vector<1x16xf32>,
      %swap3A_448 = vector.shape_cast %swap3A_447 : vector<1x16xf32> to vector<16xf32>
      %swap3A_449 = vector.shape_cast %sub3A_444 : vector<16xf32> to vector<1x16xf32>
      tpu.vector_store %arg10[%swap3A_445, %swap3A_446], %swap3A_449 {strides = array<i32>} : memref<64x256xf32, #tpu.memory_space<vmem>>, vector<1x16xf32>,
      %mul3A_450 = arith.mulf %sub3A_444, %sub3A_444 : vector<16xf32>
      %add3A_451 = arith.addf %add3A_435, %mul3A_450 : vector<16xf32>
      %get3A_452 = arith.index_cast %scan3A_372 : i32 to index
      %get3A_453 = arith.constant 80 : index
      %get3A_454 = tpu.vector_load %arg10[%get3A_452, %get3A_453] {strides = array<i32>} : memref<64x256xf32, #tpu.memory_space<vmem>>, vector<1x16xf32>,
      %get3A_455 = vector.shape_cast %get3A_454 : vector<1x16xf32> to vector<16xf32>
      %get3A_456 = arith.index_cast %scan3A_372 : i32 to index
      %get3A_457 = arith.constant 80 : index
      %get3A_458 = tpu.vector_load %arg13[%get3A_456, %get3A_457] {strides = array<i32>} : memref<64x256xf32, #tpu.memory_space<vmem>>, vector<1x16xf32>,
      %get3A_459 = vector.shape_cast %get3A_458 : vector<1x16xf32> to vector<16xf32>
      %sub3A_460 = arith.subf %get3A_459, %get3A_455 : vector<16xf32>
      %swap3A_461 = arith.index_cast %scan3A_372 : i32 to index
      %swap3A_462 = arith.constant 80 : index
      %swap3A_463 = tpu.vector_load %arg10[%swap3A_461, %swap3A_462] {strides = array<i32>} : memref<64x256xf32, #tpu.memory_space<vmem>>, vector<1x16xf32>,
      %swap3A_464 = vector.shape_cast %swap3A_463 : vector<1x16xf32> to vector<16xf32>
      %swap3A_465 = vector.shape_cast %sub3A_460 : vector<16xf32> to vector<1x16xf32>
      tpu.vector_store %arg10[%swap3A_461, %swap3A_462], %swap3A_465 {strides = array<i32>} : memref<64x256xf32, #tpu.memory_space<vmem>>, vector<1x16xf32>,
      %mul3A_466 = arith.mulf %sub3A_460, %sub3A_460 : vector<16xf32>
      %add3A_467 = arith.addf %add3A_451, %mul3A_466 : vector<16xf32>
      %get3A_468 = arith.index_cast %scan3A_372 : i32 to index
      %get3A_469 = arith.constant 96 : index
      %get3A_470 = tpu.vector_load %arg10[%get3A_468, %get3A_469] {strides = array<i32>} : memref<64x256xf32, #tpu.memory_space<vmem>>, vector<1x16xf32>,
      %get3A_471 = vector.shape_cast %get3A_470 : vector<1x16xf32> to vector<16xf32>
      %get3A_472 = arith.index_cast %scan3A_372 : i32 to index
      %get3A_473 = arith.constant 96 : index
      %get3A_474 = tpu.vector_load %arg13[%get3A_472, %get3A_473] {strides = array<i32>} : memref<64x256xf32, #tpu.memory_space<vmem>>, vector<1x16xf32>,
      %get3A_475 = vector.shape_cast %get3A_474 : vector<1x16xf32> to vector<16xf32>
      %sub3A_476 = arith.subf %get3A_475, %get3A_471 : vector<16xf32>
      %swap3A_477 = arith.index_cast %scan3A_372 : i32 to index
      %swap3A_478 = arith.constant 96 : index
      %swap3A_479 = tpu.vector_load %arg10[%swap3A_477, %swap3A_478] {strides = array<i32>} : memref<64x256xf32, #tpu.memory_space<vmem>>, vector<1x16xf32>,
      %swap3A_480 = vector.shape_cast %swap3A_479 : vector<1x16xf32> to vector<16xf32>
      %swap3A_481 = vector.shape_cast %sub3A_476 : vector<16xf32> to vector<1x16xf32>
      tpu.vector_store %arg10[%swap3A_477, %swap3A_478], %swap3A_481 {strides = array<i32>} : memref<64x256xf32, #tpu.memory_space<vmem>>, vector<1x16xf32>,
      %mul3A_482 = arith.mulf %sub3A_476, %sub3A_476 : vector<16xf32>
      %add3A_483 = arith.addf %add3A_467, %mul3A_482 : vector<16xf32>
      %get3A_484 = arith.index_cast %scan3A_372 : i32 to index
      %get3A_485 = arith.constant 112 : index
      %get3A_486 = tpu.vector_load %arg10[%get3A_484, %get3A_485] {strides = array<i32>} : memref<64x256xf32, #tpu.memory_space<vmem>>, vector<1x16xf32>,
      %get3A_487 = vector.shape_cast %get3A_486 : vector<1x16xf32> to vector<16xf32>
      %get3A_488 = arith.index_cast %scan3A_372 : i32 to index
      %get3A_489 = arith.constant 112 : index
      %get3A_490 = tpu.vector_load %arg13[%get3A_488, %get3A_489] {strides = array<i32>} : memref<64x256xf32, #tpu.memory_space<vmem>>, vector<1x16xf32>,
      %get3A_491 = vector.shape_cast %get3A_490 : vector<1x16xf32> to vector<16xf32>
      %sub3A_492 = arith.subf %get3A_491, %get3A_487 : vector<16xf32>
      %swap3A_493 = arith.index_cast %scan3A_372 : i32 to index
      %swap3A_494 = arith.constant 112 : index
      %swap3A_495 = tpu.vector_load %arg10[%swap3A_493, %swap3A_494] {strides = array<i32>} : memref<64x256xf32, #tpu.memory_space<vmem>>, vector<1x16xf32>,
      %swap3A_496 = vector.shape_cast %swap3A_495 : vector<1x16xf32> to vector<16xf32>
      %swap3A_497 = vector.shape_cast %sub3A_492 : vector<16xf32> to vector<1x16xf32>
      tpu.vector_store %arg10[%swap3A_493, %swap3A_494], %swap3A_497 {strides = array<i32>} : memref<64x256xf32, #tpu.memory_space<vmem>>, vector<1x16xf32>,
      %mul3A_498 = arith.mulf %sub3A_492, %sub3A_492 : vector<16xf32>
      %add3A_499 = arith.addf %add3A_483, %mul3A_498 : vector<16xf32>
      %get3A_500 = arith.index_cast %scan3A_372 : i32 to index
      %get3A_501 = arith.constant 128 : index
      %get3A_502 = tpu.vector_load %arg10[%get3A_500, %get3A_501] {strides = array<i32>} : memref<64x256xf32, #tpu.memory_space<vmem>>, vector<1x16xf32>,
      %get3A_503 = vector.shape_cast %get3A_502 : vector<1x16xf32> to vector<16xf32>
      %get3A_504 = arith.index_cast %scan3A_372 : i32 to index
      %get3A_505 = arith.constant 128 : index
      %get3A_506 = tpu.vector_load %arg13[%get3A_504, %get3A_505] {strides = array<i32>} : memref<64x256xf32, #tpu.memory_space<vmem>>, vector<1x16xf32>,
      %get3A_507 = vector.shape_cast %get3A_506 : vector<1x16xf32> to vector<16xf32>
      %sub3A_508 = arith.subf %get3A_507, %get3A_503 : vector<16xf32>
      %swap3A_509 = arith.index_cast %scan3A_372 : i32 to index
      %swap3A_510 = arith.constant 128 : index
      %swap3A_511 = tpu.vector_load %arg10[%swap3A_509, %swap3A_510] {strides = array<i32>} : memref<64x256xf32, #tpu.memory_space<vmem>>, vector<1x16xf32>,
      %swap3A_512 = vector.shape_cast %swap3A_511 : vector<1x16xf32> to vector<16xf32>
      %swap3A_513 = vector.shape_cast %sub3A_508 : vector<16xf32> to vector<1x16xf32>
      tpu.vector_store %arg10[%swap3A_509, %swap3A_510], %swap3A_513 {strides = array<i32>} : memref<64x256xf32, #tpu.memory_space<vmem>>, vector<1x16xf32>,
      %mul3A_514 = arith.mulf %sub3A_508, %sub3A_508 : vector<16xf32>
      %add3A_515 = arith.addf %add3A_499, %mul3A_514 : vector<16xf32>
      %get3A_516 = arith.index_cast %scan3A_372 : i32 to index
      %get3A_517 = arith.constant 144 : index
      %get3A_518 = tpu.vector_load %arg10[%get3A_516, %get3A_517] {strides = array<i32>} : memref<64x256xf32, #tpu.memory_space<vmem>>, vector<1x16xf32>,
      %get3A_519 = vector.shape_cast %get3A_518 : vector<1x16xf32> to vector<16xf32>
      %get3A_520 = arith.index_cast %scan3A_372 : i32 to index
      %get3A_521 = arith.constant 144 : index
      %get3A_522 = tpu.vector_load %arg13[%get3A_520, %get3A_521] {strides = array<i32>} : memref<64x256xf32, #tpu.memory_space<vmem>>, vector<1x16xf32>,
      %get3A_523 = vector.shape_cast %get3A_522 : vector<1x16xf32> to vector<16xf32>
      %sub3A_524 = arith.subf %get3A_523, %get3A_519 : vector<16xf32>
      %swap3A_525 = arith.index_cast %scan3A_372 : i32 to index
      %swap3A_526 = arith.constant 144 : index
      %swap3A_527 = tpu.vector_load %arg10[%swap3A_525, %swap3A_526] {strides = array<i32>} : memref<64x256xf32, #tpu.memory_space<vmem>>, vector<1x16xf32>,
      %swap3A_528 = vector.shape_cast %swap3A_527 : vector<1x16xf32> to vector<16xf32>
      %swap3A_529 = vector.shape_cast %sub3A_524 : vector<16xf32> to vector<1x16xf32>
      tpu.vector_store %arg10[%swap3A_525, %swap3A_526], %swap3A_529 {strides = array<i32>} : memref<64x256xf32, #tpu.memory_space<vmem>>, vector<1x16xf32>,
      %mul3A_530 = arith.mulf %sub3A_524, %sub3A_524 : vector<16xf32>
      %add3A_531 = arith.addf %add3A_515, %mul3A_530 : vector<16xf32>
      %get3A_532 = arith.index_cast %scan3A_372 : i32 to index
      %get3A_533 = arith.constant 160 : index
      %get3A_534 = tpu.vector_load %arg10[%get3A_532, %get3A_533] {strides = array<i32>} : memref<64x256xf32, #tpu.memory_space<vmem>>, vector<1x16xf32>,
      %get3A_535 = vector.shape_cast %get3A_534 : vector<1x16xf32> to vector<16xf32>
      %get3A_536 = arith.index_cast %scan3A_372 : i32 to index
      %get3A_537 = arith.constant 160 : index
      %get3A_538 = tpu.vector_load %arg13[%get3A_536, %get3A_537] {strides = array<i32>} : memref<64x256xf32, #tpu.memory_space<vmem>>, vector<1x16xf32>,
      %get3A_539 = vector.shape_cast %get3A_538 : vector<1x16xf32> to vector<16xf32>
      %sub3A_540 = arith.subf %get3A_539, %get3A_535 : vector<16xf32>
      %swap3A_541 = arith.index_cast %scan3A_372 : i32 to index
      %swap3A_542 = arith.constant 160 : index
      %swap3A_543 = tpu.vector_load %arg10[%swap3A_541, %swap3A_542] {strides = array<i32>} : memref<64x256xf32, #tpu.memory_space<vmem>>, vector<1x16xf32>,
      %swap3A_544 = vector.shape_cast %swap3A_543 : vector<1x16xf32> to vector<16xf32>
      %swap3A_545 = vector.shape_cast %sub3A_540 : vector<16xf32> to vector<1x16xf32>
      tpu.vector_store %arg10[%swap3A_541, %swap3A_542], %swap3A_545 {strides = array<i32>} : memref<64x256xf32, #tpu.memory_space<vmem>>, vector<1x16xf32>,
      %mul3A_546 = arith.mulf %sub3A_540, %sub3A_540 : vector<16xf32>
      %add3A_547 = arith.addf %add3A_531, %mul3A_546 : vector<16xf32>
      %get3A_548 = arith.index_cast %scan3A_372 : i32 to index
      %get3A_549 = arith.constant 176 : index
      %get3A_550 = tpu.vector_load %arg10[%get3A_548, %get3A_549] {strides = array<i32>} : memref<64x256xf32, #tpu.memory_space<vmem>>, vector<1x16xf32>,
      %get3A_551 = vector.shape_cast %get3A_550 : vector<1x16xf32> to vector<16xf32>
      %get3A_552 = arith.index_cast %scan3A_372 : i32 to index
      %get3A_553 = arith.constant 176 : index
      %get3A_554 = tpu.vector_load %arg13[%get3A_552, %get3A_553] {strides = array<i32>} : memref<64x256xf32, #tpu.memory_space<vmem>>, vector<1x16xf32>,
      %get3A_555 = vector.shape_cast %get3A_554 : vector<1x16xf32> to vector<16xf32>
      %sub3A_556 = arith.subf %get3A_555, %get3A_551 : vector<16xf32>
      %swap3A_557 = arith.index_cast %scan3A_372 : i32 to index
      %swap3A_558 = arith.constant 176 : index
      %swap3A_559 = tpu.vector_load %arg10[%swap3A_557, %swap3A_558] {strides = array<i32>} : memref<64x256xf32, #tpu.memory_space<vmem>>, vector<1x16xf32>,
      %swap3A_560 = vector.shape_cast %swap3A_559 : vector<1x16xf32> to vector<16xf32>
      %swap3A_561 = vector.shape_cast %sub3A_556 : vector<16xf32> to vector<1x16xf32>
      tpu.vector_store %arg10[%swap3A_557, %swap3A_558], %swap3A_561 {strides = array<i32>} : memref<64x256xf32, #tpu.memory_space<vmem>>, vector<1x16xf32>,
      %mul3A_562 = arith.mulf %sub3A_556, %sub3A_556 : vector<16xf32>
      %add3A_563 = arith.addf %add3A_547, %mul3A_562 : vector<16xf32>
      %get3A_564 = arith.index_cast %scan3A_372 : i32 to index
      %get3A_565 = arith.constant 192 : index
      %get3A_566 = tpu.vector_load %arg10[%get3A_564, %get3A_565] {strides = array<i32>} : memref<64x256xf32, #tpu.memory_space<vmem>>, vector<1x16xf32>,
      %get3A_567 = vector.shape_cast %get3A_566 : vector<1x16xf32> to vector<16xf32>
      %get3A_568 = arith.index_cast %scan3A_372 : i32 to index
      %get3A_569 = arith.constant 192 : index
      %get3A_570 = tpu.vector_load %arg13[%get3A_568, %get3A_569] {strides = array<i32>} : memref<64x256xf32, #tpu.memory_space<vmem>>, vector<1x16xf32>,
      %get3A_571 = vector.shape_cast %get3A_570 : vector<1x16xf32> to vector<16xf32>
      %sub3A_572 = arith.subf %get3A_571, %get3A_567 : vector<16xf32>
      %swap3A_573 = arith.index_cast %scan3A_372 : i32 to index
      %swap3A_574 = arith.constant 192 : index
      %swap3A_575 = tpu.vector_load %arg10[%swap3A_573, %swap3A_574] {strides = array<i32>} : memref<64x256xf32, #tpu.memory_space<vmem>>, vector<1x16xf32>,
      %swap3A_576 = vector.shape_cast %swap3A_575 : vector<1x16xf32> to vector<16xf32>
      %swap3A_577 = vector.shape_cast %sub3A_572 : vector<16xf32> to vector<1x16xf32>
      tpu.vector_store %arg10[%swap3A_573, %swap3A_574], %swap3A_577 {strides = array<i32>} : memref<64x256xf32, #tpu.memory_space<vmem>>, vector<1x16xf32>,
      %mul3A_578 = arith.mulf %sub3A_572, %sub3A_572 : vector<16xf32>
      %add3A_579 = arith.addf %add3A_563, %mul3A_578 : vector<16xf32>
      %get3A_580 = arith.index_cast %scan3A_372 : i32 to index
      %get3A_581 = arith.constant 208 : index
      %get3A_582 = tpu.vector_load %arg10[%get3A_580, %get3A_581] {strides = array<i32>} : memref<64x256xf32, #tpu.memory_space<vmem>>, vector<1x16xf32>,
      %get3A_583 = vector.shape_cast %get3A_582 : vector<1x16xf32> to vector<16xf32>
      %get3A_584 = arith.index_cast %scan3A_372 : i32 to index
      %get3A_585 = arith.constant 208 : index
      %get3A_586 = tpu.vector_load %arg13[%get3A_584, %get3A_585] {strides = array<i32>} : memref<64x256xf32, #tpu.memory_space<vmem>>, vector<1x16xf32>,
      %get3A_587 = vector.shape_cast %get3A_586 : vector<1x16xf32> to vector<16xf32>
      %sub3A_588 = arith.subf %get3A_587, %get3A_583 : vector<16xf32>
      %swap3A_589 = arith.index_cast %scan3A_372 : i32 to index
      %swap3A_590 = arith.constant 208 : index
      %swap3A_591 = tpu.vector_load %arg10[%swap3A_589, %swap3A_590] {strides = array<i32>} : memref<64x256xf32, #tpu.memory_space<vmem>>, vector<1x16xf32>,
      %swap3A_592 = vector.shape_cast %swap3A_591 : vector<1x16xf32> to vector<16xf32>
      %swap3A_593 = vector.shape_cast %sub3A_588 : vector<16xf32> to vector<1x16xf32>
      tpu.vector_store %arg10[%swap3A_589, %swap3A_590], %swap3A_593 {strides = array<i32>} : memref<64x256xf32, #tpu.memory_space<vmem>>, vector<1x16xf32>,
      %mul3A_594 = arith.mulf %sub3A_588, %sub3A_588 : vector<16xf32>
      %add3A_595 = arith.addf %add3A_579, %mul3A_594 : vector<16xf32>
      %get3A_596 = arith.index_cast %scan3A_372 : i32 to index
      %get3A_597 = arith.constant 224 : index
      %get3A_598 = tpu.vector_load %arg10[%get3A_596, %get3A_597] {strides = array<i32>} : memref<64x256xf32, #tpu.memory_space<vmem>>, vector<1x16xf32>,
      %get3A_599 = vector.shape_cast %get3A_598 : vector<1x16xf32> to vector<16xf32>
      %get3A_600 = arith.index_cast %scan3A_372 : i32 to index
      %get3A_601 = arith.constant 224 : index
      %get3A_602 = tpu.vector_load %arg13[%get3A_600, %get3A_601] {strides = array<i32>} : memref<64x256xf32, #tpu.memory_space<vmem>>, vector<1x16xf32>,
      %get3A_603 = vector.shape_cast %get3A_602 : vector<1x16xf32> to vector<16xf32>
      %sub3A_604 = arith.subf %get3A_603, %get3A_599 : vector<16xf32>
      %swap3A_605 = arith.index_cast %scan3A_372 : i32 to index
      %swap3A_606 = arith.constant 224 : index
      %swap3A_607 = tpu.vector_load %arg10[%swap3A_605, %swap3A_606] {strides = array<i32>} : memref<64x256xf32, #tpu.memory_space<vmem>>, vector<1x16xf32>,
      %swap3A_608 = vector.shape_cast %swap3A_607 : vector<1x16xf32> to vector<16xf32>
      %swap3A_609 = vector.shape_cast %sub3A_604 : vector<16xf32> to vector<1x16xf32>
      tpu.vector_store %arg10[%swap3A_605, %swap3A_606], %swap3A_609 {strides = array<i32>} : memref<64x256xf32, #tpu.memory_space<vmem>>, vector<1x16xf32>,
      %mul3A_610 = arith.mulf %sub3A_604, %sub3A_604 : vector<16xf32>
      %add3A_611 = arith.addf %add3A_595, %mul3A_610 : vector<16xf32>
      %get3A_612 = arith.index_cast %scan3A_372 : i32 to index
      %get3A_613 = arith.constant 240 : index
      %get3A_614 = tpu.vector_load %arg10[%get3A_612, %get3A_613] {strides = array<i32>} : memref<64x256xf32, #tpu.memory_space<vmem>>, vector<1x16xf32>,
      %get3A_615 = vector.shape_cast %get3A_614 : vector<1x16xf32> to vector<16xf32>
      %get3A_616 = arith.index_cast %scan3A_372 : i32 to index
      %get3A_617 = arith.constant 240 : index
      %get3A_618 = tpu.vector_load %arg13[%get3A_616, %get3A_617] {strides = array<i32>} : memref<64x256xf32, #tpu.memory_space<vmem>>, vector<1x16xf32>,
      %get3A_619 = vector.shape_cast %get3A_618 : vector<1x16xf32> to vector<16xf32>
      %sub3A_620 = arith.subf %get3A_619, %get3A_615 : vector<16xf32>
      %swap3A_621 = arith.index_cast %scan3A_372 : i32 to index
      %swap3A_622 = arith.constant 240 : index
      %swap3A_623 = tpu.vector_load %arg10[%swap3A_621, %swap3A_622] {strides = array<i32>} : memref<64x256xf32, #tpu.memory_space<vmem>>, vector<1x16xf32>,
      %swap3A_624 = vector.shape_cast %swap3A_623 : vector<1x16xf32> to vector<16xf32>
      %swap3A_625 = vector.shape_cast %sub3A_620 : vector<16xf32> to vector<1x16xf32>
      tpu.vector_store %arg10[%swap3A_621, %swap3A_622], %swap3A_625 {strides = array<i32>} : memref<64x256xf32, #tpu.memory_space<vmem>>, vector<1x16xf32>,
      %mul3A_626 = arith.mulf %sub3A_620, %sub3A_620 : vector<16xf32>
      %add3A_627 = arith.addf %add3A_611, %mul3A_626 : vector<16xf32>
      scf.yield %add3A_627 : vector<16xf32>
    }
    %scan3A_332 = arith.constant 64 : i32
    %add3A_333 = arith.constant 448 : i32
    %add3A_334 = arith.addi %mul3A_2, %add3A_333 : i32
    %dma_start3A_335 = arith.constant 0 : i32
    %dma_start3A_336 = tpu.memref_slice %arg5[%add3A_334, %dma_start3A_335] : memref<16384x256xf32, #tpu.memory_space<hbm>> -> memref<64x256xf32, #tpu.memory_space<hbm>>
    %dma_start3A_337 = arith.constant 0 : i32
    %dma_start3A_338 = tpu.memref_slice %arg5[%add3A_334, %dma_start3A_337] : memref<16384x256xf32, #tpu.memory_space<hbm>> -> memref<64x256xf32, #tpu.memory_space<hbm>>
    tpu.enqueue_dma source(%arg13 : memref<64x256xf32, #tpu.memory_space<vmem>>) target(%dma_start3A_338 : memref<64x256xf32, #tpu.memory_space<hbm>>) target_semaphore(%arg26 : memref<!tpu.dma_semaphore, #tpu.memory_space<semaphore_mem>>)
    %add3A_339 = arith.constant 448 : i32
    %add3A_340 = arith.addi %mul3A_2, %add3A_339 : i32
    %dma_start3A_341 = arith.constant 0 : i32
    %dma_start3A_342 = tpu.memref_slice %arg6[%add3A_340, %dma_start3A_341] : memref<16384x256xf32, #tpu.memory_space<hbm>> -> memref<64x256xf32, #tpu.memory_space<hbm>>
    %dma_start3A_343 = arith.constant 0 : i32
    %dma_start3A_344 = tpu.memref_slice %arg6[%add3A_340, %dma_start3A_343] : memref<16384x256xf32, #tpu.memory_space<hbm>> -> memref<64x256xf32, #tpu.memory_space<hbm>>
    tpu.enqueue_dma source(%arg10 : memref<64x256xf32, #tpu.memory_space<vmem>>) target(%dma_start3A_344 : memref<64x256xf32, #tpu.memory_space<hbm>>) target_semaphore(%arg23 : memref<!tpu.dma_semaphore, #tpu.memory_space<semaphore_mem>>)
    %dma_wait3A_345 = arith.constant 0 : i32
    %dma_wait3A_346 = tpu.memref_slice %arg6[%add3A_284, %dma_wait3A_345] : memref<16384x256xf32, #tpu.memory_space<hbm>> -> memref<64x256xf32, #tpu.memory_space<hbm>>
    %dma_wait3A_347 = arith.constant 0 : i32
    %dma_wait3A_348 = tpu.memref_slice %arg6[%add3A_284, %dma_wait3A_347] : memref<16384x256xf32, #tpu.memory_space<hbm>> -> memref<64x256xf32, #tpu.memory_space<hbm>>
    tpu.wait_dma2 semaphore(%arg24 : memref<!tpu.dma_semaphore, #tpu.memory_space<semaphore_mem>>) src(%arg11 : memref<64x256xf32, #tpu.memory_space<vmem>>) dst(%dma_wait3A_348 : memref<64x256xf32, #tpu.memory_space<hbm>>)
    %dma_wait3A_349 = arith.constant 0 : i32
    %dma_wait3A_350 = tpu.memref_slice %arg5[%add3A_278, %dma_wait3A_349] : memref<16384x256xf32, #tpu.memory_space<hbm>> -> memref<64x256xf32, #tpu.memory_space<hbm>>
    %dma_wait3A_351 = arith.constant 0 : i32
    %dma_wait3A_352 = tpu.memref_slice %arg5[%add3A_278, %dma_wait3A_351] : memref<16384x256xf32, #tpu.memory_space<hbm>> -> memref<64x256xf32, #tpu.memory_space<hbm>>
    tpu.wait_dma2 semaphore(%arg27 : memref<!tpu.dma_semaphore, #tpu.memory_space<semaphore_mem>>) src(%arg14 : memref<64x256xf32, #tpu.memory_space<vmem>>) dst(%dma_wait3A_352 : memref<64x256xf32, #tpu.memory_space<hbm>>)
    %dma_wait3A_353 = arith.constant 0 : i32
    %dma_wait3A_354 = tpu.memref_slice %arg6[%add3A_312, %dma_wait3A_353] : memref<16384x256xf32, #tpu.memory_space<hbm>> -> memref<64x256xf32, #tpu.memory_space<hbm>>
    %dma_wait3A_355 = arith.constant 0 : i32
    %dma_wait3A_356 = tpu.memref_slice %arg6[%add3A_312, %dma_wait3A_355] : memref<16384x256xf32, #tpu.memory_space<hbm>> -> memref<64x256xf32, #tpu.memory_space<hbm>>
    tpu.wait_dma2 semaphore(%arg22 : memref<!tpu.dma_semaphore, #tpu.memory_space<semaphore_mem>>) src(%arg9 : memref<64x256xf32, #tpu.memory_space<vmem>>) dst(%dma_wait3A_356 : memref<64x256xf32, #tpu.memory_space<hbm>>)
    %dma_wait3A_357 = arith.constant 0 : i32
    %dma_wait3A_358 = tpu.memref_slice %arg5[%add3A_306, %dma_wait3A_357] : memref<16384x256xf32, #tpu.memory_space<hbm>> -> memref<64x256xf32, #tpu.memory_space<hbm>>
    %dma_wait3A_359 = arith.constant 0 : i32
    %dma_wait3A_360 = tpu.memref_slice %arg5[%add3A_306, %dma_wait3A_359] : memref<16384x256xf32, #tpu.memory_space<hbm>> -> memref<64x256xf32, #tpu.memory_space<hbm>>
    tpu.wait_dma2 semaphore(%arg25 : memref<!tpu.dma_semaphore, #tpu.memory_space<semaphore_mem>>) src(%arg12 : memref<64x256xf32, #tpu.memory_space<vmem>>) dst(%dma_wait3A_360 : memref<64x256xf32, #tpu.memory_space<hbm>>)
    %dma_wait3A_361 = arith.constant 0 : i32
    %dma_wait3A_362 = tpu.memref_slice %arg6[%add3A_340, %dma_wait3A_361] : memref<16384x256xf32, #tpu.memory_space<hbm>> -> memref<64x256xf32, #tpu.memory_space<hbm>>
    %dma_wait3A_363 = arith.constant 0 : i32
    %dma_wait3A_364 = tpu.memref_slice %arg6[%add3A_340, %dma_wait3A_363] : memref<16384x256xf32, #tpu.memory_space<hbm>> -> memref<64x256xf32, #tpu.memory_space<hbm>>
    tpu.wait_dma2 semaphore(%arg23 : memref<!tpu.dma_semaphore, #tpu.memory_space<semaphore_mem>>) src(%arg10 : memref<64x256xf32, #tpu.memory_space<vmem>>) dst(%dma_wait3A_364 : memref<64x256xf32, #tpu.memory_space<hbm>>)
    %dma_wait3A_365 = arith.constant 0 : i32
    %dma_wait3A_366 = tpu.memref_slice %arg5[%add3A_334, %dma_wait3A_365] : memref<16384x256xf32, #tpu.memory_space<hbm>> -> memref<64x256xf32, #tpu.memory_space<hbm>>
    %dma_wait3A_367 = arith.constant 0 : i32
    %dma_wait3A_368 = tpu.memref_slice %arg5[%add3A_334, %dma_wait3A_367] : memref<16384x256xf32, #tpu.memory_space<hbm>> -> memref<64x256xf32, #tpu.memory_space<hbm>>
    tpu.wait_dma2 semaphore(%arg26 : memref<!tpu.dma_semaphore, #tpu.memory_space<semaphore_mem>>) src(%arg13 : memref<64x256xf32, #tpu.memory_space<vmem>>) dst(%dma_wait3A_368 : memref<64x256xf32, #tpu.memory_space<hbm>>)
    %swap3A = arith.constant 0 : index
    %swap3A_369 = tpu.vector_load %arg15[%swap3A] {strides = array<i32>} : memref<16xf32, #tpu.memory_space<vmem>>, vector<16xf32>,
    %swap3A_370 = vector.shape_cast %swap3A_369 : vector<16xf32> to vector<16xf32>
    %swap3A_371 = vector.shape_cast %scan3A_331 : vector<16xf32> to vector<16xf32>
    tpu.vector_store %arg15[%swap3A], %swap3A_371 {strides = array<i32>} : memref<16xf32, #tpu.memory_space<vmem>>, vector<16xf32>,
    "tpu.region"() ({
      %run_scoped3A = tpu.sem_alloc : memref<!tpu.dma_semaphore, #tpu.memory_space<semaphore_mem>>
      %dma_start3A_372 = arith.constant 0 : i32
      %dma_start3A_373 = tpu.memref_slice %arg7[%add3A, %dma_start3A_372] : memref<32x16xf32, #tpu.memory_space<hbm>> -> memref<1x16xf32, #tpu.memory_space<hbm>>
      %dma_start3A_374 = tpu.memref_squeeze %dma_start3A_373 : memref<1x16xf32, #tpu.memory_space<hbm>> -> memref<16xf32, #tpu.memory_space<hbm>>
      %dma_start3A_375 = arith.constant 0 : i32
      %dma_start3A_376 = tpu.memref_slice %arg7[%add3A, %dma_start3A_375] : memref<32x16xf32, #tpu.memory_space<hbm>> -> memref<1x16xf32, #tpu.memory_space<hbm>>
      %dma_start3A_377 = tpu.memref_squeeze %dma_start3A_376 : memref<1x16xf32, #tpu.memory_space<hbm>> -> memref<16xf32, #tpu.memory_space<hbm>>
      tpu.enqueue_dma source(%arg15 : memref<16xf32, #tpu.memory_space<vmem>>) target(%dma_start3A_377 : memref<16xf32, #tpu.memory_space<hbm>>) target_semaphore(%run_scoped3A : memref<!tpu.dma_semaphore, #tpu.memory_space<semaphore_mem>>)
      %dma_wait3A_378 = arith.constant 0 : i32
      %dma_wait3A_379 = tpu.memref_slice %arg7[%add3A, %dma_wait3A_378] : memref<32x16xf32, #tpu.memory_space<hbm>> -> memref<1x16xf32, #tpu.memory_space<hbm>>
      %dma_wait3A_380 = tpu.memref_squeeze %dma_wait3A_379 : memref<1x16xf32, #tpu.memory_space<hbm>> -> memref<16xf32, #tpu.memory_space<hbm>>
      %dma_wait3A_381 = arith.constant 0 : i32
      %dma_wait3A_382 = tpu.memref_slice %arg7[%add3A, %dma_wait3A_381] : memref<32x16xf32, #tpu.memory_space<hbm>> -> memref<1x16xf32, #tpu.memory_space<hbm>>
      %dma_wait3A_383 = tpu.memref_squeeze %dma_wait3A_382 : memref<1x16xf32, #tpu.memory_space<hbm>> -> memref<16xf32, #tpu.memory_space<hbm>>
      tpu.wait_dma2 semaphore(%run_scoped3A : memref<!tpu.dma_semaphore, #tpu.memory_space<semaphore_mem>>) src(%arg15 : memref<16xf32, #tpu.memory_space<vmem>>) dst(%dma_wait3A_383 : memref<16xf32, #tpu.memory_space<hbm>>)
      tpu.yield
    }) : () -> ()
    return
  }
}

#map = affine_map<(d0, d1) -> (0)>
#map1 = affine_map<(d0, d1) -> (0, 0)>
module attributes {stable_mosaic.version = 14 : i64} {
  func.func @_wq_body(%arg0: i32, %arg1: i32, %arg2: memref<8192xi32, #tpu.memory_space<hbm>>, %arg3: memref<8192x256xf32, #tpu.memory_space<hbm>>, %arg4: memref<8192x256xf32, #tpu.memory_space<hbm>>, %arg5: memref<256xi32, #tpu.memory_space<vmem>>, %arg6: memref<128x256xf32, #tpu.memory_space<vmem>>, %arg7: memref<128x256xf32, #tpu.memory_space<vmem>>, %arg8: memref<!tpu.dma_semaphore, #tpu.memory_space<semaphore_mem>>, %arg9: memref<!tpu.dma_semaphore, #tpu.memory_space<semaphore_mem>>, %arg10: memref<!tpu.dma_semaphore, #tpu.memory_space<semaphore_mem>>, %arg11: memref<!tpu.dma_semaphore, #tpu.memory_space<semaphore_mem>>) attributes {dimension_semantics = [#tpu.dimension_semantics<core_parallel>, #tpu.dimension_semantics<subcore_parallel>], iteration_bounds = array<i64: 2, 16>, scalar_prefetch = 0 : i64, scratch_operands = 7 : i64, tpu.core_type = #tpu.core_type<sc_vector_subcore>, window_params = [{transform_indices = #map}, {transform_indices = #map1}, {transform_indices = #map1}]} {
    %mul3A = arith.constant 2 : i32
    %mul3A_0 = arith.muli %arg1, %mul3A : i32
    %add3A = arith.addi %mul3A_0, %arg0 : i32
    %mul3A_1 = arith.constant 256 : i32
    %mul3A_2 = arith.muli %add3A, %mul3A_1 : i32
    "tpu.region"() ({
      %run_scoped3A = tpu.sem_alloc : memref<!tpu.dma_semaphore, #tpu.memory_space<semaphore_mem>>
      %dma_start3A_41 = tpu.memref_slice %arg2[%mul3A_2] : memref<8192xi32, #tpu.memory_space<hbm>> -> memref<256xi32, #tpu.memory_space<hbm>>
      %dma_start3A_42 = tpu.memref_slice %arg2[%mul3A_2] : memref<8192xi32, #tpu.memory_space<hbm>> -> memref<256xi32, #tpu.memory_space<hbm>>
      tpu.enqueue_dma source(%dma_start3A_42 : memref<256xi32, #tpu.memory_space<hbm>>) target(%arg5 : memref<256xi32, #tpu.memory_space<vmem>>) target_semaphore(%run_scoped3A : memref<!tpu.dma_semaphore, #tpu.memory_space<semaphore_mem>>)
      %dma_wait3A_43 = tpu.memref_slice %arg2[%mul3A_2] : memref<8192xi32, #tpu.memory_space<hbm>> -> memref<256xi32, #tpu.memory_space<hbm>>
      %dma_wait3A_44 = tpu.memref_slice %arg2[%mul3A_2] : memref<8192xi32, #tpu.memory_space<hbm>> -> memref<256xi32, #tpu.memory_space<hbm>>
      tpu.wait_dma2 semaphore(%run_scoped3A : memref<!tpu.dma_semaphore, #tpu.memory_space<semaphore_mem>>) src(%dma_wait3A_44 : memref<256xi32, #tpu.memory_space<hbm>>) dst(%arg5 : memref<256xi32, #tpu.memory_space<vmem>>)
      tpu.yield
    }) : () -> ()
    %dma_start3A = arith.constant 0 : i32
    %dma_start3A_3 = tpu.memref_slice %arg5[%dma_start3A] : memref<256xi32, #tpu.memory_space<vmem>> -> memref<128xi32, #tpu.memory_space<vmem>>
    %dma_start3A_4 = arith.constant 0 : i32
    %dma_start3A_5 = arith.constant 0 : i32
    %dma_start3A_6 = tpu.memref_slice %arg3[%dma_start3A_4, %dma_start3A_5] : memref<8192x256xf32, #tpu.memory_space<hbm>> -> memref<8192x256xf32, #tpu.memory_space<hbm>>
    tpu.enqueue_indirect_dma source(%dma_start3A_6 : memref<8192x256xf32, #tpu.memory_space<hbm>>) target(%arg6 : memref<128x256xf32, #tpu.memory_space<vmem>>) offsets(%dma_start3A_3 : memref<128xi32, #tpu.memory_space<vmem>>) semaphore(%arg8 : memref<!tpu.dma_semaphore, #tpu.memory_space<semaphore_mem>>)
    %dma_start3A_7 = arith.constant 128 : i32
    %dma_start3A_8 = tpu.memref_slice %arg5[%dma_start3A_7] : memref<256xi32, #tpu.memory_space<vmem>> -> memref<128xi32, #tpu.memory_space<vmem>>
    %dma_start3A_9 = arith.constant 0 : i32
    %dma_start3A_10 = arith.constant 0 : i32
    %dma_start3A_11 = tpu.memref_slice %arg3[%dma_start3A_9, %dma_start3A_10] : memref<8192x256xf32, #tpu.memory_space<hbm>> -> memref<8192x256xf32, #tpu.memory_space<hbm>>
    tpu.enqueue_indirect_dma source(%dma_start3A_11 : memref<8192x256xf32, #tpu.memory_space<hbm>>) target(%arg7 : memref<128x256xf32, #tpu.memory_space<vmem>>) offsets(%dma_start3A_8 : memref<128xi32, #tpu.memory_space<vmem>>) semaphore(%arg9 : memref<!tpu.dma_semaphore, #tpu.memory_space<semaphore_mem>>)
    %dma_wait3A = arith.constant 0 : i32
    %dma_wait3A_12 = tpu.memref_slice %arg5[%dma_wait3A] : memref<256xi32, #tpu.memory_space<vmem>> -> memref<128xi32, #tpu.memory_space<vmem>>
    %dma_wait3A_13 = arith.constant 0 : i32
    %dma_wait3A_14 = arith.constant 0 : i32
    %dma_wait3A_15 = tpu.memref_slice %arg3[%dma_wait3A_13, %dma_wait3A_14] : memref<8192x256xf32, #tpu.memory_space<hbm>> -> memref<8192x256xf32, #tpu.memory_space<hbm>>
    tpu.wait_indirect_dma semaphore(%arg8 : memref<!tpu.dma_semaphore, #tpu.memory_space<semaphore_mem>>) src(%dma_wait3A_15 : memref<8192x256xf32, #tpu.memory_space<hbm>>) dst(%arg6 : memref<128x256xf32, #tpu.memory_space<vmem>>)
    %add3A_16 = arith.constant 0 : i32
    %add3A_17 = arith.addi %mul3A_2, %add3A_16 : i32
    %dma_start3A_18 = arith.constant 0 : i32
    %dma_start3A_19 = tpu.memref_slice %arg4[%add3A_17, %dma_start3A_18] : memref<8192x256xf32, #tpu.memory_space<hbm>> -> memref<128x256xf32, #tpu.memory_space<hbm>>
    %dma_start3A_20 = arith.constant 0 : i32
    %dma_start3A_21 = tpu.memref_slice %arg4[%add3A_17, %dma_start3A_20] : memref<8192x256xf32, #tpu.memory_space<hbm>> -> memref<128x256xf32, #tpu.memory_space<hbm>>
    tpu.enqueue_dma source(%arg6 : memref<128x256xf32, #tpu.memory_space<vmem>>) target(%dma_start3A_21 : memref<128x256xf32, #tpu.memory_space<hbm>>) target_semaphore(%arg10 : memref<!tpu.dma_semaphore, #tpu.memory_space<semaphore_mem>>)
    %dma_wait3A_22 = arith.constant 128 : i32
    %dma_wait3A_23 = tpu.memref_slice %arg5[%dma_wait3A_22] : memref<256xi32, #tpu.memory_space<vmem>> -> memref<128xi32, #tpu.memory_space<vmem>>
    %dma_wait3A_24 = arith.constant 0 : i32
    %dma_wait3A_25 = arith.constant 0 : i32
    %dma_wait3A_26 = tpu.memref_slice %arg3[%dma_wait3A_24, %dma_wait3A_25] : memref<8192x256xf32, #tpu.memory_space<hbm>> -> memref<8192x256xf32, #tpu.memory_space<hbm>>
    tpu.wait_indirect_dma semaphore(%arg9 : memref<!tpu.dma_semaphore, #tpu.memory_space<semaphore_mem>>) src(%dma_wait3A_26 : memref<8192x256xf32, #tpu.memory_space<hbm>>) dst(%arg7 : memref<128x256xf32, #tpu.memory_space<vmem>>)
    %add3A_27 = arith.constant 128 : i32
    %add3A_28 = arith.addi %mul3A_2, %add3A_27 : i32
    %dma_start3A_29 = arith.constant 0 : i32
    %dma_start3A_30 = tpu.memref_slice %arg4[%add3A_28, %dma_start3A_29] : memref<8192x256xf32, #tpu.memory_space<hbm>> -> memref<128x256xf32, #tpu.memory_space<hbm>>
    %dma_start3A_31 = arith.constant 0 : i32
    %dma_start3A_32 = tpu.memref_slice %arg4[%add3A_28, %dma_start3A_31] : memref<8192x256xf32, #tpu.memory_space<hbm>> -> memref<128x256xf32, #tpu.memory_space<hbm>>
    tpu.enqueue_dma source(%arg7 : memref<128x256xf32, #tpu.memory_space<vmem>>) target(%dma_start3A_32 : memref<128x256xf32, #tpu.memory_space<hbm>>) target_semaphore(%arg11 : memref<!tpu.dma_semaphore, #tpu.memory_space<semaphore_mem>>)
    %dma_wait3A_33 = arith.constant 0 : i32
    %dma_wait3A_34 = tpu.memref_slice %arg4[%add3A_17, %dma_wait3A_33] : memref<8192x256xf32, #tpu.memory_space<hbm>> -> memref<128x256xf32, #tpu.memory_space<hbm>>
    %dma_wait3A_35 = arith.constant 0 : i32
    %dma_wait3A_36 = tpu.memref_slice %arg4[%add3A_17, %dma_wait3A_35] : memref<8192x256xf32, #tpu.memory_space<hbm>> -> memref<128x256xf32, #tpu.memory_space<hbm>>
    tpu.wait_dma2 semaphore(%arg10 : memref<!tpu.dma_semaphore, #tpu.memory_space<semaphore_mem>>) src(%arg6 : memref<128x256xf32, #tpu.memory_space<vmem>>) dst(%dma_wait3A_36 : memref<128x256xf32, #tpu.memory_space<hbm>>)
    %dma_wait3A_37 = arith.constant 0 : i32
    %dma_wait3A_38 = tpu.memref_slice %arg4[%add3A_28, %dma_wait3A_37] : memref<8192x256xf32, #tpu.memory_space<hbm>> -> memref<128x256xf32, #tpu.memory_space<hbm>>
    %dma_wait3A_39 = arith.constant 0 : i32
    %dma_wait3A_40 = tpu.memref_slice %arg4[%add3A_28, %dma_wait3A_39] : memref<8192x256xf32, #tpu.memory_space<hbm>> -> memref<128x256xf32, #tpu.memory_space<hbm>>
    tpu.wait_dma2 semaphore(%arg11 : memref<!tpu.dma_semaphore, #tpu.memory_space<semaphore_mem>>) src(%arg7 : memref<128x256xf32, #tpu.memory_space<vmem>>) dst(%dma_wait3A_40 : memref<128x256xf32, #tpu.memory_space<hbm>>)
    return
  }
}

module attributes {stable_mosaic.version = 14 : i64} {
  func.func @_loss_body(%arg0: memref<1x1xf32, #tpu.memory_space<smem>>, %arg1: memref<32x16xf32, #tpu.memory_space<vmem>>, %arg2: memref<1x1xf32, #tpu.memory_space<smem>>) attributes {dimension_semantics = [], scalar_prefetch = 0 : i64, scratch_operands = 0 : i64, tpu.core_type = #tpu.core_type<tc>} {
    %get3A = arith.constant 0 : index
    %get3A_0 = arith.constant 0 : index
    %get3A_1 = vector.load %arg1[%get3A, %get3A_0] : memref<32x16xf32, #tpu.memory_space<vmem>>, vector<32x16xf32>
    %reduce_sum3A = vector.shape_cast %get3A_1 : vector<32x16xf32> to vector<1x32x16xf32>
    %reduce_sum3A_2 = arith.constant dense<0.000000e+00> : vector<1xf32>
    %reduce_sum3A_3 = vector.multi_reduction <add>, %reduce_sum3A, %reduce_sum3A_2 [1, 2] : vector<1x32x16xf32> to vector<1xf32>
    %reduce_sum3A_4 = vector.shape_cast %reduce_sum3A_3 : vector<1xf32> to vector<1x1x1xf32>
    %reduce_sum3A_5 = vector.extract %reduce_sum3A_4[0, 0, 0] : f32 from vector<1x1x1xf32>
    %div3A = arith.constant 1.638400e+04 : f32
    %div3A_6 = arith.divf %reduce_sum3A_5, %div3A : f32
    %get3A_7 = arith.constant 0 : index
    %get3A_8 = arith.constant 0 : index
    %get3A_9 = memref.load %arg0[%get3A_7, %get3A_8] : memref<1x1xf32, #tpu.memory_space<smem>>
    %mul3A = arith.constant 2.500000e-01 : f32
    %mul3A_10 = arith.mulf %mul3A, %get3A_9 : f32
    %add3A = arith.addf %div3A_6, %mul3A_10 : f32
    %swap3A = arith.constant 0 : index
    %swap3A_11 = arith.constant 0 : index
    %swap3A_12 = memref.load %arg2[%swap3A, %swap3A_11] : memref<1x1xf32, #tpu.memory_space<smem>>
    memref.store %add3A, %arg2[%swap3A, %swap3A_11] : memref<1x1xf32, #tpu.memory_space<smem>>
    return
  }
}

module attributes {stable_mosaic.version = 14 : i64} {
  func.func @_argmin_body(%arg0: i32, %arg1: memref<37xi32, #tpu.memory_space<smem>>, %arg2: memref<37xi32, #tpu.memory_space<smem>>, %arg3: memref<8192x256xbf16, #tpu.memory_space<vmem>>, %arg4: memref<8192x1xi32, #tpu.memory_space<vmem>>, %arg5: memref<1x1xf32, #tpu.memory_space<smem>>, %arg6: memref<1x8192xf32, #tpu.memory_space<vmem>>, %arg7: memref<8192x1xf32, #tpu.memory_space<vmem>>, %arg8: memref<8192x1xf32, #tpu.memory_space<vmem>>, %arg9: memref<8192x1xi32, #tpu.memory_space<vmem>>, %arg10: memref<1x8192xf32, #tpu.memory_space<vmem>>, %arg11: memref<1x8192xi32, #tpu.memory_space<vmem>>, %arg12: memref<1024x2xbf16, #tpu.memory_space<vmem>>) attributes {dimension_semantics = [#tpu.dimension_semantics<arbitrary>], iteration_bounds = array<i64: 37>, scalar_prefetch = 0 : i64, scratch_operands = 7 : i64, tpu.core_type = #tpu.core_type<tc>, window_params = [{transform_indices = @transform_0, window_bounds = array<i64: 37>}, {transform_indices = @transform_1, window_bounds = array<i64: 37>}, {pipeline_mode = #tpu.pipeline_mode<synchronous>, transform_indices = @transform_2, window_bounds = array<i64: 8192, 256>}, {pipeline_mode = #tpu.pipeline_mode<synchronous>, transform_indices = @transform_3, window_bounds = array<i64: 8192, 1>}, {transform_indices = @transform_4, window_bounds = array<i64: 1, 1>}]} {
    %eq3A = arith.constant 0 : i32
    %eq3A_0 = arith.cmpi eq, %arg0, %eq3A : i32
    %convert_element_type3A = arith.extui %eq3A_0 : i1 to i32
    %cond3A = arith.constant 0 : i32
    %cond3A_1 = arith.cmpi ne, %convert_element_type3A, %cond3A : i32
    scf.if %cond3A_1 {
      %get3A = arith.constant 0 : index
      %get3A_11 = arith.constant 0 : index
      %get3A_12 = vector.load %arg3[%get3A, %get3A_11] : memref<8192x256xbf16, #tpu.memory_space<vmem>>, vector<8192x256xbf16>
      %mul3A = arith.mulf %get3A_12, %get3A_12 : vector<8192x256xbf16>
      %broadcast_in_dim3A = arith.constant 1.000000e+00 : bf16
      %broadcast_in_dim3A_13 = vector.broadcast %broadcast_in_dim3A : bf16 to vector<1x256xbf16>
      %dot_general3A = arith.constant dense<0.000000e+00> : vector<1x8192xf32>
      %dot_general3A_14 = tpu.matmul %broadcast_in_dim3A_13, %mul3A, %dot_general3A {dimension_numbers = #tpu.dot_dimension_numbers<[1], [1], [0], [0], [0, 0, 1, 0], [], []>, transpose_lhs_hint = false} : vector<1x256xbf16>, vector<8192x256xbf16>, vector<1x8192xf32> -> vector<1x8192xf32>
      %reduce_sum3A = vector.shape_cast %dot_general3A_14 : vector<1x8192xf32> to vector<1x1x8192xf32>
      %reduce_sum3A_15 = arith.constant dense<0.000000e+00> : vector<1xf32>
      %reduce_sum3A_16 = vector.multi_reduction <add>, %reduce_sum3A, %reduce_sum3A_15 [1, 2] : vector<1x1x8192xf32> to vector<1xf32>
      %reduce_sum3A_17 = vector.shape_cast %reduce_sum3A_16 : vector<1xf32> to vector<1x1x1xf32>
      %reduce_sum3A_18 = vector.extract %reduce_sum3A_17[0, 0, 0] : f32 from vector<1x1x1xf32>
      %swap3A = arith.constant 0 : index
      %swap3A_19 = arith.constant 0 : index
      %swap3A_20 = memref.load %arg5[%swap3A, %swap3A_19] : memref<1x1xf32, #tpu.memory_space<smem>>
      memref.store %reduce_sum3A_18, %arg5[%swap3A, %swap3A_19] : memref<1x1xf32, #tpu.memory_space<smem>>
      %mul3A_21 = arith.constant 5.000000e-01 : f32
      %mul3A_22 = vector.broadcast %mul3A_21 : f32 to vector<1x8192xf32>
      %mul3A_23 = arith.mulf %mul3A_22, %dot_general3A_14 : vector<1x8192xf32>
      %swap3A_24 = arith.constant 0 : index
      %swap3A_25 = arith.constant 0 : index
      %swap3A_26 = vector.load %arg6[%swap3A_24, %swap3A_25] : memref<1x8192xf32, #tpu.memory_space<vmem>>, vector<1x8192xf32>
      tpu.vector_store %arg6[%swap3A_24, %swap3A_25], %mul3A_23 {strides = array<i32>} : memref<1x8192xf32, #tpu.memory_space<vmem>>, vector<1x8192xf32>,
      %mul3A_27 = arith.constant 5.000000e-01 : f32
      %mul3A_28 = vector.broadcast %mul3A_27 : f32 to vector<1x8192xf32>
      %mul3A_29 = arith.mulf %mul3A_28, %dot_general3A_14 : vector<1x8192xf32>
      %reshape3A = vector.shape_cast %mul3A_29 : vector<1x8192xf32> to vector<8192x1xf32>
      %swap3A_30 = arith.constant 0 : index
      %swap3A_31 = arith.constant 0 : index
      %swap3A_32 = vector.load %arg7[%swap3A_30, %swap3A_31] : memref<8192x1xf32, #tpu.memory_space<vmem>>, vector<8192x1xf32>
      tpu.vector_store %arg7[%swap3A_30, %swap3A_31], %reshape3A {strides = array<i32>} : memref<8192x1xf32, #tpu.memory_space<vmem>>, vector<8192x1xf32>,
      %broadcast_in_dim3A_33 = arith.constant -3.000000e+38 : f32
      %broadcast_in_dim3A_34 = vector.broadcast %broadcast_in_dim3A_33 : f32 to vector<8192x1xf32>
      %swap3A_35 = arith.constant 0 : index
      %swap3A_36 = arith.constant 0 : index
      %swap3A_37 = vector.load %arg8[%swap3A_35, %swap3A_36] : memref<8192x1xf32, #tpu.memory_space<vmem>>, vector<8192x1xf32>
      tpu.vector_store %arg8[%swap3A_35, %swap3A_36], %broadcast_in_dim3A_34 {strides = array<i32>} : memref<8192x1xf32, #tpu.memory_space<vmem>>, vector<8192x1xf32>,
      %broadcast_in_dim3A_38 = arith.constant -3.000000e+38 : f32
      %broadcast_in_dim3A_39 = vector.broadcast %broadcast_in_dim3A_38 : f32 to vector<1x8192xf32>
      %swap3A_40 = arith.constant 0 : index
      %swap3A_41 = arith.constant 0 : index
      %swap3A_42 = vector.load %arg10[%swap3A_40, %swap3A_41] : memref<1x8192xf32, #tpu.memory_space<vmem>>, vector<1x8192xf32>
      tpu.vector_store %arg10[%swap3A_40, %swap3A_41], %broadcast_in_dim3A_39 {strides = array<i32>} : memref<1x8192xf32, #tpu.memory_space<vmem>>, vector<1x8192xf32>,
      %iota3A = tpu.iota {dimensions = array<i32: 0>} : vector<1024x2xi32>
      %iota3A_43 = tpu.iota {dimensions = array<i32: 1>} : vector<1024x2xi32>
      %eq3A_44 = arith.constant 0 : i32
      %eq3A_45 = vector.broadcast %eq3A_44 : i32 to vector<1024x2xi32>
      %eq3A_46 = arith.cmpi eq, %iota3A_43, %eq3A_45 : vector<1024x2xi32>
      %jit3A = arith.constant 64 : i32
      %div3A = vector.broadcast %jit3A : i32 to vector<1024x2xi32>
      %div3A_47 = arith.divsi %iota3A, %div3A : vector<1024x2xi32>
      %sign3A = arith.constant 0 : i32
      %sign3A_48 = vector.broadcast %sign3A : i32 to vector<1024x2xi32>
      %sign3A_49 = arith.cmpi sgt, %iota3A, %sign3A_48 : vector<1024x2xi32>
      %sign3A_50 = arith.extui %sign3A_49 : vector<1024x2xi1> to vector<1024x2xi32>
      %sign3A_51 = arith.constant 0 : i32
      %sign3A_52 = vector.broadcast %sign3A_51 : i32 to vector<1024x2xi32>
      %sign3A_53 = arith.cmpi slt, %iota3A, %sign3A_52 : vector<1024x2xi32>
      %sign3A_54 = arith.extui %sign3A_53 : vector<1024x2xi1> to vector<1024x2xi32>
      %sign3A_55 = arith.subi %sign3A_50, %sign3A_54 : vector<1024x2xi32>
      %sign3A_56 = arith.constant 0 : i32
      %sign3A_57 = arith.cmpi sgt, %jit3A, %sign3A_56 : i32
      %sign3A_58 = arith.extui %sign3A_57 : i1 to i32
      %sign3A_59 = arith.constant 0 : i32
      %sign3A_60 = arith.cmpi slt, %jit3A, %sign3A_59 : i32
      %sign3A_61 = arith.extui %sign3A_60 : i1 to i32
      %sign3A_62 = arith.subi %sign3A_58, %sign3A_61 : i32
      %ne3A = vector.broadcast %sign3A_62 : i32 to vector<1024x2xi32>
      %ne3A_63 = arith.cmpi ne, %sign3A_55, %ne3A : vector<1024x2xi32>
      %rem3A = vector.broadcast %jit3A : i32 to vector<1024x2xi32>
      %rem3A_64 = arith.remsi %iota3A, %rem3A : vector<1024x2xi32>
      %ne3A_65 = arith.constant 0 : i32
      %ne3A_66 = vector.broadcast %ne3A_65 : i32 to vector<1024x2xi32>
      %ne3A_67 = arith.cmpi ne, %rem3A_64, %ne3A_66 : vector<1024x2xi32>
      %and3A = arith.andi %ne3A_63, %ne3A_67 : vector<1024x2xi1>
      %sub3A = arith.constant 1 : i32
      %sub3A_68 = vector.broadcast %sub3A : i32 to vector<1024x2xi32>
      %sub3A_69 = arith.subi %div3A_47, %sub3A_68 : vector<1024x2xi32>
      %select_n3A = arith.select %and3A, %sub3A_69, %div3A_47 : vector<1024x2xi1>, vector<1024x2xi32>
      %jit3A_70 = arith.constant 64 : i32
      %eq3A_71 = arith.constant 0 : i32
      %eq3A_72 = arith.cmpi eq, %jit3A_70, %eq3A_71 : i32
      %jit3A_73 = arith.constant 1 : i32
      %select_n3A_74 = arith.select %eq3A_72, %jit3A_73, %jit3A_70 : i32
      %rem3A_75 = vector.broadcast %select_n3A_74 : i32 to vector<1024x2xi32>
      %rem3A_76 = arith.remsi %iota3A, %rem3A_75 : vector<1024x2xi32>
      %ne3A_77 = arith.constant 0 : i32
      %ne3A_78 = vector.broadcast %ne3A_77 : i32 to vector<1024x2xi32>
      %ne3A_79 = arith.cmpi ne, %rem3A_76, %ne3A_78 : vector<1024x2xi32>
      %lt3A_80 = arith.constant 0 : i32
      %lt3A_81 = vector.broadcast %lt3A_80 : i32 to vector<1024x2xi32>
      %lt3A_82 = arith.cmpi slt, %rem3A_76, %lt3A_81 : vector<1024x2xi32>
      %lt3A_83 = arith.constant 0 : i32
      %lt3A_84 = arith.cmpi slt, %select_n3A_74, %lt3A_83 : i32
      %ne3A_85 = vector.broadcast %lt3A_84 : i1 to vector<1024x2xi1>
      %ne3A_86 = vector.broadcast %ne3A_85 : vector<1024x2xi1> to vector<1024x2xi1>
      %ne3A_87 = arith.xori %lt3A_82, %ne3A_86 : vector<1024x2xi1>
      %and3A_88 = arith.andi %ne3A_87, %ne3A_79 : vector<1024x2xi1>
      %add3A = vector.broadcast %select_n3A_74 : i32 to vector<1024x2xi32>
      %add3A_89 = arith.addi %rem3A_76, %add3A : vector<1024x2xi32>
      %select_n3A_90 = arith.select %and3A_88, %add3A_89, %rem3A_76 : vector<1024x2xi1>, vector<1024x2xi32>
      %select_n3A_91 = arith.select %eq3A_46, %select_n3A, %select_n3A_90 : vector<1024x2xi1>, vector<1024x2xi32>
      %convert_element_type3A_92 = arith.sitofp %select_n3A_91 : vector<1024x2xi32> to vector<1024x2xbf16>
      %swap3A_93 = arith.constant 0 : index
      %swap3A_94 = arith.constant 0 : index
      %swap3A_95 = vector.load %arg12[%swap3A_93, %swap3A_94] : memref<1024x2xbf16, #tpu.memory_space<vmem>>, vector<1024x2xbf16>
      tpu.vector_store %arg12[%swap3A_93, %swap3A_94], %convert_element_type3A_92 {strides = array<i32>} : memref<1024x2xbf16, #tpu.memory_space<vmem>>, vector<1024x2xbf16>,
    } else {
    }
    %lt3A = arith.constant 36 : i32
    %lt3A_2 = arith.cmpi slt, %arg0, %lt3A : i32
    %convert_element_type3A_3 = arith.extui %lt3A_2 : i1 to i32
    %cond3A_4 = arith.constant 0 : i32
    %cond3A_5 = arith.cmpi ne, %convert_element_type3A_3, %cond3A_4 : i32
    scf.if %cond3A_5 {
      %get3A = arith.index_cast %arg0 : i32 to index
      %get3A_11 = memref.load %arg1[%get3A] : memref<37xi32, #tpu.memory_space<smem>>
      %mul3A = arith.constant 1024 : i32
      %mul3A_12 = arith.muli %get3A_11, %mul3A : i32
      %get3A_13 = arith.index_cast %arg0 : i32 to index
      %get3A_14 = memref.load %arg2[%get3A_13] : memref<37xi32, #tpu.memory_space<smem>>
      %mul3A_15 = arith.constant 1024 : i32
      %mul3A_16 = arith.muli %get3A_14, %mul3A_15 : i32
      %get3A_17 = arith.index_cast %mul3A_12 : i32 to index
      %get3A_18 = arith.constant 0 : index
      %get3A_19 = vector.load %arg3[%get3A_17, %get3A_18] : memref<8192x256xbf16, #tpu.memory_space<vmem>>, vector<1024x256xbf16>
      %get3A_20 = arith.index_cast %mul3A_16 : i32 to index
      %get3A_21 = arith.constant 0 : index
      %get3A_22 = vector.load %arg3[%get3A_20, %get3A_21] : memref<8192x256xbf16, #tpu.memory_space<vmem>>, vector<1024x256xbf16>
      %dot_general3A = arith.constant dense<0.000000e+00> : vector<1024x1024xf32>
      %dot_general3A_23 = tpu.matmul %get3A_19, %get3A_22, %dot_general3A {dimension_numbers = #tpu.dot_dimension_numbers<[1], [1], [0], [0], [0, 0, 1, 0], [], []>, transpose_lhs_hint = false} : vector<1024x256xbf16>, vector<1024x256xbf16>, vector<1024x1024xf32> -> vector<1024x1024xf32>
      %get3A_24 = arith.constant 0 : index
      %get3A_25 = arith.constant 0 : index
      %get3A_26 = vector.load %arg12[%get3A_24, %get3A_25] : memref<1024x2xbf16, #tpu.memory_space<vmem>>, vector<1024x2xbf16>
      %get3A_27 = arith.constant 0 : index
      %get3A_28 = arith.index_cast %mul3A_16 : i32 to index
      %get3A_29 = vector.load %arg6[%get3A_27, %get3A_28] : memref<1x8192xf32, #tpu.memory_space<vmem>>, vector<1x1024xf32>
      %sub3A = vector.broadcast %get3A_29 : vector<1x1024xf32> to vector<1024x1024xf32>
      %sub3A_30 = arith.subf %dot_general3A_23, %sub3A : vector<1024x1024xf32>
      %reduce_max3A = arith.constant dense<0xFF800000> : vector<1024xf32>
      %reduce_max3A_31 = vector.multi_reduction <maximumf>, %sub3A_30, %reduce_max3A [1] : vector<1024x1024xf32> to vector<1024xf32>
      %broadcast_in_dim3A = vector.shape_cast %reduce_max3A_31 : vector<1024xf32> to vector<1024x1xf32>
      %ge3A = vector.broadcast %broadcast_in_dim3A : vector<1024x1xf32> to vector<1024x1024xf32>
      %ge3A_32 = arith.cmpf oge, %sub3A_30, %ge3A : vector<1024x1024xf32>
      %convert_element_type3A_33 = arith.extui %ge3A_32 : vector<1024x1024xi1> to vector<1024x1024xi32>
      %convert_element_type3A_34 = arith.sitofp %convert_element_type3A_33 : vector<1024x1024xi32> to vector<1024x1024xf32>
      %convert_element_type3A_35 = arith.truncf %convert_element_type3A_34 : vector<1024x1024xf32> to vector<1024x1024xbf16>
      %dot_general3A_36 = arith.constant dense<0.000000e+00> : vector<1024x2xf32>
      %dot_general3A_37 = tpu.matmul %convert_element_type3A_35, %get3A_26, %dot_general3A_36 {dimension_numbers = #tpu.dot_dimension_numbers<[1], [0], [0], [1], [0, 0, 1, 1], [], []>, transpose_lhs_hint = false} : vector<1024x1024xbf16>, vector<1024x2xbf16>, vector<1024x2xf32> -> vector<1024x2xf32>
      %slice3A = vector.extract_strided_slice %dot_general3A_37 {offsets = [0, 0], sizes = [1024, 1], strides = [1, 1]} : vector<1024x2xf32> to vector<1024x1xf32>
      %mul3A_38 = arith.constant 6.400000e+01 : f32
      %mul3A_39 = vector.broadcast %mul3A_38 : f32 to vector<1024x1xf32>
      %mul3A_40 = arith.mulf %slice3A, %mul3A_39 : vector<1024x1xf32>
      %slice3A_41 = vector.extract_strided_slice %dot_general3A_37 {offsets = [0, 1], sizes = [1024, 1], strides = [1, 1]} : vector<1024x2xf32> to vector<1024x1xf32>
      %add3A = arith.addf %mul3A_40, %slice3A_41 : vector<1024x1xf32>
      %convert_element_type3A_42 = arith.fptosi %add3A : vector<1024x1xf32> to vector<1024x1xi32>
      %add3A_43 = vector.broadcast %mul3A_16 : i32 to vector<1024x1xi32>
      %add3A_44 = arith.addi %convert_element_type3A_42, %add3A_43 : vector<1024x1xi32>
      %get3A_45 = arith.index_cast %mul3A_12 : i32 to index
      %get3A_46 = arith.constant 0 : index
      %get3A_47 = vector.load %arg8[%get3A_45, %get3A_46] : memref<8192x1xf32, #tpu.memory_space<vmem>>, vector<1024x1xf32>
      %get3A_48 = arith.index_cast %mul3A_12 : i32 to index
      %get3A_49 = arith.constant 0 : index
      %get3A_50 = vector.load %arg9[%get3A_48, %get3A_49] : memref<8192x1xi32, #tpu.memory_space<vmem>>, vector<1024x1xi32>
      %gt3A = arith.cmpf ogt, %broadcast_in_dim3A, %get3A_47 : vector<1024x1xf32>
      %select_n3A = arith.select %gt3A, %broadcast_in_dim3A, %get3A_47 : vector<1024x1xi1>, vector<1024x1xf32>
      %swap3A = arith.index_cast %mul3A_12 : i32 to index
      %swap3A_51 = arith.constant 0 : index
      %swap3A_52 = vector.load %arg8[%swap3A, %swap3A_51] : memref<8192x1xf32, #tpu.memory_space<vmem>>, vector<1024x1xf32>
      tpu.vector_store %arg8[%swap3A, %swap3A_51], %select_n3A {strides = array<i32>} : memref<8192x1xf32, #tpu.memory_space<vmem>>, vector<1024x1xf32>,
      %select_n3A_53 = arith.select %gt3A, %add3A_44, %get3A_50 : vector<1024x1xi1>, vector<1024x1xi32>
      %swap3A_54 = arith.index_cast %mul3A_12 : i32 to index
      %swap3A_55 = arith.constant 0 : index
      %swap3A_56 = vector.load %arg9[%swap3A_54, %swap3A_55] : memref<8192x1xi32, #tpu.memory_space<vmem>>, vector<1024x1xi32>
      tpu.vector_store %arg9[%swap3A_54, %swap3A_55], %select_n3A_53 {strides = array<i32>} : memref<8192x1xi32, #tpu.memory_space<vmem>>, vector<1024x1xi32>,
      %get3A_57 = arith.index_cast %mul3A_12 : i32 to index
      %get3A_58 = arith.constant 0 : index
      %get3A_59 = vector.load %arg7[%get3A_57, %get3A_58] : memref<8192x1xf32, #tpu.memory_space<vmem>>, vector<1024x1xf32>
      %sub3A_60 = vector.broadcast %get3A_59 : vector<1024x1xf32> to vector<1024x1024xf32>
      %sub3A_61 = arith.subf %dot_general3A_23, %sub3A_60 : vector<1024x1024xf32>
      %reduce_max3A_62 = arith.constant dense<0xFF800000> : vector<1024xf32>
      %reduce_max3A_63 = vector.multi_reduction <maximumf>, %sub3A_61, %reduce_max3A_62 [0] : vector<1024x1024xf32> to vector<1024xf32>
      %broadcast_in_dim3A_64 = vector.shape_cast %reduce_max3A_63 : vector<1024xf32> to vector<1x1024xf32>
      %ge3A_65 = vector.broadcast %broadcast_in_dim3A_64 : vector<1x1024xf32> to vector<1024x1024xf32>
      %ge3A_66 = arith.cmpf oge, %sub3A_61, %ge3A_65 : vector<1024x1024xf32>
      %convert_element_type3A_67 = arith.extui %ge3A_66 : vector<1024x1024xi1> to vector<1024x1024xi32>
      %convert_element_type3A_68 = arith.sitofp %convert_element_type3A_67 : vector<1024x1024xi32> to vector<1024x1024xf32>
      %convert_element_type3A_69 = arith.truncf %convert_element_type3A_68 : vector<1024x1024xf32> to vector<1024x1024xbf16>
      %dot_general3A_70 = arith.constant dense<0.000000e+00> : vector<2x1024xf32>
      %dot_general3A_71 = tpu.matmul %get3A_26, %convert_element_type3A_69, %dot_general3A_70 {dimension_numbers = #tpu.dot_dimension_numbers<[0], [0], [1], [1], [0, 1, 1, 1], [], []>, transpose_lhs_hint = false} : vector<1024x2xbf16>, vector<1024x1024xbf16>, vector<2x1024xf32> -> vector<2x1024xf32>
      %slice3A_72 = vector.extract_strided_slice %dot_general3A_71 {offsets = [0, 0], sizes = [1, 1024], strides = [1, 1]} : vector<2x1024xf32> to vector<1x1024xf32>
      %mul3A_73 = arith.constant 6.400000e+01 : f32
      %mul3A_74 = vector.broadcast %mul3A_73 : f32 to vector<1x1024xf32>
      %mul3A_75 = arith.mulf %slice3A_72, %mul3A_74 : vector<1x1024xf32>
      %slice3A_76 = vector.extract_strided_slice %dot_general3A_71 {offsets = [1, 0], sizes = [1, 1024], strides = [1, 1]} : vector<2x1024xf32> to vector<1x1024xf32>
      %add3A_77 = arith.addf %mul3A_75, %slice3A_76 : vector<1x1024xf32>
      %convert_element_type3A_78 = arith.fptosi %add3A_77 : vector<1x1024xf32> to vector<1x1024xi32>
      %add3A_79 = vector.broadcast %mul3A_12 : i32 to vector<1x1024xi32>
      %add3A_80 = arith.addi %convert_element_type3A_78, %add3A_79 : vector<1x1024xi32>
      %get3A_81 = arith.constant 0 : index
      %get3A_82 = arith.index_cast %mul3A_16 : i32 to index
      %get3A_83 = vector.load %arg10[%get3A_81, %get3A_82] : memref<1x8192xf32, #tpu.memory_space<vmem>>, vector<1x1024xf32>
      %get3A_84 = arith.constant 0 : index
      %get3A_85 = arith.index_cast %mul3A_16 : i32 to index
      %get3A_86 = vector.load %arg11[%get3A_84, %get3A_85] : memref<1x8192xi32, #tpu.memory_space<vmem>>, vector<1x1024xi32>
      %gt3A_87 = arith.cmpf ogt, %broadcast_in_dim3A_64, %get3A_83 : vector<1x1024xf32>
      %select_n3A_88 = arith.select %gt3A_87, %broadcast_in_dim3A_64, %get3A_83 : vector<1x1024xi1>, vector<1x1024xf32>
      %swap3A_89 = arith.constant 0 : index
      %swap3A_90 = arith.index_cast %mul3A_16 : i32 to index
      %swap3A_91 = vector.load %arg10[%swap3A_89, %swap3A_90] : memref<1x8192xf32, #tpu.memory_space<vmem>>, vector<1x1024xf32>
      tpu.vector_store %arg10[%swap3A_89, %swap3A_90], %select_n3A_88 {strides = array<i32>} : memref<1x8192xf32, #tpu.memory_space<vmem>>, vector<1x1024xf32>,
      %select_n3A_92 = arith.select %gt3A_87, %add3A_80, %get3A_86 : vector<1x1024xi1>, vector<1x1024xi32>
      %swap3A_93 = arith.constant 0 : index
      %swap3A_94 = arith.index_cast %mul3A_16 : i32 to index
      %swap3A_95 = vector.load %arg11[%swap3A_93, %swap3A_94] : memref<1x8192xi32, #tpu.memory_space<vmem>>, vector<1x1024xi32>
      tpu.vector_store %arg11[%swap3A_93, %swap3A_94], %select_n3A_92 {strides = array<i32>} : memref<1x8192xi32, #tpu.memory_space<vmem>>, vector<1x1024xi32>,
    } else {
    }
    %eq3A_6 = arith.constant 36 : i32
    %eq3A_7 = arith.cmpi eq, %arg0, %eq3A_6 : i32
    %convert_element_type3A_8 = arith.extui %eq3A_7 : i1 to i32
    %cond3A_9 = arith.constant 0 : i32
    %cond3A_10 = arith.cmpi ne, %convert_element_type3A_8, %cond3A_9 : i32
    scf.if %cond3A_10 {
      %get3A = arith.constant 0 : index
      %get3A_11 = arith.constant 0 : index
      %get3A_12 = vector.load %arg10[%get3A, %get3A_11] : memref<1x8192xf32, #tpu.memory_space<vmem>>, vector<1x8192xf32>
      %reshape3A = vector.shape_cast %get3A_12 : vector<1x8192xf32> to vector<8192x1xf32>
      %get3A_13 = arith.constant 0 : index
      %get3A_14 = arith.constant 0 : index
      %get3A_15 = vector.load %arg11[%get3A_13, %get3A_14] : memref<1x8192xi32, #tpu.memory_space<vmem>>, vector<1x8192xi32>
      %reshape3A_16 = vector.shape_cast %get3A_15 : vector<1x8192xi32> to vector<8192x1xi32>
      %get3A_17 = arith.constant 0 : index
      %get3A_18 = arith.constant 0 : index
      %get3A_19 = vector.load %arg8[%get3A_17, %get3A_18] : memref<8192x1xf32, #tpu.memory_space<vmem>>, vector<8192x1xf32>
      %gt3A = arith.cmpf ogt, %reshape3A, %get3A_19 : vector<8192x1xf32>
      %get3A_20 = arith.constant 0 : index
      %get3A_21 = arith.constant 0 : index
      %get3A_22 = vector.load %arg9[%get3A_20, %get3A_21] : memref<8192x1xi32, #tpu.memory_space<vmem>>, vector<8192x1xi32>
      %select_n3A = arith.select %gt3A, %reshape3A_16, %get3A_22 : vector<8192x1xi1>, vector<8192x1xi32>
      %swap3A = arith.constant 0 : index
      %swap3A_23 = arith.constant 0 : index
      %swap3A_24 = vector.load %arg4[%swap3A, %swap3A_23] : memref<8192x1xi32, #tpu.memory_space<vmem>>, vector<8192x1xi32>
      tpu.vector_store %arg4[%swap3A, %swap3A_23], %select_n3A {strides = array<i32>} : memref<8192x1xi32, #tpu.memory_space<vmem>>, vector<8192x1xi32>,
    } else {
    }
    return
  }
  func.func @transform_0(%arg0: i32) -> i32 {
    %c0_i32 = arith.constant 0 : i32
    %c0_i32_0 = arith.constant 0 : i32
    return %c0_i32 : i32
  }
  func.func @transform_1(%arg0: i32) -> i32 {
    %c0_i32 = arith.constant 0 : i32
    %c0_i32_0 = arith.constant 0 : i32
    return %c0_i32 : i32
  }
  func.func @transform_2(%arg0: i32) -> (i32, i32) {
    %c0_i32 = arith.constant 0 : i32
    %c0_i32_0 = arith.constant 0 : i32
    %c0_i32_1 = arith.constant 0 : i32
    return %c0_i32, %c0_i32_0 : i32, i32
  }
  func.func @transform_3(%arg0: i32) -> (i32, i32) {
    %c0_i32 = arith.constant 0 : i32
    %c0_i32_0 = arith.constant 0 : i32
    %c0_i32_1 = arith.constant 0 : i32
    return %c0_i32, %c0_i32_0 : i32, i32
  }
  func.func @transform_4(%arg0: i32) -> (i32, i32) {
    %c0_i32 = arith.constant 0 : i32
    %c0_i32_0 = arith.constant 0 : i32
    %c0_i32_1 = arith.constant 0 : i32
    return %c0_i32, %c0_i32_0 : i32, i32
  }
}

</mosaic_0001>

<sc_bundles>
// kernel: kernel.6.cloned.1.call-start
scs
__scs_entry_jumppad:
0x0: {  	(pc) =	sbr.rel $0x88, $3  }
0x1: {  	(tag) =	ssettag $0x0;
	lr =	simm.s32 $0x1  }
0x2: {  	[smem:$0x3F9F] =	sst lr;
	_ =	strace $0xD0000000  }
0x3: {  	_ = 	snop  }
0x4: {  	_ = 	snop  }
0x5: {  	_ = 	snop  }
0x6: {  	_ = 	snop  }
0x7: {  	_ = 	snop  }
__scs_overlays_trampoline_lowered:
0x8: {  	[smem:$0x3FAE] =	sst s0  }
0x9: {  	[smem:$0x3FAF] =	sst s1  }
0xa: {  	[smem:$0x3FB0] =	sst s2  }
0xb: {  	[smem:$0x3FB1] =	sst s3  }
0xc: {  	[smem:$0x3FB2] =	sst s4  }
0xd: {  	[smem:$0x3FB3] =	sst s5  }
0xe: {  	[smem:$0x3FB4] =	sst s6  }
0xf: {  	[smem:$0x3FB5] =	sst s7  }
0x10: {  	[smem:$0x3FB6] =	sst s8  }
0x11: {  	[smem:$0x3FB7] =	sst s9;
	s0 =	simm.s32 @!p0 $0x0  }
0x12: {  	s1 =	sld [smem:$0x3F9D];
	s0 =	simm.s32 @p0 $0x1  }
0x13: {  	[smem:$0x3FB8] =	sst s0;
	s0 =	simm.s32 @!p1 $0x0  }
0x14: {  	s2 =	sld [smem:$0x3F9C];
	s0 =	simm.s32 @p1 $0x1  }
0x15: {  	[smem:$0x3FB9] =	sst s0;
	s0 =	simm.s32 @!p2 $0x0  }
0x16: {  	s3 =	sld [smem:$0x3FDB];
	s0 =	simm.s32 @p2 $0x1  }
0x17: {  	s4 =	simm.s32 $0x1BF5;
	[smem:$0x3FBB] =	sst s0  }
0x18: {  	s0 =	sld [smem:$0x3F9E];
	_ =	swait.ge [sflag:s4], $0x0  }
0x19: {  	s7 =	sld [smem:$0x3F9F]  }
0x1a: {  	s8 =	sadd.s32 $0xFFFFE003, lr  }
0x1b: {  	s9 =	sadd.s32 $0xFFFFFEF7, lr;
	s5 =	simm.s32 $0xFFFFFFFF;
	p2 =	slt.u32 s8, $0xFFFFF086  }
0x1c: {  	p1 =	slt.u32 s9, $0xF7A;
	s5 =	simm.s32 @!p2 $0x0  }
0x1d: {  	s5 =	simm.s32 @p1 $0x1;
	p0 =	seq.s32 s7, s2  }
0x1e: {  	s7 =	smul.u32 @!p0 $0xF7A, s2;
	p2 =	seq.s32 @!p0 s5, $0x0  }
0x1f: {  	s9 =	smul.u32 $0xF7A, s1;
	s8 =	simm.s32 @!p0 $0x1BF5;
	p2 =	por !p2, p0  }
0x20: {  	[sflag:s8] =	ssyncset.s32 @!p0 $0xFFFFF086;
	s6 =	sadd.s32 @!p0 s3, s7;
	s7 =	simm.s32 @!p0 $0x108  }
0x21: {  	s3 =	sadd.s32 s3, s9;
	s6 =	sadd.s32 @!p0 $0x88, s6;
	s7 =	simm.s32 @p2 $0x1082  }
0x22: {  	[simem:s7], [sflag:s8] =	dma.local @!p0 [hbm:s6], $0xF7A  }
0x23: {  	s9 =	sor.u32 $0xD0000000, s2;
	s6 =	simm.s32 $0x108;
	_ =	swait.ge @!p0 [sflag:s8], $0x0  }
0x24: {  	s3 =	sadd.s32 $0x88, s3;
	s6 =	simm.s32 @!p1 $0x1082;
	[sflag:s4] =	ssyncset.s32 $0xFFFFF086  }
0x25: {  	[simem:s6], [sflag:s4] =	dma.local [hbm:s3], $0xF7A  }
0x26: {  	[smem:$0x3F9F] =	sst s1;
	(tag) =	ssettag s2;
	_ =	strace s9  }
0x27: {  	s1 =	sld [smem:$0x3FAF]  }
0x28: {  	s2 =	sld [smem:$0x3FB0]  }
0x29: {  	s4 =	sld [smem:$0x3FB2]  }
0x2a: {  	p0 =	seq.s32 s5, $0x0;
	s5 =	sld [smem:$0x3FB3]  }
0x2b: {  	s6 =	sld [smem:$0x3FB4]  }
0x2c: {  	s7 =	sld [smem:$0x3FB5]  }
0x2d: {  	s3 =	simm.s32 $0x108;
	s8 =	sld [smem:$0x3FB6]  }
0x2e: {  	s3 =	simm.s32 @!p0 $0x1082;
	s9 =	sld [smem:$0x3FB7]  }
0x2f: {  	lr =	sadd.s32 s0, s3;
	s0 =	sld [smem:$0x3FAE]  }
0x30: {  	s3 =	sld [smem:$0x3FB1]  }
0x31: {  	[smem:$0x3FBA] =	sst s10  }
0x32: {  	s10 =	sld [smem:$0x3FB8];
	_ =	sdelay $0x3  }
0x33: {  	p0 =	seq.s32 s10, $0x1;
	s10 =	sld [smem:$0x3FBA];
	_ =	sdelay $0x3  }
0x34: {  	[smem:$0x3FBA] =	sst s10  }
0x35: {  	s10 =	sld [smem:$0x3FB9];
	_ =	sdelay $0x3  }
0x36: {  	p1 =	seq.s32 s10, $0x1;
	s10 =	sld [smem:$0x3FBA];
	_ =	sdelay $0x3  }
0x37: {  	[smem:$0x3FBA] =	sst s10  }
0x38: {  	s10 =	sld [smem:$0x3FBB]  }
0x39: {  	_ = 	snop;
	(pc) =	sbr.ind lr, $3  }
0x3a: {  	_ = 	snop  }
0x3b: {  	_ = 	snop  }
0x3c: {  	p2 =	seq.s32 s10, $0x1;
	s10 =	sld [smem:$0x3FBA]  }
0x3d: {  	_ =	shalt  }
0x3e: {  	_ =	shalt  }
0x3f: {  	_ =	shalt  }
0x40: {  	_ =	shalt  }
0x41: {  	_ =	shalt  }
0x42: {  	_ =	shalt  }
0x43: {  	_ =	shalt  }
0x44: {  	_ =	shalt  }
0x45: {  	_ =	shalt  }
0x46: {  	_ =	shalt  }
0x47: {  	_ =	shalt  }
0x48: {  	_ =	shalt  }
0x49: {  	_ =	shalt  }
0x4a: {  	_ =	shalt  }
0x4b: {  	_ =	shalt  }
0x4c: {  	_ =	shalt  }
0x4d: {  	_ =	shalt  }
0x4e: {  	_ =	shalt  }
0x4f: {  	_ =	shalt  }
0x50: {  	_ =	shalt  }
0x51: {  	_ =	shalt  }
0x52: {  	_ =	shalt  }
0x53: {  	_ =	shalt  }
0x54: {  	_ =	shalt  }
0x55: {  	_ =	shalt  }
0x56: {  	_ =	shalt  }
0x57: {  	_ =	shalt  }
0x58: {  	_ =	shalt  }
0x59: {  	_ =	shalt  }
0x5a: {  	_ =	shalt  }
0x5b: {  	_ =	shalt  }
0x5c: {  	_ =	shalt  }
0x5d: {  	_ =	shalt  }
0x5e: {  	_ =	shalt  }
0x5f: {  	_ =	shalt  }
0x60: {  	_ =	shalt  }
0x61: {  	_ =	shalt  }
0x62: {  	_ =	shalt  }
0x63: {  	_ =	shalt  }
0x64: {  	_ =	shalt  }
0x65: {  	_ =	shalt  }
0x66: {  	_ =	shalt  }
0x67: {  	_ =	shalt  }
0x68: {  	_ =	shalt  }
0x69: {  	_ =	shalt  }
0x6a: {  	_ =	shalt  }
0x6b: {  	_ =	shalt  }
0x6c: {  	_ =	shalt  }
0x6d: {  	_ =	shalt  }
0x6e: {  	_ =	shalt  }
0x6f: {  	_ =	shalt  }
0x70: {  	_ =	shalt  }
0x71: {  	_ =	shalt  }
0x72: {  	_ =	shalt  }
0x73: {  	_ =	shalt  }
0x74: {  	_ =	shalt  }
0x75: {  	_ =	shalt  }
0x76: {  	_ =	shalt  }
0x77: {  	_ =	shalt  }
0x78: {  	_ =	shalt  }
0x79: {  	_ =	shalt  }
0x7a: {  	_ =	shalt  }
0x7b: {  	_ =	shalt  }
0x7c: {  	_ =	shalt  }
0x7d: {  	_ =	shalt  }
0x7e: {  	_ =	shalt  }
0x7f: {  	_ =	shalt  }
0x80: {  	_ =	shalt  }
0x81: {  	_ =	shalt  }
0x82: {  	_ =	shalt  }
0x83: {  	_ =	shalt  }
0x84: {  	_ =	shalt  }
0x85: {  	_ =	shalt  }
0x86: {  	_ =	shalt  }
0x87: {  	_ =	shalt  }
.Lfunc_end0:
.L_simem_size_0:
called_computation_lowered:
.L_overlay_start_0:
0x88: {  	s2 =	sld [smem:$0x3FD9]  }
0x89: {  	s3 =	sld [smem:$0x3FFE];
	_ =	sdelay $0x1  }
0x8a: {  	s1 =	srdreg.scid  }
0x8b: {  	s0 =	sand.u32 $0x1, s1  }
0x8c: {  	s14 =	sshll.u32 s0, $0xA;
	s2 =	sadd.s32 s3, s2  }
0x8d: {  	s2 =	sadd.s32 s2, s14  }
0x8e: {  	[smem:$0x3FC6] =	sst s2  }
0x8f: {  	_ = 	snop  }
0x90: {  	s2 =	sld [smem:$0x3FD0];
	_ =	sdelay $0x2  }
0x91: {  	s4 =	simm.s32 $0xA;
	s5 =	simm.s32 $0x10;
	s15 =	sld [smem:$0x3FC8]  }
0x92: {  	[smem:s5], [sflag:s4] =	dma.local [hbm:s2], $0x1  }
0x93: {  	_ =	swait.eq [sflag:s4], $0x1  }
0x94: {  	[sflag:s4] =	ssyncset.done $0x0  }
0x95: {  	[sflag:s4] =	ssyncadd.s32 $0xFFFFFFFF  }
0x96: {  	s16 =	sld [smem:$0x12];
	(tm) =	ssettm $0x1  }
0x97: {  	s17 =	sld [smem:$0x3FFB];
	_ =	sdelay $0x3  }
0x98: {  	_ =	strace s17  }
0x99: {  	s4 =	sld [smem:$0x3FFC];
	_ =	sdelay $0x3  }
0x9a: {  	_ =	strace s4  }
0x9b: {  	s4 =	sld [smem:$0x3FFD];
	_ =	sdelay $0x3  }
0x9c: {  	_ =	strace s4  }
0x9d: {  	_ =	strace $0x8FFFFFFF  }
0x9e: {  	s18 =	sld [smem:$0x3FDB];
	_ =	sdelay $0x1  }
0x9f: {  	s19 =	simm.s32 $_scs_section_size  }
0xa0: {  	s6 =	simm.s32 $_size__tile_overlayer_lowered;
	s7 =	simm.s32 $_tile_overlayer_lowered  }
0xa1: {  	s22 =	simm.s32 $0x1BFF;
	s21 =	sshll.u32 s7, $0x1;
	s4 =	sadd.s32 s19, s18  }
0xa2: {  	s8 =	simm.s32 $0x0;
	s20 =	sshll.u32 s6, $0x1;
	s6 =	sadd.s32 s21, s4  }
0xa3: {  	[timem:s8], [sflag:s22] =	dma.local [hbm:s6], s20  }
0xa4: {  	_ =	swait.ge [sflag:s22], s20  }
0xa5: {  	s5 =	ssub.s32 $0x0, s20;
	[sflag:s22] =	ssyncset.done $0x0  }
0xa6: {  	[sflag:s22] =	ssyncadd.s32 s5;
	_ =	sdelay $0x1  }
0xa7: {  	s23 =	simm.s32 $0x1B8B  }
0xa8: {  	_ =	swait.ge [sflag:s23], $0x1  }
0xa9: {  	[sflag:s23] =	ssyncset.done $0x0  }
0xaa: {  	s25 =	simm.s32 $0x1B8E;
	s24 =	sld [smem:$0x3FFE];
	[sflag:s23] =	ssyncadd.s32 $0xFFFFFFFF  }
0xab: {  	s26 =	simm.s32 $execute0_lowered;
	[smem:$0x3FD2] =	sst s25  }
0xac: {  	s6 =	sshll.u32 s26, $0x1;
	_ =	strace $0x80000046;
	[dreg:$0x1] =	wrdreg $0xFFFFFFFF  }
0xad: {  	s28 =	simm.s32 $_size_execute0_lowered;
	s4 =	sadd.s32 s4, s6;
	[dreg:$0x0] =	wrdreg $0x0  }
0xae: {  	s6 =	sshll.u32 s28, $0x1;
	[dreg:$0x2] =	wrdreg s4  }
0xaf: {  	[dreg:$0x3] =	wrdreg s6  }
0xb0: {  	[dreg:$0x4] =	wrdreg $0xC0  }
0xb1: {  	_ =	task [dreg:s8], $0x5FFFF  }
0xb2: {  	[dreg:$0x1] =	wrdreg $0xFFFFFFFF  }
0xb3: {  	[dreg:$0x0] =	wrdreg $0x60  }
0xb4: {  	[dreg:$0x2] =	wrdreg s16  }
0xb5: {  	[dreg:$0x3] =	wrdreg s15  }
0xb6: {  	[dreg:$0x4] =	wrdreg s24  }
0xb7: {  	[dreg:$0x5] =	wrdreg $0x9  }
0xb8: {  	_ =	task.clear_ibuf [dreg:s8], $0x6FFFF;
	_ =	strace $0x90000046  }
0xb9: {  	s29 =	simm.s32 $0x9;
	_ =	strace $0x80000048  }
0xba: {  	_ =	swait.ge [sflag:s29], $0x1  }
0xbb: {  	[sflag:s29] =	ssyncadd.s32 $0xFFFFFFFF  }
0xbc: {  	_ =	strace $0x90000048  }
0xbd: {  	_ =	sfence  }
0xbe: {  	s30 =	sld [smem:$0x0];
	_ =	sdelay $0x2  }
0xbf: {  	s31 =	sshll.u32 s1, $0xD;
	s1 =	sshrl.u32 s1, $0x2  }
0xc0: {  	s3 =	sand.u32 $0x4000, s31;
	s1 =	sadd.s32 s1, s30  }
0xc1: {  	s0 =	sor.u32 s3, s0;
	s1 =	sshll.u32 s1, $0x11  }
0xc2: {  	s0 =	sor.u32 s1, s0  }
0xc3: {  	s0 =	sadd.s32 $0x8F2B, s0  }
0xc4: {  	[sflag:s0] =	ssyncadd.remote.s32 $0x1  }
0xc5: {  	_ =	sfence.sel $0xFFFF  }
0xc6: {  	[dreg:$0x0] =	wrdreg $0xFFFFFFFF;
	(pc) =	sbr.abs _section_cstart, $3  }
0xc7: {  	[dreg:$0x1] =	wrdreg $0xFFFFFFFF  }
0xc8: {  	_ =	task.clear_ibuf [dreg:s8], $0x2FFFF;
	_ =	strace $0x9FFFFFFF  }
0xc9: {  	(tm) =	ssettm $0x7FFFFFFF  }
tec
execute0_lowered:
.L_overlay_start_1:
0x0: {  	(tag) =	ssettag $0x1  }
0x1: {  	s1 =	rddreg [dreg:$0x0]  }
0x2: {  	s3 =	srdreg.scid;
	s2 =	rddreg [dreg:$0x1]  }
0x3: {  	s0 =	stileid.u32;
	s5 =	rddreg [dreg:$0x2]  }
0x4: {  	s16 =	simm.s32 $0x900;
	s17 =	simm.s32 $0x1100;
	s18 =	simm.s32 $0x1900  }
0x5: {  	s19 =	simm.s32 $0x2100;
	s4 =	sand.u32 $0x1, s3;
	s3 =	simm.s32 $0x0  }
0x6: {  	s20 =	simm.s32 $0x2900;
	s21 =	simm.s32 $0x3100;
	[smem:$0x7FF] =	sst s3  }
0x7: {  	s23 =	simm.s32 $0x3900;
	_ =	strace $0x80000047;
	[dreg:$0x7] =	wrdreg s16  }
0x8: {  	s24 =	simm.s32 $0x4100;
	s25 =	simm.s32 $0x4900;
	[dreg:$0x8] =	wrdreg s17  }
0x9: {  	s26 =	simm.s32 $0x5100;
	s8 =	simm.s32 $0x6100;
	[dreg:$0x9] =	wrdreg s18  }
0xa: {  	s9 =	simm.s32 $0x6900;
	s10 =	simm.s32 $0x7100;
	[dreg:$0xa] =	wrdreg s19  }
0xb: {  	s11 =	simm.s32 $0x7900;
	s12 =	simm.s32 $0x8100;
	[dreg:$0xb] =	wrdreg s20  }
0xc: {  	s13 =	simm.s32 $0x8900;
	s28 =	simm.s32 $0xF900;
	[dreg:$0xc] =	wrdreg s21  }
0xd: {  	s29 =	simm.s32 $0x1;
	s30 =	simm.s32 $0x2;
	[dreg:$0xd] =	wrdreg s23  }
0xe: {  	s31 =	simm.s32 $0x3;
	s6 =	sshll.u32 s0, $0x9;
	[dreg:$0xe] =	wrdreg s24  }
0xf: {  	s7 =	sshll.u32 s4, $0x8;
	s4 =	ssub.s32 $0x2, s4;
	[dreg:$0xf] =	wrdreg s25  }
0x10: {  	s6 =	sor.u32 s7, s6;
	s22 =	sshrl.u32 s4, $0x1;
	[dreg:$0x10] =	wrdreg s26  }
0x11: {  	s16 =	simm.s32 $0xA100;
	s17 =	simm.s32 $0xA900;
	s18 =	simm.s32 $0xB100  }
0x12: {  	s19 =	simm.s32 $0xB900;
	s20 =	simm.s32 $0xC100;
	s21 =	simm.s32 $0xC900  }
0x13: {  	s23 =	simm.s32 $0xD900;
	s24 =	simm.s32 $0xE100;
	s25 =	simm.s32 $0xE900  }
0x14: {  	s26 =	simm.s32 $0xF100;
	s7 =	sshll.u32 s6, $0x5;
	s6 =	sshrl.u32 s6, $0x3  }
0x15: {  	s4 =	ssub.s32 s4, s22;
	s22 =	simm.s32 $0xD100;
	s5 =	sadd.s32 s7, s5  }
0x16: {  	s1 =	sadd.s32 s1, s6;
	s4 =	smax.u32 s4, $0x1;
	s6 =	simm.s32 $0x100  }
0x17: {  	v2 =	vlaneseq.u32;
	[dreg:$0x4] =	wrdreg s1;
	s14 =	sadd.s32 $0x1200, s5;
	s15 =	sadd.s32 $0x2200, s5  }
0x18: {  	vm0 =	vmmov $0xffff;
	v1 =	vshrl.u32 v2, $0x3;
	s5 =	simm.s32 $0x5;
	s1 =	simm.s32 $0x4;
	[dreg:$0x5] =	wrdreg s14  }
0x19: {  	v0 =	vand.u32 $0x7, v2;
	v2 =	vor.u32 $0x8, v2;
	v1 =	vmul.u32 $0x8, v1;
	[dreg:$0x6] =	wrdreg s15;
	s14 =	simm.s32 $0x9100;
	s15 =	simm.s32 $0x9900  }
.LBB2_1:
0x1a: {  	s0 =	rddreg [dreg:$0x4]  }
0x1b: {  	[tilespmem:s3], [sflag:$0x5] =	stream.linear.gather [hbm4b:s0+s3], $0x100, $0x38;
	[tilespmem:$0x10100] =	vst v63  }
0x1c: {  	_ =	swait.ge [sflag:s5], $0x100  }
0x1d: {  	[sflag:s5] =	ssyncset.done $0x0  }
0x1e: {  	[sflag:s5] =	ssyncadd.s32 $0xFFFFFF00  }
0x1f: {  	v3 =	vld [tilespmem:$0x0];
	_ =	sdelay $0x4  }
0x20: {  	v4 =	vshll.u32 v3, $0x1  }
0x21: {  	v3 =	vand.u32 $0x7, v3;
	v4 =	vand.u32 $0xFFFFFFF0, v4  }
0x22: {  	v3 =	vor.u32 v3, v4  }
0x23: {  	v4 =	vperm.xlane v3, v0;
	_ =	sdelay $0x1  }
0x24: {  	v3 =	vperm.xlane v3, v2;
	v4 =	vadd.s32 v1, v4;
	_ =	sdelay $0x1  }
0x25: {  	v3 =	vadd.s32 v1, v3;
	_ =	sdelay $0x2  }
0x26: {  	[tilespmem:s6], [sflag:$0x1] =	stream.indirect_vreg.gather [hbm4b:s2+s3], $0x80, v4, vm0, $0xb8;
	[tilespmem:$0x10100] =	vst v63  }
0x27: {  	s7 =	rddreg [dreg:$0x7]  }
0x28: {  	[tilespmem:s7], [sflag:$0x1] =	stream.indirect_vreg.gather [hbm4b:s2+s3], $0x80, v3, vm0, $0xb8;
	[tilespmem:$0x10100] =	vst v63  }
0x29: {  	v3 =	vld [tilespmem:$0x10];
	_ =	sdelay $0x4  }
0x2a: {  	v49 =	vshll.u32 v3, $0x1  }
0x2b: {  	v3 =	vand.u32 $0x7, v3;
	v4 =	vand.u32 $0xFFFFFFF0, v49  }
0x2c: {  	v3 =	vor.u32 v3, v4  }
0x2d: {  	v4 =	vperm.xlane v3, v0;
	_ =	sdelay $0x1  }
0x2e: {  	v3 =	vperm.xlane v3, v2;
	v4 =	vadd.s32 v1, v4;
	_ =	sdelay $0x1  }
0x2f: {  	v3 =	vadd.s32 v1, v3;
	_ =	sdelay $0x1  }
0x30: {  	s0 =	rddreg [dreg:$0x8]  }
0x31: {  	[tilespmem:s0], [sflag:$0x1] =	stream.indirect_vreg.gather [hbm4b:s2+s3], $0x80, v4, vm0, $0xb8;
	[tilespmem:$0x10100] =	vst v63  }
0x32: {  	s7 =	rddreg [dreg:$0x9]  }
0x33: {  	[tilespmem:s7], [sflag:$0x1] =	stream.indirect_vreg.gather [hbm4b:s2+s3], $0x80, v3, vm0, $0xb8;
	[tilespmem:$0x10100] =	vst v63  }
0x34: {  	v3 =	vld [tilespmem:$0x20];
	_ =	sdelay $0x4  }
0x35: {  	v50 =	vshll.u32 v3, $0x1  }
0x36: {  	v3 =	vand.u32 $0x7, v3;
	v4 =	vand.u32 $0xFFFFFFF0, v50  }
0x37: {  	v3 =	vor.u32 v3, v4  }
0x38: {  	v4 =	vperm.xlane v3, v0;
	_ =	sdelay $0x1  }
0x39: {  	v3 =	vperm.xlane v3, v2;
	v4 =	vadd.s32 v1, v4;
	_ =	sdelay $0x1  }
0x3a: {  	v3 =	vadd.s32 v1, v3;
	_ =	sdelay $0x1  }
0x3b: {  	s0 =	rddreg [dreg:$0xa]  }
0x3c: {  	[tilespmem:s0], [sflag:$0x1] =	stream.indirect_vreg.gather [hbm4b:s2+s3], $0x80, v4, vm0, $0xb8;
	[tilespmem:$0x10100] =	vst v63  }
0x3d: {  	s7 =	rddreg [dreg:$0xb]  }
0x3e: {  	[tilespmem:s7], [sflag:$0x1] =	stream.indirect_vreg.gather [hbm4b:s2+s3], $0x80, v3, vm0, $0xb8;
	[tilespmem:$0x10100] =	vst v63  }
0x3f: {  	v3 =	vld [tilespmem:$0x30];
	_ =	sdelay $0x4  }
0x40: {  	v51 =	vshll.u32 v3, $0x1  }
0x41: {  	v3 =	vand.u32 $0x7, v3;
	v4 =	vand.u32 $0xFFFFFFF0, v51  }
0x42: {  	v3 =	vor.u32 v3, v4  }
0x43: {  	v4 =	vperm.xlane v3, v0;
	_ =	sdelay $0x1  }
0x44: {  	v3 =	vperm.xlane v3, v2;
	v4 =	vadd.s32 v1, v4;
	_ =	sdelay $0x1  }
0x45: {  	v3 =	vadd.s32 v1, v3;
	_ =	sdelay $0x1  }
0x46: {  	s0 =	rddreg [dreg:$0xc]  }
0x47: {  	[tilespmem:s0], [sflag:$0x1] =	stream.indirect_vreg.gather [hbm4b:s2+s3], $0x80, v4, vm0, $0xb8;
	[tilespmem:$0x10100] =	vst v63  }
0x48: {  	s7 =	rddreg [dreg:$0xd]  }
0x49: {  	[tilespmem:s7], [sflag:$0x1] =	stream.indirect_vreg.gather [hbm4b:s2+s3], $0x80, v3, vm0, $0xb8;
	[tilespmem:$0x10100] =	vst v63  }
0x4a: {  	v3 =	vld [tilespmem:$0x40];
	_ =	sdelay $0x4  }
0x4b: {  	v52 =	vshll.u32 v3, $0x1  }
0x4c: {  	v3 =	vand.u32 $0x7, v3;
	v4 =	vand.u32 $0xFFFFFFF0, v52  }
0x4d: {  	v3 =	vor.u32 v3, v4  }
0x4e: {  	v4 =	vperm.xlane v3, v0;
	_ =	sdelay $0x1  }
0x4f: {  	v3 =	vperm.xlane v3, v2;
	v4 =	vadd.s32 v1, v4;
	_ =	sdelay $0x1  }
0x50: {  	v3 =	vadd.s32 v1, v3;
	_ =	sdelay $0x1  }
0x51: {  	s0 =	rddreg [dreg:$0xe]  }
0x52: {  	[tilespmem:s0], [sflag:$0x1] =	stream.indirect_vreg.gather [hbm4b:s2+s3], $0x80, v4, vm0, $0xb8;
	[tilespmem:$0x10100] =	vst v63  }
0x53: {  	s7 =	rddreg [dreg:$0xf]  }
0x54: {  	[tilespmem:s7], [sflag:$0x1] =	stream.indirect_vreg.gather [hbm4b:s2+s3], $0x80, v3, vm0, $0xb8;
	[tilespmem:$0x10100] =	vst v63  }
0x55: {  	v3 =	vld [tilespmem:$0x50];
	_ =	sdelay $0x4  }
0x56: {  	v53 =	vshll.u32 v3, $0x1  }
0x57: {  	v3 =	vand.u32 $0x7, v3;
	v4 =	vand.u32 $0xFFFFFFF0, v53  }
0x58: {  	v3 =	vor.u32 v3, v4  }
0x59: {  	v4 =	vperm.xlane v3, v0;
	_ =	sdelay $0x1  }
0x5a: {  	v3 =	vperm.xlane v3, v2;
	v4 =	vadd.s32 v1, v4;
	_ =	sdelay $0x1  }
0x5b: {  	v3 =	vadd.s32 v1, v3;
	_ =	sdelay $0x1  }
0x5c: {  	s7 =	rddreg [dreg:$0x10]  }
0x5d: {  	[tilespmem:s7], [sflag:$0x1] =	stream.indirect_vreg.gather [hbm4b:s2+s3], $0x80, v4, vm0, $0xb8;
	[tilespmem:$0x10100] =	vst v63  }
0x5e: {  	s7 =	simm.s32 $0x5900  }
0x5f: {  	[tilespmem:s7], [sflag:$0x1] =	stream.indirect_vreg.gather [hbm4b:s2+s3], $0x80, v3, vm0, $0xb8;
	[tilespmem:$0x10100] =	vst v63  }
0x60: {  	v3 =	vld [tilespmem:$0x60];
	_ =	sdelay $0x4  }
0x61: {  	v54 =	vshll.u32 v3, $0x1  }
0x62: {  	v3 =	vand.u32 $0x7, v3;
	v4 =	vand.u32 $0xFFFFFFF0, v54  }
0x63: {  	v3 =	vor.u32 v3, v4  }
0x64: {  	v4 =	vperm.xlane v3, v0;
	_ =	sdelay $0x1  }
0x65: {  	v3 =	vperm.xlane v3, v2;
	v4 =	vadd.s32 v1, v4;
	_ =	sdelay $0x1  }
0x66: {  	v3 =	vadd.s32 v1, v3;
	_ =	sdelay $0x2  }
0x67: {  	[tilespmem:s8], [sflag:$0x1] =	stream.indirect_vreg.gather [hbm4b:s2+s3], $0x80, v4, vm0, $0xb8;
	[tilespmem:$0x10100] =	vst v63  }
0x68: {  	_ = 	snop  }
0x69: {  	[tilespmem:s9], [sflag:$0x1] =	stream.indirect_vreg.gather [hbm4b:s2+s3], $0x80, v3, vm0, $0xb8;
	[tilespmem:$0x10100] =	vst v63  }
0x6a: {  	v3 =	vld [tilespmem:$0x70];
	_ =	sdelay $0x4  }
0x6b: {  	v55 =	vshll.u32 v3, $0x1  }
0x6c: {  	v3 =	vand.u32 $0x7, v3;
	v4 =	vand.u32 $0xFFFFFFF0, v55  }
0x6d: {  	v3 =	vor.u32 v3, v4  }
0x6e: {  	v4 =	vperm.xlane v3, v0;
	_ =	sdelay $0x1  }
0x6f: {  	v3 =	vperm.xlane v3, v2;
	v4 =	vadd.s32 v1, v4;
	_ =	sdelay $0x1  }
0x70: {  	v3 =	vadd.s32 v1, v3;
	_ =	sdelay $0x2  }
0x71: {  	[tilespmem:s10], [sflag:$0x1] =	stream.indirect_vreg.gather [hbm4b:s2+s3], $0x80, v4, vm0, $0xb8;
	[tilespmem:$0x10100] =	vst v63  }
0x72: {  	_ = 	snop  }
0x73: {  	[tilespmem:s11], [sflag:$0x1] =	stream.indirect_vreg.gather [hbm4b:s2+s3], $0x80, v3, vm0, $0xb8;
	[tilespmem:$0x10100] =	vst v63  }
0x74: {  	v3 =	vld [tilespmem:$0x80];
	_ =	sdelay $0x4  }
0x75: {  	v56 =	vshll.u32 v3, $0x1  }
0x76: {  	v3 =	vand.u32 $0x7, v3;
	v4 =	vand.u32 $0xFFFFFFF0, v56  }
0x77: {  	v3 =	vor.u32 v3, v4  }
0x78: {  	v4 =	vperm.xlane v3, v0;
	_ =	sdelay $0x1  }
0x79: {  	v3 =	vperm.xlane v3, v2;
	v4 =	vadd.s32 v1, v4;
	_ =	sdelay $0x1  }
0x7a: {  	v3 =	vadd.s32 v1, v3;
	_ =	sdelay $0x2  }
0x7b: {  	[tilespmem:s12], [sflag:$0x2] =	stream.indirect_vreg.gather [hbm4b:s2+s3], $0x80, v4, vm0, $0xb8;
	[tilespmem:$0x10100] =	vst v63  }
0x7c: {  	_ = 	snop  }
0x7d: {  	[tilespmem:s13], [sflag:$0x2] =	stream.indirect_vreg.gather [hbm4b:s2+s3], $0x80, v3, vm0, $0xb8;
	[tilespmem:$0x10100] =	vst v63  }
0x7e: {  	v3 =	vld [tilespmem:$0x90];
	_ =	sdelay $0x4  }
0x7f: {  	v57 =	vshll.u32 v3, $0x1  }
0x80: {  	v3 =	vand.u32 $0x7, v3;
	v4 =	vand.u32 $0xFFFFFFF0, v57  }
0x81: {  	v3 =	vor.u32 v3, v4  }
0x82: {  	v4 =	vperm.xlane v3, v0;
	_ =	sdelay $0x1  }
0x83: {  	v3 =	vperm.xlane v3, v2;
	v4 =	vadd.s32 v1, v4;
	_ =	sdelay $0x1  }
0x84: {  	v3 =	vadd.s32 v1, v3;
	_ =	sdelay $0x2  }
0x85: {  	[tilespmem:s14], [sflag:$0x2] =	stream.indirect_vreg.gather [hbm4b:s2+s3], $0x80, v4, vm0, $0xb8;
	[tilespmem:$0x10100] =	vst v63  }
0x86: {  	_ = 	snop  }
0x87: {  	[tilespmem:s15], [sflag:$0x2] =	stream.indirect_vreg.gather [hbm4b:s2+s3], $0x80, v3, vm0, $0xb8;
	[tilespmem:$0x10100] =	vst v63  }
0x88: {  	v3 =	vld [tilespmem:$0xA0];
	_ =	sdelay $0x4  }
0x89: {  	v58 =	vshll.u32 v3, $0x1  }
0x8a: {  	v3 =	vand.u32 $0x7, v3;
	v4 =	vand.u32 $0xFFFFFFF0, v58  }
0x8b: {  	v3 =	vor.u32 v3, v4  }
0x8c: {  	v4 =	vperm.xlane v3, v0;
	_ =	sdelay $0x1  }
0x8d: {  	v3 =	vperm.xlane v3, v2;
	v4 =	vadd.s32 v1, v4;
	_ =	sdelay $0x1  }
0x8e: {  	v3 =	vadd.s32 v1, v3;
	_ =	sdelay $0x2  }
0x8f: {  	[tilespmem:s16], [sflag:$0x2] =	stream.indirect_vreg.gather [hbm4b:s2+s3], $0x80, v4, vm0, $0xb8;
	[tilespmem:$0x10100] =	vst v63  }
0x90: {  	_ = 	snop  }
0x91: {  	[tilespmem:s17], [sflag:$0x2] =	stream.indirect_vreg.gather [hbm4b:s2+s3], $0x80, v3, vm0, $0xb8;
	[tilespmem:$0x10100] =	vst v63  }
0x92: {  	v3 =	vld [tilespmem:$0xB0];
	_ =	sdelay $0x4  }
0x93: {  	v59 =	vshll.u32 v3, $0x1  }
0x94: {  	v3 =	vand.u32 $0x7, v3;
	v4 =	vand.u32 $0xFFFFFFF0, v59  }
0x95: {  	v3 =	vor.u32 v3, v4  }
0x96: {  	v4 =	vperm.xlane v3, v0;
	_ =	sdelay $0x1  }
0x97: {  	v3 =	vperm.xlane v3, v2;
	v4 =	vadd.s32 v1, v4;
	_ =	sdelay $0x1  }
0x98: {  	v3 =	vadd.s32 v1, v3;
	_ =	sdelay $0x2  }
0x99: {  	[tilespmem:s18], [sflag:$0x2] =	stream.indirect_vreg.gather [hbm4b:s2+s3], $0x80, v4, vm0, $0xb8;
	[tilespmem:$0x10100] =	vst v63  }
0x9a: {  	_ = 	snop  }
0x9b: {  	[tilespmem:s19], [sflag:$0x2] =	stream.indirect_vreg.gather [hbm4b:s2+s3], $0x80, v3, vm0, $0xb8;
	[tilespmem:$0x10100] =	vst v63  }
0x9c: {  	v3 =	vld [tilespmem:$0xC0];
	_ =	sdelay $0x4  }
0x9d: {  	v60 =	vshll.u32 v3, $0x1  }
0x9e: {  	v3 =	vand.u32 $0x7, v3;
	v4 =	vand.u32 $0xFFFFFFF0, v60  }
0x9f: {  	v3 =	vor.u32 v3, v4  }
0xa0: {  	v4 =	vperm.xlane v3, v0;
	_ =	sdelay $0x1  }
0xa1: {  	v3 =	vperm.xlane v3, v2;
	v4 =	vadd.s32 v1, v4;
	_ =	sdelay $0x1  }
0xa2: {  	v3 =	vadd.s32 v1, v3;
	_ =	sdelay $0x2  }
0xa3: {  	[tilespmem:s20], [sflag:$0x2] =	stream.indirect_vreg.gather [hbm4b:s2+s3], $0x80, v4, vm0, $0xb8;
	[tilespmem:$0x10100] =	vst v63  }
0xa4: {  	_ = 	snop  }
0xa5: {  	[tilespmem:s21], [sflag:$0x2] =	stream.indirect_vreg.gather [hbm4b:s2+s3], $0x80, v3, vm0, $0xb8;
	[tilespmem:$0x10100] =	vst v63  }
0xa6: {  	v3 =	vld [tilespmem:$0xD0];
	_ =	sdelay $0x4  }
0xa7: {  	v61 =	vshll.u32 v3, $0x1  }
0xa8: {  	v3 =	vand.u32 $0x7, v3;
	v4 =	vand.u32 $0xFFFFFFF0, v61  }
0xa9: {  	v3 =	vor.u32 v3, v4  }
0xaa: {  	v4 =	vperm.xlane v3, v0;
	_ =	sdelay $0x1  }
0xab: {  	v3 =	vperm.xlane v3, v2;
	v4 =	vadd.s32 v1, v4;
	_ =	sdelay $0x1  }
0xac: {  	v3 =	vadd.s32 v1, v3;
	_ =	sdelay $0x2  }
0xad: {  	[tilespmem:s22], [sflag:$0x2] =	stream.indirect_vreg.gather [hbm4b:s2+s3], $0x80, v4, vm0, $0xb8;
	[tilespmem:$0x10100] =	vst v63  }
0xae: {  	_ = 	snop  }
0xaf: {  	[tilespmem:s23], [sflag:$0x2] =	stream.indirect_vreg.gather [hbm4b:s2+s3], $0x80, v3, vm0, $0xb8;
	[tilespmem:$0x10100] =	vst v63  }
0xb0: {  	v3 =	vld [tilespmem:$0xE0];
	_ =	sdelay $0x4  }
0xb1: {  	v62 =	vshll.u32 v3, $0x1  }
0xb2: {  	v3 =	vand.u32 $0x7, v3;
	v4 =	vand.u32 $0xFFFFFFF0, v62  }
0xb3: {  	v3 =	vor.u32 v3, v4  }
0xb4: {  	v4 =	vperm.xlane v3, v0;
	_ =	sdelay $0x1  }
0xb5: {  	v3 =	vperm.xlane v3, v2;
	v4 =	vadd.s32 v1, v4;
	_ =	sdelay $0x1  }
0xb6: {  	v3 =	vadd.s32 v1, v3;
	_ =	sdelay $0x2  }
0xb7: {  	[tilespmem:s24], [sflag:$0x2] =	stream.indirect_vreg.gather [hbm4b:s2+s3], $0x80, v4, vm0, $0xb8;
	[tilespmem:$0x10100] =	vst v63  }
0xb8: {  	_ = 	snop  }
0xb9: {  	[tilespmem:s25], [sflag:$0x2] =	stream.indirect_vreg.gather [hbm4b:s2+s3], $0x80, v3, vm0, $0xb8;
	[tilespmem:$0x10100] =	vst v63  }
0xba: {  	v3 =	vld [tilespmem:$0xF0];
	_ =	sdelay $0x4  }
0xbb: {  	v63 =	vshll.u32 v3, $0x1  }
0xbc: {  	v3 =	vand.u32 $0x7, v3;
	v4 =	vand.u32 $0xFFFFFFF0, v63  }
0xbd: {  	v3 =	vor.u32 v3, v4  }
0xbe: {  	v4 =	vperm.xlane v3, v0;
	_ =	sdelay $0x1  }
0xbf: {  	v3 =	vperm.xlane v3, v2;
	v4 =	vadd.s32 v1, v4;
	_ =	sdelay $0x1  }
0xc0: {  	v3 =	vadd.s32 v1, v3;
	_ =	sdelay $0x2  }
0xc1: {  	[tilespmem:s26], [sflag:$0x2] =	stream.indirect_vreg.gather [hbm4b:s2+s3], $0x80, v4, vm0, $0xb8;
	[tilespmem:$0x10100] =	vst v63  }
0xc2: {  	_ = 	snop  }
0xc3: {  	[tilespmem:s28], [sflag:$0x2] =	stream.indirect_vreg.gather [hbm4b:s2+s3], $0x80, v3, vm0, $0xb8;
	[tilespmem:$0x10100] =	vst v63  }
0xc4: {  	_ =	swait.ge [sflag:s29], $0x8000  }
0xc5: {  	[sflag:s29] =	ssyncset.done $0x0  }
0xc6: {  	s7 =	rddreg [dreg:$0x5];
	[sflag:s29] =	ssyncadd.s32 $0xFFFF8000  }
0xc7: {  	[hbm4b:s7+s3] =	stream.linear.scatter [tilespmem:s6], [sflag:$0x3], $0x8000, $0x38;
	[tilespmem:$0x10100] =	vst v63  }
0xc8: {  	_ =	swait.ge [sflag:s30], $0x8000  }
0xc9: {  	[sflag:s30] =	ssyncset.done $0x0  }
0xca: {  	s7 =	rddreg [dreg:$0x6];
	[sflag:s30] =	ssyncadd.s32 $0xFFFF8000  }
0xcb: {  	[hbm4b:s7+s3] =	stream.linear.scatter [tilespmem:s12], [sflag:$0x4], $0x8000, $0x38;
	[tilespmem:$0x10100] =	vst v63  }
0xcc: {  	p0 =	sne.s32 s4, $0x1;
	_ =	swait.ge [sflag:s31], $0x8000  }
.Ltmp0:
0xcd: {  	[sflag:s31] =	ssyncset.done $0x0;
	(pc) =	sbr.rel @p0 .LBB2_1-.Ltmp0, $4  }
0xce: {  	[sflag:s31] =	ssyncadd.s32 $0xFFFF8000  }
0xcf: {  	_ =	swait.ge [sflag:s1], $0x8000  }
0xd0: {  	[sflag:s1] =	ssyncset.done $0x0  }
0xd1: {  	s4 =	sadd.s32 $0xFFFFFFFF, s4;
	[sflag:s1] =	ssyncadd.s32 $0xFFFF8000  }
0xd2: {  	_ =	sfence.sel $0x180000  }
0xd3: {  	[bflag:$0x0] =	sbarrier.arrive $0xFFFF  }
0xd4: {  	_ =	strace $0x90000047  }
0xd5: {  	s0 =	stileid.u32;
	[bflag:$0x2] =	sbarrier.arrive $0xFFFF  }
0xd6: {  	p0 =	sne.s32 s0, $0x0;
	s0 =	rddreg [dreg:$0x3]  }
0xd7: {  	s0 =	sadd.s32 @!p0 $0x100000, s0  }
0xd8: {  	[sflag:s0] =	ssyncadd.tile.s32 @!p0 $0x1;
	_ =	shalt  }
.Lfunc_end2:
_tile_overlayer_lowered:
.L_overlay_start_2:
0xd9: {  	(tag) =	ssettag $0x2  }
0xda: {  	s0 =	rddreg [dreg:$0x0];
	s2 =	stileid.u32  }
0xdb: {  	s1 =	rddreg [dreg:$0x1];
	p0 =	sne.s32 s2, $0x0  }
0xdc: {  	s3 =	rddreg [dreg:$0x2];
	[bflag:$0x3] =	sbarrier.arrive $0xFFFF;
	s2 =	simm.s32 @!p0 $0x1C05  }
0xdd: {  	[timem:s3], [sflag:s2] =	dma.local @!p0 [hbm:s0], s1  }
0xde: {  	s0 =	simm.s32 @!p0 $0x5  }
0xdf: {  	_ =	swait.ge @!p0 [sflag:s0], s1  }
0xe0: {  	s1 =	ssub.s32 @!p0 $0x0, s1;
	[sflag:s0] =	ssyncset.done @!p0 $0x0  }
0xe1: {  	[sflag:s0] =	ssyncadd.s32 @!p0 s1  }
0xe2: {  	[bflag:$0x3] =	sbarrier.arrive $0xFFFF  }
0xe3: {  	_ =	shalt  }

// kernel: kernel.9.cloned.1.call-start
scs
__scs_entry_jumppad:
0x0: {  	(pc) =	sbr.rel $0x88, $3  }
0x1: {  	(tag) =	ssettag $0x0;
	lr =	simm.s32 $0x1  }
0x2: {  	[smem:$0x3F9F] =	sst lr;
	_ =	strace $0xD0000000  }
0x3: {  	_ = 	snop  }
0x4: {  	_ = 	snop  }
0x5: {  	_ = 	snop  }
0x6: {  	_ = 	snop  }
0x7: {  	_ = 	snop  }
__scs_overlays_trampoline_lowered:
0x8: {  	[smem:$0x3FAE] =	sst s0  }
0x9: {  	[smem:$0x3FAF] =	sst s1  }
0xa: {  	[smem:$0x3FB0] =	sst s2  }
0xb: {  	[smem:$0x3FB1] =	sst s3  }
0xc: {  	[smem:$0x3FB2] =	sst s4  }
0xd: {  	[smem:$0x3FB3] =	sst s5  }
0xe: {  	[smem:$0x3FB4] =	sst s6  }
0xf: {  	[smem:$0x3FB5] =	sst s7  }
0x10: {  	[smem:$0x3FB6] =	sst s8  }
0x11: {  	[smem:$0x3FB7] =	sst s9;
	s0 =	simm.s32 @!p0 $0x0  }
0x12: {  	s1 =	sld [smem:$0x3F9D];
	s0 =	simm.s32 @p0 $0x1  }
0x13: {  	[smem:$0x3FB8] =	sst s0;
	s0 =	simm.s32 @!p1 $0x0  }
0x14: {  	s2 =	sld [smem:$0x3F9C];
	s0 =	simm.s32 @p1 $0x1  }
0x15: {  	[smem:$0x3FB9] =	sst s0;
	s0 =	simm.s32 @!p2 $0x0  }
0x16: {  	s3 =	sld [smem:$0x3FDB];
	s0 =	simm.s32 @p2 $0x1  }
0x17: {  	s4 =	simm.s32 $0x1BF5;
	[smem:$0x3FBB] =	sst s0  }
0x18: {  	s0 =	sld [smem:$0x3F9E];
	_ =	swait.ge [sflag:s4], $0x0  }
0x19: {  	s7 =	sld [smem:$0x3F9F]  }
0x1a: {  	s8 =	sadd.s32 $0xFFFFE003, lr  }
0x1b: {  	s9 =	sadd.s32 $0xFFFFFEF7, lr;
	s5 =	simm.s32 $0xFFFFFFFF;
	p2 =	slt.u32 s8, $0xFFFFF086  }
0x1c: {  	p1 =	slt.u32 s9, $0xF7A;
	s5 =	simm.s32 @!p2 $0x0  }
0x1d: {  	s5 =	simm.s32 @p1 $0x1;
	p0 =	seq.s32 s7, s2  }
0x1e: {  	s7 =	smul.u32 @!p0 $0xF7A, s2;
	p2 =	seq.s32 @!p0 s5, $0x0  }
0x1f: {  	s9 =	smul.u32 $0xF7A, s1;
	s8 =	simm.s32 @!p0 $0x1BF5;
	p2 =	por !p2, p0  }
0x20: {  	[sflag:s8] =	ssyncset.s32 @!p0 $0xFFFFF086;
	s6 =	sadd.s32 @!p0 s3, s7;
	s7 =	simm.s32 @!p0 $0x108  }
0x21: {  	s3 =	sadd.s32 s3, s9;
	s6 =	sadd.s32 @!p0 $0x88, s6;
	s7 =	simm.s32 @p2 $0x1082  }
0x22: {  	[simem:s7], [sflag:s8] =	dma.local @!p0 [hbm:s6], $0xF7A  }
0x23: {  	s9 =	sor.u32 $0xD0000000, s2;
	s6 =	simm.s32 $0x108;
	_ =	swait.ge @!p0 [sflag:s8], $0x0  }
0x24: {  	s3 =	sadd.s32 $0x88, s3;
	s6 =	simm.s32 @!p1 $0x1082;
	[sflag:s4] =	ssyncset.s32 $0xFFFFF086  }
0x25: {  	[simem:s6], [sflag:s4] =	dma.local [hbm:s3], $0xF7A  }
0x26: {  	[smem:$0x3F9F] =	sst s1;
	(tag) =	ssettag s2;
	_ =	strace s9  }
0x27: {  	s1 =	sld [smem:$0x3FAF]  }
0x28: {  	s2 =	sld [smem:$0x3FB0]  }
0x29: {  	s4 =	sld [smem:$0x3FB2]  }
0x2a: {  	p0 =	seq.s32 s5, $0x0;
	s5 =	sld [smem:$0x3FB3]  }
0x2b: {  	s6 =	sld [smem:$0x3FB4]  }
0x2c: {  	s7 =	sld [smem:$0x3FB5]  }
0x2d: {  	s3 =	simm.s32 $0x108;
	s8 =	sld [smem:$0x3FB6]  }
0x2e: {  	s3 =	simm.s32 @!p0 $0x1082;
	s9 =	sld [smem:$0x3FB7]  }
0x2f: {  	lr =	sadd.s32 s0, s3;
	s0 =	sld [smem:$0x3FAE]  }
0x30: {  	s3 =	sld [smem:$0x3FB1]  }
0x31: {  	[smem:$0x3FBA] =	sst s10  }
0x32: {  	s10 =	sld [smem:$0x3FB8];
	_ =	sdelay $0x3  }
0x33: {  	p0 =	seq.s32 s10, $0x1;
	s10 =	sld [smem:$0x3FBA];
	_ =	sdelay $0x3  }
0x34: {  	[smem:$0x3FBA] =	sst s10  }
0x35: {  	s10 =	sld [smem:$0x3FB9];
	_ =	sdelay $0x3  }
0x36: {  	p1 =	seq.s32 s10, $0x1;
	s10 =	sld [smem:$0x3FBA];
	_ =	sdelay $0x3  }
0x37: {  	[smem:$0x3FBA] =	sst s10  }
0x38: {  	s10 =	sld [smem:$0x3FBB]  }
0x39: {  	_ = 	snop;
	(pc) =	sbr.ind lr, $3  }
0x3a: {  	_ = 	snop  }
0x3b: {  	_ = 	snop  }
0x3c: {  	p2 =	seq.s32 s10, $0x1;
	s10 =	sld [smem:$0x3FBA]  }
0x3d: {  	_ =	shalt  }
0x3e: {  	_ =	shalt  }
0x3f: {  	_ =	shalt  }
0x40: {  	_ =	shalt  }
0x41: {  	_ =	shalt  }
0x42: {  	_ =	shalt  }
0x43: {  	_ =	shalt  }
0x44: {  	_ =	shalt  }
0x45: {  	_ =	shalt  }
0x46: {  	_ =	shalt  }
0x47: {  	_ =	shalt  }
0x48: {  	_ =	shalt  }
0x49: {  	_ =	shalt  }
0x4a: {  	_ =	shalt  }
0x4b: {  	_ =	shalt  }
0x4c: {  	_ =	shalt  }
0x4d: {  	_ =	shalt  }
0x4e: {  	_ =	shalt  }
0x4f: {  	_ =	shalt  }
0x50: {  	_ =	shalt  }
0x51: {  	_ =	shalt  }
0x52: {  	_ =	shalt  }
0x53: {  	_ =	shalt  }
0x54: {  	_ =	shalt  }
0x55: {  	_ =	shalt  }
0x56: {  	_ =	shalt  }
0x57: {  	_ =	shalt  }
0x58: {  	_ =	shalt  }
0x59: {  	_ =	shalt  }
0x5a: {  	_ =	shalt  }
0x5b: {  	_ =	shalt  }
0x5c: {  	_ =	shalt  }
0x5d: {  	_ =	shalt  }
0x5e: {  	_ =	shalt  }
0x5f: {  	_ =	shalt  }
0x60: {  	_ =	shalt  }
0x61: {  	_ =	shalt  }
0x62: {  	_ =	shalt  }
0x63: {  	_ =	shalt  }
0x64: {  	_ =	shalt  }
0x65: {  	_ =	shalt  }
0x66: {  	_ =	shalt  }
0x67: {  	_ =	shalt  }
0x68: {  	_ =	shalt  }
0x69: {  	_ =	shalt  }
0x6a: {  	_ =	shalt  }
0x6b: {  	_ =	shalt  }
0x6c: {  	_ =	shalt  }
0x6d: {  	_ =	shalt  }
0x6e: {  	_ =	shalt  }
0x6f: {  	_ =	shalt  }
0x70: {  	_ =	shalt  }
0x71: {  	_ =	shalt  }
0x72: {  	_ =	shalt  }
0x73: {  	_ =	shalt  }
0x74: {  	_ =	shalt  }
0x75: {  	_ =	shalt  }
0x76: {  	_ =	shalt  }
0x77: {  	_ =	shalt  }
0x78: {  	_ =	shalt  }
0x79: {  	_ =	shalt  }
0x7a: {  	_ =	shalt  }
0x7b: {  	_ =	shalt  }
0x7c: {  	_ =	shalt  }
0x7d: {  	_ =	shalt  }
0x7e: {  	_ =	shalt  }
0x7f: {  	_ =	shalt  }
0x80: {  	_ =	shalt  }
0x81: {  	_ =	shalt  }
0x82: {  	_ =	shalt  }
0x83: {  	_ =	shalt  }
0x84: {  	_ =	shalt  }
0x85: {  	_ =	shalt  }
0x86: {  	_ =	shalt  }
0x87: {  	_ =	shalt  }
.Lfunc_end0:
.L_simem_size_0:
called_computation.1_lowered:
.L_overlay_start_0:
0x88: {  	s2 =	sld [smem:$0x3FD9]  }
0x89: {  	s3 =	sld [smem:$0x3FFE];
	_ =	sdelay $0x1  }
0x8a: {  	s1 =	srdreg.scid  }
0x8b: {  	s0 =	sand.u32 $0x1, s1  }
0x8c: {  	s14 =	sshll.u32 s0, $0xA;
	s2 =	sadd.s32 s3, s2  }
0x8d: {  	s2 =	sadd.s32 s2, s14  }
0x8e: {  	[smem:$0x3FC6] =	sst s2  }
0x8f: {  	_ = 	snop  }
0x90: {  	s2 =	sld [smem:$0x3FD0];
	_ =	sdelay $0x1  }
0x91: {  	s15 =	sld [smem:$0x3FC9]  }
0x92: {  	s5 =	simm.s32 $0xA;
	s6 =	simm.s32 $0x10;
	s4 =	sld [smem:$0x3FC8]  }
0x93: {  	[smem:s6], [sflag:s5] =	dma.local [hbm:s2], $0x1  }
0x94: {  	_ =	swait.eq [sflag:s5], $0x1  }
0x95: {  	[sflag:s5] =	ssyncset.done $0x0  }
0x96: {  	s16 =	sld [smem:$0x11];
	[sflag:s5] =	ssyncadd.s32 $0xFFFFFFFF  }
0x97: {  	s17 =	sld [smem:$0x12];
	(tm) =	ssettm $0x1  }
0x98: {  	s18 =	sld [smem:$0x3FFB];
	_ =	sdelay $0x3  }
0x99: {  	_ =	strace s18  }
0x9a: {  	s6 =	sld [smem:$0x3FFC];
	_ =	sdelay $0x3  }
0x9b: {  	_ =	strace s6  }
0x9c: {  	s6 =	sld [smem:$0x3FFD];
	_ =	sdelay $0x3  }
0x9d: {  	_ =	strace s6  }
0x9e: {  	_ =	strace $0x8FFFFFFF  }
0x9f: {  	s19 =	sld [smem:$0x3FDB];
	_ =	sdelay $0x1  }
0xa0: {  	s7 =	simm.s32 $_scs_section_size  }
0xa1: {  	s8 =	simm.s32 $_size__tile_overlayer_lowered;
	s9 =	simm.s32 $_tile_overlayer_lowered  }
0xa2: {  	s22 =	simm.s32 $0x1BFF;
	s21 =	sshll.u32 s9, $0x1;
	s6 =	sadd.s32 s7, s19  }
0xa3: {  	s10 =	simm.s32 $0x0;
	s20 =	sshll.u32 s8, $0x1;
	s8 =	sadd.s32 s21, s6  }
0xa4: {  	[timem:s10], [sflag:s22] =	dma.local [hbm:s8], s20  }
0xa5: {  	_ =	swait.ge [sflag:s22], s20  }
0xa6: {  	s7 =	ssub.s32 $0x0, s20;
	[sflag:s22] =	ssyncset.done $0x0  }
0xa7: {  	[sflag:s22] =	ssyncadd.s32 s7;
	_ =	sdelay $0x1  }
0xa8: {  	s23 =	simm.s32 $0x1B8B  }
0xa9: {  	_ =	swait.ge [sflag:s23], $0x1  }
0xaa: {  	[sflag:s23] =	ssyncset.done $0x0  }
0xab: {  	s25 =	simm.s32 $0x1B8E;
	s24 =	sld [smem:$0x3FFE];
	[sflag:s23] =	ssyncadd.s32 $0xFFFFFFFF  }
0xac: {  	s26 =	simm.s32 $execute0_lowered;
	[smem:$0x3FD2] =	sst s25  }
0xad: {  	s8 =	sshll.u32 s26, $0x1;
	_ =	strace $0x80000049;
	[dreg:$0x1] =	wrdreg $0xFFFFFFFF  }
0xae: {  	s28 =	simm.s32 $_size_execute0_lowered;
	s6 =	sadd.s32 s6, s8;
	[dreg:$0x0] =	wrdreg $0x0  }
0xaf: {  	s8 =	sshll.u32 s28, $0x1;
	[dreg:$0x2] =	wrdreg s6  }
0xb0: {  	[dreg:$0x3] =	wrdreg s8  }
0xb1: {  	[dreg:$0x4] =	wrdreg $0xC0  }
0xb2: {  	_ =	task [dreg:s10], $0x5FFFF  }
0xb3: {  	[dreg:$0x1] =	wrdreg $0xFFFFFFFF  }
0xb4: {  	[dreg:$0x0] =	wrdreg $0x60  }
0xb5: {  	[dreg:$0x2] =	wrdreg s15  }
0xb6: {  	[dreg:$0x3] =	wrdreg s4  }
0xb7: {  	[dreg:$0x4] =	wrdreg s24  }
0xb8: {  	[dreg:$0x5] =	wrdreg s16  }
0xb9: {  	[dreg:$0x6] =	wrdreg s17  }
0xba: {  	[dreg:$0x7] =	wrdreg $0x9  }
0xbb: {  	_ =	task.clear_ibuf [dreg:s10], $0x8FFFF;
	_ =	strace $0x90000049  }
0xbc: {  	s29 =	simm.s32 $0x9;
	_ =	strace $0x8000004B  }
0xbd: {  	_ =	swait.ge [sflag:s29], $0x1  }
0xbe: {  	[sflag:s29] =	ssyncadd.s32 $0xFFFFFFFF  }
0xbf: {  	_ =	strace $0x9000004B  }
0xc0: {  	_ =	sfence  }
0xc1: {  	s30 =	sld [smem:$0x0];
	_ =	sdelay $0x2  }
0xc2: {  	s31 =	sshll.u32 s1, $0xD;
	s1 =	sshrl.u32 s1, $0x2  }
0xc3: {  	s3 =	sand.u32 $0x4000, s31;
	s1 =	sadd.s32 s1, s30  }
0xc4: {  	s0 =	sor.u32 s3, s0;
	s1 =	sshll.u32 s1, $0x11  }
0xc5: {  	s0 =	sor.u32 s1, s0  }
0xc6: {  	s0 =	sadd.s32 $0x8F2B, s0  }
0xc7: {  	[sflag:s0] =	ssyncadd.remote.s32 $0x1  }
0xc8: {  	_ =	sfence.sel $0xFFFF  }
0xc9: {  	[dreg:$0x0] =	wrdreg $0xFFFFFFFF;
	(pc) =	sbr.abs _section_cstart, $3  }
0xca: {  	[dreg:$0x1] =	wrdreg $0xFFFFFFFF  }
0xcb: {  	_ =	task.clear_ibuf [dreg:s10], $0x2FFFF;
	_ =	strace $0x9FFFFFFF  }
0xcc: {  	(tm) =	ssettm $0x7FFFFFFF  }
0xcd: {  	_ =	shalt  }
tec
execute0_lowered:
.L_overlay_start_1:
0x0: {  	(tag) =	ssettag $0x1  }
0x1: {  	s0 =	rddreg [dreg:$0x0]  }
0x2: {  	s1 =	rddreg [dreg:$0x1]  }
0x3: {  	s2 =	rddreg [dreg:$0x2]  }
0x4: {  	s5 =	rddreg [dreg:$0x3]  }
0x5: {  	s6 =	rddreg [dreg:$0x4]  }
0x6: {  	s4 =	srdreg.scid;
	s8 =	stileid.u32  }
0x7: {  	s3 =	simm.s32 $0x0;
	s31 =	simm.s32 $0x13200;
	s7 =	sand.u32 $0x1, s4  }
0x8: {  	s29 =	sshll.u32 s8, $0x1;
	[smem:$0x7FF] =	sst s3;
	s4 =	sadd.s32 $0x1200, s2  }
0x9: {  	s8 =	sor.u32 s7, s29;
	_ =	strace $0x8000004A;
	s7 =	ssub.s32 $0x2, s7  }
0xa: {  	s9 =	sshll.u32 s8, $0x4;
	s30 =	sshrl.u32 s7, $0x1;
	s10 =	sshll.u32 s8, $0x6  }
0xb: {  	s8 =	sshll.u32 s8, $0xE;
	s2 =	sadd.s32 s9, s2;
	s7 =	ssub.s32 s7, s30  }
0xc: {  	s0 =	sadd.s32 s0, s10;
	s10 =	sor.u32 $0x800, s8;
	s11 =	sadd.s32 s5, s8  }
0xd: {  	s12 =	sadd.s32 s6, s8;
	s14 =	sor.u32 $0x1000, s8;
	[dreg:$0x6] =	wrdreg s0  }
0xe: {  	s15 =	sor.u32 $0x1800, s8;
	s19 =	sor.u32 $0x2000, s8;
	[dreg:$0x7] =	wrdreg s11  }
0xf: {  	s20 =	sor.u32 $0x2800, s8;
	[dreg:$0x8] =	wrdreg s12;
	s13 =	sadd.s32 s5, s10  }
0x10: {  	s24 =	sor.u32 $0x3000, s8;
	s0 =	sadd.s32 s6, s10;
	[dreg:$0x9] =	wrdreg s13  }
0x11: {  	s8 =	sor.u32 $0x3800, s8;
	s16 =	sadd.s32 s5, s14;
	[dreg:$0xa] =	wrdreg s0  }
0x12: {  	s9 =	simm.s32 $0xA;
	s17 =	sadd.s32 s5, s15;
	[dreg:$0xb] =	wrdreg s16  }
0x13: {  	s18 =	sadd.s32 s6, s15;
	s21 =	sadd.s32 s5, s19;
	[dreg:$0xd] =	wrdreg s17  }
0x14: {  	s22 =	sadd.s32 s5, s20;
	s23 =	sadd.s32 s6, s20;
	[dreg:$0xe] =	wrdreg s18  }
0x15: {  	s25 =	sadd.s32 s5, s24;
	s26 =	sadd.s32 s5, s8;
	[dreg:$0xf] =	wrdreg s21  }
0x16: {  	s28 =	sadd.s32 s6, s8;
	s29 =	sadd.s32 $0x41200, s2;
	[dreg:$0x11] =	wrdreg s22  }
0x17: {  	s30 =	smax.u32 s7, $0x1;
	s5 =	simm.s32 $0x4200;
	[dreg:$0x12] =	wrdreg s23  }
0x18: {  	s2 =	simm.s32 $0x14200;
	s7 =	simm.s32 $0x4;
	[dreg:$0x13] =	wrdreg s25  }
0x19: {  	s8 =	simm.s32 $0x7;
	s10 =	simm.s32 $0x2;
	[dreg:$0x15] =	wrdreg s26  }
0x1a: {  	s11 =	simm.s32 $0x5;
	s12 =	simm.s32 $0x8;
	[dreg:$0x16] =	wrdreg s28  }
0x1b: {  	s15 =	simm.s32 $0xB;
	s20 =	simm.s32 $0x0;
	[dreg:$0x17] =	wrdreg s29  }
0x1c: {  	s0 =	sadd.s32 s6, s14;
	[dreg:$0x18] =	wrdreg s30;
	s25 =	simm.s32 $0x200  }
0x1d: {  	s13 =	simm.s32 $0x8200;
	s14 =	simm.s32 $0xC200;
	s22 =	simm.s32 $0x10200  }
0x1e: {  	s16 =	simm.s32 $0x3;
	s17 =	simm.s32 $0x6;
	s18 =	simm.s32 $0x9  }
0x1f: {  	v2 =	vlaneseq.u32;
	[dreg:$0xc] =	wrdreg s0;
	s0 =	sadd.s32 s6, s19;
	s19 =	simm.s32 $0xC  }
0x20: {  	vm0 =	vmmov $0xffff;
	v1 =	vshrl.u32 v2, $0x3;
	[dreg:$0x10] =	wrdreg s0;
	s0 =	sadd.s32 s6, s24;
	s24 =	simm.s32 $0xD  }
0x21: {  	v0 =	vand.u32 $0x7, v2;
	v2 =	vor.u32 $0x8, v2;
	v1 =	vmul.u32 $0x8, v1;
	s6 =	simm.s32 $0x1;
	[dreg:$0x14] =	wrdreg s0;
	s0 =	simm.s32 $0x13A00  }
.LBB2_1:
0x22: {  	s21 =	rddreg [dreg:$0x6]  }
0x23: {  	[tilespmem:s3], [sflag:$0xD] =	stream.linear.gather [hbm4b:s21+s3], $0x200, $0x38;
	[tilespmem:$0x18280] =	vst v63  }
0x24: {  	_ =	swait.ge [sflag:s24], $0x200  }
0x25: {  	[sflag:s24] =	ssyncset.done $0x0  }
0x26: {  	[sflag:s24] =	ssyncadd.s32 $0xFFFFFE00  }
0x27: {  	v3 =	vld [tilespmem:$0x0];
	_ =	sdelay $0x4  }
0x28: {  	v4 =	vshll.u32 v3, $0x1  }
0x29: {  	v3 =	vand.u32 $0x7, v3;
	v4 =	vand.u32 $0xFFFFFFF0, v4  }
0x2a: {  	v3 =	vor.u32 v3, v4  }
0x2b: {  	v4 =	vperm.xlane v3, v0;
	_ =	sdelay $0x1  }
0x2c: {  	v3 =	vperm.xlane v3, v2;
	v4 =	vadd.s32 v1, v4;
	_ =	sdelay $0x1  }
0x2d: {  	v3 =	vadd.s32 v1, v3;
	_ =	sdelay $0x2  }
0x2e: {  	[tilespmem:s25], [sflag:$0x1] =	stream.indirect_vreg.gather [hbm4b:s1+s3], $0x80, v4, vm0, $0xb8;
	[tilespmem:$0x18280] =	vst v63  }
0x2f: {  	s30 =	simm.s32 $0xA00  }
0x30: {  	[tilespmem:s30], [sflag:$0x1] =	stream.indirect_vreg.gather [hbm4b:s1+s3], $0x80, v3, vm0, $0xb8;
	[tilespmem:$0x18280] =	vst v63  }
0x31: {  	v3 =	vld [tilespmem:$0x10];
	_ =	sdelay $0x4  }
0x32: {  	v4 =	vshll.u32 v3, $0x1  }
0x33: {  	v3 =	vand.u32 $0x7, v3;
	v4 =	vand.u32 $0xFFFFFFF0, v4  }
0x34: {  	v3 =	vor.u32 v3, v4  }
0x35: {  	v4 =	vperm.xlane v3, v0;
	_ =	sdelay $0x1  }
0x36: {  	v3 =	vperm.xlane v3, v2;
	v4 =	vadd.s32 v1, v4;
	_ =	sdelay $0x1  }
0x37: {  	v3 =	vadd.s32 v1, v3;
	_ =	sdelay $0x1  }
0x38: {  	s23 =	simm.s32 $0x1200  }
0x39: {  	[tilespmem:s23], [sflag:$0x1] =	stream.indirect_vreg.gather [hbm4b:s1+s3], $0x80, v4, vm0, $0xb8;
	[tilespmem:$0x18280] =	vst v63  }
0x3a: {  	s26 =	simm.s32 $0x1A00  }
0x3b: {  	[tilespmem:s26], [sflag:$0x1] =	stream.indirect_vreg.gather [hbm4b:s1+s3], $0x80, v3, vm0, $0xb8;
	[tilespmem:$0x18280] =	vst v63  }
0x3c: {  	v3 =	vld [tilespmem:$0x20];
	_ =	sdelay $0x4  }
0x3d: {  	v4 =	vshll.u32 v3, $0x1  }
0x3e: {  	v3 =	vand.u32 $0x7, v3;
	v4 =	vand.u32 $0xFFFFFFF0, v4  }
0x3f: {  	v3 =	vor.u32 v3, v4  }
0x40: {  	v4 =	vperm.xlane v3, v0;
	_ =	sdelay $0x1  }
0x41: {  	v3 =	vperm.xlane v3, v2;
	v4 =	vadd.s32 v1, v4;
	_ =	sdelay $0x1  }
0x42: {  	v3 =	vadd.s32 v1, v3;
	_ =	sdelay $0x1  }
0x43: {  	s28 =	simm.s32 $0x2200  }
0x44: {  	[tilespmem:s28], [sflag:$0x1] =	stream.indirect_vreg.gather [hbm4b:s1+s3], $0x80, v4, vm0, $0xb8;
	[tilespmem:$0x18280] =	vst v63  }
0x45: {  	s30 =	simm.s32 $0x2A00  }
0x46: {  	[tilespmem:s30], [sflag:$0x1] =	stream.indirect_vreg.gather [hbm4b:s1+s3], $0x80, v3, vm0, $0xb8;
	[tilespmem:$0x18280] =	vst v63  }
0x47: {  	v3 =	vld [tilespmem:$0x30];
	_ =	sdelay $0x4  }
0x48: {  	v4 =	vshll.u32 v3, $0x1  }
0x49: {  	v3 =	vand.u32 $0x7, v3;
	v4 =	vand.u32 $0xFFFFFFF0, v4  }
0x4a: {  	v3 =	vor.u32 v3, v4  }
0x4b: {  	v4 =	vperm.xlane v3, v0;
	_ =	sdelay $0x1  }
0x4c: {  	v3 =	vperm.xlane v3, v2;
	v4 =	vadd.s32 v1, v4;
	_ =	sdelay $0x1  }
0x4d: {  	v3 =	vadd.s32 v1, v3;
	_ =	sdelay $0x1  }
0x4e: {  	s23 =	simm.s32 $0x3200  }
0x4f: {  	[tilespmem:s23], [sflag:$0x1] =	stream.indirect_vreg.gather [hbm4b:s1+s3], $0x80, v4, vm0, $0xb8;
	[tilespmem:$0x18280] =	vst v63  }
0x50: {  	s26 =	simm.s32 $0x3A00  }
0x51: {  	[tilespmem:s26], [sflag:$0x1] =	stream.indirect_vreg.gather [hbm4b:s1+s3], $0x80, v3, vm0, $0xb8;
	[tilespmem:$0x18280] =	vst v63  }
0x52: {  	v3 =	vld [tilespmem:$0x40];
	_ =	sdelay $0x4  }
0x53: {  	v4 =	vshll.u32 v3, $0x1  }
0x54: {  	v3 =	vand.u32 $0x7, v3;
	v4 =	vand.u32 $0xFFFFFFF0, v4  }
0x55: {  	v3 =	vor.u32 v3, v4  }
0x56: {  	v4 =	vperm.xlane v3, v0;
	_ =	sdelay $0x1  }
0x57: {  	v3 =	vperm.xlane v3, v2;
	v4 =	vadd.s32 v1, v4;
	_ =	sdelay $0x1  }
0x58: {  	v3 =	vadd.s32 v1, v3;
	_ =	sdelay $0x2  }
0x59: {  	[tilespmem:s5], [sflag:$0x2] =	stream.indirect_vreg.gather [hbm4b:s1+s3], $0x80, v4, vm0, $0xb8;
	[tilespmem:$0x18280] =	vst v63  }
0x5a: {  	s28 =	simm.s32 $0x4A00  }
0x5b: {  	[tilespmem:s28], [sflag:$0x2] =	stream.indirect_vreg.gather [hbm4b:s1+s3], $0x80, v3, vm0, $0xb8;
	[tilespmem:$0x18280] =	vst v63  }
0x5c: {  	v3 =	vld [tilespmem:$0x50];
	_ =	sdelay $0x4  }
0x5d: {  	v4 =	vshll.u32 v3, $0x1  }
0x5e: {  	v3 =	vand.u32 $0x7, v3;
	v4 =	vand.u32 $0xFFFFFFF0, v4  }
0x5f: {  	v3 =	vor.u32 v3, v4  }
0x60: {  	v4 =	vperm.xlane v3, v0;
	_ =	sdelay $0x1  }
0x61: {  	v3 =	vperm.xlane v3, v2;
	v4 =	vadd.s32 v1, v4;
	_ =	sdelay $0x1  }
0x62: {  	v3 =	vadd.s32 v1, v3;
	_ =	sdelay $0x1  }
0x63: {  	s30 =	simm.s32 $0x5200  }
0x64: {  	[tilespmem:s30], [sflag:$0x2] =	stream.indirect_vreg.gather [hbm4b:s1+s3], $0x80, v4, vm0, $0xb8;
	[tilespmem:$0x18280] =	vst v63  }
0x65: {  	s23 =	simm.s32 $0x5A00  }
0x66: {  	[tilespmem:s23], [sflag:$0x2] =	stream.indirect_vreg.gather [hbm4b:s1+s3], $0x80, v3, vm0, $0xb8;
	[tilespmem:$0x18280] =	vst v63  }
0x67: {  	v3 =	vld [tilespmem:$0x60];
	_ =	sdelay $0x4  }
0x68: {  	v4 =	vshll.u32 v3, $0x1  }
0x69: {  	v3 =	vand.u32 $0x7, v3;
	v4 =	vand.u32 $0xFFFFFFF0, v4  }
0x6a: {  	v3 =	vor.u32 v3, v4  }
0x6b: {  	v4 =	vperm.xlane v3, v0;
	_ =	sdelay $0x1  }
0x6c: {  	v3 =	vperm.xlane v3, v2;
	v4 =	vadd.s32 v1, v4;
	_ =	sdelay $0x1  }
0x6d: {  	v3 =	vadd.s32 v1, v3;
	_ =	sdelay $0x1  }
0x6e: {  	s26 =	simm.s32 $0x6200  }
0x6f: {  	[tilespmem:s26], [sflag:$0x2] =	stream.indirect_vreg.gather [hbm4b:s1+s3], $0x80, v4, vm0, $0xb8;
	[tilespmem:$0x18280] =	vst v63  }
0x70: {  	s28 =	simm.s32 $0x6A00  }
0x71: {  	[tilespmem:s28], [sflag:$0x2] =	stream.indirect_vreg.gather [hbm4b:s1+s3], $0x80, v3, vm0, $0xb8;
	[tilespmem:$0x18280] =	vst v63  }
0x72: {  	v3 =	vld [tilespmem:$0x70];
	_ =	sdelay $0x4  }
0x73: {  	v4 =	vshll.u32 v3, $0x1  }
0x74: {  	v3 =	vand.u32 $0x7, v3;
	v4 =	vand.u32 $0xFFFFFFF0, v4  }
0x75: {  	v3 =	vor.u32 v3, v4  }
0x76: {  	v4 =	vperm.xlane v3, v0;
	_ =	sdelay $0x1  }
0x77: {  	v3 =	vperm.xlane v3, v2;
	v4 =	vadd.s32 v1, v4;
	_ =	sdelay $0x1  }
0x78: {  	v3 =	vadd.s32 v1, v3;
	_ =	sdelay $0x1  }
0x79: {  	s30 =	simm.s32 $0x7200  }
0x7a: {  	[tilespmem:s30], [sflag:$0x2] =	stream.indirect_vreg.gather [hbm4b:s1+s3], $0x80, v4, vm0, $0xb8;
	[tilespmem:$0x18280] =	vst v63  }
0x7b: {  	s23 =	simm.s32 $0x7A00  }
0x7c: {  	[tilespmem:s23], [sflag:$0x2] =	stream.indirect_vreg.gather [hbm4b:s1+s3], $0x80, v3, vm0, $0xb8;
	[tilespmem:$0x18280] =	vst v63  }
0x7d: {  	v3 =	vld [tilespmem:$0x80];
	_ =	sdelay $0x4  }
0x7e: {  	v4 =	vshll.u32 v3, $0x1  }
0x7f: {  	v3 =	vand.u32 $0x7, v3;
	v4 =	vand.u32 $0xFFFFFFF0, v4  }
0x80: {  	v3 =	vor.u32 v3, v4  }
0x81: {  	v4 =	vperm.xlane v3, v0;
	_ =	sdelay $0x1  }
0x82: {  	v3 =	vperm.xlane v3, v2;
	v4 =	vadd.s32 v1, v4;
	_ =	sdelay $0x1  }
0x83: {  	v3 =	vadd.s32 v1, v3;
	_ =	sdelay $0x2  }
0x84: {  	[tilespmem:s13], [sflag:$0x3] =	stream.indirect_vreg.gather [hbm4b:s1+s3], $0x80, v4, vm0, $0xb8;
	[tilespmem:$0x18280] =	vst v63  }
0x85: {  	s26 =	simm.s32 $0x8A00  }
0x86: {  	[tilespmem:s26], [sflag:$0x3] =	stream.indirect_vreg.gather [hbm4b:s1+s3], $0x80, v3, vm0, $0xb8;
	[tilespmem:$0x18280] =	vst v63  }
0x87: {  	v3 =	vld [tilespmem:$0x90];
	_ =	sdelay $0x4  }
0x88: {  	v4 =	vshll.u32 v3, $0x1  }
0x89: {  	v3 =	vand.u32 $0x7, v3;
	v4 =	vand.u32 $0xFFFFFFF0, v4  }
0x8a: {  	v3 =	vor.u32 v3, v4  }
0x8b: {  	v4 =	vperm.xlane v3, v0;
	_ =	sdelay $0x1  }
0x8c: {  	v3 =	vperm.xlane v3, v2;
	v4 =	vadd.s32 v1, v4;
	_ =	sdelay $0x1  }
0x8d: {  	v3 =	vadd.s32 v1, v3;
	_ =	sdelay $0x1  }
0x8e: {  	s28 =	simm.s32 $0x9200  }
0x8f: {  	[tilespmem:s28], [sflag:$0x3] =	stream.indirect_vreg.gather [hbm4b:s1+s3], $0x80, v4, vm0, $0xb8;
	[tilespmem:$0x18280] =	vst v63  }
0x90: {  	s30 =	simm.s32 $0x9A00  }
0x91: {  	[tilespmem:s30], [sflag:$0x3] =	stream.indirect_vreg.gather [hbm4b:s1+s3], $0x80, v3, vm0, $0xb8;
	[tilespmem:$0x18280] =	vst v63  }
0x92: {  	v3 =	vld [tilespmem:$0xA0];
	_ =	sdelay $0x4  }
0x93: {  	v4 =	vshll.u32 v3, $0x1  }
0x94: {  	v3 =	vand.u32 $0x7, v3;
	v4 =	vand.u32 $0xFFFFFFF0, v4  }
0x95: {  	v3 =	vor.u32 v3, v4  }
0x96: {  	v4 =	vperm.xlane v3, v0;
	_ =	sdelay $0x1  }
0x97: {  	v3 =	vperm.xlane v3, v2;
	v4 =	vadd.s32 v1, v4;
	_ =	sdelay $0x1  }
0x98: {  	v3 =	vadd.s32 v1, v3;
	_ =	sdelay $0x1  }
0x99: {  	s23 =	simm.s32 $0xA200  }
0x9a: {  	[tilespmem:s23], [sflag:$0x3] =	stream.indirect_vreg.gather [hbm4b:s1+s3], $0x80, v4, vm0, $0xb8;
	[tilespmem:$0x18280] =	vst v63  }
0x9b: {  	s26 =	simm.s32 $0xAA00  }
0x9c: {  	[tilespmem:s26], [sflag:$0x3] =	stream.indirect_vreg.gather [hbm4b:s1+s3], $0x80, v3, vm0, $0xb8;
	[tilespmem:$0x18280] =	vst v63  }
0x9d: {  	v3 =	vld [tilespmem:$0xB0];
	_ =	sdelay $0x4  }
0x9e: {  	v4 =	vshll.u32 v3, $0x1  }
0x9f: {  	v3 =	vand.u32 $0x7, v3;
	v4 =	vand.u32 $0xFFFFFFF0, v4  }
0xa0: {  	v3 =	vor.u32 v3, v4  }
0xa1: {  	v4 =	vperm.xlane v3, v0;
	_ =	sdelay $0x1  }
0xa2: {  	v3 =	vperm.xlane v3, v2;
	v4 =	vadd.s32 v1, v4;
	_ =	sdelay $0x1  }
0xa3: {  	v3 =	vadd.s32 v1, v3;
	_ =	sdelay $0x1  }
0xa4: {  	s28 =	simm.s32 $0xB200  }
0xa5: {  	[tilespmem:s28], [sflag:$0x3] =	stream.indirect_vreg.gather [hbm4b:s1+s3], $0x80, v4, vm0, $0xb8;
	[tilespmem:$0x18280] =	vst v63  }
0xa6: {  	s30 =	simm.s32 $0xBA00  }
0xa7: {  	[tilespmem:s30], [sflag:$0x3] =	stream.indirect_vreg.gather [hbm4b:s1+s3], $0x80, v3, vm0, $0xb8;
	[tilespmem:$0x18280] =	vst v63  }
0xa8: {  	v3 =	vld [tilespmem:$0x0];
	_ =	sdelay $0x4  }
0xa9: {  	v4 =	vshll.u32 v3, $0x1  }
0xaa: {  	v3 =	vand.u32 $0x7, v3;
	v4 =	vand.u32 $0xFFFFFFF0, v4  }
0xab: {  	v3 =	vor.u32 v3, v4  }
0xac: {  	v4 =	vperm.xlane v3, v0;
	_ =	sdelay $0x1  }
0xad: {  	v3 =	vperm.xlane v3, v2;
	v4 =	vadd.s32 v1, v4;
	_ =	sdelay $0x1  }
0xae: {  	v3 =	vadd.s32 v1, v3;
	_ =	sdelay $0x2  }
0xaf: {  	[tilespmem:s14], [sflag:$0x4] =	stream.indirect_vreg.gather [hbm4b:s4+s3], $0x80, v4, vm0, $0xb8;
	[tilespmem:$0x18280] =	vst v63  }
0xb0: {  	s23 =	simm.s32 $0xCA00  }
0xb1: {  	[tilespmem:s23], [sflag:$0x4] =	stream.indirect_vreg.gather [hbm4b:s4+s3], $0x80, v3, vm0, $0xb8;
	[tilespmem:$0x18280] =	vst v63  }
0xb2: {  	v3 =	vld [tilespmem:$0x10];
	_ =	sdelay $0x4  }
0xb3: {  	v4 =	vshll.u32 v3, $0x1  }
0xb4: {  	v3 =	vand.u32 $0x7, v3;
	v4 =	vand.u32 $0xFFFFFFF0, v4  }
0xb5: {  	v3 =	vor.u32 v3, v4  }
0xb6: {  	v4 =	vperm.xlane v3, v0;
	_ =	sdelay $0x1  }
0xb7: {  	v3 =	vperm.xlane v3, v2;
	v4 =	vadd.s32 v1, v4;
	_ =	sdelay $0x1  }
0xb8: {  	v3 =	vadd.s32 v1, v3;
	_ =	sdelay $0x1  }
0xb9: {  	s26 =	simm.s32 $0xD200  }
0xba: {  	[tilespmem:s26], [sflag:$0x4] =	stream.indirect_vreg.gather [hbm4b:s4+s3], $0x80, v4, vm0, $0xb8;
	[tilespmem:$0x18280] =	vst v63  }
0xbb: {  	s28 =	simm.s32 $0xDA00  }
0xbc: {  	[tilespmem:s28], [sflag:$0x4] =	stream.indirect_vreg.gather [hbm4b:s4+s3], $0x80, v3, vm0, $0xb8;
	[tilespmem:$0x18280] =	vst v63  }
0xbd: {  	v3 =	vld [tilespmem:$0x20];
	_ =	sdelay $0x4  }
0xbe: {  	v4 =	vshll.u32 v3, $0x1  }
0xbf: {  	v3 =	vand.u32 $0x7, v3;
	v4 =	vand.u32 $0xFFFFFFF0, v4  }
0xc0: {  	v3 =	vor.u32 v3, v4  }
0xc1: {  	v4 =	vperm.xlane v3, v0;
	_ =	sdelay $0x1  }
0xc2: {  	v3 =	vperm.xlane v3, v2;
	v4 =	vadd.s32 v1, v4;
	_ =	sdelay $0x1  }
0xc3: {  	v3 =	vadd.s32 v1, v3;
	_ =	sdelay $0x1  }
0xc4: {  	s30 =	simm.s32 $0xE200  }
0xc5: {  	[tilespmem:s30], [sflag:$0x4] =	stream.indirect_vreg.gather [hbm4b:s4+s3], $0x80, v4, vm0, $0xb8;
	[tilespmem:$0x18280] =	vst v63  }
0xc6: {  	s23 =	simm.s32 $0xEA00  }
0xc7: {  	[tilespmem:s23], [sflag:$0x4] =	stream.indirect_vreg.gather [hbm4b:s4+s3], $0x80, v3, vm0, $0xb8;
	[tilespmem:$0x18280] =	vst v63  }
0xc8: {  	v3 =	vld [tilespmem:$0x30];
	_ =	sdelay $0x4  }
0xc9: {  	v4 =	vshll.u32 v3, $0x1  }
0xca: {  	v3 =	vand.u32 $0x7, v3;
	v4 =	vand.u32 $0xFFFFFFF0, v4  }
0xcb: {  	v3 =	vor.u32 v3, v4  }
0xcc: {  	v4 =	vperm.xlane v3, v0;
	_ =	sdelay $0x1  }
0xcd: {  	v3 =	vperm.xlane v3, v2;
	v4 =	vadd.s32 v1, v4;
	_ =	sdelay $0x1  }
0xce: {  	v3 =	vadd.s32 v1, v3;
	_ =	sdelay $0x1  }
0xcf: {  	s26 =	simm.s32 $0xF200  }
0xd0: {  	[tilespmem:s26], [sflag:$0x4] =	stream.indirect_vreg.gather [hbm4b:s4+s3], $0x80, v4, vm0, $0xb8;
	[tilespmem:$0x18280] =	vst v63  }
0xd1: {  	s28 =	simm.s32 $0xFA00  }
0xd2: {  	[tilespmem:s28], [sflag:$0x4] =	stream.indirect_vreg.gather [hbm4b:s4+s3], $0x80, v3, vm0, $0xb8;
	[tilespmem:$0x18280] =	vst v63  }
0xd3: {  	v3 =	vld [tilespmem:$0x40];
	_ =	sdelay $0x4  }
0xd4: {  	v4 =	vshll.u32 v3, $0x1  }
0xd5: {  	v3 =	vand.u32 $0x7, v3;
	v4 =	vand.u32 $0xFFFFFFF0, v4  }
0xd6: {  	v3 =	vor.u32 v3, v4  }
0xd7: {  	v4 =	vperm.xlane v3, v0;
	_ =	sdelay $0x1  }
0xd8: {  	v3 =	vperm.xlane v3, v2;
	v4 =	vadd.s32 v1, v4;
	_ =	sdelay $0x1  }
0xd9: {  	v3 =	vadd.s32 v1, v3;
	_ =	sdelay $0x2  }
0xda: {  	[tilespmem:s22], [sflag:$0x5] =	stream.indirect_vreg.gather [hbm4b:s4+s3], $0x80, v4, vm0, $0xb8;
	[tilespmem:$0x18280] =	vst v63  }
0xdb: {  	s30 =	simm.s32 $0x10A00  }
0xdc: {  	[tilespmem:s30], [sflag:$0x5] =	stream.indirect_vreg.gather [hbm4b:s4+s3], $0x80, v3, vm0, $0xb8;
	[tilespmem:$0x18280] =	vst v63  }
0xdd: {  	v3 =	vld [tilespmem:$0x50];
	_ =	sdelay $0x4  }
0xde: {  	v4 =	vshll.u32 v3, $0x1  }
0xdf: {  	v3 =	vand.u32 $0x7, v3;
	v4 =	vand.u32 $0xFFFFFFF0, v4  }
0xe0: {  	v3 =	vor.u32 v3, v4  }
0xe1: {  	v4 =	vperm.xlane v3, v0;
	_ =	sdelay $0x1  }
0xe2: {  	v3 =	vperm.xlane v3, v2;
	v4 =	vadd.s32 v1, v4;
	_ =	sdelay $0x1  }
0xe3: {  	v3 =	vadd.s32 v1, v3;
	_ =	sdelay $0x1  }
0xe4: {  	s23 =	simm.s32 $0x11200  }
0xe5: {  	[tilespmem:s23], [sflag:$0x5] =	stream.indirect_vreg.gather [hbm4b:s4+s3], $0x80, v4, vm0, $0xb8;
	[tilespmem:$0x18280] =	vst v63  }
0xe6: {  	s26 =	simm.s32 $0x11A00  }
0xe7: {  	[tilespmem:s26], [sflag:$0x5] =	stream.indirect_vreg.gather [hbm4b:s4+s3], $0x80, v3, vm0, $0xb8;
	[tilespmem:$0x18280] =	vst v63  }
0xe8: {  	v3 =	vld [tilespmem:$0x60];
	_ =	sdelay $0x4  }
0xe9: {  	v4 =	vshll.u32 v3, $0x1  }
0xea: {  	v3 =	vand.u32 $0x7, v3;
	v4 =	vand.u32 $0xFFFFFFF0, v4  }
0xeb: {  	v3 =	vor.u32 v3, v4  }
0xec: {  	v4 =	vperm.xlane v3, v0;
	_ =	sdelay $0x1  }
0xed: {  	v3 =	vperm.xlane v3, v2;
	v4 =	vadd.s32 v1, v4;
	_ =	sdelay $0x1  }
0xee: {  	v3 =	vadd.s32 v1, v3;
	_ =	sdelay $0x1  }
0xef: {  	s28 =	simm.s32 $0x12200  }
0xf0: {  	[tilespmem:s28], [sflag:$0x5] =	stream.indirect_vreg.gather [hbm4b:s4+s3], $0x80, v4, vm0, $0xb8;
	[tilespmem:$0x18280] =	vst v63  }
0xf1: {  	s30 =	simm.s32 $0x12A00  }
0xf2: {  	[tilespmem:s30], [sflag:$0x5] =	stream.indirect_vreg.gather [hbm4b:s4+s3], $0x80, v3, vm0, $0xb8;
	[tilespmem:$0x18280] =	vst v63  }
0xf3: {  	v3 =	vld [tilespmem:$0x70];
	_ =	sdelay $0x4  }
0xf4: {  	v4 =	vshll.u32 v3, $0x1  }
0xf5: {  	v3 =	vand.u32 $0x7, v3;
	v4 =	vand.u32 $0xFFFFFFF0, v4  }
0xf6: {  	v3 =	vor.u32 v3, v4  }
0xf7: {  	v4 =	vperm.xlane v3, v0;
	_ =	sdelay $0x1  }
0xf8: {  	v3 =	vperm.xlane v3, v2;
	v4 =	vadd.s32 v1, v4;
	_ =	sdelay $0x1  }
0xf9: {  	v3 =	vadd.s32 v1, v3;
	_ =	sdelay $0x2  }
0xfa: {  	[tilespmem:s31], [sflag:$0x5] =	stream.indirect_vreg.gather [hbm4b:s4+s3], $0x80, v4, vm0, $0xb8;
	[tilespmem:$0x18280] =	vst v63  }
0xfb: {  	_ = 	snop  }
0xfc: {  	[tilespmem:s0], [sflag:$0x5] =	stream.indirect_vreg.gather [hbm4b:s4+s3], $0x80, v3, vm0, $0xb8;
	[tilespmem:$0x18280] =	vst v63  }
0xfd: {  	v3 =	vld [tilespmem:$0x80];
	_ =	sdelay $0x4  }
0xfe: {  	v4 =	vshll.u32 v3, $0x1  }
0xff: {  	v3 =	vand.u32 $0x7, v3;
	v4 =	vand.u32 $0xFFFFFFF0, v4  }
0x100: {  	v3 =	vor.u32 v3, v4  }
0x101: {  	v4 =	vperm.xlane v3, v0;
	_ =	sdelay $0x1  }
0x102: {  	v3 =	vperm.xlane v3, v2;
	v4 =	vadd.s32 v1, v4;
	_ =	sdelay $0x1  }
0x103: {  	v3 =	vadd.s32 v1, v3;
	_ =	sdelay $0x2  }
0x104: {  	[tilespmem:s2], [sflag:$0x6] =	stream.indirect_vreg.gather [hbm4b:s4+s3], $0x80, v4, vm0, $0xb8;
	[tilespmem:$0x18280] =	vst v63  }
0x105: {  	s23 =	simm.s32 $0x14A00  }
0x106: {  	[tilespmem:s23], [sflag:$0x6] =	stream.indirect_vreg.gather [hbm4b:s4+s3], $0x80, v3, vm0, $0xb8;
	[tilespmem:$0x18280] =	vst v63  }
0x107: {  	v3 =	vld [tilespmem:$0x90];
	_ =	sdelay $0x4  }
0x108: {  	v4 =	vshll.u32 v3, $0x1  }
0x109: {  	v3 =	vand.u32 $0x7, v3;
	v4 =	vand.u32 $0xFFFFFFF0, v4  }
0x10a: {  	v3 =	vor.u32 v3, v4  }
0x10b: {  	v4 =	vperm.xlane v3, v0;
	_ =	sdelay $0x1  }
0x10c: {  	v3 =	vperm.xlane v3, v2;
	v4 =	vadd.s32 v1, v4;
	_ =	sdelay $0x1  }
0x10d: {  	v3 =	vadd.s32 v1, v3;
	_ =	sdelay $0x1  }
0x10e: {  	s26 =	simm.s32 $0x15200  }
0x10f: {  	[tilespmem:s26], [sflag:$0x6] =	stream.indirect_vreg.gather [hbm4b:s4+s3], $0x80, v4, vm0, $0xb8;
	[tilespmem:$0x18280] =	vst v63  }
0x110: {  	s28 =	simm.s32 $0x15A00  }
0x111: {  	[tilespmem:s28], [sflag:$0x6] =	stream.indirect_vreg.gather [hbm4b:s4+s3], $0x80, v3, vm0, $0xb8;
	[tilespmem:$0x18280] =	vst v63  }
0x112: {  	v3 =	vld [tilespmem:$0xA0];
	_ =	sdelay $0x4  }
0x113: {  	v4 =	vshll.u32 v3, $0x1  }
0x114: {  	v3 =	vand.u32 $0x7, v3;
	v4 =	vand.u32 $0xFFFFFFF0, v4  }
0x115: {  	v3 =	vor.u32 v3, v4  }
0x116: {  	v4 =	vperm.xlane v3, v0;
	_ =	sdelay $0x1  }
0x117: {  	v3 =	vperm.xlane v3, v2;
	v4 =	vadd.s32 v1, v4;
	_ =	sdelay $0x1  }
0x118: {  	v3 =	vadd.s32 v1, v3;
	_ =	sdelay $0x1  }
0x119: {  	s30 =	simm.s32 $0x16200  }
0x11a: {  	[tilespmem:s30], [sflag:$0x6] =	stream.indirect_vreg.gather [hbm4b:s4+s3], $0x80, v4, vm0, $0xb8;
	[tilespmem:$0x18280] =	vst v63  }
0x11b: {  	s23 =	simm.s32 $0x16A00  }
0x11c: {  	[tilespmem:s23], [sflag:$0x6] =	stream.indirect_vreg.gather [hbm4b:s4+s3], $0x80, v3, vm0, $0xb8;
	[tilespmem:$0x18280] =	vst v63  }
0x11d: {  	v3 =	vld [tilespmem:$0xB0];
	_ =	sdelay $0x4  }
0x11e: {  	v4 =	vshll.u32 v3, $0x1  }
0x11f: {  	v3 =	vand.u32 $0x7, v3;
	v4 =	vand.u32 $0xFFFFFFF0, v4  }
0x120: {  	v3 =	vor.u32 v3, v4  }
0x121: {  	v4 =	vperm.xlane v3, v0;
	_ =	sdelay $0x1  }
0x122: {  	v3 =	vperm.xlane v3, v2;
	v4 =	vadd.s32 v1, v4;
	_ =	sdelay $0x1  }
0x123: {  	v3 =	vadd.s32 v1, v3;
	_ =	sdelay $0x1  }
0x124: {  	s26 =	simm.s32 $0x17200  }
0x125: {  	[tilespmem:s26], [sflag:$0x6] =	stream.indirect_vreg.gather [hbm4b:s4+s3], $0x80, v4, vm0, $0xb8;
	[tilespmem:$0x18280] =	vst v63  }
0x126: {  	s28 =	simm.s32 $0x17A00  }
0x127: {  	[tilespmem:s28], [sflag:$0x6] =	stream.indirect_vreg.gather [hbm4b:s4+s3], $0x80, v3, vm0, $0xb8;
	[tilespmem:$0x18280] =	vst v63  }
0x128: {  	_ =	swait.ge [sflag:s6], $0x4000  }
0x129: {  	[sflag:s6] =	ssyncset.done $0x0  }
0x12a: {  	[sflag:s6] =	ssyncadd.s32 $0xFFFFC000  }
0x12b: {  	_ =	swait.ge [sflag:s7], $0x4000  }
0x12c: {  	s30 =	sand.u32 $0x3800, s3;
	s23 =	sand.u32 $0x380, s3;
	[sflag:s7] =	ssyncset.done $0x0  }
0x12d: {  	s21 =	sor.u32 s23, s30;
	[sflag:s7] =	ssyncadd.s32 $0xFFFFC000  }
0x12e: {  	v3 =	vld [tilespmem:s21+$0x200]  }
0x12f: {  	v4 =	vld [tilespmem:s21+$0xC200]  }
0x130: {  	v5 =	vld [tilespmem:s21+$0x210]  }
0x131: {  	v6 =	vld [tilespmem:s21+$0xC210]  }
0x132: {  	v7 =	vld [tilespmem:s21+$0x220]  }
0x133: {  	v8 =	vld [tilespmem:s21+$0xC220]  }
0x134: {  	v9 =	vld [tilespmem:s21+$0xC230]  }
0x135: {  	v10 =	vld [tilespmem:s21+$0xC240];
	v3 =	vsub.f32 v4, v3  }
0x136: {  	v4 =	vld [tilespmem:s21+$0x230]  }
0x137: {  	v12 =	vld [tilespmem:s21+$0x630];
	v5 =	vsub.f32 v6, v5;
	[tilespmem:s21+$0x200] =	vst v3;
	v3 =	vmul.f32 v3, v3  }
0x138: {  	v11 =	vimm.f32 $0.0e+00;
	v6 =	vld [tilespmem:s21+$0x240]  }
0x139: {  	v7 =	vsub.f32 v8, v7;
	v8 =	vld [tilespmem:s21+$0x250];
	[tilespmem:s21+$0x210] =	vst v5;
	v5 =	vmul.f32 v5, v5;
	v3 =	vadd.f32 v3, v11  }
0x13a: {  	v11 =	vld [tilespmem:s21+$0xC250]  }
0x13b: {  	v4 =	vsub.f32 v9, v4;
	v9 =	vld [tilespmem:s21+$0x260];
	v3 =	vadd.f32 v5, v3;
	v5 =	vmul.f32 v7, v7  }
0x13c: {  	[tilespmem:s21+$0x220] =	vst v7;
	v7 =	vld [tilespmem:s21+$0xC260]  }
0x13d: {  	v6 =	vsub.f32 v10, v6;
	v10 =	vld [tilespmem:s21+$0x270];
	[tilespmem:s21+$0x230] =	vst v4;
	v4 =	vmul.f32 v4, v4;
	v3 =	vadd.f32 v5, v3  }
0x13e: {  	v5 =	vld [tilespmem:s21+$0xC270]  }
0x13f: {  	v8 =	vsub.f32 v11, v8;
	v11 =	vld [tilespmem:s21+$0x600];
	v3 =	vadd.f32 v4, v3;
	v4 =	vmul.f32 v6, v6  }
0x140: {  	[tilespmem:s21+$0x240] =	vst v6;
	v6 =	vld [tilespmem:s21+$0xC600]  }
0x141: {  	v7 =	vsub.f32 v7, v9;
	v9 =	vld [tilespmem:s21+$0x610];
	v3 =	vadd.f32 v4, v3;
	v4 =	vmul.f32 v8, v8  }
0x142: {  	[tilespmem:s21+$0x250] =	vst v8;
	v8 =	vld [tilespmem:s21+$0xC610]  }
0x143: {  	v5 =	vsub.f32 v5, v10;
	v10 =	vld [tilespmem:s21+$0x620];
	v3 =	vadd.f32 v4, v3;
	v4 =	vmul.f32 v7, v7  }
0x144: {  	[tilespmem:s21+$0x260] =	vst v7;
	v7 =	vld [tilespmem:s21+$0xC620]  }
0x145: {  	v13 =	vld [tilespmem:s21+$0xC630];
	v11 =	vsub.f32 v6, v11;
	v3 =	vadd.f32 v4, v3;
	v4 =	vmul.f32 v5, v5  }
0x146: {  	v6 =	vld [tilespmem:s21+$0x640]  }
0x147: {  	[tilespmem:s21+$0x270] =	vst v5;
	v5 =	vsub.f32 v8, v9;
	v9 =	vld [tilespmem:s21+$0xC640];
	v3 =	vadd.f32 v4, v3;
	v4 =	vmul.f32 v11, v11  }
0x148: {  	v8 =	vld [tilespmem:s21+$0x660]  }
0x149: {  	[tilespmem:s21+$0x600] =	vst v11;
	v11 =	vsub.f32 v7, v10;
	v7 =	vld [tilespmem:s21+$0x650];
	v3 =	vadd.f32 v4, v3;
	v4 =	vmul.f32 v5, v5  }
0x14a: {  	[tilespmem:s21+$0x610] =	vst v5;
	v10 =	vld [tilespmem:s21+$0xC650]  }
0x14b: {  	s29 =	simm.s32 $0x100;
	s23 =	simm.s32 $0x80;
	[tilespmem:s21+$0x620] =	vst v11;
	v5 =	vmul.f32 v11, v11;
	v11 =	vld [tilespmem:s21+$0xC660];
	v4 =	vadd.f32 v4, v3;
	v3 =	vsub.f32 v13, v12  }
.LBB2_2:
0x14c: {  	s26 =	smov.u32 s29  }
0x14d: {  	s28 =	sand.u32 $0x3800, s29;
	s30 =	sand.u32 $0x380, s23;
	v4 =	vadd.f32 v5, v4;
	v5 =	vmul.f32 v3, v3;
	v6 =	vsub.f32 v9, v6;
	v9 =	vld [tilespmem:s21+$0x670];
	s26 =	sadd.s32 $0x100, s29  }
0x14e: {  	p0 =	sne.s32 s29, $0x3F00;
	s28 =	sor.u32 s30, s28;
	v12 =	vld [tilespmem:s21+$0xC670]  }
0x14f: {  	v4 =	vadd.f32 v5, v4;
	v5 =	vmul.f32 v6, v6;
	v13 =	vld [tilespmem:s28+$0x200];
	[tilespmem:s21+$0x640] =	vst v6;
	v6 =	vsub.f32 v10, v7  }
0x150: {  	v7 =	vld [tilespmem:s28+$0xC200]  }
0x151: {  	v4 =	vadd.f32 v5, v4;
	v10 =	vld [tilespmem:s28+$0x210];
	[tilespmem:s21+$0x650] =	vst v6;
	v5 =	vmul.f32 v6, v6;
	v6 =	vsub.f32 v11, v8  }
0x152: {  	v8 =	vld [tilespmem:s28+$0xC210]  }
0x153: {  	v11 =	vld [tilespmem:s28+$0x220];
	v4 =	vadd.f32 v5, v4;
	[tilespmem:s21+$0x660] =	vst v6;
	v5 =	vmul.f32 v6, v6;
	v6 =	vsub.f32 v12, v9  }
0x154: {  	v9 =	vld [tilespmem:s28+$0xC220]  }
0x155: {  	v7 =	vsub.f32 v7, v13;
	v12 =	vld [tilespmem:s28+$0x230];
	v4 =	vadd.f32 v5, v4;
	[tilespmem:s21+$0x670] =	vst v6;
	v5 =	vmul.f32 v6, v6  }
0x156: {  	v6 =	vld [tilespmem:s28+$0xC230]  }
0x157: {  	[tilespmem:s28+$0x200] =	vst v7;
	v7 =	vmul.f32 v7, v7;
	v8 =	vsub.f32 v8, v10;
	v10 =	vld [tilespmem:s28+$0x240];
	v4 =	vadd.f32 v5, v4  }
0x158: {  	v5 =	vld [tilespmem:s28+$0xC240]  }
0x159: {  	v4 =	vadd.f32 v7, v4;
	[tilespmem:s28+$0x210] =	vst v8;
	v7 =	vmul.f32 v8, v8;
	v8 =	vsub.f32 v9, v11;
	v9 =	vld [tilespmem:s28+$0x250]  }
0x15a: {  	v11 =	vld [tilespmem:s28+$0xC250]  }
0x15b: {  	v4 =	vadd.f32 v7, v4;
	[tilespmem:s28+$0x220] =	vst v8;
	v7 =	vmul.f32 v8, v8;
	v6 =	vsub.f32 v6, v12;
	v8 =	vld [tilespmem:s28+$0x260]  }
0x15c: {  	v12 =	vld [tilespmem:s28+$0xC260]  }
0x15d: {  	v4 =	vadd.f32 v7, v4;
	[tilespmem:s28+$0x230] =	vst v6;
	v6 =	vmul.f32 v6, v6;
	v5 =	vsub.f32 v5, v10;
	v7 =	vld [tilespmem:s28+$0x270]  }
0x15e: {  	v10 =	vld [tilespmem:s28+$0xC270]  }
0x15f: {  	v4 =	vadd.f32 v6, v4;
	[tilespmem:s28+$0x240] =	vst v5;
	v5 =	vmul.f32 v5, v5;
	v6 =	vsub.f32 v11, v9;
	v9 =	vld [tilespmem:s28+$0x600]  }
0x160: {  	v11 =	vld [tilespmem:s28+$0xC600]  }
0x161: {  	v4 =	vadd.f32 v5, v4;
	[tilespmem:s28+$0x250] =	vst v6;
	v5 =	vmul.f32 v6, v6;
	v6 =	vsub.f32 v12, v8;
	v8 =	vld [tilespmem:s28+$0x610]  }
0x162: {  	v12 =	vld [tilespmem:s28+$0xC610]  }
0x163: {  	v4 =	vadd.f32 v5, v4;
	[tilespmem:s28+$0x260] =	vst v6;
	v5 =	vmul.f32 v6, v6;
	v6 =	vsub.f32 v10, v7;
	v7 =	vld [tilespmem:s28+$0x620]  }
0x164: {  	v10 =	vld [tilespmem:s28+$0xC620];
	[tilespmem:s21+$0x630] =	vst v3;
	s21 =	smov.u32 s28  }
0x165: {  	v3 =	vadd.f32 v5, v4;
	[tilespmem:s21+$0x270] =	vst v6;
	v4 =	vmul.f32 v6, v6;
	v5 =	vsub.f32 v11, v9;
	v11 =	vld [tilespmem:s21+$0x630]  }
0x166: {  	v13 =	vld [tilespmem:s21+$0xC630]  }
0x167: {  	v3 =	vadd.f32 v4, v3;
	[tilespmem:s21+$0x600] =	vst v5;
	v4 =	vmul.f32 v5, v5;
	v5 =	vsub.f32 v12, v8;
	v6 =	vld [tilespmem:s21+$0x640]  }
.Ltmp0:
0x168: {  	v9 =	vld [tilespmem:s21+$0xC640];
	(pc) =	sbr.rel @p0 .LBB2_2-.Ltmp0, $4  }
0x169: {  	v3 =	vadd.f32 v4, v3;
	[tilespmem:s21+$0x610] =	vst v5;
	v4 =	vmul.f32 v5, v5;
	v5 =	vsub.f32 v10, v7;
	v7 =	vld [tilespmem:s21+$0x650]  }
0x16a: {  	v10 =	vld [tilespmem:s21+$0xC650]  }
0x16b: {  	v4 =	vadd.f32 v4, v3;
	[tilespmem:s21+$0x620] =	vst v5;
	v5 =	vmul.f32 v5, v5;
	v3 =	vsub.f32 v13, v11;
	v8 =	vld [tilespmem:s21+$0x660]  }
0x16c: {  	s23 =	sadd.s32 $0x80, s23;
	s29 =	smov.u32 s26;
	v11 =	vld [tilespmem:s21+$0xC660]  }
0x16d: {  	v12 =	vld [tilespmem:s21+$0x670]  }
0x16e: {  	v13 =	vld [tilespmem:s21+$0xC670];
	_ =	sdelay $0x1  }
0x16f: {  	v6 =	vsub.f32 v9, v6  }
0x170: {  	[tilespmem:s21+$0x630] =	vst v3;
	v7 =	vsub.f32 v10, v7  }
0x171: {  	[tilespmem:s21+$0x640] =	vst v6;
	v8 =	vsub.f32 v11, v8  }
0x172: {  	[tilespmem:s21+$0x650] =	vst v7;
	v9 =	vsub.f32 v13, v12  }
0x173: {  	[tilespmem:s21+$0x660] =	vst v8  }
0x174: {  	s23 =	rddreg [dreg:$0x7];
	[tilespmem:s21+$0x670] =	vst v9;
	s21 =	simm.s32 $0x0  }
0x175: {  	[hbm4b:s23+s21] =	stream.linear.scatter [tilespmem:s14], [sflag:$0xA], $0x4000, $0x38;
	[tilespmem:$0x18280] =	vst v63  }
0x176: {  	s26 =	rddreg [dreg:$0x8]  }
0x177: {  	[hbm4b:s26+s21] =	stream.linear.scatter [tilespmem:s25], [sflag:$0x7], $0x4000, $0x38;
	[tilespmem:$0x18280] =	vst v63  }
0x178: {  	_ =	swait.ge [sflag:s8], $0x4000  }
0x179: {  	[sflag:s8] =	ssyncset.done $0x0  }
0x17a: {  	[sflag:s8] =	ssyncadd.s32 $0xFFFFC000  }
0x17b: {  	_ =	swait.ge [sflag:s9], $0x4000  }
0x17c: {  	[sflag:s9] =	ssyncset.done $0x0  }
0x17d: {  	[sflag:s9] =	ssyncadd.s32 $0xFFFFC000  }
0x17e: {  	v10 =	vld [tilespmem:$0xC0];
	_ =	sdelay $0x4  }
0x17f: {  	v11 =	vshll.u32 v10, $0x1  }
0x180: {  	v10 =	vand.u32 $0x7, v10;
	v11 =	vand.u32 $0xFFFFFFF0, v11  }
0x181: {  	v10 =	vor.u32 v10, v11  }
0x182: {  	v11 =	vperm.xlane v10, v0;
	_ =	sdelay $0x1  }
0x183: {  	v10 =	vperm.xlane v10, v2;
	v11 =	vadd.s32 v1, v11;
	_ =	sdelay $0x1  }
0x184: {  	v10 =	vadd.s32 v1, v10;
	_ =	sdelay $0x2  }
0x185: {  	[tilespmem:s25], [sflag:$0x1] =	stream.indirect_vreg.gather [hbm4b:s1+s21], $0x80, v11, vm0, $0xb8;
	[tilespmem:$0x18280] =	vst v63  }
0x186: {  	s28 =	simm.s32 $0xA00  }
0x187: {  	[tilespmem:s28], [sflag:$0x1] =	stream.indirect_vreg.gather [hbm4b:s1+s21], $0x80, v10, vm0, $0xb8;
	[tilespmem:$0x18280] =	vst v63  }
0x188: {  	v10 =	vld [tilespmem:$0xD0];
	_ =	sdelay $0x4  }
0x189: {  	v11 =	vshll.u32 v10, $0x1  }
0x18a: {  	v10 =	vand.u32 $0x7, v10;
	v11 =	vand.u32 $0xFFFFFFF0, v11  }
0x18b: {  	v10 =	vor.u32 v10, v11  }
0x18c: {  	v11 =	vperm.xlane v10, v0;
	_ =	sdelay $0x1  }
0x18d: {  	v10 =	vperm.xlane v10, v2;
	v11 =	vadd.s32 v1, v11;
	_ =	sdelay $0x1  }
0x18e: {  	v10 =	vadd.s32 v1, v10;
	_ =	sdelay $0x1  }
0x18f: {  	s29 =	simm.s32 $0x1200  }
0x190: {  	[tilespmem:s29], [sflag:$0x1] =	stream.indirect_vreg.gather [hbm4b:s1+s21], $0x80, v11, vm0, $0xb8;
	[tilespmem:$0x18280] =	vst v63  }
0x191: {  	s30 =	simm.s32 $0x1A00  }
0x192: {  	[tilespmem:s30], [sflag:$0x1] =	stream.indirect_vreg.gather [hbm4b:s1+s21], $0x80, v10, vm0, $0xb8;
	[tilespmem:$0x18280] =	vst v63  }
0x193: {  	v10 =	vld [tilespmem:$0xE0];
	_ =	sdelay $0x4  }
0x194: {  	v11 =	vshll.u32 v10, $0x1  }
0x195: {  	v10 =	vand.u32 $0x7, v10;
	v11 =	vand.u32 $0xFFFFFFF0, v11  }
0x196: {  	v10 =	vor.u32 v10, v11  }
0x197: {  	v11 =	vperm.xlane v10, v0;
	_ =	sdelay $0x1  }
0x198: {  	v10 =	vperm.xlane v10, v2;
	v11 =	vadd.s32 v1, v11;
	_ =	sdelay $0x1  }
0x199: {  	v10 =	vadd.s32 v1, v10;
	_ =	sdelay $0x1  }
0x19a: {  	s26 =	simm.s32 $0x2200  }
0x19b: {  	[tilespmem:s26], [sflag:$0x1] =	stream.indirect_vreg.gather [hbm4b:s1+s21], $0x80, v11, vm0, $0xb8;
	[tilespmem:$0x18280] =	vst v63  }
0x19c: {  	s28 =	simm.s32 $0x2A00  }
0x19d: {  	[tilespmem:s28], [sflag:$0x1] =	stream.indirect_vreg.gather [hbm4b:s1+s21], $0x80, v10, vm0, $0xb8;
	[tilespmem:$0x18280] =	vst v63  }
0x19e: {  	v10 =	vld [tilespmem:$0xF0];
	_ =	sdelay $0x4  }
0x19f: {  	v11 =	vshll.u32 v10, $0x1  }
0x1a0: {  	v10 =	vand.u32 $0x7, v10;
	v11 =	vand.u32 $0xFFFFFFF0, v11  }
0x1a1: {  	v10 =	vor.u32 v10, v11  }
0x1a2: {  	v11 =	vperm.xlane v10, v0;
	_ =	sdelay $0x1  }
0x1a3: {  	v10 =	vperm.xlane v10, v2;
	v11 =	vadd.s32 v1, v11;
	_ =	sdelay $0x1  }
0x1a4: {  	v10 =	vadd.s32 v1, v10;
	_ =	sdelay $0x1  }
0x1a5: {  	s29 =	simm.s32 $0x3200  }
0x1a6: {  	[tilespmem:s29], [sflag:$0x1] =	stream.indirect_vreg.gather [hbm4b:s1+s21], $0x80, v11, vm0, $0xb8;
	[tilespmem:$0x18280] =	vst v63  }
0x1a7: {  	s30 =	simm.s32 $0x3A00  }
0x1a8: {  	[tilespmem:s30], [sflag:$0x1] =	stream.indirect_vreg.gather [hbm4b:s1+s21], $0x80, v10, vm0, $0xb8;
	[tilespmem:$0x18280] =	vst v63  }
0x1a9: {  	v10 =	vld [tilespmem:$0xC0];
	_ =	sdelay $0x4  }
0x1aa: {  	v11 =	vshll.u32 v10, $0x1  }
0x1ab: {  	v10 =	vand.u32 $0x7, v10;
	v11 =	vand.u32 $0xFFFFFFF0, v11  }
0x1ac: {  	v10 =	vor.u32 v10, v11  }
0x1ad: {  	v11 =	vperm.xlane v10, v0;
	_ =	sdelay $0x1  }
0x1ae: {  	v10 =	vperm.xlane v10, v2;
	v11 =	vadd.s32 v1, v11;
	_ =	sdelay $0x1  }
0x1af: {  	v10 =	vadd.s32 v1, v10;
	_ =	sdelay $0x2  }
0x1b0: {  	[tilespmem:s14], [sflag:$0x4] =	stream.indirect_vreg.gather [hbm4b:s4+s21], $0x80, v11, vm0, $0xb8;
	[tilespmem:$0x18280] =	vst v63  }
0x1b1: {  	s26 =	simm.s32 $0xCA00  }
0x1b2: {  	[tilespmem:s26], [sflag:$0x4] =	stream.indirect_vreg.gather [hbm4b:s4+s21], $0x80, v10, vm0, $0xb8;
	[tilespmem:$0x18280] =	vst v63  }
0x1b3: {  	v10 =	vld [tilespmem:$0xD0];
	_ =	sdelay $0x4  }
0x1b4: {  	v11 =	vshll.u32 v10, $0x1  }
0x1b5: {  	v10 =	vand.u32 $0x7, v10;
	v11 =	vand.u32 $0xFFFFFFF0, v11  }
0x1b6: {  	v10 =	vor.u32 v10, v11  }
0x1b7: {  	v11 =	vperm.xlane v10, v0;
	_ =	sdelay $0x1  }
0x1b8: {  	v10 =	vperm.xlane v10, v2;
	v11 =	vadd.s32 v1, v11;
	_ =	sdelay $0x1  }
0x1b9: {  	v10 =	vadd.s32 v1, v10;
	_ =	sdelay $0x1  }
0x1ba: {  	s28 =	simm.s32 $0xD200  }
0x1bb: {  	[tilespmem:s28], [sflag:$0x4] =	stream.indirect_vreg.gather [hbm4b:s4+s21], $0x80, v11, vm0, $0xb8;
	[tilespmem:$0x18280] =	vst v63  }
0x1bc: {  	s29 =	simm.s32 $0xDA00  }
0x1bd: {  	[tilespmem:s29], [sflag:$0x4] =	stream.indirect_vreg.gather [hbm4b:s4+s21], $0x80, v10, vm0, $0xb8;
	[tilespmem:$0x18280] =	vst v63  }
0x1be: {  	v10 =	vld [tilespmem:$0xE0];
	_ =	sdelay $0x4  }
0x1bf: {  	v11 =	vshll.u32 v10, $0x1  }
0x1c0: {  	v10 =	vand.u32 $0x7, v10;
	v11 =	vand.u32 $0xFFFFFFF0, v11  }
0x1c1: {  	v10 =	vor.u32 v10, v11  }
0x1c2: {  	v11 =	vperm.xlane v10, v0;
	_ =	sdelay $0x1  }
0x1c3: {  	v10 =	vperm.xlane v10, v2;
	v11 =	vadd.s32 v1, v11;
	_ =	sdelay $0x1  }
0x1c4: {  	v10 =	vadd.s32 v1, v10;
	_ =	sdelay $0x1  }
0x1c5: {  	s30 =	simm.s32 $0xE200  }
0x1c6: {  	[tilespmem:s30], [sflag:$0x4] =	stream.indirect_vreg.gather [hbm4b:s4+s21], $0x80, v11, vm0, $0xb8;
	[tilespmem:$0x18280] =	vst v63  }
0x1c7: {  	s26 =	simm.s32 $0xEA00  }
0x1c8: {  	[tilespmem:s26], [sflag:$0x4] =	stream.indirect_vreg.gather [hbm4b:s4+s21], $0x80, v10, vm0, $0xb8;
	[tilespmem:$0x18280] =	vst v63  }
0x1c9: {  	v10 =	vld [tilespmem:$0xF0];
	_ =	sdelay $0x4  }
0x1ca: {  	v11 =	vshll.u32 v10, $0x1  }
0x1cb: {  	v10 =	vand.u32 $0x7, v10;
	v11 =	vand.u32 $0xFFFFFFF0, v11  }
0x1cc: {  	v10 =	vor.u32 v10, v11  }
0x1cd: {  	v11 =	vperm.xlane v10, v0;
	_ =	sdelay $0x1  }
0x1ce: {  	v10 =	vperm.xlane v10, v2;
	v11 =	vadd.s32 v1, v11;
	_ =	sdelay $0x1  }
0x1cf: {  	v10 =	vadd.s32 v1, v10;
	_ =	sdelay $0x1  }
0x1d0: {  	s28 =	simm.s32 $0xF200  }
0x1d1: {  	[tilespmem:s28], [sflag:$0x4] =	stream.indirect_vreg.gather [hbm4b:s4+s21], $0x80, v11, vm0, $0xb8;
	[tilespmem:$0x18280] =	vst v63  }
0x1d2: {  	s29 =	simm.s32 $0xFA00  }
0x1d3: {  	[tilespmem:s29], [sflag:$0x4] =	stream.indirect_vreg.gather [hbm4b:s4+s21], $0x80, v10, vm0, $0xb8;
	[tilespmem:$0x18280] =	vst v63  }
0x1d4: {  	_ =	swait.ge [sflag:s10], $0x4000  }
0x1d5: {  	[sflag:s10] =	ssyncset.done $0x0  }
0x1d6: {  	[sflag:s10] =	ssyncadd.s32 $0xFFFFC000  }
0x1d7: {  	_ =	swait.ge [sflag:s11], $0x4000  }
0x1d8: {  	v4 =	vadd.f32 v5, v4;
	v3 =	vmul.f32 v3, v3;
	s30 =	sand.u32 $0x3800, s21;
	s21 =	sand.u32 $0x380, s21;
	[sflag:s11] =	ssyncset.done $0x0  }
0x1d9: {  	s21 =	sor.u32 s21, s30;
	[sflag:s11] =	ssyncadd.s32 $0xFFFFC000  }
0x1da: {  	v3 =	vadd.f32 v3, v4;
	v4 =	vmul.f32 v6, v6;
	v5 =	vld [tilespmem:s21+$0x4200]  }
0x1db: {  	v6 =	vld [tilespmem:s21+$0x10200]  }
0x1dc: {  	v3 =	vadd.f32 v4, v3;
	v4 =	vmul.f32 v7, v7;
	v10 =	vld [tilespmem:s21+$0x4210]  }
0x1dd: {  	v7 =	vld [tilespmem:s21+$0x10210]  }
0x1de: {  	v3 =	vadd.f32 v4, v3;
	v4 =	vmul.f32 v8, v8;
	v11 =	vld [tilespmem:s21+$0x4220]  }
0x1df: {  	v8 =	vld [tilespmem:s21+$0x10220]  }
0x1e0: {  	v3 =	vadd.f32 v4, v3;
	v4 =	vmul.f32 v9, v9;
	v9 =	vld [tilespmem:s21+$0x10230]  }
0x1e1: {  	v62 =	vld [tilespmem:s21+$0x10630];
	v5 =	vsub.f32 v6, v5  }
0x1e2: {  	v6 =	vld [tilespmem:s21+$0x4230]  }
0x1e3: {  	v3 =	vadd.f32 v4, v3;
	v7 =	vsub.f32 v7, v10;
	v10 =	vld [tilespmem:s21+$0x4240];
	v4 =	vmul.f32 v5, v5  }
0x1e4: {  	[tilespmem:s21+$0x4200] =	vst v5;
	v5 =	vld [tilespmem:s21+$0x10240]  }
0x1e5: {  	v8 =	vsub.f32 v8, v11;
	v11 =	vld [tilespmem:s21+$0x4250];
	v3 =	vadd.f32 v4, v3;
	v4 =	vmul.f32 v7, v7  }
0x1e6: {  	[tilespmem:s21+$0x4210] =	vst v7;
	v7 =	vld [tilespmem:s21+$0x10250]  }
0x1e7: {  	v6 =	vsub.f32 v9, v6;
	v9 =	vld [tilespmem:s21+$0x4260];
	v3 =	vadd.f32 v4, v3;
	v4 =	vmul.f32 v8, v8  }
0x1e8: {  	[tilespmem:s21+$0x4220] =	vst v8;
	v8 =	vld [tilespmem:s21+$0x10260]  }
0x1e9: {  	v5 =	vsub.f32 v5, v10;
	v10 =	vld [tilespmem:s21+$0x4270];
	v3 =	vadd.f32 v4, v3;
	v4 =	vmul.f32 v6, v6  }
0x1ea: {  	[tilespmem:s21+$0x4230] =	vst v6;
	v6 =	vld [tilespmem:s21+$0x10270]  }
0x1eb: {  	v7 =	vsub.f32 v7, v11;
	v11 =	vld [tilespmem:s21+$0x4600];
	v3 =	vadd.f32 v4, v3;
	v4 =	vmul.f32 v5, v5  }
0x1ec: {  	[tilespmem:s21+$0x4240] =	vst v5;
	v5 =	vld [tilespmem:s21+$0x10600]  }
0x1ed: {  	v8 =	vsub.f32 v8, v9;
	v9 =	vld [tilespmem:s21+$0x4610];
	v3 =	vadd.f32 v4, v3;
	v4 =	vmul.f32 v7, v7  }
0x1ee: {  	[tilespmem:s21+$0x4250] =	vst v7;
	v7 =	vld [tilespmem:s21+$0x10610]  }
0x1ef: {  	v6 =	vsub.f32 v6, v10;
	v10 =	vld [tilespmem:s21+$0x4620];
	v3 =	vadd.f32 v4, v3;
	v4 =	vmul.f32 v8, v8  }
0x1f0: {  	[tilespmem:s21+$0x4260] =	vst v8;
	v8 =	vld [tilespmem:s21+$0x10620]  }
0x1f1: {  	v5 =	vsub.f32 v5, v11;
	v11 =	vld [tilespmem:s21+$0x4630];
	v3 =	vadd.f32 v4, v3;
	v4 =	vmul.f32 v6, v6  }
0x1f2: {  	[tilespmem:s21+$0x4270] =	vst v6;
	v6 =	vld [tilespmem:s21+$0x4640]  }
0x1f3: {  	v63 =	vsub.f32 v7, v9;
	v9 =	vld [tilespmem:s21+$0x10640];
	v3 =	vadd.f32 v4, v3;
	v4 =	vmul.f32 v5, v5  }
0x1f4: {  	v7 =	vld [tilespmem:s21+$0x4650]  }
0x1f5: {  	[tilespmem:s21+$0x4600] =	vst v5;
	v5 =	vsub.f32 v8, v10;
	v10 =	vld [tilespmem:s21+$0x10650];
	v3 =	vadd.f32 v4, v3;
	v4 =	vmul.f32 v63, v63  }
0x1f6: {  	[tilespmem:s21+$0x4610] =	vst v63;
	v8 =	vld [tilespmem:s21+$0x4660]  }
0x1f7: {  	s23 =	simm.s32 $0x80;
	s26 =	simm.s32 $0x100;
	[tilespmem:s21+$0x4620] =	vst v5;
	v5 =	vmul.f32 v5, v5;
	v4 =	vadd.f32 v4, v3;
	v3 =	vsub.f32 v62, v11;
	v11 =	vld [tilespmem:s21+$0x10660]  }
.LBB2_4:
0x1f8: {  	s29 =	smov.u32 s26  }
0x1f9: {  	s28 =	sand.u32 $0x3800, s26;
	s30 =	sand.u32 $0x380, s23;
	v4 =	vadd.f32 v5, v4;
	v5 =	vmul.f32 v3, v3;
	v6 =	vsub.f32 v9, v6;
	v9 =	vld [tilespmem:s21+$0x4670];
	s29 =	sadd.s32 $0x100, s26  }
0x1fa: {  	p0 =	sne.s32 s26, $0x3F00;
	s28 =	sor.u32 s30, s28;
	v12 =	vld [tilespmem:s21+$0x10670]  }
0x1fb: {  	v4 =	vadd.f32 v5, v4;
	v5 =	vmul.f32 v6, v6;
	v13 =	vld [tilespmem:s28+$0x4200];
	[tilespmem:s21+$0x4640] =	vst v6;
	v6 =	vsub.f32 v10, v7  }
0x1fc: {  	v7 =	vld [tilespmem:s28+$0x10200]  }
0x1fd: {  	v4 =	vadd.f32 v5, v4;
	v10 =	vld [tilespmem:s28+$0x4210];
	[tilespmem:s21+$0x4650] =	vst v6;
	v5 =	vmul.f32 v6, v6;
	v6 =	vsub.f32 v11, v8  }
0x1fe: {  	v8 =	vld [tilespmem:s28+$0x10210]  }
0x1ff: {  	v11 =	vld [tilespmem:s28+$0x4220];
	v4 =	vadd.f32 v5, v4;
	[tilespmem:s21+$0x4660] =	vst v6;
	v5 =	vmul.f32 v6, v6;
	v6 =	vsub.f32 v12, v9  }
0x200: {  	v9 =	vld [tilespmem:s28+$0x10220]  }
0x201: {  	v7 =	vsub.f32 v7, v13;
	v12 =	vld [tilespmem:s28+$0x4230];
	v4 =	vadd.f32 v5, v4;
	[tilespmem:s21+$0x4670] =	vst v6;
	v5 =	vmul.f32 v6, v6  }
0x202: {  	v6 =	vld [tilespmem:s28+$0x10230]  }
0x203: {  	[tilespmem:s28+$0x4200] =	vst v7;
	v7 =	vmul.f32 v7, v7;
	v8 =	vsub.f32 v8, v10;
	v10 =	vld [tilespmem:s28+$0x4240];
	v4 =	vadd.f32 v5, v4  }
0x204: {  	v5 =	vld [tilespmem:s28+$0x10240]  }
0x205: {  	v4 =	vadd.f32 v7, v4;
	[tilespmem:s28+$0x4210] =	vst v8;
	v7 =	vmul.f32 v8, v8;
	v8 =	vsub.f32 v9, v11;
	v9 =	vld [tilespmem:s28+$0x4250]  }
0x206: {  	v11 =	vld [tilespmem:s28+$0x10250]  }
0x207: {  	v4 =	vadd.f32 v7, v4;
	[tilespmem:s28+$0x4220] =	vst v8;
	v7 =	vmul.f32 v8, v8;
	v6 =	vsub.f32 v6, v12;
	v8 =	vld [tilespmem:s28+$0x4260]  }
0x208: {  	v12 =	vld [tilespmem:s28+$0x10260]  }
0x209: {  	v4 =	vadd.f32 v7, v4;
	[tilespmem:s28+$0x4230] =	vst v6;
	v6 =	vmul.f32 v6, v6;
	v5 =	vsub.f32 v5, v10;
	v7 =	vld [tilespmem:s28+$0x4270]  }
0x20a: {  	v10 =	vld [tilespmem:s28+$0x10270]  }
0x20b: {  	v4 =	vadd.f32 v6, v4;
	[tilespmem:s28+$0x4240] =	vst v5;
	v5 =	vmul.f32 v5, v5;
	v6 =	vsub.f32 v11, v9;
	v9 =	vld [tilespmem:s28+$0x4600]  }
0x20c: {  	v11 =	vld [tilespmem:s28+$0x10600]  }
0x20d: {  	v4 =	vadd.f32 v5, v4;
	[tilespmem:s28+$0x4250] =	vst v6;
	v5 =	vmul.f32 v6, v6;
	v6 =	vsub.f32 v12, v8;
	v8 =	vld [tilespmem:s28+$0x4610]  }
0x20e: {  	v12 =	vld [tilespmem:s28+$0x10610]  }
0x20f: {  	v4 =	vadd.f32 v5, v4;
	[tilespmem:s28+$0x4260] =	vst v6;
	v5 =	vmul.f32 v6, v6;
	v6 =	vsub.f32 v10, v7;
	v7 =	vld [tilespmem:s28+$0x4620]  }
0x210: {  	v10 =	vld [tilespmem:s28+$0x10620];
	[tilespmem:s21+$0x4630] =	vst v3;
	s21 =	smov.u32 s28  }
0x211: {  	v3 =	vadd.f32 v5, v4;
	[tilespmem:s21+$0x4270] =	vst v6;
	v4 =	vmul.f32 v6, v6;
	v5 =	vsub.f32 v11, v9;
	v11 =	vld [tilespmem:s21+$0x4630]  }
0x212: {  	v13 =	vld [tilespmem:s21+$0x10630]  }
0x213: {  	v3 =	vadd.f32 v4, v3;
	[tilespmem:s21+$0x4600] =	vst v5;
	v4 =	vmul.f32 v5, v5;
	v5 =	vsub.f32 v12, v8;
	v6 =	vld [tilespmem:s21+$0x4640]  }
.Ltmp1:
0x214: {  	v9 =	vld [tilespmem:s21+$0x10640];
	(pc) =	sbr.rel @p0 .LBB2_4-.Ltmp1, $4  }
0x215: {  	v3 =	vadd.f32 v4, v3;
	[tilespmem:s21+$0x4610] =	vst v5;
	v4 =	vmul.f32 v5, v5;
	v5 =	vsub.f32 v10, v7;
	v7 =	vld [tilespmem:s21+$0x4650]  }
0x216: {  	v10 =	vld [tilespmem:s21+$0x10650]  }
0x217: {  	v4 =	vadd.f32 v4, v3;
	[tilespmem:s21+$0x4620] =	vst v5;
	v5 =	vmul.f32 v5, v5;
	v3 =	vsub.f32 v13, v11;
	v8 =	vld [tilespmem:s21+$0x4660]  }
0x218: {  	s23 =	sadd.s32 $0x80, s23;
	s26 =	smov.u32 s29;
	v11 =	vld [tilespmem:s21+$0x10660]  }
0x219: {  	v12 =	vld [tilespmem:s21+$0x4670]  }
0x21a: {  	v13 =	vld [tilespmem:s21+$0x10670];
	_ =	sdelay $0x1  }
0x21b: {  	v6 =	vsub.f32 v9, v6  }
0x21c: {  	[tilespmem:s21+$0x4630] =	vst v3;
	v7 =	vsub.f32 v10, v7  }
0x21d: {  	[tilespmem:s21+$0x4640] =	vst v6;
	v8 =	vsub.f32 v11, v8  }
0x21e: {  	[tilespmem:s21+$0x4650] =	vst v7;
	v9 =	vsub.f32 v13, v12  }
0x21f: {  	[tilespmem:s21+$0x4660] =	vst v8  }
0x220: {  	s23 =	rddreg [dreg:$0x9];
	[tilespmem:s21+$0x4670] =	vst v9;
	s21 =	simm.s32 $0x0  }
0x221: {  	[hbm4b:s23+s21] =	stream.linear.scatter [tilespmem:s22], [sflag:$0xB], $0x4000, $0x38;
	[tilespmem:$0x18280] =	vst v63  }
0x222: {  	s28 =	rddreg [dreg:$0xa]  }
0x223: {  	[hbm4b:s28+s21] =	stream.linear.scatter [tilespmem:s5], [sflag:$0x8], $0x4000, $0x38;
	[tilespmem:$0x18280] =	vst v63  }
0x224: {  	_ =	swait.ge [sflag:s12], $0x4000  }
0x225: {  	[sflag:s12] =	ssyncset.done $0x0  }
0x226: {  	[sflag:s12] =	ssyncadd.s32 $0xFFFFC000  }
0x227: {  	_ =	swait.ge [sflag:s15], $0x4000  }
0x228: {  	[sflag:s15] =	ssyncset.done $0x0  }
0x229: {  	[sflag:s15] =	ssyncadd.s32 $0xFFFFC000  }
0x22a: {  	v10 =	vld [tilespmem:$0x100];
	_ =	sdelay $0x4  }
0x22b: {  	v11 =	vshll.u32 v10, $0x1  }
0x22c: {  	v10 =	vand.u32 $0x7, v10;
	v11 =	vand.u32 $0xFFFFFFF0, v11  }
0x22d: {  	v10 =	vor.u32 v10, v11  }
0x22e: {  	v11 =	vperm.xlane v10, v0;
	_ =	sdelay $0x1  }
0x22f: {  	v10 =	vperm.xlane v10, v2;
	v11 =	vadd.s32 v1, v11;
	_ =	sdelay $0x1  }
0x230: {  	v10 =	vadd.s32 v1, v10;
	_ =	sdelay $0x2  }
0x231: {  	[tilespmem:s5], [sflag:$0x2] =	stream.indirect_vreg.gather [hbm4b:s1+s21], $0x80, v11, vm0, $0xb8;
	[tilespmem:$0x18280] =	vst v63  }
0x232: {  	s30 =	simm.s32 $0x4A00  }
0x233: {  	[tilespmem:s30], [sflag:$0x2] =	stream.indirect_vreg.gather [hbm4b:s1+s21], $0x80, v10, vm0, $0xb8;
	[tilespmem:$0x18280] =	vst v63  }
0x234: {  	v10 =	vld [tilespmem:$0x110];
	_ =	sdelay $0x4  }
0x235: {  	v11 =	vshll.u32 v10, $0x1  }
0x236: {  	v10 =	vand.u32 $0x7, v10;
	v11 =	vand.u32 $0xFFFFFFF0, v11  }
0x237: {  	v10 =	vor.u32 v10, v11  }
0x238: {  	v11 =	vperm.xlane v10, v0;
	_ =	sdelay $0x1  }
0x239: {  	v10 =	vperm.xlane v10, v2;
	v11 =	vadd.s32 v1, v11;
	_ =	sdelay $0x1  }
0x23a: {  	v10 =	vadd.s32 v1, v10;
	_ =	sdelay $0x1  }
0x23b: {  	s26 =	simm.s32 $0x5200  }
0x23c: {  	[tilespmem:s26], [sflag:$0x2] =	stream.indirect_vreg.gather [hbm4b:s1+s21], $0x80, v11, vm0, $0xb8;
	[tilespmem:$0x18280] =	vst v63  }
0x23d: {  	s28 =	simm.s32 $0x5A00  }
0x23e: {  	[tilespmem:s28], [sflag:$0x2] =	stream.indirect_vreg.gather [hbm4b:s1+s21], $0x80, v10, vm0, $0xb8;
	[tilespmem:$0x18280] =	vst v63  }
0x23f: {  	v10 =	vld [tilespmem:$0x120];
	_ =	sdelay $0x4  }
0x240: {  	v11 =	vshll.u32 v10, $0x1  }
0x241: {  	v10 =	vand.u32 $0x7, v10;
	v11 =	vand.u32 $0xFFFFFFF0, v11  }
0x242: {  	v10 =	vor.u32 v10, v11  }
0x243: {  	v11 =	vperm.xlane v10, v0;
	_ =	sdelay $0x1  }
0x244: {  	v10 =	vperm.xlane v10, v2;
	v11 =	vadd.s32 v1, v11;
	_ =	sdelay $0x1  }
0x245: {  	v10 =	vadd.s32 v1, v10;
	_ =	sdelay $0x1  }
0x246: {  	s30 =	simm.s32 $0x6200  }
0x247: {  	[tilespmem:s30], [sflag:$0x2] =	stream.indirect_vreg.gather [hbm4b:s1+s21], $0x80, v11, vm0, $0xb8;
	[tilespmem:$0x18280] =	vst v63  }
0x248: {  	s26 =	simm.s32 $0x6A00  }
0x249: {  	[tilespmem:s26], [sflag:$0x2] =	stream.indirect_vreg.gather [hbm4b:s1+s21], $0x80, v10, vm0, $0xb8;
	[tilespmem:$0x18280] =	vst v63  }
0x24a: {  	v10 =	vld [tilespmem:$0x130];
	_ =	sdelay $0x4  }
0x24b: {  	v11 =	vshll.u32 v10, $0x1  }
0x24c: {  	v10 =	vand.u32 $0x7, v10;
	v11 =	vand.u32 $0xFFFFFFF0, v11  }
0x24d: {  	v10 =	vor.u32 v10, v11  }
0x24e: {  	v11 =	vperm.xlane v10, v0;
	_ =	sdelay $0x1  }
0x24f: {  	v10 =	vperm.xlane v10, v2;
	v11 =	vadd.s32 v1, v11;
	_ =	sdelay $0x1  }
0x250: {  	v10 =	vadd.s32 v1, v10;
	_ =	sdelay $0x1  }
0x251: {  	s28 =	simm.s32 $0x7200  }
0x252: {  	[tilespmem:s28], [sflag:$0x2] =	stream.indirect_vreg.gather [hbm4b:s1+s21], $0x80, v11, vm0, $0xb8;
	[tilespmem:$0x18280] =	vst v63  }
0x253: {  	s30 =	simm.s32 $0x7A00  }
0x254: {  	[tilespmem:s30], [sflag:$0x2] =	stream.indirect_vreg.gather [hbm4b:s1+s21], $0x80, v10, vm0, $0xb8;
	[tilespmem:$0x18280] =	vst v63  }
0x255: {  	v10 =	vld [tilespmem:$0x100];
	_ =	sdelay $0x4  }
0x256: {  	v11 =	vshll.u32 v10, $0x1  }
0x257: {  	v10 =	vand.u32 $0x7, v10;
	v11 =	vand.u32 $0xFFFFFFF0, v11  }
0x258: {  	v10 =	vor.u32 v10, v11  }
0x259: {  	v11 =	vperm.xlane v10, v0;
	_ =	sdelay $0x1  }
0x25a: {  	v10 =	vperm.xlane v10, v2;
	v11 =	vadd.s32 v1, v11;
	_ =	sdelay $0x1  }
0x25b: {  	v10 =	vadd.s32 v1, v10;
	_ =	sdelay $0x2  }
0x25c: {  	[tilespmem:s22], [sflag:$0x5] =	stream.indirect_vreg.gather [hbm4b:s4+s21], $0x80, v11, vm0, $0xb8;
	[tilespmem:$0x18280] =	vst v63  }
0x25d: {  	s26 =	simm.s32 $0x10A00  }
0x25e: {  	[tilespmem:s26], [sflag:$0x5] =	stream.indirect_vreg.gather [hbm4b:s4+s21], $0x80, v10, vm0, $0xb8;
	[tilespmem:$0x18280] =	vst v63  }
0x25f: {  	v10 =	vld [tilespmem:$0x110];
	_ =	sdelay $0x4  }
0x260: {  	v11 =	vshll.u32 v10, $0x1  }
0x261: {  	v10 =	vand.u32 $0x7, v10;
	v11 =	vand.u32 $0xFFFFFFF0, v11  }
0x262: {  	v10 =	vor.u32 v10, v11  }
0x263: {  	v11 =	vperm.xlane v10, v0;
	_ =	sdelay $0x1  }
0x264: {  	v10 =	vperm.xlane v10, v2;
	v11 =	vadd.s32 v1, v11;
	_ =	sdelay $0x1  }
0x265: {  	v10 =	vadd.s32 v1, v10;
	_ =	sdelay $0x1  }
0x266: {  	s28 =	simm.s32 $0x11200  }
0x267: {  	[tilespmem:s28], [sflag:$0x5] =	stream.indirect_vreg.gather [hbm4b:s4+s21], $0x80, v11, vm0, $0xb8;
	[tilespmem:$0x18280] =	vst v63  }
0x268: {  	s30 =	simm.s32 $0x11A00  }
0x269: {  	[tilespmem:s30], [sflag:$0x5] =	stream.indirect_vreg.gather [hbm4b:s4+s21], $0x80, v10, vm0, $0xb8;
	[tilespmem:$0x18280] =	vst v63  }
0x26a: {  	v10 =	vld [tilespmem:$0x120];
	_ =	sdelay $0x4  }
0x26b: {  	v11 =	vshll.u32 v10, $0x1  }
0x26c: {  	v10 =	vand.u32 $0x7, v10;
	v11 =	vand.u32 $0xFFFFFFF0, v11  }
0x26d: {  	v10 =	vor.u32 v10, v11  }
0x26e: {  	v11 =	vperm.xlane v10, v0;
	_ =	sdelay $0x1  }
0x26f: {  	v10 =	vperm.xlane v10, v2;
	v11 =	vadd.s32 v1, v11;
	_ =	sdelay $0x1  }
0x270: {  	v10 =	vadd.s32 v1, v10;
	_ =	sdelay $0x1  }
0x271: {  	s26 =	simm.s32 $0x12200  }
0x272: {  	[tilespmem:s26], [sflag:$0x5] =	stream.indirect_vreg.gather [hbm4b:s4+s21], $0x80, v11, vm0, $0xb8;
	[tilespmem:$0x18280] =	vst v63  }
0x273: {  	s28 =	simm.s32 $0x12A00  }
0x274: {  	[tilespmem:s28], [sflag:$0x5] =	stream.indirect_vreg.gather [hbm4b:s4+s21], $0x80, v10, vm0, $0xb8;
	[tilespmem:$0x18280] =	vst v63  }
0x275: {  	v10 =	vld [tilespmem:$0x130];
	_ =	sdelay $0x4  }
0x276: {  	v11 =	vshll.u32 v10, $0x1  }
0x277: {  	v10 =	vand.u32 $0x7, v10;
	v11 =	vand.u32 $0xFFFFFFF0, v11  }
0x278: {  	v10 =	vor.u32 v10, v11  }
0x279: {  	v11 =	vperm.xlane v10, v0;
	_ =	sdelay $0x1  }
0x27a: {  	v10 =	vperm.xlane v10, v2;
	v11 =	vadd.s32 v1, v11;
	_ =	sdelay $0x1  }
0x27b: {  	v10 =	vadd.s32 v1, v10;
	_ =	sdelay $0x2  }
0x27c: {  	[tilespmem:s31], [sflag:$0x5] =	stream.indirect_vreg.gather [hbm4b:s4+s21], $0x80, v11, vm0, $0xb8;
	[tilespmem:$0x18280] =	vst v63  }
0x27d: {  	_ = 	snop  }
0x27e: {  	[tilespmem:s0], [sflag:$0x5] =	stream.indirect_vreg.gather [hbm4b:s4+s21], $0x80, v10, vm0, $0xb8;
	[tilespmem:$0x18280] =	vst v63  }
0x27f: {  	_ =	swait.ge [sflag:s16], $0x4000  }
0x280: {  	[sflag:s16] =	ssyncset.done $0x0  }
0x281: {  	[sflag:s16] =	ssyncadd.s32 $0xFFFFC000  }
0x282: {  	_ =	swait.ge [sflag:s17], $0x4000  }
0x283: {  	v4 =	vadd.f32 v5, v4;
	v3 =	vmul.f32 v3, v3;
	s30 =	sand.u32 $0x3800, s21;
	s21 =	sand.u32 $0x380, s21;
	[sflag:s17] =	ssyncset.done $0x0  }
0x284: {  	s21 =	sor.u32 s21, s30;
	[sflag:s17] =	ssyncadd.s32 $0xFFFFC000  }
0x285: {  	v3 =	vadd.f32 v3, v4;
	v4 =	vmul.f32 v6, v6;
	v5 =	vld [tilespmem:s21+$0x8200]  }
0x286: {  	v6 =	vld [tilespmem:s21+$0x14200]  }
0x287: {  	v3 =	vadd.f32 v4, v3;
	v4 =	vmul.f32 v7, v7;
	v10 =	vld [tilespmem:s21+$0x8210]  }
0x288: {  	v7 =	vld [tilespmem:s21+$0x14210]  }
0x289: {  	v3 =	vadd.f32 v4, v3;
	v4 =	vmul.f32 v8, v8;
	v11 =	vld [tilespmem:s21+$0x8220]  }
0x28a: {  	v8 =	vld [tilespmem:s21+$0x14220]  }
0x28b: {  	v3 =	vadd.f32 v4, v3;
	v4 =	vmul.f32 v9, v9;
	v9 =	vld [tilespmem:s21+$0x14230]  }
0x28c: {  	v62 =	vld [tilespmem:s21+$0x14630];
	v5 =	vsub.f32 v6, v5  }
0x28d: {  	v6 =	vld [tilespmem:s21+$0x8230]  }
0x28e: {  	v3 =	vadd.f32 v4, v3;
	v7 =	vsub.f32 v7, v10;
	v10 =	vld [tilespmem:s21+$0x8240];
	v4 =	vmul.f32 v5, v5  }
0x28f: {  	[tilespmem:s21+$0x8200] =	vst v5;
	v5 =	vld [tilespmem:s21+$0x14240]  }
0x290: {  	v8 =	vsub.f32 v8, v11;
	v11 =	vld [tilespmem:s21+$0x8250];
	v3 =	vadd.f32 v4, v3;
	v4 =	vmul.f32 v7, v7  }
0x291: {  	[tilespmem:s21+$0x8210] =	vst v7;
	v7 =	vld [tilespmem:s21+$0x14250]  }
0x292: {  	v6 =	vsub.f32 v9, v6;
	v9 =	vld [tilespmem:s21+$0x8260];
	v3 =	vadd.f32 v4, v3;
	v4 =	vmul.f32 v8, v8  }
0x293: {  	[tilespmem:s21+$0x8220] =	vst v8;
	v8 =	vld [tilespmem:s21+$0x14260]  }
0x294: {  	v5 =	vsub.f32 v5, v10;
	v10 =	vld [tilespmem:s21+$0x8270];
	v3 =	vadd.f32 v4, v3;
	v4 =	vmul.f32 v6, v6  }
0x295: {  	[tilespmem:s21+$0x8230] =	vst v6;
	v6 =	vld [tilespmem:s21+$0x14270]  }
0x296: {  	v7 =	vsub.f32 v7, v11;
	v11 =	vld [tilespmem:s21+$0x8600];
	v3 =	vadd.f32 v4, v3;
	v4 =	vmul.f32 v5, v5  }
0x297: {  	[tilespmem:s21+$0x8240] =	vst v5;
	v5 =	vld [tilespmem:s21+$0x14600]  }
0x298: {  	v8 =	vsub.f32 v8, v9;
	v9 =	vld [tilespmem:s21+$0x8610];
	v3 =	vadd.f32 v4, v3;
	v4 =	vmul.f32 v7, v7  }
0x299: {  	[tilespmem:s21+$0x8250] =	vst v7;
	v7 =	vld [tilespmem:s21+$0x14610]  }
0x29a: {  	v6 =	vsub.f32 v6, v10;
	v10 =	vld [tilespmem:s21+$0x8620];
	v3 =	vadd.f32 v4, v3;
	v4 =	vmul.f32 v8, v8  }
0x29b: {  	[tilespmem:s21+$0x8260] =	vst v8;
	v8 =	vld [tilespmem:s21+$0x14620]  }
0x29c: {  	v5 =	vsub.f32 v5, v11;
	v11 =	vld [tilespmem:s21+$0x8630];
	v3 =	vadd.f32 v4, v3;
	v4 =	vmul.f32 v6, v6  }
0x29d: {  	[tilespmem:s21+$0x8270] =	vst v6;
	v6 =	vld [tilespmem:s21+$0x8640]  }
0x29e: {  	v63 =	vsub.f32 v7, v9;
	v9 =	vld [tilespmem:s21+$0x14640];
	v3 =	vadd.f32 v4, v3;
	v4 =	vmul.f32 v5, v5  }
0x29f: {  	v7 =	vld [tilespmem:s21+$0x8650]  }
0x2a0: {  	[tilespmem:s21+$0x8600] =	vst v5;
	v5 =	vsub.f32 v8, v10;
	v10 =	vld [tilespmem:s21+$0x14650];
	v3 =	vadd.f32 v4, v3;
	v4 =	vmul.f32 v63, v63  }
0x2a1: {  	[tilespmem:s21+$0x8610] =	vst v63;
	v8 =	vld [tilespmem:s21+$0x8660]  }
0x2a2: {  	s29 =	simm.s32 $0x100;
	s23 =	simm.s32 $0x80;
	[tilespmem:s21+$0x8620] =	vst v5;
	v5 =	vmul.f32 v5, v5;
	v4 =	vadd.f32 v4, v3;
	v3 =	vsub.f32 v62, v11;
	v11 =	vld [tilespmem:s21+$0x14660]  }
.LBB2_6:
0x2a3: {  	s26 =	smov.u32 s29  }
0x2a4: {  	s28 =	sand.u32 $0x3800, s29;
	s30 =	sand.u32 $0x380, s23;
	v4 =	vadd.f32 v5, v4;
	v5 =	vmul.f32 v3, v3;
	v6 =	vsub.f32 v9, v6;
	v9 =	vld [tilespmem:s21+$0x8670];
	s26 =	sadd.s32 $0x100, s29  }
0x2a5: {  	p0 =	sne.s32 s29, $0x3F00;
	s28 =	sor.u32 s30, s28;
	v12 =	vld [tilespmem:s21+$0x14670]  }
0x2a6: {  	v4 =	vadd.f32 v5, v4;
	v5 =	vmul.f32 v6, v6;
	v13 =	vld [tilespmem:s28+$0x8200];
	[tilespmem:s21+$0x8640] =	vst v6;
	v6 =	vsub.f32 v10, v7  }
0x2a7: {  	v7 =	vld [tilespmem:s28+$0x14200]  }
0x2a8: {  	v4 =	vadd.f32 v5, v4;
	v10 =	vld [tilespmem:s28+$0x8210];
	[tilespmem:s21+$0x8650] =	vst v6;
	v5 =	vmul.f32 v6, v6;
	v6 =	vsub.f32 v11, v8  }
0x2a9: {  	v8 =	vld [tilespmem:s28+$0x14210]  }
0x2aa: {  	v11 =	vld [tilespmem:s28+$0x8220];
	v4 =	vadd.f32 v5, v4;
	[tilespmem:s21+$0x8660] =	vst v6;
	v5 =	vmul.f32 v6, v6;
	v6 =	vsub.f32 v12, v9  }
0x2ab: {  	v9 =	vld [tilespmem:s28+$0x14220]  }
0x2ac: {  	v7 =	vsub.f32 v7, v13;
	v12 =	vld [tilespmem:s28+$0x8230];
	v4 =	vadd.f32 v5, v4;
	[tilespmem:s21+$0x8670] =	vst v6;
	v5 =	vmul.f32 v6, v6  }
0x2ad: {  	v6 =	vld [tilespmem:s28+$0x14230]  }
0x2ae: {  	[tilespmem:s28+$0x8200] =	vst v7;
	v7 =	vmul.f32 v7, v7;
	v8 =	vsub.f32 v8, v10;
	v10 =	vld [tilespmem:s28+$0x8240];
	v4 =	vadd.f32 v5, v4  }
0x2af: {  	v5 =	vld [tilespmem:s28+$0x14240]  }
0x2b0: {  	v4 =	vadd.f32 v7, v4;
	[tilespmem:s28+$0x8210] =	vst v8;
	v7 =	vmul.f32 v8, v8;
	v8 =	vsub.f32 v9, v11;
	v9 =	vld [tilespmem:s28+$0x8250]  }
0x2b1: {  	v11 =	vld [tilespmem:s28+$0x14250]  }
0x2b2: {  	v4 =	vadd.f32 v7, v4;
	[tilespmem:s28+$0x8220] =	vst v8;
	v7 =	vmul.f32 v8, v8;
	v6 =	vsub.f32 v6, v12;
	v8 =	vld [tilespmem:s28+$0x8260]  }
0x2b3: {  	v12 =	vld [tilespmem:s28+$0x14260]  }
0x2b4: {  	v4 =	vadd.f32 v7, v4;
	[tilespmem:s28+$0x8230] =	vst v6;
	v6 =	vmul.f32 v6, v6;
	v5 =	vsub.f32 v5, v10;
	v7 =	vld [tilespmem:s28+$0x8270]  }
0x2b5: {  	v10 =	vld [tilespmem:s28+$0x14270]  }
0x2b6: {  	v4 =	vadd.f32 v6, v4;
	[tilespmem:s28+$0x8240] =	vst v5;
	v5 =	vmul.f32 v5, v5;
	v6 =	vsub.f32 v11, v9;
	v9 =	vld [tilespmem:s28+$0x8600]  }
0x2b7: {  	v11 =	vld [tilespmem:s28+$0x14600]  }
0x2b8: {  	v4 =	vadd.f32 v5, v4;
	[tilespmem:s28+$0x8250] =	vst v6;
	v5 =	vmul.f32 v6, v6;
	v6 =	vsub.f32 v12, v8;
	v8 =	vld [tilespmem:s28+$0x8610]  }
0x2b9: {  	v12 =	vld [tilespmem:s28+$0x14610]  }
0x2ba: {  	v4 =	vadd.f32 v5, v4;
	[tilespmem:s28+$0x8260] =	vst v6;
	v5 =	vmul.f32 v6, v6;
	v6 =	vsub.f32 v10, v7;
	v7 =	vld [tilespmem:s28+$0x8620]  }
0x2bb: {  	v10 =	vld [tilespmem:s28+$0x14620];
	[tilespmem:s21+$0x8630] =	vst v3;
	s21 =	smov.u32 s28  }
0x2bc: {  	v3 =	vadd.f32 v5, v4;
	[tilespmem:s21+$0x8270] =	vst v6;
	v4 =	vmul.f32 v6, v6;
	v5 =	vsub.f32 v11, v9;
	v11 =	vld [tilespmem:s21+$0x8630]  }
0x2bd: {  	v13 =	vld [tilespmem:s21+$0x14630]  }
0x2be: {  	v3 =	vadd.f32 v4, v3;
	[tilespmem:s21+$0x8600] =	vst v5;
	v4 =	vmul.f32 v5, v5;
	v5 =	vsub.f32 v12, v8;
	v6 =	vld [tilespmem:s21+$0x8640]  }
.Ltmp2:
0x2bf: {  	v9 =	vld [tilespmem:s21+$0x14640];
	(pc) =	sbr.rel @p0 .LBB2_6-.Ltmp2, $4  }
0x2c0: {  	v3 =	vadd.f32 v4, v3;
	[tilespmem:s21+$0x8610] =	vst v5;
	v4 =	vmul.f32 v5, v5;
	v5 =	vsub.f32 v10, v7;
	v7 =	vld [tilespmem:s21+$0x8650]  }
0x2c1: {  	v10 =	vld [tilespmem:s21+$0x14650]  }
0x2c2: {  	v4 =	vadd.f32 v4, v3;
	[tilespmem:s21+$0x8620] =	vst v5;
	v5 =	vmul.f32 v5, v5;
	v3 =	vsub.f32 v13, v11;
	v8 =	vld [tilespmem:s21+$0x8660]  }
0x2c3: {  	s23 =	sadd.s32 $0x80, s23;
	s29 =	smov.u32 s26;
	v11 =	vld [tilespmem:s21+$0x14660]  }
0x2c4: {  	v12 =	vld [tilespmem:s21+$0x8670]  }
0x2c5: {  	v13 =	vld [tilespmem:s21+$0x14670];
	_ =	sdelay $0x1  }
0x2c6: {  	v6 =	vsub.f32 v9, v6  }
0x2c7: {  	[tilespmem:s21+$0x8630] =	vst v3;
	v7 =	vsub.f32 v10, v7  }
0x2c8: {  	[tilespmem:s21+$0x8640] =	vst v6;
	v8 =	vsub.f32 v11, v8  }
0x2c9: {  	[tilespmem:s21+$0x8650] =	vst v7;
	v9 =	vsub.f32 v13, v12  }
0x2ca: {  	[tilespmem:s21+$0x8660] =	vst v8  }
0x2cb: {  	s23 =	rddreg [dreg:$0xb];
	[tilespmem:s21+$0x8670] =	vst v9;
	s21 =	simm.s32 $0x0  }
0x2cc: {  	[hbm4b:s23+s21] =	stream.linear.scatter [tilespmem:s2], [sflag:$0xC], $0x4000, $0x38;
	[tilespmem:$0x18280] =	vst v63  }
0x2cd: {  	s30 =	rddreg [dreg:$0xc]  }
0x2ce: {  	[hbm4b:s30+s21] =	stream.linear.scatter [tilespmem:s13], [sflag:$0x9], $0x4000, $0x38;
	[tilespmem:$0x18280] =	vst v63  }
0x2cf: {  	_ =	swait.ge [sflag:s18], $0x4000  }
0x2d0: {  	[sflag:s18] =	ssyncset.done $0x0  }
0x2d1: {  	[sflag:s18] =	ssyncadd.s32 $0xFFFFC000  }
0x2d2: {  	_ =	swait.ge [sflag:s19], $0x4000  }
0x2d3: {  	[sflag:s19] =	ssyncset.done $0x0  }
0x2d4: {  	[sflag:s19] =	ssyncadd.s32 $0xFFFFC000  }
0x2d5: {  	v10 =	vld [tilespmem:$0x140];
	_ =	sdelay $0x4  }
0x2d6: {  	v11 =	vshll.u32 v10, $0x1  }
0x2d7: {  	v10 =	vand.u32 $0x7, v10;
	v11 =	vand.u32 $0xFFFFFFF0, v11  }
0x2d8: {  	v10 =	vor.u32 v10, v11  }
0x2d9: {  	v11 =	vperm.xlane v10, v0;
	_ =	sdelay $0x1  }
0x2da: {  	v10 =	vperm.xlane v10, v2;
	v11 =	vadd.s32 v1, v11;
	_ =	sdelay $0x1  }
0x2db: {  	v10 =	vadd.s32 v1, v10;
	_ =	sdelay $0x2  }
0x2dc: {  	[tilespmem:s13], [sflag:$0x3] =	stream.indirect_vreg.gather [hbm4b:s1+s21], $0x80, v11, vm0, $0xb8;
	[tilespmem:$0x18280] =	vst v63  }
0x2dd: {  	s26 =	simm.s32 $0x8A00  }
0x2de: {  	[tilespmem:s26], [sflag:$0x3] =	stream.indirect_vreg.gather [hbm4b:s1+s21], $0x80, v10, vm0, $0xb8;
	[tilespmem:$0x18280] =	vst v63  }
0x2df: {  	v10 =	vld [tilespmem:$0x150];
	_ =	sdelay $0x4  }
0x2e0: {  	v11 =	vshll.u32 v10, $0x1  }
0x2e1: {  	v10 =	vand.u32 $0x7, v10;
	v11 =	vand.u32 $0xFFFFFFF0, v11  }
0x2e2: {  	v10 =	vor.u32 v10, v11  }
0x2e3: {  	v11 =	vperm.xlane v10, v0;
	_ =	sdelay $0x1  }
0x2e4: {  	v10 =	vperm.xlane v10, v2;
	v11 =	vadd.s32 v1, v11;
	_ =	sdelay $0x1  }
0x2e5: {  	v10 =	vadd.s32 v1, v10;
	_ =	sdelay $0x1  }
0x2e6: {  	s28 =	simm.s32 $0x9200  }
0x2e7: {  	[tilespmem:s28], [sflag:$0x3] =	stream.indirect_vreg.gather [hbm4b:s1+s21], $0x80, v11, vm0, $0xb8;
	[tilespmem:$0x18280] =	vst v63  }
0x2e8: {  	s30 =	simm.s32 $0x9A00  }
0x2e9: {  	[tilespmem:s30], [sflag:$0x3] =	stream.indirect_vreg.gather [hbm4b:s1+s21], $0x80, v10, vm0, $0xb8;
	[tilespmem:$0x18280] =	vst v63  }
0x2ea: {  	v10 =	vld [tilespmem:$0x160];
	_ =	sdelay $0x4  }
0x2eb: {  	v11 =	vshll.u32 v10, $0x1  }
0x2ec: {  	v10 =	vand.u32 $0x7, v10;
	v11 =	vand.u32 $0xFFFFFFF0, v11  }
0x2ed: {  	v10 =	vor.u32 v10, v11  }
0x2ee: {  	v11 =	vperm.xlane v10, v0;
	_ =	sdelay $0x1  }
0x2ef: {  	v10 =	vperm.xlane v10, v2;
	v11 =	vadd.s32 v1, v11;
	_ =	sdelay $0x1  }
0x2f0: {  	v10 =	vadd.s32 v1, v10;
	_ =	sdelay $0x1  }
0x2f1: {  	s26 =	simm.s32 $0xA200  }
0x2f2: {  	[tilespmem:s26], [sflag:$0x3] =	stream.indirect_vreg.gather [hbm4b:s1+s21], $0x80, v11, vm0, $0xb8;
	[tilespmem:$0x18280] =	vst v63  }
0x2f3: {  	s28 =	simm.s32 $0xAA00  }
0x2f4: {  	[tilespmem:s28], [sflag:$0x3] =	stream.indirect_vreg.gather [hbm4b:s1+s21], $0x80, v10, vm0, $0xb8;
	[tilespmem:$0x18280] =	vst v63  }
0x2f5: {  	v10 =	vld [tilespmem:$0x170];
	_ =	sdelay $0x4  }
0x2f6: {  	v11 =	vshll.u32 v10, $0x1  }
0x2f7: {  	v10 =	vand.u32 $0x7, v10;
	v11 =	vand.u32 $0xFFFFFFF0, v11  }
0x2f8: {  	v10 =	vor.u32 v10, v11  }
0x2f9: {  	v11 =	vperm.xlane v10, v0;
	_ =	sdelay $0x1  }
0x2fa: {  	v10 =	vperm.xlane v10, v2;
	v11 =	vadd.s32 v1, v11;
	_ =	sdelay $0x1  }
0x2fb: {  	v10 =	vadd.s32 v1, v10;
	_ =	sdelay $0x1  }
0x2fc: {  	s30 =	simm.s32 $0xB200  }
0x2fd: {  	[tilespmem:s30], [sflag:$0x3] =	stream.indirect_vreg.gather [hbm4b:s1+s21], $0x80, v11, vm0, $0xb8;
	[tilespmem:$0x18280] =	vst v63  }
0x2fe: {  	s26 =	simm.s32 $0xBA00  }
0x2ff: {  	[tilespmem:s26], [sflag:$0x3] =	stream.indirect_vreg.gather [hbm4b:s1+s21], $0x80, v10, vm0, $0xb8;
	[tilespmem:$0x18280] =	vst v63  }
0x300: {  	v10 =	vld [tilespmem:$0x140];
	_ =	sdelay $0x4  }
0x301: {  	v11 =	vshll.u32 v10, $0x1  }
0x302: {  	v10 =	vand.u32 $0x7, v10;
	v11 =	vand.u32 $0xFFFFFFF0, v11  }
0x303: {  	v10 =	vor.u32 v10, v11  }
0x304: {  	v11 =	vperm.xlane v10, v0;
	_ =	sdelay $0x1  }
0x305: {  	v10 =	vperm.xlane v10, v2;
	v11 =	vadd.s32 v1, v11;
	_ =	sdelay $0x1  }
0x306: {  	v10 =	vadd.s32 v1, v10;
	_ =	sdelay $0x2  }
0x307: {  	[tilespmem:s2], [sflag:$0x6] =	stream.indirect_vreg.gather [hbm4b:s4+s21], $0x80, v11, vm0, $0xb8;
	[tilespmem:$0x18280] =	vst v63  }
0x308: {  	s28 =	simm.s32 $0x14A00  }
0x309: {  	[tilespmem:s28], [sflag:$0x6] =	stream.indirect_vreg.gather [hbm4b:s4+s21], $0x80, v10, vm0, $0xb8;
	[tilespmem:$0x18280] =	vst v63  }
0x30a: {  	v10 =	vld [tilespmem:$0x150];
	_ =	sdelay $0x4  }
0x30b: {  	v11 =	vshll.u32 v10, $0x1  }
0x30c: {  	v10 =	vand.u32 $0x7, v10;
	v11 =	vand.u32 $0xFFFFFFF0, v11  }
0x30d: {  	v10 =	vor.u32 v10, v11  }
0x30e: {  	v11 =	vperm.xlane v10, v0;
	_ =	sdelay $0x1  }
0x30f: {  	v10 =	vperm.xlane v10, v2;
	v11 =	vadd.s32 v1, v11;
	_ =	sdelay $0x1  }
0x310: {  	v10 =	vadd.s32 v1, v10;
	_ =	sdelay $0x1  }
0x311: {  	s30 =	simm.s32 $0x15200  }
0x312: {  	[tilespmem:s30], [sflag:$0x6] =	stream.indirect_vreg.gather [hbm4b:s4+s21], $0x80, v11, vm0, $0xb8;
	[tilespmem:$0x18280] =	vst v63  }
0x313: {  	s26 =	simm.s32 $0x15A00  }
0x314: {  	[tilespmem:s26], [sflag:$0x6] =	stream.indirect_vreg.gather [hbm4b:s4+s21], $0x80, v10, vm0, $0xb8;
	[tilespmem:$0x18280] =	vst v63  }
0x315: {  	v10 =	vld [tilespmem:$0x160];
	_ =	sdelay $0x4  }
0x316: {  	v11 =	vshll.u32 v10, $0x1  }
0x317: {  	v10 =	vand.u32 $0x7, v10;
	v11 =	vand.u32 $0xFFFFFFF0, v11  }
0x318: {  	v10 =	vor.u32 v10, v11  }
0x319: {  	v11 =	vperm.xlane v10, v0;
	_ =	sdelay $0x1  }
0x31a: {  	v10 =	vperm.xlane v10, v2;
	v11 =	vadd.s32 v1, v11;
	_ =	sdelay $0x1  }
0x31b: {  	v10 =	vadd.s32 v1, v10;
	_ =	sdelay $0x1  }
0x31c: {  	s28 =	simm.s32 $0x16200  }
0x31d: {  	[tilespmem:s28], [sflag:$0x6] =	stream.indirect_vreg.gather [hbm4b:s4+s21], $0x80, v11, vm0, $0xb8;
	[tilespmem:$0x18280] =	vst v63  }
0x31e: {  	s30 =	simm.s32 $0x16A00  }
0x31f: {  	[tilespmem:s30], [sflag:$0x6] =	stream.indirect_vreg.gather [hbm4b:s4+s21], $0x80, v10, vm0, $0xb8;
	[tilespmem:$0x18280] =	vst v63  }
0x320: {  	v10 =	vld [tilespmem:$0x170];
	_ =	sdelay $0x4  }
0x321: {  	v11 =	vshll.u32 v10, $0x1  }
0x322: {  	v10 =	vand.u32 $0x7, v10;
	v11 =	vand.u32 $0xFFFFFFF0, v11  }
0x323: {  	v10 =	vor.u32 v10, v11  }
0x324: {  	v11 =	vperm.xlane v10, v0;
	_ =	sdelay $0x1  }
0x325: {  	v10 =	vperm.xlane v10, v2;
	v11 =	vadd.s32 v1, v11;
	_ =	sdelay $0x1  }
0x326: {  	v10 =	vadd.s32 v1, v10;
	_ =	sdelay $0x1  }
0x327: {  	s26 =	simm.s32 $0x17200  }
0x328: {  	[tilespmem:s26], [sflag:$0x6] =	stream.indirect_vreg.gather [hbm4b:s4+s21], $0x80, v11, vm0, $0xb8;
	[tilespmem:$0x18280] =	vst v63  }
0x329: {  	s28 =	simm.s32 $0x17A00  }
0x32a: {  	[tilespmem:s28], [sflag:$0x6] =	stream.indirect_vreg.gather [hbm4b:s4+s21], $0x80, v10, vm0, $0xb8;
	[tilespmem:$0x18280] =	vst v63  }
0x32b: {  	_ =	swait.ge [sflag:s6], $0x4000  }
0x32c: {  	[sflag:s6] =	ssyncset.done $0x0  }
0x32d: {  	[sflag:s6] =	ssyncadd.s32 $0xFFFFC000  }
0x32e: {  	_ =	swait.ge [sflag:s7], $0x4000  }
0x32f: {  	v4 =	vadd.f32 v5, v4;
	v3 =	vmul.f32 v3, v3;
	s30 =	sand.u32 $0x3800, s21;
	s21 =	sand.u32 $0x380, s21;
	[sflag:s7] =	ssyncset.done $0x0  }
0x330: {  	s21 =	sor.u32 s21, s30;
	[sflag:s7] =	ssyncadd.s32 $0xFFFFC000  }
0x331: {  	v3 =	vadd.f32 v3, v4;
	v4 =	vmul.f32 v6, v6;
	v5 =	vld [tilespmem:s21+$0x200]  }
0x332: {  	v6 =	vld [tilespmem:s21+$0xC200]  }
0x333: {  	v3 =	vadd.f32 v4, v3;
	v4 =	vmul.f32 v7, v7;
	v10 =	vld [tilespmem:s21+$0x210]  }
0x334: {  	v7 =	vld [tilespmem:s21+$0xC210]  }
0x335: {  	v3 =	vadd.f32 v4, v3;
	v4 =	vmul.f32 v8, v8;
	v11 =	vld [tilespmem:s21+$0x220]  }
0x336: {  	v8 =	vld [tilespmem:s21+$0xC220]  }
0x337: {  	v3 =	vadd.f32 v4, v3;
	v4 =	vmul.f32 v9, v9;
	v9 =	vld [tilespmem:s21+$0xC230]  }
0x338: {  	v62 =	vld [tilespmem:s21+$0xC630];
	v5 =	vsub.f32 v6, v5  }
0x339: {  	v6 =	vld [tilespmem:s21+$0x230]  }
0x33a: {  	v3 =	vadd.f32 v4, v3;
	v7 =	vsub.f32 v7, v10;
	v10 =	vld [tilespmem:s21+$0x240];
	v4 =	vmul.f32 v5, v5  }
0x33b: {  	[tilespmem:s21+$0x200] =	vst v5;
	v5 =	vld [tilespmem:s21+$0xC240]  }
0x33c: {  	v8 =	vsub.f32 v8, v11;
	v11 =	vld [tilespmem:s21+$0x250];
	v3 =	vadd.f32 v4, v3;
	v4 =	vmul.f32 v7, v7  }
0x33d: {  	[tilespmem:s21+$0x210] =	vst v7;
	v7 =	vld [tilespmem:s21+$0xC250]  }
0x33e: {  	v6 =	vsub.f32 v9, v6;
	v9 =	vld [tilespmem:s21+$0x260];
	v3 =	vadd.f32 v4, v3;
	v4 =	vmul.f32 v8, v8  }
0x33f: {  	[tilespmem:s21+$0x220] =	vst v8;
	v8 =	vld [tilespmem:s21+$0xC260]  }
0x340: {  	v5 =	vsub.f32 v5, v10;
	v10 =	vld [tilespmem:s21+$0x270];
	v3 =	vadd.f32 v4, v3;
	v4 =	vmul.f32 v6, v6  }
0x341: {  	[tilespmem:s21+$0x230] =	vst v6;
	v6 =	vld [tilespmem:s21+$0xC270]  }
0x342: {  	v7 =	vsub.f32 v7, v11;
	v11 =	vld [tilespmem:s21+$0x600];
	v3 =	vadd.f32 v4, v3;
	v4 =	vmul.f32 v5, v5  }
0x343: {  	[tilespmem:s21+$0x240] =	vst v5;
	v5 =	vld [tilespmem:s21+$0xC600]  }
0x344: {  	v8 =	vsub.f32 v8, v9;
	v9 =	vld [tilespmem:s21+$0x610];
	v3 =	vadd.f32 v4, v3;
	v4 =	vmul.f32 v7, v7  }
0x345: {  	[tilespmem:s21+$0x250] =	vst v7;
	v7 =	vld [tilespmem:s21+$0xC610]  }
0x346: {  	v6 =	vsub.f32 v6, v10;
	v10 =	vld [tilespmem:s21+$0x620];
	v3 =	vadd.f32 v4, v3;
	v4 =	vmul.f32 v8, v8  }
0x347: {  	[tilespmem:s21+$0x260] =	vst v8;
	v8 =	vld [tilespmem:s21+$0xC620]  }
0x348: {  	v5 =	vsub.f32 v5, v11;
	v11 =	vld [tilespmem:s21+$0x630];
	v3 =	vadd.f32 v4, v3;
	v4 =	vmul.f32 v6, v6  }
0x349: {  	[tilespmem:s21+$0x270] =	vst v6;
	v6 =	vld [tilespmem:s21+$0x640]  }
0x34a: {  	v63 =	vsub.f32 v7, v9;
	v9 =	vld [tilespmem:s21+$0xC640];
	v3 =	vadd.f32 v4, v3;
	v4 =	vmul.f32 v5, v5  }
0x34b: {  	v7 =	vld [tilespmem:s21+$0x650]  }
0x34c: {  	[tilespmem:s21+$0x600] =	vst v5;
	v5 =	vsub.f32 v8, v10;
	v10 =	vld [tilespmem:s21+$0xC650];
	v3 =	vadd.f32 v4, v3;
	v4 =	vmul.f32 v63, v63  }
0x34d: {  	[tilespmem:s21+$0x610] =	vst v63;
	v8 =	vld [tilespmem:s21+$0x660]  }
0x34e: {  	s29 =	simm.s32 $0x100;
	s23 =	simm.s32 $0x80;
	[tilespmem:s21+$0x620] =	vst v5;
	v5 =	vmul.f32 v5, v5;
	v4 =	vadd.f32 v4, v3;
	v3 =	vsub.f32 v62, v11;
	v11 =	vld [tilespmem:s21+$0xC660]  }
.LBB2_8:
0x34f: {  	s26 =	smov.u32 s29  }
0x350: {  	s28 =	sand.u32 $0x3800, s29;
	s30 =	sand.u32 $0x380, s23;
	v4 =	vadd.f32 v5, v4;
	v5 =	vmul.f32 v3, v3;
	v6 =	vsub.f32 v9, v6;
	v9 =	vld [tilespmem:s21+$0x670];
	s26 =	sadd.s32 $0x100, s29  }
0x351: {  	p0 =	sne.s32 s29, $0x3F00;
	s28 =	sor.u32 s30, s28;
	v12 =	vld [tilespmem:s21+$0xC670]  }
0x352: {  	v4 =	vadd.f32 v5, v4;
	v5 =	vmul.f32 v6, v6;
	v13 =	vld [tilespmem:s28+$0x200];
	[tilespmem:s21+$0x640] =	vst v6;
	v6 =	vsub.f32 v10, v7  }
0x353: {  	v7 =	vld [tilespmem:s28+$0xC200]  }
0x354: {  	v4 =	vadd.f32 v5, v4;
	v10 =	vld [tilespmem:s28+$0x210];
	[tilespmem:s21+$0x650] =	vst v6;
	v5 =	vmul.f32 v6, v6;
	v6 =	vsub.f32 v11, v8  }
0x355: {  	v8 =	vld [tilespmem:s28+$0xC210]  }
0x356: {  	v11 =	vld [tilespmem:s28+$0x220];
	v4 =	vadd.f32 v5, v4;
	[tilespmem:s21+$0x660] =	vst v6;
	v5 =	vmul.f32 v6, v6;
	v6 =	vsub.f32 v12, v9  }
0x357: {  	v9 =	vld [tilespmem:s28+$0xC220]  }
0x358: {  	v7 =	vsub.f32 v7, v13;
	v12 =	vld [tilespmem:s28+$0x230];
	v4 =	vadd.f32 v5, v4;
	[tilespmem:s21+$0x670] =	vst v6;
	v5 =	vmul.f32 v6, v6  }
0x359: {  	v6 =	vld [tilespmem:s28+$0xC230]  }
0x35a: {  	[tilespmem:s28+$0x200] =	vst v7;
	v7 =	vmul.f32 v7, v7;
	v8 =	vsub.f32 v8, v10;
	v10 =	vld [tilespmem:s28+$0x240];
	v4 =	vadd.f32 v5, v4  }
0x35b: {  	v5 =	vld [tilespmem:s28+$0xC240]  }
0x35c: {  	v4 =	vadd.f32 v7, v4;
	[tilespmem:s28+$0x210] =	vst v8;
	v7 =	vmul.f32 v8, v8;
	v8 =	vsub.f32 v9, v11;
	v9 =	vld [tilespmem:s28+$0x250]  }
0x35d: {  	v11 =	vld [tilespmem:s28+$0xC250]  }
0x35e: {  	v4 =	vadd.f32 v7, v4;
	[tilespmem:s28+$0x220] =	vst v8;
	v7 =	vmul.f32 v8, v8;
	v6 =	vsub.f32 v6, v12;
	v8 =	vld [tilespmem:s28+$0x260]  }
0x35f: {  	v12 =	vld [tilespmem:s28+$0xC260]  }
0x360: {  	v4 =	vadd.f32 v7, v4;
	[tilespmem:s28+$0x230] =	vst v6;
	v6 =	vmul.f32 v6, v6;
	v5 =	vsub.f32 v5, v10;
	v7 =	vld [tilespmem:s28+$0x270]  }
0x361: {  	v10 =	vld [tilespmem:s28+$0xC270]  }
0x362: {  	v4 =	vadd.f32 v6, v4;
	[tilespmem:s28+$0x240] =	vst v5;
	v5 =	vmul.f32 v5, v5;
	v6 =	vsub.f32 v11, v9;
	v9 =	vld [tilespmem:s28+$0x600]  }
0x363: {  	v11 =	vld [tilespmem:s28+$0xC600]  }
0x364: {  	v4 =	vadd.f32 v5, v4;
	[tilespmem:s28+$0x250] =	vst v6;
	v5 =	vmul.f32 v6, v6;
	v6 =	vsub.f32 v12, v8;
	v8 =	vld [tilespmem:s28+$0x610]  }
0x365: {  	v12 =	vld [tilespmem:s28+$0xC610]  }
0x366: {  	v4 =	vadd.f32 v5, v4;
	[tilespmem:s28+$0x260] =	vst v6;
	v5 =	vmul.f32 v6, v6;
	v6 =	vsub.f32 v10, v7;
	v7 =	vld [tilespmem:s28+$0x620]  }
0x367: {  	v10 =	vld [tilespmem:s28+$0xC620];
	[tilespmem:s21+$0x630] =	vst v3;
	s21 =	smov.u32 s28  }
0x368: {  	v3 =	vadd.f32 v5, v4;
	[tilespmem:s21+$0x270] =	vst v6;
	v4 =	vmul.f32 v6, v6;
	v5 =	vsub.f32 v11, v9;
	v11 =	vld [tilespmem:s21+$0x630]  }
0x369: {  	v13 =	vld [tilespmem:s21+$0xC630]  }
0x36a: {  	v3 =	vadd.f32 v4, v3;
	[tilespmem:s21+$0x600] =	vst v5;
	v4 =	vmul.f32 v5, v5;
	v5 =	vsub.f32 v12, v8;
	v6 =	vld [tilespmem:s21+$0x640]  }
.Ltmp3:
0x36b: {  	v9 =	vld [tilespmem:s21+$0xC640];
	(pc) =	sbr.rel @p0 .LBB2_8-.Ltmp3, $4  }
0x36c: {  	v3 =	vadd.f32 v4, v3;
	[tilespmem:s21+$0x610] =	vst v5;
	v4 =	vmul.f32 v5, v5;
	v5 =	vsub.f32 v10, v7;
	v7 =	vld [tilespmem:s21+$0x650]  }
0x36d: {  	v10 =	vld [tilespmem:s21+$0xC650]  }
0x36e: {  	v4 =	vadd.f32 v4, v3;
	[tilespmem:s21+$0x620] =	vst v5;
	v5 =	vmul.f32 v5, v5;
	v3 =	vsub.f32 v13, v11;
	v8 =	vld [tilespmem:s21+$0x660]  }
0x36f: {  	s23 =	sadd.s32 $0x80, s23;
	s29 =	smov.u32 s26;
	v11 =	vld [tilespmem:s21+$0xC660]  }
0x370: {  	v12 =	vld [tilespmem:s21+$0x670]  }
0x371: {  	v13 =	vld [tilespmem:s21+$0xC670];
	_ =	sdelay $0x1  }
0x372: {  	v6 =	vsub.f32 v9, v6  }
0x373: {  	[tilespmem:s21+$0x630] =	vst v3;
	v7 =	vsub.f32 v10, v7  }
0x374: {  	[tilespmem:s21+$0x640] =	vst v6;
	v8 =	vsub.f32 v11, v8  }
0x375: {  	[tilespmem:s21+$0x650] =	vst v7;
	v9 =	vsub.f32 v13, v12  }
0x376: {  	[tilespmem:s21+$0x660] =	vst v8  }
0x377: {  	s23 =	rddreg [dreg:$0xd];
	[tilespmem:s21+$0x670] =	vst v9;
	s21 =	simm.s32 $0x0  }
0x378: {  	[hbm4b:s23+s21] =	stream.linear.scatter [tilespmem:s14], [sflag:$0xA], $0x4000, $0x38;
	[tilespmem:$0x18280] =	vst v63  }
0x379: {  	s30 =	rddreg [dreg:$0xe]  }
0x37a: {  	[hbm4b:s30+s21] =	stream.linear.scatter [tilespmem:s25], [sflag:$0x7], $0x4000, $0x38;
	[tilespmem:$0x18280] =	vst v63  }
0x37b: {  	_ =	swait.ge [sflag:s8], $0x4000  }
0x37c: {  	[sflag:s8] =	ssyncset.done $0x0  }
0x37d: {  	[sflag:s8] =	ssyncadd.s32 $0xFFFFC000  }
0x37e: {  	_ =	swait.ge [sflag:s9], $0x4000  }
0x37f: {  	[sflag:s9] =	ssyncset.done $0x0  }
0x380: {  	[sflag:s9] =	ssyncadd.s32 $0xFFFFC000  }
0x381: {  	v10 =	vld [tilespmem:$0x180];
	_ =	sdelay $0x4  }
0x382: {  	v11 =	vshll.u32 v10, $0x1  }
0x383: {  	v10 =	vand.u32 $0x7, v10;
	v11 =	vand.u32 $0xFFFFFFF0, v11  }
0x384: {  	v10 =	vor.u32 v10, v11  }
0x385: {  	v11 =	vperm.xlane v10, v0;
	_ =	sdelay $0x1  }
0x386: {  	v10 =	vperm.xlane v10, v2;
	v11 =	vadd.s32 v1, v11;
	_ =	sdelay $0x1  }
0x387: {  	v10 =	vadd.s32 v1, v10;
	_ =	sdelay $0x2  }
0x388: {  	[tilespmem:s25], [sflag:$0x1] =	stream.indirect_vreg.gather [hbm4b:s1+s21], $0x80, v11, vm0, $0xb8;
	[tilespmem:$0x18280] =	vst v63  }
0x389: {  	s26 =	simm.s32 $0xA00  }
0x38a: {  	[tilespmem:s26], [sflag:$0x1] =	stream.indirect_vreg.gather [hbm4b:s1+s21], $0x80, v10, vm0, $0xb8;
	[tilespmem:$0x18280] =	vst v63  }
0x38b: {  	v10 =	vld [tilespmem:$0x190];
	_ =	sdelay $0x4  }
0x38c: {  	v11 =	vshll.u32 v10, $0x1  }
0x38d: {  	v10 =	vand.u32 $0x7, v10;
	v11 =	vand.u32 $0xFFFFFFF0, v11  }
0x38e: {  	v10 =	vor.u32 v10, v11  }
0x38f: {  	v11 =	vperm.xlane v10, v0;
	_ =	sdelay $0x1  }
0x390: {  	v10 =	vperm.xlane v10, v2;
	v11 =	vadd.s32 v1, v11;
	_ =	sdelay $0x1  }
0x391: {  	v10 =	vadd.s32 v1, v10;
	_ =	sdelay $0x1  }
0x392: {  	s28 =	simm.s32 $0x1200  }
0x393: {  	[tilespmem:s28], [sflag:$0x1] =	stream.indirect_vreg.gather [hbm4b:s1+s21], $0x80, v11, vm0, $0xb8;
	[tilespmem:$0x18280] =	vst v63  }
0x394: {  	s30 =	simm.s32 $0x1A00  }
0x395: {  	[tilespmem:s30], [sflag:$0x1] =	stream.indirect_vreg.gather [hbm4b:s1+s21], $0x80, v10, vm0, $0xb8;
	[tilespmem:$0x18280] =	vst v63  }
0x396: {  	v10 =	vld [tilespmem:$0x1A0];
	_ =	sdelay $0x4  }
0x397: {  	v11 =	vshll.u32 v10, $0x1  }
0x398: {  	v10 =	vand.u32 $0x7, v10;
	v11 =	vand.u32 $0xFFFFFFF0, v11  }
0x399: {  	v10 =	vor.u32 v10, v11  }
0x39a: {  	v11 =	vperm.xlane v10, v0;
	_ =	sdelay $0x1  }
0x39b: {  	v10 =	vperm.xlane v10, v2;
	v11 =	vadd.s32 v1, v11;
	_ =	sdelay $0x1  }
0x39c: {  	v10 =	vadd.s32 v1, v10;
	_ =	sdelay $0x1  }
0x39d: {  	s26 =	simm.s32 $0x2200  }
0x39e: {  	[tilespmem:s26], [sflag:$0x1] =	stream.indirect_vreg.gather [hbm4b:s1+s21], $0x80, v11, vm0, $0xb8;
	[tilespmem:$0x18280] =	vst v63  }
0x39f: {  	s28 =	simm.s32 $0x2A00  }
0x3a0: {  	[tilespmem:s28], [sflag:$0x1] =	stream.indirect_vreg.gather [hbm4b:s1+s21], $0x80, v10, vm0, $0xb8;
	[tilespmem:$0x18280] =	vst v63  }
0x3a1: {  	v10 =	vld [tilespmem:$0x1B0];
	_ =	sdelay $0x4  }
0x3a2: {  	v11 =	vshll.u32 v10, $0x1  }
0x3a3: {  	v10 =	vand.u32 $0x7, v10;
	v11 =	vand.u32 $0xFFFFFFF0, v11  }
0x3a4: {  	v10 =	vor.u32 v10, v11  }
0x3a5: {  	v11 =	vperm.xlane v10, v0;
	_ =	sdelay $0x1  }
0x3a6: {  	v10 =	vperm.xlane v10, v2;
	v11 =	vadd.s32 v1, v11;
	_ =	sdelay $0x1  }
0x3a7: {  	v10 =	vadd.s32 v1, v10;
	_ =	sdelay $0x1  }
0x3a8: {  	s30 =	simm.s32 $0x3200  }
0x3a9: {  	[tilespmem:s30], [sflag:$0x1] =	stream.indirect_vreg.gather [hbm4b:s1+s21], $0x80, v11, vm0, $0xb8;
	[tilespmem:$0x18280] =	vst v63  }
0x3aa: {  	s26 =	simm.s32 $0x3A00  }
0x3ab: {  	[tilespmem:s26], [sflag:$0x1] =	stream.indirect_vreg.gather [hbm4b:s1+s21], $0x80, v10, vm0, $0xb8;
	[tilespmem:$0x18280] =	vst v63  }
0x3ac: {  	v10 =	vld [tilespmem:$0x180];
	_ =	sdelay $0x4  }
0x3ad: {  	v11 =	vshll.u32 v10, $0x1  }
0x3ae: {  	v10 =	vand.u32 $0x7, v10;
	v11 =	vand.u32 $0xFFFFFFF0, v11  }
0x3af: {  	v10 =	vor.u32 v10, v11  }
0x3b0: {  	v11 =	vperm.xlane v10, v0;
	_ =	sdelay $0x1  }
0x3b1: {  	v10 =	vperm.xlane v10, v2;
	v11 =	vadd.s32 v1, v11;
	_ =	sdelay $0x1  }
0x3b2: {  	v10 =	vadd.s32 v1, v10;
	_ =	sdelay $0x2  }
0x3b3: {  	[tilespmem:s14], [sflag:$0x4] =	stream.indirect_vreg.gather [hbm4b:s4+s21], $0x80, v11, vm0, $0xb8;
	[tilespmem:$0x18280] =	vst v63  }
0x3b4: {  	s28 =	simm.s32 $0xCA00  }
0x3b5: {  	[tilespmem:s28], [sflag:$0x4] =	stream.indirect_vreg.gather [hbm4b:s4+s21], $0x80, v10, vm0, $0xb8;
	[tilespmem:$0x18280] =	vst v63  }
0x3b6: {  	v10 =	vld [tilespmem:$0x190];
	_ =	sdelay $0x4  }
0x3b7: {  	v11 =	vshll.u32 v10, $0x1  }
0x3b8: {  	v10 =	vand.u32 $0x7, v10;
	v11 =	vand.u32 $0xFFFFFFF0, v11  }
0x3b9: {  	v10 =	vor.u32 v10, v11  }
0x3ba: {  	v11 =	vperm.xlane v10, v0;
	_ =	sdelay $0x1  }
0x3bb: {  	v10 =	vperm.xlane v10, v2;
	v11 =	vadd.s32 v1, v11;
	_ =	sdelay $0x1  }
0x3bc: {  	v10 =	vadd.s32 v1, v10;
	_ =	sdelay $0x1  }
0x3bd: {  	s30 =	simm.s32 $0xD200  }
0x3be: {  	[tilespmem:s30], [sflag:$0x4] =	stream.indirect_vreg.gather [hbm4b:s4+s21], $0x80, v11, vm0, $0xb8;
	[tilespmem:$0x18280] =	vst v63  }
0x3bf: {  	s26 =	simm.s32 $0xDA00  }
0x3c0: {  	[tilespmem:s26], [sflag:$0x4] =	stream.indirect_vreg.gather [hbm4b:s4+s21], $0x80, v10, vm0, $0xb8;
	[tilespmem:$0x18280] =	vst v63  }
0x3c1: {  	v10 =	vld [tilespmem:$0x1A0];
	_ =	sdelay $0x4  }
0x3c2: {  	v11 =	vshll.u32 v10, $0x1  }
0x3c3: {  	v10 =	vand.u32 $0x7, v10;
	v11 =	vand.u32 $0xFFFFFFF0, v11  }
0x3c4: {  	v10 =	vor.u32 v10, v11  }
0x3c5: {  	v11 =	vperm.xlane v10, v0;
	_ =	sdelay $0x1  }
0x3c6: {  	v10 =	vperm.xlane v10, v2;
	v11 =	vadd.s32 v1, v11;
	_ =	sdelay $0x1  }
0x3c7: {  	v10 =	vadd.s32 v1, v10;
	_ =	sdelay $0x1  }
0x3c8: {  	s28 =	simm.s32 $0xE200  }
0x3c9: {  	[tilespmem:s28], [sflag:$0x4] =	stream.indirect_vreg.gather [hbm4b:s4+s21], $0x80, v11, vm0, $0xb8;
	[tilespmem:$0x18280] =	vst v63  }
0x3ca: {  	s30 =	simm.s32 $0xEA00  }
0x3cb: {  	[tilespmem:s30], [sflag:$0x4] =	stream.indirect_vreg.gather [hbm4b:s4+s21], $0x80, v10, vm0, $0xb8;
	[tilespmem:$0x18280] =	vst v63  }
0x3cc: {  	v10 =	vld [tilespmem:$0x1B0];
	_ =	sdelay $0x4  }
0x3cd: {  	v11 =	vshll.u32 v10, $0x1  }
0x3ce: {  	v10 =	vand.u32 $0x7, v10;
	v11 =	vand.u32 $0xFFFFFFF0, v11  }
0x3cf: {  	v10 =	vor.u32 v10, v11  }
0x3d0: {  	v11 =	vperm.xlane v10, v0;
	_ =	sdelay $0x1  }
0x3d1: {  	v10 =	vperm.xlane v10, v2;
	v11 =	vadd.s32 v1, v11;
	_ =	sdelay $0x1  }
0x3d2: {  	v10 =	vadd.s32 v1, v10;
	_ =	sdelay $0x1  }
0x3d3: {  	s26 =	simm.s32 $0xF200  }
0x3d4: {  	[tilespmem:s26], [sflag:$0x4] =	stream.indirect_vreg.gather [hbm4b:s4+s21], $0x80, v11, vm0, $0xb8;
	[tilespmem:$0x18280] =	vst v63  }
0x3d5: {  	s28 =	simm.s32 $0xFA00  }
0x3d6: {  	[tilespmem:s28], [sflag:$0x4] =	stream.indirect_vreg.gather [hbm4b:s4+s21], $0x80, v10, vm0, $0xb8;
	[tilespmem:$0x18280] =	vst v63  }
0x3d7: {  	_ =	swait.ge [sflag:s10], $0x4000  }
0x3d8: {  	[sflag:s10] =	ssyncset.done $0x0  }
0x3d9: {  	[sflag:s10] =	ssyncadd.s32 $0xFFFFC000  }
0x3da: {  	_ =	swait.ge [sflag:s11], $0x4000  }
0x3db: {  	v4 =	vadd.f32 v5, v4;
	v3 =	vmul.f32 v3, v3;
	s30 =	sand.u32 $0x3800, s21;
	s21 =	sand.u32 $0x380, s21;
	[sflag:s11] =	ssyncset.done $0x0  }
0x3dc: {  	s21 =	sor.u32 s21, s30;
	[sflag:s11] =	ssyncadd.s32 $0xFFFFC000  }
0x3dd: {  	v3 =	vadd.f32 v3, v4;
	v4 =	vmul.f32 v6, v6;
	v5 =	vld [tilespmem:s21+$0x4200]  }
0x3de: {  	v6 =	vld [tilespmem:s21+$0x10200]  }
0x3df: {  	v3 =	vadd.f32 v4, v3;
	v4 =	vmul.f32 v7, v7;
	v10 =	vld [tilespmem:s21+$0x4210]  }
0x3e0: {  	v7 =	vld [tilespmem:s21+$0x10210]  }
0x3e1: {  	v3 =	vadd.f32 v4, v3;
	v4 =	vmul.f32 v8, v8;
	v11 =	vld [tilespmem:s21+$0x4220]  }
0x3e2: {  	v8 =	vld [tilespmem:s21+$0x10220]  }
0x3e3: {  	v3 =	vadd.f32 v4, v3;
	v4 =	vmul.f32 v9, v9;
	v9 =	vld [tilespmem:s21+$0x10230]  }
0x3e4: {  	v62 =	vld [tilespmem:s21+$0x10630];
	v5 =	vsub.f32 v6, v5  }
0x3e5: {  	v6 =	vld [tilespmem:s21+$0x4230]  }
0x3e6: {  	v3 =	vadd.f32 v4, v3;
	v7 =	vsub.f32 v7, v10;
	v10 =	vld [tilespmem:s21+$0x4240];
	v4 =	vmul.f32 v5, v5  }
0x3e7: {  	[tilespmem:s21+$0x4200] =	vst v5;
	v5 =	vld [tilespmem:s21+$0x10240]  }
0x3e8: {  	v8 =	vsub.f32 v8, v11;
	v11 =	vld [tilespmem:s21+$0x4250];
	v3 =	vadd.f32 v4, v3;
	v4 =	vmul.f32 v7, v7  }
0x3e9: {  	[tilespmem:s21+$0x4210] =	vst v7;
	v7 =	vld [tilespmem:s21+$0x10250]  }
0x3ea: {  	v6 =	vsub.f32 v9, v6;
	v9 =	vld [tilespmem:s21+$0x4260];
	v3 =	vadd.f32 v4, v3;
	v4 =	vmul.f32 v8, v8  }
0x3eb: {  	[tilespmem:s21+$0x4220] =	vst v8;
	v8 =	vld [tilespmem:s21+$0x10260]  }
0x3ec: {  	v5 =	vsub.f32 v5, v10;
	v10 =	vld [tilespmem:s21+$0x4270];
	v3 =	vadd.f32 v4, v3;
	v4 =	vmul.f32 v6, v6  }
0x3ed: {  	[tilespmem:s21+$0x4230] =	vst v6;
	v6 =	vld [tilespmem:s21+$0x10270]  }
0x3ee: {  	v7 =	vsub.f32 v7, v11;
	v11 =	vld [tilespmem:s21+$0x4600];
	v3 =	vadd.f32 v4, v3;
	v4 =	vmul.f32 v5, v5  }
0x3ef: {  	[tilespmem:s21+$0x4240] =	vst v5;
	v5 =	vld [tilespmem:s21+$0x10600]  }
0x3f0: {  	v8 =	vsub.f32 v8, v9;
	v9 =	vld [tilespmem:s21+$0x4610];
	v3 =	vadd.f32 v4, v3;
	v4 =	vmul.f32 v7, v7  }
0x3f1: {  	[tilespmem:s21+$0x4250] =	vst v7;
	v7 =	vld [tilespmem:s21+$0x10610]  }
0x3f2: {  	v6 =	vsub.f32 v6, v10;
	v10 =	vld [tilespmem:s21+$0x4620];
	v3 =	vadd.f32 v4, v3;
	v4 =	vmul.f32 v8, v8  }
0x3f3: {  	[tilespmem:s21+$0x4260] =	vst v8;
	v8 =	vld [tilespmem:s21+$0x10620]  }
0x3f4: {  	v5 =	vsub.f32 v5, v11;
	v11 =	vld [tilespmem:s21+$0x4630];
	v3 =	vadd.f32 v4, v3;
	v4 =	vmul.f32 v6, v6  }
0x3f5: {  	[tilespmem:s21+$0x4270] =	vst v6;
	v6 =	vld [tilespmem:s21+$0x4640]  }
0x3f6: {  	v63 =	vsub.f32 v7, v9;
	v9 =	vld [tilespmem:s21+$0x10640];
	v3 =	vadd.f32 v4, v3;
	v4 =	vmul.f32 v5, v5  }
0x3f7: {  	v7 =	vld [tilespmem:s21+$0x4650]  }
0x3f8: {  	[tilespmem:s21+$0x4600] =	vst v5;
	v5 =	vsub.f32 v8, v10;
	v10 =	vld [tilespmem:s21+$0x10650];
	v3 =	vadd.f32 v4, v3;
	v4 =	vmul.f32 v63, v63  }
0x3f9: {  	[tilespmem:s21+$0x4610] =	vst v63;
	v8 =	vld [tilespmem:s21+$0x4660]  }
0x3fa: {  	s29 =	simm.s32 $0x100;
	s23 =	simm.s32 $0x80;
	[tilespmem:s21+$0x4620] =	vst v5;
	v5 =	vmul.f32 v5, v5;
	v4 =	vadd.f32 v4, v3;
	v3 =	vsub.f32 v62, v11;
	v11 =	vld [tilespmem:s21+$0x10660]  }
.LBB2_10:
0x3fb: {  	s26 =	smov.u32 s29  }
0x3fc: {  	s28 =	sand.u32 $0x3800, s29;
	s30 =	sand.u32 $0x380, s23;
	v4 =	vadd.f32 v5, v4;
	v5 =	vmul.f32 v3, v3;
	v6 =	vsub.f32 v9, v6;
	v9 =	vld [tilespmem:s21+$0x4670];
	s26 =	sadd.s32 $0x100, s29  }
0x3fd: {  	p0 =	sne.s32 s29, $0x3F00;
	s28 =	sor.u32 s30, s28;
	v12 =	vld [tilespmem:s21+$0x10670]  }
0x3fe: {  	v4 =	vadd.f32 v5, v4;
	v5 =	vmul.f32 v6, v6;
	v13 =	vld [tilespmem:s28+$0x4200];
	[tilespmem:s21+$0x4640] =	vst v6;
	v6 =	vsub.f32 v10, v7  }
0x3ff: {  	v7 =	vld [tilespmem:s28+$0x10200]  }
0x400: {  	v4 =	vadd.f32 v5, v4;
	v10 =	vld [tilespmem:s28+$0x4210];
	[tilespmem:s21+$0x4650] =	vst v6;
	v5 =	vmul.f32 v6, v6;
	v6 =	vsub.f32 v11, v8  }
0x401: {  	v8 =	vld [tilespmem:s28+$0x10210]  }
0x402: {  	v11 =	vld [tilespmem:s28+$0x4220];
	v4 =	vadd.f32 v5, v4;
	[tilespmem:s21+$0x4660] =	vst v6;
	v5 =	vmul.f32 v6, v6;
	v6 =	vsub.f32 v12, v9  }
0x403: {  	v9 =	vld [tilespmem:s28+$0x10220]  }
0x404: {  	v7 =	vsub.f32 v7, v13;
	v12 =	vld [tilespmem:s28+$0x4230];
	v4 =	vadd.f32 v5, v4;
	[tilespmem:s21+$0x4670] =	vst v6;
	v5 =	vmul.f32 v6, v6  }
0x405: {  	v6 =	vld [tilespmem:s28+$0x10230]  }
0x406: {  	[tilespmem:s28+$0x4200] =	vst v7;
	v7 =	vmul.f32 v7, v7;
	v8 =	vsub.f32 v8, v10;
	v10 =	vld [tilespmem:s28+$0x4240];
	v4 =	vadd.f32 v5, v4  }
0x407: {  	v5 =	vld [tilespmem:s28+$0x10240]  }
0x408: {  	v4 =	vadd.f32 v7, v4;
	[tilespmem:s28+$0x4210] =	vst v8;
	v7 =	vmul.f32 v8, v8;
	v8 =	vsub.f32 v9, v11;
	v9 =	vld [tilespmem:s28+$0x4250]  }
0x409: {  	v11 =	vld [tilespmem:s28+$0x10250]  }
0x40a: {  	v4 =	vadd.f32 v7, v4;
	[tilespmem:s28+$0x4220] =	vst v8;
	v7 =	vmul.f32 v8, v8;
	v6 =	vsub.f32 v6, v12;
	v8 =	vld [tilespmem:s28+$0x4260]  }
0x40b: {  	v12 =	vld [tilespmem:s28+$0x10260]  }
0x40c: {  	v4 =	vadd.f32 v7, v4;
	[tilespmem:s28+$0x4230] =	vst v6;
	v6 =	vmul.f32 v6, v6;
	v5 =	vsub.f32 v5, v10;
	v7 =	vld [tilespmem:s28+$0x4270]  }
0x40d: {  	v10 =	vld [tilespmem:s28+$0x10270]  }
0x40e: {  	v4 =	vadd.f32 v6, v4;
	[tilespmem:s28+$0x4240] =	vst v5;
	v5 =	vmul.f32 v5, v5;
	v6 =	vsub.f32 v11, v9;
	v9 =	vld [tilespmem:s28+$0x4600]  }
0x40f: {  	v11 =	vld [tilespmem:s28+$0x10600]  }
0x410: {  	v4 =	vadd.f32 v5, v4;
	[tilespmem:s28+$0x4250] =	vst v6;
	v5 =	vmul.f32 v6, v6;
	v6 =	vsub.f32 v12, v8;
	v8 =	vld [tilespmem:s28+$0x4610]  }
0x411: {  	v12 =	vld [tilespmem:s28+$0x10610]  }
0x412: {  	v4 =	vadd.f32 v5, v4;
	[tilespmem:s28+$0x4260] =	vst v6;
	v5 =	vmul.f32 v6, v6;
	v6 =	vsub.f32 v10, v7;
	v7 =	vld [tilespmem:s28+$0x4620]  }
0x413: {  	v10 =	vld [tilespmem:s28+$0x10620];
	[tilespmem:s21+$0x4630] =	vst v3;
	s21 =	smov.u32 s28  }
0x414: {  	v3 =	vadd.f32 v5, v4;
	[tilespmem:s21+$0x4270] =	vst v6;
	v4 =	vmul.f32 v6, v6;
	v5 =	vsub.f32 v11, v9;
	v11 =	vld [tilespmem:s21+$0x4630]  }
0x415: {  	v13 =	vld [tilespmem:s21+$0x10630]  }
0x416: {  	v3 =	vadd.f32 v4, v3;
	[tilespmem:s21+$0x4600] =	vst v5;
	v4 =	vmul.f32 v5, v5;
	v5 =	vsub.f32 v12, v8;
	v6 =	vld [tilespmem:s21+$0x4640]  }
.Ltmp4:
0x417: {  	v9 =	vld [tilespmem:s21+$0x10640];
	(pc) =	sbr.rel @p0 .LBB2_10-.Ltmp4, $4  }
0x418: {  	v3 =	vadd.f32 v4, v3;
	[tilespmem:s21+$0x4610] =	vst v5;
	v4 =	vmul.f32 v5, v5;
	v5 =	vsub.f32 v10, v7;
	v7 =	vld [tilespmem:s21+$0x4650]  }
0x419: {  	v10 =	vld [tilespmem:s21+$0x10650]  }
0x41a: {  	v4 =	vadd.f32 v4, v3;
	[tilespmem:s21+$0x4620] =	vst v5;
	v5 =	vmul.f32 v5, v5;
	v3 =	vsub.f32 v13, v11;
	v8 =	vld [tilespmem:s21+$0x4660]  }
0x41b: {  	s23 =	sadd.s32 $0x80, s23;
	s29 =	smov.u32 s26;
	v11 =	vld [tilespmem:s21+$0x10660]  }
0x41c: {  	v12 =	vld [tilespmem:s21+$0x4670]  }
0x41d: {  	v13 =	vld [tilespmem:s21+$0x10670];
	_ =	sdelay $0x1  }
0x41e: {  	v6 =	vsub.f32 v9, v6  }
0x41f: {  	[tilespmem:s21+$0x4630] =	vst v3;
	v7 =	vsub.f32 v10, v7  }
0x420: {  	[tilespmem:s21+$0x4640] =	vst v6;
	v8 =	vsub.f32 v11, v8  }
0x421: {  	[tilespmem:s21+$0x4650] =	vst v7;
	v9 =	vsub.f32 v13, v12  }
0x422: {  	[tilespmem:s21+$0x4660] =	vst v8  }
0x423: {  	s23 =	rddreg [dreg:$0xf];
	[tilespmem:s21+$0x4670] =	vst v9;
	s21 =	simm.s32 $0x0  }
0x424: {  	[hbm4b:s23+s21] =	stream.linear.scatter [tilespmem:s22], [sflag:$0xB], $0x4000, $0x38;
	[tilespmem:$0x18280] =	vst v63  }
0x425: {  	s28 =	rddreg [dreg:$0x10]  }
0x426: {  	[hbm4b:s28+s21] =	stream.linear.scatter [tilespmem:s5], [sflag:$0x8], $0x4000, $0x38;
	[tilespmem:$0x18280] =	vst v63  }
0x427: {  	_ =	swait.ge [sflag:s12], $0x4000  }
0x428: {  	[sflag:s12] =	ssyncset.done $0x0  }
0x429: {  	[sflag:s12] =	ssyncadd.s32 $0xFFFFC000  }
0x42a: {  	_ =	swait.ge [sflag:s15], $0x4000  }
0x42b: {  	[sflag:s15] =	ssyncset.done $0x0  }
0x42c: {  	[sflag:s15] =	ssyncadd.s32 $0xFFFFC000  }
0x42d: {  	v10 =	vld [tilespmem:$0x1C0];
	_ =	sdelay $0x4  }
0x42e: {  	v11 =	vshll.u32 v10, $0x1  }
0x42f: {  	v10 =	vand.u32 $0x7, v10;
	v11 =	vand.u32 $0xFFFFFFF0, v11  }
0x430: {  	v10 =	vor.u32 v10, v11  }
0x431: {  	v11 =	vperm.xlane v10, v0;
	_ =	sdelay $0x1  }
0x432: {  	v10 =	vperm.xlane v10, v2;
	v11 =	vadd.s32 v1, v11;
	_ =	sdelay $0x1  }
0x433: {  	v10 =	vadd.s32 v1, v10;
	_ =	sdelay $0x2  }
0x434: {  	[tilespmem:s5], [sflag:$0x2] =	stream.indirect_vreg.gather [hbm4b:s1+s21], $0x80, v11, vm0, $0xb8;
	[tilespmem:$0x18280] =	vst v63  }
0x435: {  	s30 =	simm.s32 $0x4A00  }
0x436: {  	[tilespmem:s30], [sflag:$0x2] =	stream.indirect_vreg.gather [hbm4b:s1+s21], $0x80, v10, vm0, $0xb8;
	[tilespmem:$0x18280] =	vst v63  }
0x437: {  	v10 =	vld [tilespmem:$0x1D0];
	_ =	sdelay $0x4  }
0x438: {  	v11 =	vshll.u32 v10, $0x1  }
0x439: {  	v10 =	vand.u32 $0x7, v10;
	v11 =	vand.u32 $0xFFFFFFF0, v11  }
0x43a: {  	v10 =	vor.u32 v10, v11  }
0x43b: {  	v11 =	vperm.xlane v10, v0;
	_ =	sdelay $0x1  }
0x43c: {  	v10 =	vperm.xlane v10, v2;
	v11 =	vadd.s32 v1, v11;
	_ =	sdelay $0x1  }
0x43d: {  	v10 =	vadd.s32 v1, v10;
	_ =	sdelay $0x1  }
0x43e: {  	s26 =	simm.s32 $0x5200  }
0x43f: {  	[tilespmem:s26], [sflag:$0x2] =	stream.indirect_vreg.gather [hbm4b:s1+s21], $0x80, v11, vm0, $0xb8;
	[tilespmem:$0x18280] =	vst v63  }
0x440: {  	s28 =	simm.s32 $0x5A00  }
0x441: {  	[tilespmem:s28], [sflag:$0x2] =	stream.indirect_vreg.gather [hbm4b:s1+s21], $0x80, v10, vm0, $0xb8;
	[tilespmem:$0x18280] =	vst v63  }
0x442: {  	v10 =	vld [tilespmem:$0x1E0];
	_ =	sdelay $0x4  }
0x443: {  	v11 =	vshll.u32 v10, $0x1  }
0x444: {  	v10 =	vand.u32 $0x7, v10;
	v11 =	vand.u32 $0xFFFFFFF0, v11  }
0x445: {  	v10 =	vor.u32 v10, v11  }
0x446: {  	v11 =	vperm.xlane v10, v0;
	_ =	sdelay $0x1  }
0x447: {  	v10 =	vperm.xlane v10, v2;
	v11 =	vadd.s32 v1, v11;
	_ =	sdelay $0x1  }
0x448: {  	v10 =	vadd.s32 v1, v10;
	_ =	sdelay $0x1  }
0x449: {  	s30 =	simm.s32 $0x6200  }
0x44a: {  	[tilespmem:s30], [sflag:$0x2] =	stream.indirect_vreg.gather [hbm4b:s1+s21], $0x80, v11, vm0, $0xb8;
	[tilespmem:$0x18280] =	vst v63  }
0x44b: {  	s26 =	simm.s32 $0x6A00  }
0x44c: {  	[tilespmem:s26], [sflag:$0x2] =	stream.indirect_vreg.gather [hbm4b:s1+s21], $0x80, v10, vm0, $0xb8;
	[tilespmem:$0x18280] =	vst v63  }
0x44d: {  	v10 =	vld [tilespmem:$0x1F0];
	_ =	sdelay $0x4  }
0x44e: {  	v11 =	vshll.u32 v10, $0x1  }
0x44f: {  	v10 =	vand.u32 $0x7, v10;
	v11 =	vand.u32 $0xFFFFFFF0, v11  }
0x450: {  	v10 =	vor.u32 v10, v11  }
0x451: {  	v11 =	vperm.xlane v10, v0;
	_ =	sdelay $0x1  }
0x452: {  	v10 =	vperm.xlane v10, v2;
	v11 =	vadd.s32 v1, v11;
	_ =	sdelay $0x1  }
0x453: {  	v10 =	vadd.s32 v1, v10;
	_ =	sdelay $0x1  }
0x454: {  	s28 =	simm.s32 $0x7200  }
0x455: {  	[tilespmem:s28], [sflag:$0x2] =	stream.indirect_vreg.gather [hbm4b:s1+s21], $0x80, v11, vm0, $0xb8;
	[tilespmem:$0x18280] =	vst v63  }
0x456: {  	s30 =	simm.s32 $0x7A00  }
0x457: {  	[tilespmem:s30], [sflag:$0x2] =	stream.indirect_vreg.gather [hbm4b:s1+s21], $0x80, v10, vm0, $0xb8;
	[tilespmem:$0x18280] =	vst v63  }
0x458: {  	v10 =	vld [tilespmem:$0x1C0];
	_ =	sdelay $0x4  }
0x459: {  	v11 =	vshll.u32 v10, $0x1  }
0x45a: {  	v10 =	vand.u32 $0x7, v10;
	v11 =	vand.u32 $0xFFFFFFF0, v11  }
0x45b: {  	v10 =	vor.u32 v10, v11  }
0x45c: {  	v11 =	vperm.xlane v10, v0;
	_ =	sdelay $0x1  }
0x45d: {  	v10 =	vperm.xlane v10, v2;
	v11 =	vadd.s32 v1, v11;
	_ =	sdelay $0x1  }
0x45e: {  	v10 =	vadd.s32 v1, v10;
	_ =	sdelay $0x2  }
0x45f: {  	[tilespmem:s22], [sflag:$0x5] =	stream.indirect_vreg.gather [hbm4b:s4+s21], $0x80, v11, vm0, $0xb8;
	[tilespmem:$0x18280] =	vst v63  }
0x460: {  	s26 =	simm.s32 $0x10A00  }
0x461: {  	[tilespmem:s26], [sflag:$0x5] =	stream.indirect_vreg.gather [hbm4b:s4+s21], $0x80, v10, vm0, $0xb8;
	[tilespmem:$0x18280] =	vst v63  }
0x462: {  	v10 =	vld [tilespmem:$0x1D0];
	_ =	sdelay $0x4  }
0x463: {  	v11 =	vshll.u32 v10, $0x1  }
0x464: {  	v10 =	vand.u32 $0x7, v10;
	v11 =	vand.u32 $0xFFFFFFF0, v11  }
0x465: {  	v10 =	vor.u32 v10, v11  }
0x466: {  	v11 =	vperm.xlane v10, v0;
	_ =	sdelay $0x1  }
0x467: {  	v10 =	vperm.xlane v10, v2;
	v11 =	vadd.s32 v1, v11;
	_ =	sdelay $0x1  }
0x468: {  	v10 =	vadd.s32 v1, v10;
	_ =	sdelay $0x1  }
0x469: {  	s28 =	simm.s32 $0x11200  }
0x46a: {  	[tilespmem:s28], [sflag:$0x5] =	stream.indirect_vreg.gather [hbm4b:s4+s21], $0x80, v11, vm0, $0xb8;
	[tilespmem:$0x18280] =	vst v63  }
0x46b: {  	s30 =	simm.s32 $0x11A00  }
0x46c: {  	[tilespmem:s30], [sflag:$0x5] =	stream.indirect_vreg.gather [hbm4b:s4+s21], $0x80, v10, vm0, $0xb8;
	[tilespmem:$0x18280] =	vst v63  }
0x46d: {  	v10 =	vld [tilespmem:$0x1E0];
	_ =	sdelay $0x4  }
0x46e: {  	v11 =	vshll.u32 v10, $0x1  }
0x46f: {  	v10 =	vand.u32 $0x7, v10;
	v11 =	vand.u32 $0xFFFFFFF0, v11  }
0x470: {  	v10 =	vor.u32 v10, v11  }
0x471: {  	v11 =	vperm.xlane v10, v0;
	_ =	sdelay $0x1  }
0x472: {  	v10 =	vperm.xlane v10, v2;
	v11 =	vadd.s32 v1, v11;
	_ =	sdelay $0x1  }
0x473: {  	v10 =	vadd.s32 v1, v10;
	_ =	sdelay $0x1  }
0x474: {  	s26 =	simm.s32 $0x12200  }
0x475: {  	[tilespmem:s26], [sflag:$0x5] =	stream.indirect_vreg.gather [hbm4b:s4+s21], $0x80, v11, vm0, $0xb8;
	[tilespmem:$0x18280] =	vst v63  }
0x476: {  	s28 =	simm.s32 $0x12A00  }
0x477: {  	[tilespmem:s28], [sflag:$0x5] =	stream.indirect_vreg.gather [hbm4b:s4+s21], $0x80, v10, vm0, $0xb8;
	[tilespmem:$0x18280] =	vst v63  }
0x478: {  	v10 =	vld [tilespmem:$0x1F0];
	_ =	sdelay $0x4  }
0x479: {  	v11 =	vshll.u32 v10, $0x1  }
0x47a: {  	v10 =	vand.u32 $0x7, v10;
	v11 =	vand.u32 $0xFFFFFFF0, v11  }
0x47b: {  	v10 =	vor.u32 v10, v11  }
0x47c: {  	v11 =	vperm.xlane v10, v0;
	_ =	sdelay $0x1  }
0x47d: {  	v10 =	vperm.xlane v10, v2;
	v11 =	vadd.s32 v1, v11;
	_ =	sdelay $0x1  }
0x47e: {  	v10 =	vadd.s32 v1, v10;
	_ =	sdelay $0x2  }
0x47f: {  	[tilespmem:s31], [sflag:$0x5] =	stream.indirect_vreg.gather [hbm4b:s4+s21], $0x80, v11, vm0, $0xb8;
	[tilespmem:$0x18280] =	vst v63  }
0x480: {  	_ = 	snop  }
0x481: {  	[tilespmem:s0], [sflag:$0x5] =	stream.indirect_vreg.gather [hbm4b:s4+s21], $0x80, v10, vm0, $0xb8;
	[tilespmem:$0x18280] =	vst v63  }
0x482: {  	_ =	swait.ge [sflag:s16], $0x4000  }
0x483: {  	[sflag:s16] =	ssyncset.done $0x0  }
0x484: {  	[sflag:s16] =	ssyncadd.s32 $0xFFFFC000  }
0x485: {  	_ =	swait.ge [sflag:s17], $0x4000  }
0x486: {  	v4 =	vadd.f32 v5, v4;
	v3 =	vmul.f32 v3, v3;
	s30 =	sand.u32 $0x3800, s21;
	s21 =	sand.u32 $0x380, s21;
	[sflag:s17] =	ssyncset.done $0x0  }
0x487: {  	s21 =	sor.u32 s21, s30;
	[sflag:s17] =	ssyncadd.s32 $0xFFFFC000  }
0x488: {  	v3 =	vadd.f32 v3, v4;
	v4 =	vmul.f32 v6, v6;
	v5 =	vld [tilespmem:s21+$0x8200]  }
0x489: {  	v6 =	vld [tilespmem:s21+$0x14200]  }
0x48a: {  	v3 =	vadd.f32 v4, v3;
	v4 =	vmul.f32 v7, v7;
	v10 =	vld [tilespmem:s21+$0x8210]  }
0x48b: {  	v7 =	vld [tilespmem:s21+$0x14210]  }
0x48c: {  	v3 =	vadd.f32 v4, v3;
	v4 =	vmul.f32 v8, v8;
	v11 =	vld [tilespmem:s21+$0x8220]  }
0x48d: {  	v8 =	vld [tilespmem:s21+$0x14220]  }
0x48e: {  	v3 =	vadd.f32 v4, v3;
	v4 =	vmul.f32 v9, v9;
	v9 =	vld [tilespmem:s21+$0x14230]  }
0x48f: {  	v62 =	vld [tilespmem:s21+$0x8630];
	v5 =	vsub.f32 v6, v5  }
0x490: {  	v6 =	vld [tilespmem:s21+$0x8230]  }
0x491: {  	v3 =	vadd.f32 v4, v3;
	v7 =	vsub.f32 v7, v10;
	v10 =	vld [tilespmem:s21+$0x8240];
	v4 =	vmul.f32 v5, v5  }
0x492: {  	[tilespmem:s21+$0x8200] =	vst v5;
	v5 =	vld [tilespmem:s21+$0x14240]  }
0x493: {  	v8 =	vsub.f32 v8, v11;
	v11 =	vld [tilespmem:s21+$0x8250];
	v3 =	vadd.f32 v4, v3;
	v4 =	vmul.f32 v7, v7  }
0x494: {  	[tilespmem:s21+$0x8210] =	vst v7;
	v7 =	vld [tilespmem:s21+$0x14250]  }
0x495: {  	v6 =	vsub.f32 v9, v6;
	v9 =	vld [tilespmem:s21+$0x8260];
	v3 =	vadd.f32 v4, v3;
	v4 =	vmul.f32 v8, v8  }
0x496: {  	[tilespmem:s21+$0x8220] =	vst v8;
	v8 =	vld [tilespmem:s21+$0x14260]  }
0x497: {  	v5 =	vsub.f32 v5, v10;
	v10 =	vld [tilespmem:s21+$0x8270];
	v3 =	vadd.f32 v4, v3;
	v4 =	vmul.f32 v6, v6  }
0x498: {  	[tilespmem:s21+$0x8230] =	vst v6;
	v6 =	vld [tilespmem:s21+$0x14270]  }
0x499: {  	v7 =	vsub.f32 v7, v11;
	v11 =	vld [tilespmem:s21+$0x8600];
	v3 =	vadd.f32 v4, v3;
	v4 =	vmul.f32 v5, v5  }
0x49a: {  	[tilespmem:s21+$0x8240] =	vst v5;
	v5 =	vld [tilespmem:s21+$0x14600]  }
0x49b: {  	v8 =	vsub.f32 v8, v9;
	v9 =	vld [tilespmem:s21+$0x8610];
	v3 =	vadd.f32 v4, v3;
	v4 =	vmul.f32 v7, v7  }
0x49c: {  	[tilespmem:s21+$0x8250] =	vst v7;
	v7 =	vld [tilespmem:s21+$0x14610]  }
0x49d: {  	v6 =	vsub.f32 v6, v10;
	v10 =	vld [tilespmem:s21+$0x8620];
	v3 =	vadd.f32 v4, v3;
	v4 =	vmul.f32 v8, v8  }
0x49e: {  	[tilespmem:s21+$0x8260] =	vst v8;
	v8 =	vld [tilespmem:s21+$0x14620]  }
0x49f: {  	v63 =	vld [tilespmem:s21+$0x14630];
	[tilespmem:s21+$0x8270] =	vst v6;
	v5 =	vsub.f32 v5, v11;
	v6 =	vmul.f32 v6, v6;
	v3 =	vadd.f32 v4, v3  }
0x4a0: {  	v4 =	vld [tilespmem:s21+$0x8640]  }
0x4a1: {  	v9 =	vsub.f32 v7, v9;
	v7 =	vld [tilespmem:s21+$0x14640];
	v3 =	vadd.f32 v6, v3;
	v6 =	vmul.f32 v5, v5  }
0x4a2: {  	[tilespmem:s21+$0x8600] =	vst v5;
	v5 =	vld [tilespmem:s21+$0x8650]  }
0x4a3: {  	[tilespmem:s21+$0x8610] =	vst v9;
	v10 =	vsub.f32 v8, v10;
	v9 =	vmul.f32 v9, v9;
	v8 =	vld [tilespmem:s21+$0x14650];
	v3 =	vadd.f32 v6, v3  }
0x4a4: {  	v6 =	vld [tilespmem:s21+$0x8660]  }
0x4a5: {  	s29 =	simm.s32 $0x100;
	s23 =	simm.s32 $0x80;
	[tilespmem:s21+$0x8620] =	vst v10;
	v11 =	vmul.f32 v10, v10;
	v10 =	vld [tilespmem:s21+$0x14660];
	v9 =	vadd.f32 v9, v3;
	v3 =	vsub.f32 v63, v62  }
.LBB2_12:
0x4a6: {  	s26 =	smov.u32 s29  }
0x4a7: {  	s28 =	sand.u32 $0x3800, s29;
	s30 =	sand.u32 $0x380, s23;
	v9 =	vadd.f32 v11, v9;
	v11 =	vmul.f32 v3, v3;
	v4 =	vsub.f32 v7, v4;
	v7 =	vld [tilespmem:s21+$0x8670];
	s26 =	sadd.s32 $0x100, s29  }
0x4a8: {  	p0 =	sne.s32 s29, $0x3F00;
	s28 =	sor.u32 s30, s28;
	v12 =	vld [tilespmem:s21+$0x14670]  }
0x4a9: {  	v9 =	vadd.f32 v11, v9;
	v5 =	vsub.f32 v8, v5;
	v13 =	vld [tilespmem:s28+$0x8200];
	[tilespmem:s21+$0x8640] =	vst v4;
	v4 =	vmul.f32 v4, v4  }
0x4aa: {  	v8 =	vld [tilespmem:s28+$0x14200]  }
0x4ab: {  	v6 =	vsub.f32 v10, v6;
	v11 =	vld [tilespmem:s28+$0x8210];
	v4 =	vadd.f32 v4, v9;
	[tilespmem:s21+$0x8650] =	vst v5;
	v5 =	vmul.f32 v5, v5  }
0x4ac: {  	v9 =	vld [tilespmem:s28+$0x14210]  }
0x4ad: {  	v10 =	vld [tilespmem:s28+$0x8220];
	v4 =	vadd.f32 v5, v4;
	[tilespmem:s21+$0x8660] =	vst v6;
	v5 =	vmul.f32 v6, v6;
	v6 =	vsub.f32 v12, v7  }
0x4ae: {  	v7 =	vld [tilespmem:s28+$0x14220]  }
0x4af: {  	v8 =	vsub.f32 v8, v13;
	v12 =	vld [tilespmem:s28+$0x8230];
	v4 =	vadd.f32 v5, v4;
	[tilespmem:s21+$0x8670] =	vst v6;
	v5 =	vmul.f32 v6, v6  }
0x4b0: {  	v6 =	vld [tilespmem:s28+$0x14230]  }
0x4b1: {  	[tilespmem:s28+$0x8200] =	vst v8;
	v8 =	vmul.f32 v8, v8;
	v9 =	vsub.f32 v9, v11;
	v11 =	vld [tilespmem:s28+$0x8240];
	v4 =	vadd.f32 v5, v4  }
0x4b2: {  	v5 =	vld [tilespmem:s28+$0x14240]  }
0x4b3: {  	v4 =	vadd.f32 v8, v4;
	[tilespmem:s28+$0x8210] =	vst v9;
	v8 =	vmul.f32 v9, v9;
	v7 =	vsub.f32 v7, v10;
	v9 =	vld [tilespmem:s28+$0x8250]  }
0x4b4: {  	v10 =	vld [tilespmem:s28+$0x14250]  }
0x4b5: {  	v4 =	vadd.f32 v8, v4;
	[tilespmem:s28+$0x8220] =	vst v7;
	v7 =	vmul.f32 v7, v7;
	v6 =	vsub.f32 v6, v12;
	v8 =	vld [tilespmem:s28+$0x8260]  }
0x4b6: {  	v12 =	vld [tilespmem:s28+$0x14260]  }
0x4b7: {  	v4 =	vadd.f32 v7, v4;
	[tilespmem:s28+$0x8230] =	vst v6;
	v6 =	vmul.f32 v6, v6;
	v5 =	vsub.f32 v5, v11;
	v7 =	vld [tilespmem:s28+$0x8270]  }
0x4b8: {  	v11 =	vld [tilespmem:s28+$0x14270]  }
0x4b9: {  	v4 =	vadd.f32 v6, v4;
	[tilespmem:s28+$0x8240] =	vst v5;
	v5 =	vmul.f32 v5, v5;
	v6 =	vsub.f32 v10, v9;
	v9 =	vld [tilespmem:s28+$0x8600]  }
0x4ba: {  	v10 =	vld [tilespmem:s28+$0x14600]  }
0x4bb: {  	v4 =	vadd.f32 v5, v4;
	[tilespmem:s28+$0x8250] =	vst v6;
	v5 =	vmul.f32 v6, v6;
	v6 =	vsub.f32 v12, v8;
	v8 =	vld [tilespmem:s28+$0x8610]  }
0x4bc: {  	v12 =	vld [tilespmem:s28+$0x14610]  }
0x4bd: {  	v4 =	vadd.f32 v5, v4;
	[tilespmem:s28+$0x8260] =	vst v6;
	v5 =	vmul.f32 v6, v6;
	v6 =	vsub.f32 v11, v7;
	v11 =	vld [tilespmem:s28+$0x8620]  }
0x4be: {  	v13 =	vld [tilespmem:s28+$0x14620];
	[tilespmem:s21+$0x8630] =	vst v3;
	s21 =	smov.u32 s28  }
0x4bf: {  	v3 =	vadd.f32 v5, v4;
	[tilespmem:s21+$0x8270] =	vst v6;
	v4 =	vmul.f32 v6, v6;
	v5 =	vsub.f32 v10, v9;
	v6 =	vld [tilespmem:s21+$0x8630]  }
0x4c0: {  	v10 =	vld [tilespmem:s21+$0x14630]  }
0x4c1: {  	v3 =	vadd.f32 v4, v3;
	[tilespmem:s21+$0x8600] =	vst v5;
	v5 =	vmul.f32 v5, v5;
	v8 =	vsub.f32 v12, v8;
	v4 =	vld [tilespmem:s21+$0x8640]  }
.Ltmp5:
0x4c2: {  	v7 =	vld [tilespmem:s21+$0x14640];
	(pc) =	sbr.rel @p0 .LBB2_12-.Ltmp5, $4  }
0x4c3: {  	v3 =	vadd.f32 v5, v3;
	[tilespmem:s21+$0x8610] =	vst v8;
	v9 =	vmul.f32 v8, v8;
	v11 =	vsub.f32 v13, v11;
	v5 =	vld [tilespmem:s21+$0x8650]  }
0x4c4: {  	v8 =	vld [tilespmem:s21+$0x14650]  }
0x4c5: {  	v9 =	vadd.f32 v9, v3;
	[tilespmem:s21+$0x8620] =	vst v11;
	v11 =	vmul.f32 v11, v11;
	v3 =	vsub.f32 v10, v6;
	v6 =	vld [tilespmem:s21+$0x8660]  }
0x4c6: {  	s23 =	sadd.s32 $0x80, s23;
	s29 =	smov.u32 s26;
	v10 =	vld [tilespmem:s21+$0x14660]  }
0x4c7: {  	v12 =	vld [tilespmem:s21+$0x8670]  }
0x4c8: {  	v13 =	vld [tilespmem:s21+$0x14670];
	_ =	sdelay $0x1  }
0x4c9: {  	v4 =	vsub.f32 v7, v4  }
0x4ca: {  	[tilespmem:s21+$0x8630] =	vst v3;
	v5 =	vsub.f32 v8, v5  }
0x4cb: {  	[tilespmem:s21+$0x8640] =	vst v4;
	v6 =	vsub.f32 v10, v6  }
0x4cc: {  	[tilespmem:s21+$0x8650] =	vst v5;
	v7 =	vsub.f32 v13, v12  }
0x4cd: {  	[tilespmem:s21+$0x8660] =	vst v6  }
0x4ce: {  	s26 =	simm.s32 $0x0;
	s23 =	rddreg [dreg:$0x11];
	[tilespmem:s21+$0x8670] =	vst v7  }
0x4cf: {  	[hbm4b:s23+s26] =	stream.linear.scatter [tilespmem:s2], [sflag:$0xC], $0x4000, $0x38;
	[tilespmem:$0x18280] =	vst v63  }
0x4d0: {  	s28 =	rddreg [dreg:$0x12]  }
0x4d1: {  	[hbm4b:s28+s26] =	stream.linear.scatter [tilespmem:s13], [sflag:$0x9], $0x4000, $0x38;
	[tilespmem:$0x18280] =	vst v63  }
0x4d2: {  	_ =	swait.ge [sflag:s6], $0x4000  }
0x4d3: {  	[sflag:s6] =	ssyncset.done $0x0  }
0x4d4: {  	[sflag:s6] =	ssyncadd.s32 $0xFFFFC000  }
0x4d5: {  	_ =	swait.ge [sflag:s7], $0x4000  }
0x4d6: {  	v3 =	vmul.f32 v3, v3;
	s30 =	sand.u32 $0x3800, s26;
	v8 =	vadd.f32 v11, v9;
	s21 =	sand.u32 $0x380, s26;
	[sflag:s7] =	ssyncset.done $0x0  }
0x4d7: {  	s21 =	sor.u32 s21, s30;
	[sflag:s7] =	ssyncadd.s32 $0xFFFFC000  }
0x4d8: {  	v4 =	vmul.f32 v4, v4;
	v3 =	vadd.f32 v3, v8;
	v9 =	vld [tilespmem:s21+$0x200]  }
0x4d9: {  	v8 =	vld [tilespmem:s21+$0xC200]  }
0x4da: {  	v3 =	vadd.f32 v4, v3;
	v4 =	vmul.f32 v5, v5;
	v10 =	vld [tilespmem:s21+$0x210]  }
0x4db: {  	v5 =	vld [tilespmem:s21+$0xC210]  }
0x4dc: {  	v3 =	vadd.f32 v4, v3;
	v4 =	vmul.f32 v6, v6;
	v11 =	vld [tilespmem:s21+$0x220]  }
0x4dd: {  	v6 =	vld [tilespmem:s21+$0xC220]  }
0x4de: {  	v3 =	vadd.f32 v4, v3;
	v4 =	vmul.f32 v7, v7;
	v7 =	vld [tilespmem:s21+$0xC230]  }
0x4df: {  	v62 =	vld [tilespmem:s21+$0x630];
	v8 =	vsub.f32 v8, v9  }
0x4e0: {  	v9 =	vld [tilespmem:s21+$0x230]  }
0x4e1: {  	v3 =	vadd.f32 v4, v3;
	v5 =	vsub.f32 v5, v10;
	v10 =	vld [tilespmem:s21+$0x240];
	v4 =	vmul.f32 v8, v8  }
0x4e2: {  	[tilespmem:s21+$0x200] =	vst v8;
	v8 =	vld [tilespmem:s21+$0xC240]  }
0x4e3: {  	v6 =	vsub.f32 v6, v11;
	v11 =	vld [tilespmem:s21+$0x250];
	v3 =	vadd.f32 v4, v3;
	v4 =	vmul.f32 v5, v5  }
0x4e4: {  	[tilespmem:s21+$0x210] =	vst v5;
	v5 =	vld [tilespmem:s21+$0xC250]  }
0x4e5: {  	v7 =	vsub.f32 v7, v9;
	v9 =	vld [tilespmem:s21+$0x260];
	v3 =	vadd.f32 v4, v3;
	v4 =	vmul.f32 v6, v6  }
0x4e6: {  	[tilespmem:s21+$0x220] =	vst v6;
	v6 =	vld [tilespmem:s21+$0xC260]  }
0x4e7: {  	v8 =	vsub.f32 v8, v10;
	v10 =	vld [tilespmem:s21+$0x270];
	v3 =	vadd.f32 v4, v3;
	v4 =	vmul.f32 v7, v7  }
0x4e8: {  	[tilespmem:s21+$0x230] =	vst v7;
	v7 =	vld [tilespmem:s21+$0xC270]  }
0x4e9: {  	v5 =	vsub.f32 v5, v11;
	v11 =	vld [tilespmem:s21+$0x600];
	v3 =	vadd.f32 v4, v3;
	v4 =	vmul.f32 v8, v8  }
0x4ea: {  	[tilespmem:s21+$0x240] =	vst v8;
	v8 =	vld [tilespmem:s21+$0xC600]  }
0x4eb: {  	v6 =	vsub.f32 v6, v9;
	v9 =	vld [tilespmem:s21+$0x610];
	v3 =	vadd.f32 v4, v3;
	v4 =	vmul.f32 v5, v5  }
0x4ec: {  	[tilespmem:s21+$0x250] =	vst v5;
	v5 =	vld [tilespmem:s21+$0xC610]  }
0x4ed: {  	v7 =	vsub.f32 v7, v10;
	v10 =	vld [tilespmem:s21+$0x620];
	v3 =	vadd.f32 v4, v3;
	v4 =	vmul.f32 v6, v6  }
0x4ee: {  	[tilespmem:s21+$0x260] =	vst v6;
	v6 =	vld [tilespmem:s21+$0xC620]  }
0x4ef: {  	v63 =	vld [tilespmem:s21+$0xC630];
	[tilespmem:s21+$0x270] =	vst v7;
	v8 =	vsub.f32 v8, v11;
	v7 =	vmul.f32 v7, v7;
	v3 =	vadd.f32 v4, v3  }
0x4f0: {  	v4 =	vld [tilespmem:s21+$0x640]  }
0x4f1: {  	[tilespmem:s21+$0x600] =	vst v8;
	v9 =	vsub.f32 v5, v9;
	v8 =	vmul.f32 v8, v8;
	v5 =	vld [tilespmem:s21+$0x650];
	v3 =	vadd.f32 v7, v3  }
0x4f2: {  	v7 =	vld [tilespmem:s21+$0xC640]  }
0x4f3: {  	[tilespmem:s21+$0x610] =	vst v9;
	v10 =	vsub.f32 v6, v10;
	v9 =	vmul.f32 v9, v9;
	v6 =	vld [tilespmem:s21+$0x660];
	v3 =	vadd.f32 v8, v3  }
0x4f4: {  	v8 =	vld [tilespmem:s21+$0xC650]  }
0x4f5: {  	s29 =	simm.s32 $0x100;
	s23 =	simm.s32 $0x80;
	[tilespmem:s21+$0x620] =	vst v10;
	v11 =	vmul.f32 v10, v10;
	v10 =	vld [tilespmem:s21+$0xC660];
	v9 =	vadd.f32 v9, v3;
	v3 =	vsub.f32 v63, v62  }
.LBB2_14:
0x4f6: {  	s26 =	smov.u32 s29  }
0x4f7: {  	s28 =	sand.u32 $0x3800, s29;
	s30 =	sand.u32 $0x380, s23;
	v9 =	vadd.f32 v11, v9;
	v11 =	vmul.f32 v3, v3;
	v4 =	vsub.f32 v7, v4;
	v7 =	vld [tilespmem:s21+$0x670];
	s26 =	sadd.s32 $0x100, s29  }
0x4f8: {  	p0 =	sne.s32 s29, $0x3F00;
	s28 =	sor.u32 s30, s28;
	v12 =	vld [tilespmem:s21+$0xC670]  }
0x4f9: {  	v9 =	vadd.f32 v11, v9;
	v5 =	vsub.f32 v8, v5;
	v13 =	vld [tilespmem:s28+$0x200];
	[tilespmem:s21+$0x640] =	vst v4;
	v4 =	vmul.f32 v4, v4  }
0x4fa: {  	v8 =	vld [tilespmem:s28+$0xC200]  }
0x4fb: {  	v6 =	vsub.f32 v10, v6;
	v11 =	vld [tilespmem:s28+$0x210];
	v4 =	vadd.f32 v4, v9;
	[tilespmem:s21+$0x650] =	vst v5;
	v5 =	vmul.f32 v5, v5  }
0x4fc: {  	v9 =	vld [tilespmem:s28+$0xC210]  }
0x4fd: {  	v10 =	vld [tilespmem:s28+$0x220];
	v4 =	vadd.f32 v5, v4;
	[tilespmem:s21+$0x660] =	vst v6;
	v5 =	vmul.f32 v6, v6;
	v6 =	vsub.f32 v12, v7  }
0x4fe: {  	v7 =	vld [tilespmem:s28+$0xC220]  }
0x4ff: {  	v8 =	vsub.f32 v8, v13;
	v12 =	vld [tilespmem:s28+$0x230];
	v4 =	vadd.f32 v5, v4;
	[tilespmem:s21+$0x670] =	vst v6;
	v5 =	vmul.f32 v6, v6  }
0x500: {  	v6 =	vld [tilespmem:s28+$0xC230]  }
0x501: {  	[tilespmem:s28+$0x200] =	vst v8;
	v8 =	vmul.f32 v8, v8;
	v9 =	vsub.f32 v9, v11;
	v11 =	vld [tilespmem:s28+$0x240];
	v4 =	vadd.f32 v5, v4  }
0x502: {  	v5 =	vld [tilespmem:s28+$0xC240]  }
0x503: {  	v4 =	vadd.f32 v8, v4;
	[tilespmem:s28+$0x210] =	vst v9;
	v8 =	vmul.f32 v9, v9;
	v7 =	vsub.f32 v7, v10;
	v9 =	vld [tilespmem:s28+$0x250]  }
0x504: {  	v10 =	vld [tilespmem:s28+$0xC250]  }
0x505: {  	v4 =	vadd.f32 v8, v4;
	[tilespmem:s28+$0x220] =	vst v7;
	v7 =	vmul.f32 v7, v7;
	v6 =	vsub.f32 v6, v12;
	v8 =	vld [tilespmem:s28+$0x260]  }
0x506: {  	v12 =	vld [tilespmem:s28+$0xC260]  }
0x507: {  	v4 =	vadd.f32 v7, v4;
	[tilespmem:s28+$0x230] =	vst v6;
	v6 =	vmul.f32 v6, v6;
	v5 =	vsub.f32 v5, v11;
	v7 =	vld [tilespmem:s28+$0x270]  }
0x508: {  	v11 =	vld [tilespmem:s28+$0xC270]  }
0x509: {  	v4 =	vadd.f32 v6, v4;
	[tilespmem:s28+$0x240] =	vst v5;
	v5 =	vmul.f32 v5, v5;
	v6 =	vsub.f32 v10, v9;
	v9 =	vld [tilespmem:s28+$0x600]  }
0x50a: {  	v10 =	vld [tilespmem:s28+$0xC600]  }
0x50b: {  	v4 =	vadd.f32 v5, v4;
	[tilespmem:s28+$0x250] =	vst v6;
	v5 =	vmul.f32 v6, v6;
	v6 =	vsub.f32 v12, v8;
	v8 =	vld [tilespmem:s28+$0x610]  }
0x50c: {  	v12 =	vld [tilespmem:s28+$0xC610]  }
0x50d: {  	v4 =	vadd.f32 v5, v4;
	[tilespmem:s28+$0x260] =	vst v6;
	v5 =	vmul.f32 v6, v6;
	v6 =	vsub.f32 v11, v7;
	v11 =	vld [tilespmem:s28+$0x620]  }
0x50e: {  	v13 =	vld [tilespmem:s28+$0xC620];
	[tilespmem:s21+$0x630] =	vst v3;
	s21 =	smov.u32 s28  }
0x50f: {  	v3 =	vadd.f32 v5, v4;
	[tilespmem:s21+$0x270] =	vst v6;
	v4 =	vmul.f32 v6, v6;
	v5 =	vsub.f32 v10, v9;
	v6 =	vld [tilespmem:s21+$0x630]  }
0x510: {  	v10 =	vld [tilespmem:s21+$0xC630]  }
0x511: {  	v3 =	vadd.f32 v4, v3;
	[tilespmem:s21+$0x600] =	vst v5;
	v5 =	vmul.f32 v5, v5;
	v8 =	vsub.f32 v12, v8;
	v4 =	vld [tilespmem:s21+$0x640]  }
.Ltmp6:
0x512: {  	v7 =	vld [tilespmem:s21+$0xC640];
	(pc) =	sbr.rel @p0 .LBB2_14-.Ltmp6, $4  }
0x513: {  	v3 =	vadd.f32 v5, v3;
	[tilespmem:s21+$0x610] =	vst v8;
	v9 =	vmul.f32 v8, v8;
	v11 =	vsub.f32 v13, v11;
	v5 =	vld [tilespmem:s21+$0x650]  }
0x514: {  	v8 =	vld [tilespmem:s21+$0xC650]  }
0x515: {  	v9 =	vadd.f32 v9, v3;
	[tilespmem:s21+$0x620] =	vst v11;
	v11 =	vmul.f32 v11, v11;
	v3 =	vsub.f32 v10, v6;
	v6 =	vld [tilespmem:s21+$0x660]  }
0x516: {  	s23 =	sadd.s32 $0x80, s23;
	s29 =	smov.u32 s26;
	v10 =	vld [tilespmem:s21+$0xC660]  }
0x517: {  	v12 =	vld [tilespmem:s21+$0x670]  }
0x518: {  	v13 =	vld [tilespmem:s21+$0xC670];
	_ =	sdelay $0x1  }
0x519: {  	v4 =	vsub.f32 v7, v4  }
0x51a: {  	[tilespmem:s21+$0x630] =	vst v3;
	v5 =	vsub.f32 v8, v5  }
0x51b: {  	[tilespmem:s21+$0x640] =	vst v4;
	v6 =	vsub.f32 v10, v6  }
0x51c: {  	[tilespmem:s21+$0x650] =	vst v5;
	v7 =	vsub.f32 v13, v12  }
0x51d: {  	[tilespmem:s21+$0x660] =	vst v6  }
0x51e: {  	s26 =	simm.s32 $0x0;
	s23 =	rddreg [dreg:$0x13];
	[tilespmem:s21+$0x670] =	vst v7  }
0x51f: {  	[hbm4b:s23+s26] =	stream.linear.scatter [tilespmem:s14], [sflag:$0xA], $0x4000, $0x38;
	[tilespmem:$0x18280] =	vst v63  }
0x520: {  	s28 =	rddreg [dreg:$0x14]  }
0x521: {  	[hbm4b:s28+s26] =	stream.linear.scatter [tilespmem:s25], [sflag:$0x7], $0x4000, $0x38;
	[tilespmem:$0x18280] =	vst v63  }
0x522: {  	_ =	swait.ge [sflag:s10], $0x4000  }
0x523: {  	[sflag:s10] =	ssyncset.done $0x0  }
0x524: {  	[sflag:s10] =	ssyncadd.s32 $0xFFFFC000  }
0x525: {  	_ =	swait.ge [sflag:s11], $0x4000  }
0x526: {  	v3 =	vmul.f32 v3, v3;
	s30 =	sand.u32 $0x3800, s26;
	v8 =	vadd.f32 v11, v9;
	s21 =	sand.u32 $0x380, s26;
	[sflag:s11] =	ssyncset.done $0x0  }
0x527: {  	s21 =	sor.u32 s21, s30;
	[sflag:s11] =	ssyncadd.s32 $0xFFFFC000  }
0x528: {  	v4 =	vmul.f32 v4, v4;
	v3 =	vadd.f32 v3, v8;
	v9 =	vld [tilespmem:s21+$0x4200]  }
0x529: {  	v8 =	vld [tilespmem:s21+$0x10200]  }
0x52a: {  	v3 =	vadd.f32 v4, v3;
	v4 =	vmul.f32 v5, v5;
	v10 =	vld [tilespmem:s21+$0x4210]  }
0x52b: {  	v5 =	vld [tilespmem:s21+$0x10210]  }
0x52c: {  	v3 =	vadd.f32 v4, v3;
	v4 =	vmul.f32 v6, v6;
	v11 =	vld [tilespmem:s21+$0x4220]  }
0x52d: {  	v6 =	vld [tilespmem:s21+$0x10220]  }
0x52e: {  	v3 =	vadd.f32 v4, v3;
	v4 =	vmul.f32 v7, v7;
	v7 =	vld [tilespmem:s21+$0x10230]  }
0x52f: {  	v62 =	vld [tilespmem:s21+$0x4630];
	v8 =	vsub.f32 v8, v9  }
0x530: {  	v9 =	vld [tilespmem:s21+$0x4230]  }
0x531: {  	v3 =	vadd.f32 v4, v3;
	v5 =	vsub.f32 v5, v10;
	v10 =	vld [tilespmem:s21+$0x4240];
	v4 =	vmul.f32 v8, v8  }
0x532: {  	[tilespmem:s21+$0x4200] =	vst v8;
	v8 =	vld [tilespmem:s21+$0x10240]  }
0x533: {  	v6 =	vsub.f32 v6, v11;
	v11 =	vld [tilespmem:s21+$0x4250];
	v3 =	vadd.f32 v4, v3;
	v4 =	vmul.f32 v5, v5  }
0x534: {  	[tilespmem:s21+$0x4210] =	vst v5;
	v5 =	vld [tilespmem:s21+$0x10250]  }
0x535: {  	v7 =	vsub.f32 v7, v9;
	v9 =	vld [tilespmem:s21+$0x4260];
	v3 =	vadd.f32 v4, v3;
	v4 =	vmul.f32 v6, v6  }
0x536: {  	[tilespmem:s21+$0x4220] =	vst v6;
	v6 =	vld [tilespmem:s21+$0x10260]  }
0x537: {  	v8 =	vsub.f32 v8, v10;
	v10 =	vld [tilespmem:s21+$0x4270];
	v3 =	vadd.f32 v4, v3;
	v4 =	vmul.f32 v7, v7  }
0x538: {  	[tilespmem:s21+$0x4230] =	vst v7;
	v7 =	vld [tilespmem:s21+$0x10270]  }
0x539: {  	v5 =	vsub.f32 v5, v11;
	v11 =	vld [tilespmem:s21+$0x4600];
	v3 =	vadd.f32 v4, v3;
	v4 =	vmul.f32 v8, v8  }
0x53a: {  	[tilespmem:s21+$0x4240] =	vst v8;
	v8 =	vld [tilespmem:s21+$0x10600]  }
0x53b: {  	v6 =	vsub.f32 v6, v9;
	v9 =	vld [tilespmem:s21+$0x4610];
	v3 =	vadd.f32 v4, v3;
	v4 =	vmul.f32 v5, v5  }
0x53c: {  	[tilespmem:s21+$0x4250] =	vst v5;
	v5 =	vld [tilespmem:s21+$0x10610]  }
0x53d: {  	v7 =	vsub.f32 v7, v10;
	v10 =	vld [tilespmem:s21+$0x4620];
	v3 =	vadd.f32 v4, v3;
	v4 =	vmul.f32 v6, v6  }
0x53e: {  	[tilespmem:s21+$0x4260] =	vst v6;
	v6 =	vld [tilespmem:s21+$0x10620]  }
0x53f: {  	v63 =	vld [tilespmem:s21+$0x10630];
	[tilespmem:s21+$0x4270] =	vst v7;
	v8 =	vsub.f32 v8, v11;
	v7 =	vmul.f32 v7, v7;
	v3 =	vadd.f32 v4, v3  }
0x540: {  	v4 =	vld [tilespmem:s21+$0x4640]  }
0x541: {  	[tilespmem:s21+$0x4600] =	vst v8;
	v9 =	vsub.f32 v5, v9;
	v8 =	vmul.f32 v8, v8;
	v5 =	vld [tilespmem:s21+$0x4650];
	v3 =	vadd.f32 v7, v3  }
0x542: {  	v7 =	vld [tilespmem:s21+$0x10640]  }
0x543: {  	[tilespmem:s21+$0x4610] =	vst v9;
	v10 =	vsub.f32 v6, v10;
	v9 =	vmul.f32 v9, v9;
	v6 =	vld [tilespmem:s21+$0x4660];
	v3 =	vadd.f32 v8, v3  }
0x544: {  	v8 =	vld [tilespmem:s21+$0x10650]  }
0x545: {  	s29 =	simm.s32 $0x100;
	s23 =	simm.s32 $0x80;
	[tilespmem:s21+$0x4620] =	vst v10;
	v11 =	vmul.f32 v10, v10;
	v10 =	vld [tilespmem:s21+$0x10660];
	v9 =	vadd.f32 v9, v3;
	v3 =	vsub.f32 v63, v62  }
.LBB2_16:
0x546: {  	s26 =	smov.u32 s29  }
0x547: {  	s28 =	sand.u32 $0x3800, s29;
	s30 =	sand.u32 $0x380, s23;
	v9 =	vadd.f32 v11, v9;
	v11 =	vmul.f32 v3, v3;
	v4 =	vsub.f32 v7, v4;
	v7 =	vld [tilespmem:s21+$0x4670];
	s26 =	sadd.s32 $0x100, s29  }
0x548: {  	p0 =	sne.s32 s29, $0x3F00;
	s28 =	sor.u32 s30, s28;
	v12 =	vld [tilespmem:s21+$0x10670]  }
0x549: {  	v9 =	vadd.f32 v11, v9;
	v5 =	vsub.f32 v8, v5;
	v13 =	vld [tilespmem:s28+$0x4200];
	[tilespmem:s21+$0x4640] =	vst v4;
	v4 =	vmul.f32 v4, v4  }
0x54a: {  	v8 =	vld [tilespmem:s28+$0x10200]  }
0x54b: {  	v6 =	vsub.f32 v10, v6;
	v11 =	vld [tilespmem:s28+$0x4210];
	v4 =	vadd.f32 v4, v9;
	[tilespmem:s21+$0x4650] =	vst v5;
	v5 =	vmul.f32 v5, v5  }
0x54c: {  	v9 =	vld [tilespmem:s28+$0x10210]  }
0x54d: {  	v10 =	vld [tilespmem:s28+$0x4220];
	v4 =	vadd.f32 v5, v4;
	[tilespmem:s21+$0x4660] =	vst v6;
	v5 =	vmul.f32 v6, v6;
	v6 =	vsub.f32 v12, v7  }
0x54e: {  	v7 =	vld [tilespmem:s28+$0x10220]  }
0x54f: {  	v8 =	vsub.f32 v8, v13;
	v12 =	vld [tilespmem:s28+$0x4230];
	v4 =	vadd.f32 v5, v4;
	[tilespmem:s21+$0x4670] =	vst v6;
	v5 =	vmul.f32 v6, v6  }
0x550: {  	v6 =	vld [tilespmem:s28+$0x10230]  }
0x551: {  	[tilespmem:s28+$0x4200] =	vst v8;
	v8 =	vmul.f32 v8, v8;
	v9 =	vsub.f32 v9, v11;
	v11 =	vld [tilespmem:s28+$0x4240];
	v4 =	vadd.f32 v5, v4  }
0x552: {  	v5 =	vld [tilespmem:s28+$0x10240]  }
0x553: {  	v4 =	vadd.f32 v8, v4;
	[tilespmem:s28+$0x4210] =	vst v9;
	v8 =	vmul.f32 v9, v9;
	v7 =	vsub.f32 v7, v10;
	v9 =	vld [tilespmem:s28+$0x4250]  }
0x554: {  	v10 =	vld [tilespmem:s28+$0x10250]  }
0x555: {  	v4 =	vadd.f32 v8, v4;
	[tilespmem:s28+$0x4220] =	vst v7;
	v7 =	vmul.f32 v7, v7;
	v6 =	vsub.f32 v6, v12;
	v8 =	vld [tilespmem:s28+$0x4260]  }
0x556: {  	v12 =	vld [tilespmem:s28+$0x10260]  }
0x557: {  	v4 =	vadd.f32 v7, v4;
	[tilespmem:s28+$0x4230] =	vst v6;
	v6 =	vmul.f32 v6, v6;
	v5 =	vsub.f32 v5, v11;
	v7 =	vld [tilespmem:s28+$0x4270]  }
0x558: {  	v11 =	vld [tilespmem:s28+$0x10270]  }
0x559: {  	v4 =	vadd.f32 v6, v4;
	[tilespmem:s28+$0x4240] =	vst v5;
	v5 =	vmul.f32 v5, v5;
	v6 =	vsub.f32 v10, v9;
	v9 =	vld [tilespmem:s28+$0x4600]  }
0x55a: {  	v10 =	vld [tilespmem:s28+$0x10600]  }
0x55b: {  	v4 =	vadd.f32 v5, v4;
	[tilespmem:s28+$0x4250] =	vst v6;
	v5 =	vmul.f32 v6, v6;
	v6 =	vsub.f32 v12, v8;
	v8 =	vld [tilespmem:s28+$0x4610]  }
0x55c: {  	v12 =	vld [tilespmem:s28+$0x10610]  }
0x55d: {  	v4 =	vadd.f32 v5, v4;
	[tilespmem:s28+$0x4260] =	vst v6;
	v5 =	vmul.f32 v6, v6;
	v6 =	vsub.f32 v11, v7;
	v11 =	vld [tilespmem:s28+$0x4620]  }
0x55e: {  	v13 =	vld [tilespmem:s28+$0x10620];
	[tilespmem:s21+$0x4630] =	vst v3;
	s21 =	smov.u32 s28  }
0x55f: {  	v3 =	vadd.f32 v5, v4;
	[tilespmem:s21+$0x4270] =	vst v6;
	v4 =	vmul.f32 v6, v6;
	v5 =	vsub.f32 v10, v9;
	v6 =	vld [tilespmem:s21+$0x4630]  }
0x560: {  	v10 =	vld [tilespmem:s21+$0x10630]  }
0x561: {  	v3 =	vadd.f32 v4, v3;
	[tilespmem:s21+$0x4600] =	vst v5;
	v5 =	vmul.f32 v5, v5;
	v8 =	vsub.f32 v12, v8;
	v4 =	vld [tilespmem:s21+$0x4640]  }
.Ltmp7:
0x562: {  	v7 =	vld [tilespmem:s21+$0x10640];
	(pc) =	sbr.rel @p0 .LBB2_16-.Ltmp7, $4  }
0x563: {  	v3 =	vadd.f32 v5, v3;
	[tilespmem:s21+$0x4610] =	vst v8;
	v9 =	vmul.f32 v8, v8;
	v11 =	vsub.f32 v13, v11;
	v5 =	vld [tilespmem:s21+$0x4650]  }
0x564: {  	v8 =	vld [tilespmem:s21+$0x10650]  }
0x565: {  	v9 =	vadd.f32 v9, v3;
	[tilespmem:s21+$0x4620] =	vst v11;
	v11 =	vmul.f32 v11, v11;
	v3 =	vsub.f32 v10, v6;
	v6 =	vld [tilespmem:s21+$0x4660]  }
0x566: {  	s23 =	sadd.s32 $0x80, s23;
	s29 =	smov.u32 s26;
	v10 =	vld [tilespmem:s21+$0x10660]  }
0x567: {  	v12 =	vld [tilespmem:s21+$0x4670]  }
0x568: {  	v13 =	vld [tilespmem:s21+$0x10670];
	_ =	sdelay $0x1  }
0x569: {  	v4 =	vsub.f32 v7, v4  }
0x56a: {  	[tilespmem:s21+$0x4630] =	vst v3;
	v5 =	vsub.f32 v8, v5  }
0x56b: {  	[tilespmem:s21+$0x4640] =	vst v4;
	v6 =	vsub.f32 v10, v6  }
0x56c: {  	[tilespmem:s21+$0x4650] =	vst v5;
	v59 =	vsub.f32 v13, v12  }
0x56d: {  	[tilespmem:s21+$0x4660] =	vst v6  }
0x56e: {  	s26 =	rddreg [dreg:$0x15];
	[tilespmem:s21+$0x4670] =	vst v59  }
0x56f: {  	[hbm4b:s26+s3] =	stream.linear.scatter [tilespmem:s22], [sflag:$0xB], $0x4000, $0x38;
	[tilespmem:$0x18280] =	vst v63  }
0x570: {  	s28 =	rddreg [dreg:$0x16]  }
0x571: {  	[hbm4b:s28+s3] =	stream.linear.scatter [tilespmem:s5], [sflag:$0x8], $0x4000, $0x38;
	[tilespmem:$0x18280] =	vst v63  }
0x572: {  	_ =	swait.ge [sflag:s18], $0x4000  }
0x573: {  	[sflag:s18] =	ssyncset.done $0x0  }
0x574: {  	[sflag:s18] =	ssyncadd.s32 $0xFFFFC000  }
0x575: {  	_ =	swait.ge [sflag:s19], $0x4000  }
0x576: {  	[sflag:s19] =	ssyncset.done $0x0  }
0x577: {  	[sflag:s19] =	ssyncadd.s32 $0xFFFFC000  }
0x578: {  	v60 =	vadd.f32 v11, v9;
	v3 =	vmul.f32 v3, v3;
	_ =	swait.ge [sflag:s8], $0x4000  }
0x579: {  	[sflag:s8] =	ssyncset.done $0x0  }
0x57a: {  	v3 =	vadd.f32 v3, v60;
	v4 =	vmul.f32 v4, v4;
	[sflag:s8] =	ssyncadd.s32 $0xFFFFC000  }
0x57b: {  	_ =	swait.ge [sflag:s9], $0x4000  }
0x57c: {  	v3 =	vadd.f32 v4, v3;
	v61 =	vmul.f32 v5, v5;
	[sflag:s9] =	ssyncset.done $0x0  }
0x57d: {  	[sflag:s9] =	ssyncadd.s32 $0xFFFFC000  }
0x57e: {  	v3 =	vadd.f32 v61, v3;
	v62 =	vmul.f32 v6, v6;
	_ =	swait.ge [sflag:s12], $0x4000  }
0x57f: {  	[sflag:s12] =	ssyncset.done $0x0  }
0x580: {  	v63 =	vmul.f32 v59, v59;
	v3 =	vadd.f32 v62, v3;
	[sflag:s12] =	ssyncadd.s32 $0xFFFFC000  }
0x581: {  	_ =	swait.ge [sflag:s15], $0x4000  }
0x582: {  	v3 =	vadd.f32 v63, v3;
	[sflag:s15] =	ssyncset.done $0x0  }
0x583: {  	[sflag:s15] =	ssyncadd.s32 $0xFFFFC000  }
0x584: {  	s23 =	simm.s32 $0x18200;
	s29 =	rddreg [dreg:$0x17];
	[tilespmem:$0x18200] =	vst v3  }
0x585: {  	[hbm4b:s29+s3] =	stream.linear.scatter [tilespmem:s23], [sflag:$0xD], $0x80, $0x38;
	[tilespmem:$0x18280] =	vst v63  }
0x586: {  	_ =	swait.ge [sflag:s24], $0x80  }
0x587: {  	s20 =	sadd.s32 $0x1, s20;
	s30 =	rddreg [dreg:$0x18]  }
0x588: {  	p0 =	sne.s32 s20, s30  }
.Ltmp8:
0x589: {  	_ = 	snop;
	(pc) =	sbr.rel @p0 .LBB2_1-.Ltmp8, $3  }
0x58a: {  	_ =	sdelay $0x1  }
0x58b: {  	[sflag:s24] =	ssyncset.done $0x0  }
0x58c: {  	[sflag:s24] =	ssyncadd.s32 $0xFFFFFF80  }
0x58d: {  	_ =	sfence.sel $0x180000  }
0x58e: {  	[bflag:$0x0] =	sbarrier.arrive $0xFFFF  }
0x58f: {  	_ =	strace $0x9000004A  }
0x590: {  	s0 =	stileid.u32;
	[bflag:$0x2] =	sbarrier.arrive $0xFFFF  }
0x591: {  	p0 =	sne.s32 s0, $0x0;
	s0 =	rddreg [dreg:$0x5]  }
0x592: {  	s0 =	sadd.s32 @!p0 $0x100000, s0  }
0x593: {  	[sflag:s0] =	ssyncadd.tile.s32 @!p0 $0x1;
	_ =	shalt  }
.Lfunc_end2:
_tile_overlayer_lowered:
.L_overlay_start_2:
0x594: {  	(tag) =	ssettag $0x2  }
0x595: {  	s0 =	rddreg [dreg:$0x0];
	s2 =	stileid.u32  }
0x596: {  	s1 =	rddreg [dreg:$0x1];
	p0 =	sne.s32 s2, $0x0  }
0x597: {  	s3 =	rddreg [dreg:$0x2];
	[bflag:$0x3] =	sbarrier.arrive $0xFFFF;
	s2 =	simm.s32 @!p0 $0x1C0D  }
0x598: {  	[timem:s3], [sflag:s2] =	dma.local @!p0 [hbm:s0], s1  }
0x599: {  	s0 =	simm.s32 @!p0 $0xD  }
0x59a: {  	_ =	swait.ge @!p0 [sflag:s0], s1  }
0x59b: {  	s1 =	ssub.s32 @!p0 $0x0, s1;
	[sflag:s0] =	ssyncset.done @!p0 $0x0  }
0x59c: {  	[sflag:s0] =	ssyncadd.s32 @!p0 s1  }
0x59d: {  	[bflag:$0x3] =	sbarrier.arrive $0xFFFF  }
0x59e: {  	_ =	shalt  }

</sc_bundles>
